<compile_context>
chip_gen: v7x
topology: tpu7x:2x2x1
jax: 0.10.2.dev20260603
libtpu: 0.0.44.dev20260713+nightly
codegen_flags: <defaults>
</compile_context>

<pallas_src>
import functools

import jax
import jax.numpy as jnp
from jax import lax
from jax.experimental import pallas as pl
from jax.experimental.pallas import tpu as pltpu
from jax.experimental.pallas import tpu_sc as plsc

N = 10000
NPAD = 10240
E = 640000
NUM_GRAPHS = 64
D_IN = 128
D_EDGE = 16
H = 64
EMB = 128
L = 3

CHUNK = 128
NTILE = 16
NW = 2 * NTILE
CPW = 160
PADE = NW * CPW * CHUNK
ROWS_PER_TILE = NPAD // NTILE

def _sc_params():
    return pltpu.CompilerParams(use_tc_tiling_on_sc=False)



def _sc_edge_pre(edge_attr, dst3, z16, z1, ones_c):
    mesh = plsc.VectorSubcoreMesh(core_axis_name="c", subcore_axis_name="s")

    @functools.partial(
        pl.kernel,
        mesh=mesh,
        out_type=[
            jax.ShapeDtypeStruct((2, NPAD, D_EDGE), jnp.float32),
            jax.ShapeDtypeStruct((2, NPAD), jnp.float32),
        ],
        scratch_types=[
            pltpu.VMEM((CPW, CHUNK), jnp.int32),
            pltpu.VMEM((CHUNK, D_EDGE), jnp.float32),
            pltpu.VMEM((CHUNK, D_EDGE), jnp.float32),
            pltpu.VMEM((CHUNK,), jnp.float32),
            pltpu.VMEM_SHARED((NPAD, D_EDGE), jnp.float32),
            pltpu.VMEM_SHARED((NPAD,), jnp.float32),
        ] + [pltpu.SemaphoreType.DMA] * 10,
        compiler_params=_sc_params(),
    )
    def k(ea_hbm, dst_hbm, z16_hbm, z1_hbm, ones_hbm, ea_out, deg_out,
          idxd, attr0, attr1, ones_v, accE, accD,
          semz0, semz1, semi, semo, sa0, sa1, se0, se1, sd0, sd1):
        c = lax.axis_index("c")
        s = lax.axis_index("s")
        w = c * NTILE + s
        r0 = s * ROWS_PER_TILE
        zc0 = pltpu.async_copy(z16_hbm.at[pl.ds(r0, ROWS_PER_TILE)],
                               accE.at[pl.ds(r0, ROWS_PER_TILE)], semz0)
        zc1 = pltpu.async_copy(z1_hbm.at[pl.ds(r0, ROWS_PER_TILE)],
                               accD.at[pl.ds(r0, ROWS_PER_TILE)], semz1)
        ic = pltpu.async_copy(dst_hbm.at[w], idxd, semi)
        oc = pltpu.async_copy(ones_hbm, ones_v, semo)
        zc0.wait()
        zc1.wait()
        plsc.subcore_barrier()
        ic.wait()
        oc.wait()

        def lbase(kk):
            b = (w * CPW + kk) * CHUNK
            return jnp.where(b < E, b, 0)

        def al(kk, buf, sem):
            pltpu.async_copy(ea_hbm.at[pl.ds(lbase(kk), CHUNK)], buf, sem)

        def alwait(kk, buf, sem):
            pltpu.make_async_copy(ea_hbm.at[pl.ds(lbase(kk), CHUNK)], buf,
                                  sem).wait()

        def fire(kk, buf, sem_e, sem_d):
            pltpu.async_copy(buf, accE.at[idxd.at[kk]], sem_e, add=True)
            pltpu.async_copy(ones_v, accD.at[idxd.at[kk]], sem_d, add=True)

        def ewait(kk, buf, sem):
            pltpu.make_async_copy(buf, accE.at[idxd.at[kk]], sem).wait()

        def dwait(kk, sem):
            pltpu.make_async_copy(ones_v, accD.at[idxd.at[kk]], sem).wait()

        al(0, attr0, sa0)
        al(1, attr1, sa1)

        def step(j, carry):
            k0 = 2 * j
            k1 = k0 + 1
            alwait(k0, attr0, sa0)
            fire(k0, attr0, se0, sd0)
            alwait(k1, attr1, sa1)
            fire(k1, attr1, se1, sd1)
            ewait(k0, attr0, se0)
            al(k0 + 2, attr0, sa0)
            ewait(k1, attr1, se1)
            al(k1 + 2, attr1, sa1)
            dwait(k0, sd0)
            dwait(k1, sd1)
            return carry

        lax.fori_loop(0, CPW // 2 - 1, step, 0)
        k0 = CPW - 2
        k1 = CPW - 1
        alwait(k0, attr0, sa0)
        fire(k0, attr0, se0, sd0)
        alwait(k1, attr1, sa1)
        fire(k1, attr1, se1, sd1)
        ewait(k0, attr0, se0)
        ewait(k1, attr1, se1)
        dwait(k0, sd0)
        dwait(k1, sd1)

        plsc.subcore_barrier()
        pltpu.sync_copy(accE.at[pl.ds(r0, ROWS_PER_TILE)],
                        ea_out.at[c, pl.ds(r0, ROWS_PER_TILE)])
        pltpu.sync_copy(accD.at[pl.ds(r0, ROWS_PER_TILE)],
                        deg_out.at[c, pl.ds(r0, ROWS_PER_TILE)])

    return k(edge_attr, dst3, z16, z1, ones_c)


def _sc_agg(hn, src3, dst3, zb):
    mesh = plsc.VectorSubcoreMesh(core_axis_name="c", subcore_axis_name="s")

    NB = 8

    @functools.partial(
        pl.kernel,
        mesh=mesh,
        out_type=jax.ShapeDtypeStruct((2, NPAD, H), jnp.bfloat16),
        scratch_types=[
            pltpu.VMEM((CPW, CHUNK), jnp.int32),
            pltpu.VMEM((CPW, CHUNK), jnp.int32),
            [pltpu.VMEM((CHUNK, H), jnp.bfloat16)] * NB,
            pltpu.VMEM_SHARED((NPAD, H), jnp.bfloat16),
            pltpu.VMEM_SHARED((N, H), jnp.bfloat16),
            pltpu.SemaphoreType.DMA,
            pltpu.SemaphoreType.DMA,
            pltpu.SemaphoreType.DMA,
            pltpu.SemaphoreType.DMA,
            [pltpu.SemaphoreType.DMA] * NB,
            [pltpu.SemaphoreType.DMA] * NB,
        ],
        compiler_params=_sc_params(),
    )
    def k(hn_hbm, src_hbm, dst_hbm, z_hbm, out_hbm,
          idxs, idxd, rows, acc, hn_sh,
          semz, semh, semi0, semi1, sg, ss):
        c = lax.axis_index("c")
        s = lax.axis_index("s")
        w = c * NTILE + s
        r0 = s * ROWS_PER_TILE
        hrows = N // NTILE
        zc = pltpu.async_copy(z_hbm.at[pl.ds(r0, ROWS_PER_TILE)],
                              acc.at[pl.ds(r0, ROWS_PER_TILE)], semz)
        hc = pltpu.async_copy(hn_hbm.at[pl.ds(s * hrows, hrows)],
                              hn_sh.at[pl.ds(s * hrows, hrows)], semh)
        ic0 = pltpu.async_copy(src_hbm.at[w], idxs, semi0)
        ic1 = pltpu.async_copy(dst_hbm.at[w], idxd, semi1)
        zc.wait()
        hc.wait()
        plsc.subcore_barrier()
        ic0.wait()
        ic1.wait()

        def g(kk, b):
            pltpu.async_copy(hn_sh.at[idxs.at[kk]], rows[b], sg[b])

        def gwait(kk, b):
            pltpu.make_async_copy(hn_sh.at[idxs.at[kk]], rows[b], sg[b]).wait()

        def sca(kk, b):
            pltpu.async_copy(rows[b], acc.at[idxd.at[kk]], ss[b], add=True)

        def swait(kk, b):
            pltpu.make_async_copy(rows[b], acc.at[idxd.at[kk]], ss[b]).wait()

        for b in range(NB):
            g(b, b)

        def step(j, carry):
            k0 = NB * j
            for b in range(NB):
                gwait(k0 + b, b)
                sca(k0 + b, b)
            for b in range(NB):
                swait(k0 + b, b)
                g(k0 + NB + b, b)
            return carry

        lax.fori_loop(0, CPW // NB - 1, step, 0)
        k0 = CPW - NB
        for b in range(NB):
            gwait(k0 + b, b)
            sca(k0 + b, b)
        for b in range(NB):
            swait(k0 + b, b)

        plsc.subcore_barrier()
        pltpu.sync_copy(acc.at[pl.ds(r0, ROWS_PER_TILE)],
                        out_hbm.at[c, pl.ds(r0, ROWS_PER_TILE)])

    return k(hn, src3, dst3, zb)



NROWS = E // CHUNK
NROWS_PAD = NW * CPW - NROWS


def _ln(h, g, b):
    mu = jnp.mean(h, axis=-1, keepdims=True)
    var = jnp.mean((h - mu) ** 2, axis=-1, keepdims=True)
    return (h - mu) / jnp.sqrt(var + 1e-5) * g + b


def _pad_idx_body(ei_ref, so_ref, do_ref):
    pad_s = jnp.zeros((NROWS_PAD, CHUNK), jnp.int32)
    pad_d = jnp.full((NROWS_PAD, CHUNK), N, jnp.int32)
    so_ref[...] = jnp.concatenate([ei_ref[0], pad_s], axis=0)
    do_ref[...] = jnp.concatenate([ei_ref[1], pad_d], axis=0)


def _bea_body(eap_ref, degp_ref, wme_ref, bm_ref, o0_ref, o1_ref, o2_ref):
    ea = eap_ref[0, :N] + eap_ref[1, :N]
    deg = degp_ref[...]
    for i, o_ref in enumerate((o0_ref, o1_ref, o2_ref)):
        o_ref[...] = (jnp.dot(ea, wme_ref[i],
                              preferred_element_type=jnp.float32)
                      + deg * bm_ref[i])


def _t0_body(hnb_ref, ws_ref, bs_ref, bea_ref, o_ref):
    o_ref[...] = (jnp.dot(hnb_ref[...], ws_ref[...],
                          preferred_element_type=jnp.float32)
                  + bs_ref[...] + bea_ref[...])


def _layer_update(h_ref, t_ref, gp_ref, wmh_ref):
    g = (gp_ref[0, :N].astype(jnp.float32)
         + gp_ref[1, :N].astype(jnp.float32))
    up = t_ref[...] + jnp.dot(g, wmh_ref[...],
                              preferred_element_type=jnp.float32)
    return h_ref[...] + jnp.maximum(up, 0.0)


def _first_body(x_ref, w_ref, b_ref, g_ref, be_ref, h_ref, hnb_ref):
    h = jnp.dot(x_ref[...], w_ref[...],
                preferred_element_type=jnp.float32) + b_ref[...]
    h_ref[...] = h
    hnb_ref[...] = _ln(h, g_ref[...], be_ref[...]).astype(jnp.bfloat16)


def _upd_body(h_ref, t_ref, gp_ref, wmh_ref, g2_ref, be2_ref,
              ws2_ref, bs2_ref, bea2_ref,
              ho_ref, hnbo_ref, t2_ref):
    h = _layer_update(h_ref, t_ref, gp_ref, wmh_ref)
    ho_ref[...] = h
    hn = _ln(h, g2_ref[...], be2_ref[...])
    hnbo_ref[...] = hn.astype(jnp.bfloat16)
    t2_ref[...] = (jnp.dot(hn, ws2_ref[...],
                           preferred_element_type=jnp.float32)
                   + bs2_ref[...] + bea2_ref[...])


def _final_body(h_ref, t_ref, gp_ref, wmh_ref, batch_ref, w1_ref, b1_ref,
                w2_ref, b2_ref, o_ref):
    h = _layer_update(h_ref, t_ref, gp_ref, wmh_ref)
    gids = lax.broadcasted_iota(jnp.int32, (1, NUM_GRAPHS), 1)
    onehot = (batch_ref[...] == gids).astype(jnp.float32)
    pooled = lax.dot_general(onehot, h, (((0,), (0,)), ((), ())),
                             preferred_element_type=jnp.float32)
    counts = lax.dot_general(onehot, jnp.ones((N, 1), jnp.float32),
                             (((0,), (0,)), ((), ())),
                             preferred_element_type=jnp.float32)
    pooled = pooled / jnp.maximum(counts, 1.0)
    e = jnp.maximum(
        jnp.dot(pooled, w1_ref[...], preferred_element_type=jnp.float32)
        + b1_ref[...], 0.0)
    e = jnp.dot(e, w2_ref[...], preferred_element_type=jnp.float32) + b2_ref[...]
    norm = jnp.sqrt(jnp.sum(e * e, axis=-1, keepdims=True))
    o_ref[...] = e / jnp.maximum(norm, 1e-12)


def _tc(body, out_shape, *args):
    return pl.pallas_call(body, out_shape=out_shape)(*args)



def kernel(x, edge_index, edge_attr, batch, Win, bin_, gamma, beta,
           Wm, bm, Ws, bs, W1, b1, W2, b2):
    f32 = jnp.float32
    ei3 = edge_index.reshape(2, NROWS, CHUNK)
    src2, dst2 = _tc(
        _pad_idx_body,
        [jax.ShapeDtypeStruct((NW * CPW, CHUNK), jnp.int32),
         jax.ShapeDtypeStruct((NW * CPW, CHUNK), jnp.int32)],
        ei3)
    src3 = src2.reshape(NW, CPW, CHUNK)
    dst3 = dst2.reshape(NW, CPW, CHUNK)
    zb = jnp.zeros((NPAD, H), jnp.bfloat16)
    z16 = jnp.zeros((NPAD, D_EDGE), f32)
    z1 = jnp.zeros((NPAD,), f32)
    ones_c = jnp.ones((CHUNK,), f32)

    eap_pad, degp_pad = _sc_edge_pre(edge_attr, dst3, z16, z1, ones_c)
    degp = (degp_pad[0, :N] + degp_pad[1, :N]).reshape(N, 1)

    h, hnb = _tc(
        _first_body,
        [jax.ShapeDtypeStruct((N, H), f32),
         jax.ShapeDtypeStruct((N, H), jnp.bfloat16)],
        x, Win, bin_.reshape(1, H),
        gamma[0].reshape(1, H), beta[0].reshape(1, H))

    nh = jax.ShapeDtypeStruct((N, H), f32)
    bea = _tc(_bea_body, [nh, nh, nh],
              eap_pad, degp, Wm[:, H:, :], bm.reshape(L, 1, H))

    t = _tc(_t0_body, nh, hnb, Ws[0], bs[0].reshape(1, H), bea[0])

    for i in range(L):
        wm_h = Wm[i][:H]
        gp = _sc_agg(hnb, src3, dst3, zb)
        if i < L - 1:
            h, hnb, t = _tc(
                _upd_body,
                [nh, jax.ShapeDtypeStruct((N, H), jnp.bfloat16), nh],
                h, t, gp, wm_h,
                gamma[i + 1].reshape(1, H), beta[i + 1].reshape(1, H),
                Ws[i + 1], bs[i + 1].reshape(1, H), bea[i + 1])
        else:
            out = _tc(
                _final_body, jax.ShapeDtypeStruct((NUM_GRAPHS, EMB), f32),
                h, t, gp, wm_h,
                batch.reshape(N, 1), W1, b1.reshape(1, EMB),
                W2, b2.reshape(1, EMB))
    return out

# --- scband reference (transcript-rebuilt; emitter-appended) ---
"""Pipeline reference for scband-polygon-message-encoder-9740985827989 (READ-ONLY COPY).

The authoritative reference and input builder live on the scoring server;
editing this copy changes nothing except your own understanding.
"""

import jax, jax.numpy as jnp
import numpy as np

N = 10000
E = 640000
NUM_GRAPHS = 64
D_IN = 128
D_EDGE = 16
H = 64
EMB = 128
L = 3


def _layer_norm(h, g, b):
    mu = jnp.mean(h, axis=-1, keepdims=True)
    var = jnp.mean((h - mu) ** 2, axis=-1, keepdims=True)
    return (h - mu) / jnp.sqrt(var + 1e-5) * g + b


def setup_inputs(seed: int = 0) -> dict:
    key = jax.random.key(seed)
    ks = jax.random.split(key, 20)
    x = jax.random.normal(ks[0], (N, D_IN), dtype=jnp.float32)
    edge_index = jax.random.randint(ks[1], (2, E), 0, N, dtype=jnp.int32)
    edge_attr = jax.random.normal(ks[2], (E, D_EDGE), dtype=jnp.float32)
    batch = jnp.sort(jax.random.randint(ks[3], (N,), 0, NUM_GRAPHS, dtype=jnp.int32))
    s_in = 1.0 / np.sqrt(D_IN)
    s_m = 1.0 / np.sqrt(H + D_EDGE)
    s_h = 1.0 / np.sqrt(H)
    s_e = 1.0 / np.sqrt(EMB)
    Win = jax.random.normal(ks[4], (D_IN, H), jnp.float32) * s_in
    bin_ = jnp.zeros((H,), jnp.float32)
    gamma = jnp.ones((L, H), jnp.float32)
    beta = jnp.zeros((L, H), jnp.float32)
    Wm = jax.random.normal(ks[5], (L, H + D_EDGE, H), jnp.float32) * s_m
    bm = jnp.zeros((L, H), jnp.float32)
    Ws = jax.random.normal(ks[6], (L, H, H), jnp.float32) * s_h
    bs = jnp.zeros((L, H), jnp.float32)
    W1 = jax.random.normal(ks[7], (H, EMB), jnp.float32) * s_h
    b1 = jnp.zeros((EMB,), jnp.float32)
    W2 = jax.random.normal(ks[8], (EMB, EMB), jnp.float32) * s_e
    b2 = jnp.zeros((EMB,), jnp.float32)
    return {"x": x, "edge_index": edge_index, "edge_attr": edge_attr, "batch": batch,
            "Win": Win, "bin_": bin_, "gamma": gamma, "beta": beta,
            "Wm": Wm, "bm": bm, "Ws": Ws, "bs": bs,
            "W1": W1, "b1": b1, "W2": W2, "b2": b2}


def reference(x, edge_index, edge_attr, batch, Win, bin_, gamma, beta, Wm, bm, Ws, bs, W1, b1, W2, b2):
    src = edge_index[0]
    dst = edge_index[1]
    # input projection
    h = x @ Win + bin_
    # message-passing layers with pre-norm residual blocks (eval mode: dropout off)
    for i in range(L):
        hn = _layer_norm(h, gamma[i], beta[i])
        # edge-conditioned message: gather source features, concat edge attrs
        m = jnp.concatenate([hn[src], edge_attr], axis=-1) @ Wm[i] + bm[i]
        agg = jax.ops.segment_sum(m, dst, num_segments=N)
        up = hn @ Ws[i] + bs[i] + agg
        up = jax.nn.relu(up)
        h = h + up
    # global mean pool per graph
    counts = jax.ops.segment_sum(jnp.ones((N, 1), jnp.float32), batch, num_segments=NUM_GRAPHS)
    pooled = jax.ops.segment_sum(h, batch, num_segments=NUM_GRAPHS) / jnp.clip(counts, 1.0)
    # output projection + L2 normalize
    e = jax.nn.relu(pooled @ W1 + b1) @ W2 + b2
    norm = jnp.sqrt(jnp.sum(e * e, axis=-1, keepdims=True))
    e = e / jnp.clip(norm, 1e-12)
    return e

if __name__ == "__main__":
    import jax
    _d = setup_inputs()
    print(jax.jit(kernel)(*tuple(_d.values())))

</pallas_src>

<mosaic_0001>
#map = affine_map<(d0, d1) -> (0, 0)>
#map1 = affine_map<(d0, d1) -> (0, 0, 0)>
module attributes {stable_mosaic.version = 14 : i64} {
  func.func @k(%arg0: i32, %arg1: i32, %arg2: memref<10000x64xbf16, #tpu.memory_space<hbm>>, %arg3: memref<32x160x128xi32, #tpu.memory_space<hbm>>, %arg4: memref<32x160x128xi32, #tpu.memory_space<hbm>>, %arg5: memref<10240x64xbf16, #tpu.memory_space<hbm>>, %arg6: memref<2x10240x64xbf16, #tpu.memory_space<hbm>>, %arg7: memref<160x128xi32, #tpu.memory_space<vmem>>, %arg8: memref<160x128xi32, #tpu.memory_space<vmem>>, %arg9: memref<128x64xbf16, #tpu.memory_space<vmem>>, %arg10: memref<128x64xbf16, #tpu.memory_space<vmem>>, %arg11: memref<128x64xbf16, #tpu.memory_space<vmem>>, %arg12: memref<128x64xbf16, #tpu.memory_space<vmem>>, %arg13: memref<128x64xbf16, #tpu.memory_space<vmem>>, %arg14: memref<128x64xbf16, #tpu.memory_space<vmem>>, %arg15: memref<128x64xbf16, #tpu.memory_space<vmem>>, %arg16: memref<128x64xbf16, #tpu.memory_space<vmem>>, %arg17: memref<10240x64xbf16, #tpu.memory_space<vmem_shared>>, %arg18: memref<10000x64xbf16, #tpu.memory_space<vmem_shared>>, %arg19: memref<!tpu.dma_semaphore, #tpu.memory_space<semaphore_mem>>, %arg20: memref<!tpu.dma_semaphore, #tpu.memory_space<semaphore_mem>>, %arg21: memref<!tpu.dma_semaphore, #tpu.memory_space<semaphore_mem>>, %arg22: memref<!tpu.dma_semaphore, #tpu.memory_space<semaphore_mem>>, %arg23: memref<!tpu.dma_semaphore, #tpu.memory_space<semaphore_mem>>, %arg24: memref<!tpu.dma_semaphore, #tpu.memory_space<semaphore_mem>>, %arg25: memref<!tpu.dma_semaphore, #tpu.memory_space<semaphore_mem>>, %arg26: memref<!tpu.dma_semaphore, #tpu.memory_space<semaphore_mem>>, %arg27: memref<!tpu.dma_semaphore, #tpu.memory_space<semaphore_mem>>, %arg28: memref<!tpu.dma_semaphore, #tpu.memory_space<semaphore_mem>>, %arg29: memref<!tpu.dma_semaphore, #tpu.memory_space<semaphore_mem>>, %arg30: memref<!tpu.dma_semaphore, #tpu.memory_space<semaphore_mem>>, %arg31: memref<!tpu.dma_semaphore, #tpu.memory_space<semaphore_mem>>, %arg32: memref<!tpu.dma_semaphore, #tpu.memory_space<semaphore_mem>>, %arg33: memref<!tpu.dma_semaphore, #tpu.memory_space<semaphore_mem>>, %arg34: memref<!tpu.dma_semaphore, #tpu.memory_space<semaphore_mem>>, %arg35: memref<!tpu.dma_semaphore, #tpu.memory_space<semaphore_mem>>, %arg36: memref<!tpu.dma_semaphore, #tpu.memory_space<semaphore_mem>>, %arg37: memref<!tpu.dma_semaphore, #tpu.memory_space<semaphore_mem>>, %arg38: memref<!tpu.dma_semaphore, #tpu.memory_space<semaphore_mem>>) attributes {dimension_semantics = [#tpu.dimension_semantics<core_parallel>, #tpu.dimension_semantics<subcore_parallel>], iteration_bounds = array<i64: 2, 16>, scalar_prefetch = 0 : i64, scratch_operands = 32 : i64, tpu.core_type = #tpu.core_type<sc_vector_subcore>, window_params = [{transform_indices = #map}, {transform_indices = #map1}, {transform_indices = #map1}, {transform_indices = #map}, {transform_indices = #map1}]} {
    %mul3A = arith.constant 16 : i32
    %mul3A_0 = arith.muli %arg0, %mul3A : i32
    %add3A = arith.addi %mul3A_0, %arg1 : i32
    %mul3A_1 = arith.constant 640 : i32
    %mul3A_2 = arith.muli %arg1, %mul3A_1 : i32
    %dma_start3A = arith.constant 0 : i32
    %dma_start3A_3 = tpu.memref_slice %arg17[%mul3A_2, %dma_start3A] : memref<10240x64xbf16, #tpu.memory_space<vmem_shared>> -> memref<640x64xbf16, #tpu.memory_space<vmem_shared>>
    %dma_start3A_4 = arith.constant 0 : i32
    %dma_start3A_5 = tpu.memref_slice %arg5[%mul3A_2, %dma_start3A_4] : memref<10240x64xbf16, #tpu.memory_space<hbm>> -> memref<640x64xbf16, #tpu.memory_space<hbm>>
    tpu.enqueue_dma source(%dma_start3A_5 : memref<640x64xbf16, #tpu.memory_space<hbm>>) target(%dma_start3A_3 : memref<640x64xbf16, #tpu.memory_space<vmem_shared>>) target_semaphore(%arg19 : memref<!tpu.dma_semaphore, #tpu.memory_space<semaphore_mem>>)
    %mul3A_6 = arith.constant 625 : i32
    %mul3A_7 = arith.muli %arg1, %mul3A_6 : i32
    %mul3A_8 = arith.constant 625 : i32
    %mul3A_9 = arith.muli %arg1, %mul3A_8 : i32
    %dma_start3A_10 = arith.constant 0 : i32
    %dma_start3A_11 = tpu.memref_slice %arg18[%mul3A_9, %dma_start3A_10] : memref<10000x64xbf16, #tpu.memory_space<vmem_shared>> -> memref<625x64xbf16, #tpu.memory_space<vmem_shared>>
    %dma_start3A_12 = arith.constant 0 : i32
    %dma_start3A_13 = tpu.memref_slice %arg2[%mul3A_7, %dma_start3A_12] : memref<10000x64xbf16, #tpu.memory_space<hbm>> -> memref<625x64xbf16, #tpu.memory_space<hbm>>
    tpu.enqueue_dma source(%dma_start3A_13 : memref<625x64xbf16, #tpu.memory_space<hbm>>) target(%dma_start3A_11 : memref<625x64xbf16, #tpu.memory_space<vmem_shared>>) target_semaphore(%arg20 : memref<!tpu.dma_semaphore, #tpu.memory_space<semaphore_mem>>)
    %dma_start3A_14 = arith.constant 0 : i32
    %dma_start3A_15 = arith.constant 0 : i32
    %dma_start3A_16 = tpu.memref_slice %arg3[%add3A, %dma_start3A_14, %dma_start3A_15] : memref<32x160x128xi32, #tpu.memory_space<hbm>> -> memref<1x160x128xi32, #tpu.memory_space<hbm>>
    %dma_start3A_17 = tpu.memref_squeeze %dma_start3A_16 : memref<1x160x128xi32, #tpu.memory_space<hbm>> -> memref<160x128xi32, #tpu.memory_space<hbm>>
    %dma_start3A_18 = arith.constant 0 : i32
    %dma_start3A_19 = arith.constant 0 : i32
    %dma_start3A_20 = tpu.memref_slice %arg3[%add3A, %dma_start3A_18, %dma_start3A_19] : memref<32x160x128xi32, #tpu.memory_space<hbm>> -> memref<1x160x128xi32, #tpu.memory_space<hbm>>
    %dma_start3A_21 = tpu.memref_squeeze %dma_start3A_20 : memref<1x160x128xi32, #tpu.memory_space<hbm>> -> memref<160x128xi32, #tpu.memory_space<hbm>>
    tpu.enqueue_dma source(%dma_start3A_21 : memref<160x128xi32, #tpu.memory_space<hbm>>) target(%arg7 : memref<160x128xi32, #tpu.memory_space<vmem>>) target_semaphore(%arg21 : memref<!tpu.dma_semaphore, #tpu.memory_space<semaphore_mem>>)
    %dma_start3A_22 = arith.constant 0 : i32
    %dma_start3A_23 = arith.constant 0 : i32
    %dma_start3A_24 = tpu.memref_slice %arg4[%add3A, %dma_start3A_22, %dma_start3A_23] : memref<32x160x128xi32, #tpu.memory_space<hbm>> -> memref<1x160x128xi32, #tpu.memory_space<hbm>>
    %dma_start3A_25 = tpu.memref_squeeze %dma_start3A_24 : memref<1x160x128xi32, #tpu.memory_space<hbm>> -> memref<160x128xi32, #tpu.memory_space<hbm>>
    %dma_start3A_26 = arith.constant 0 : i32
    %dma_start3A_27 = arith.constant 0 : i32
    %dma_start3A_28 = tpu.memref_slice %arg4[%add3A, %dma_start3A_26, %dma_start3A_27] : memref<32x160x128xi32, #tpu.memory_space<hbm>> -> memref<1x160x128xi32, #tpu.memory_space<hbm>>
    %dma_start3A_29 = tpu.memref_squeeze %dma_start3A_28 : memref<1x160x128xi32, #tpu.memory_space<hbm>> -> memref<160x128xi32, #tpu.memory_space<hbm>>
    tpu.enqueue_dma source(%dma_start3A_29 : memref<160x128xi32, #tpu.memory_space<hbm>>) target(%arg8 : memref<160x128xi32, #tpu.memory_space<vmem>>) target_semaphore(%arg22 : memref<!tpu.dma_semaphore, #tpu.memory_space<semaphore_mem>>)
    %dma_wait3A = arith.constant 0 : i32
    %dma_wait3A_30 = tpu.memref_slice %arg17[%mul3A_2, %dma_wait3A] : memref<10240x64xbf16, #tpu.memory_space<vmem_shared>> -> memref<640x64xbf16, #tpu.memory_space<vmem_shared>>
    %dma_wait3A_31 = arith.constant 0 : i32
    %dma_wait3A_32 = tpu.memref_slice %arg5[%mul3A_2, %dma_wait3A_31] : memref<10240x64xbf16, #tpu.memory_space<hbm>> -> memref<640x64xbf16, #tpu.memory_space<hbm>>
    tpu.wait_dma2 semaphore(%arg19 : memref<!tpu.dma_semaphore, #tpu.memory_space<semaphore_mem>>) src(%dma_wait3A_32 : memref<640x64xbf16, #tpu.memory_space<hbm>>) dst(%dma_wait3A_30 : memref<640x64xbf16, #tpu.memory_space<vmem_shared>>)
    %dma_wait3A_33 = arith.constant 0 : i32
    %dma_wait3A_34 = tpu.memref_slice %arg18[%mul3A_9, %dma_wait3A_33] : memref<10000x64xbf16, #tpu.memory_space<vmem_shared>> -> memref<625x64xbf16, #tpu.memory_space<vmem_shared>>
    %dma_wait3A_35 = arith.constant 0 : i32
    %dma_wait3A_36 = tpu.memref_slice %arg2[%mul3A_7, %dma_wait3A_35] : memref<10000x64xbf16, #tpu.memory_space<hbm>> -> memref<625x64xbf16, #tpu.memory_space<hbm>>
    tpu.wait_dma2 semaphore(%arg20 : memref<!tpu.dma_semaphore, #tpu.memory_space<semaphore_mem>>) src(%dma_wait3A_36 : memref<625x64xbf16, #tpu.memory_space<hbm>>) dst(%dma_wait3A_34 : memref<625x64xbf16, #tpu.memory_space<vmem_shared>>)
    %barrier3A = arith.constant 0 : index
    tpu.barrier barrier_id(%barrier3A)
    %dma_wait3A_37 = arith.constant 0 : i32
    %dma_wait3A_38 = arith.constant 0 : i32
    %dma_wait3A_39 = tpu.memref_slice %arg3[%add3A, %dma_wait3A_37, %dma_wait3A_38] : memref<32x160x128xi32, #tpu.memory_space<hbm>> -> memref<1x160x128xi32, #tpu.memory_space<hbm>>
    %dma_wait3A_40 = tpu.memref_squeeze %dma_wait3A_39 : memref<1x160x128xi32, #tpu.memory_space<hbm>> -> memref<160x128xi32, #tpu.memory_space<hbm>>
    %dma_wait3A_41 = arith.constant 0 : i32
    %dma_wait3A_42 = arith.constant 0 : i32
    %dma_wait3A_43 = tpu.memref_slice %arg3[%add3A, %dma_wait3A_41, %dma_wait3A_42] : memref<32x160x128xi32, #tpu.memory_space<hbm>> -> memref<1x160x128xi32, #tpu.memory_space<hbm>>
    %dma_wait3A_44 = tpu.memref_squeeze %dma_wait3A_43 : memref<1x160x128xi32, #tpu.memory_space<hbm>> -> memref<160x128xi32, #tpu.memory_space<hbm>>
    tpu.wait_dma2 semaphore(%arg21 : memref<!tpu.dma_semaphore, #tpu.memory_space<semaphore_mem>>) src(%dma_wait3A_44 : memref<160x128xi32, #tpu.memory_space<hbm>>) dst(%arg7 : memref<160x128xi32, #tpu.memory_space<vmem>>)
    %dma_wait3A_45 = arith.constant 0 : i32
    %dma_wait3A_46 = arith.constant 0 : i32
    %dma_wait3A_47 = tpu.memref_slice %arg4[%add3A, %dma_wait3A_45, %dma_wait3A_46] : memref<32x160x128xi32, #tpu.memory_space<hbm>> -> memref<1x160x128xi32, #tpu.memory_space<hbm>>
    %dma_wait3A_48 = tpu.memref_squeeze %dma_wait3A_47 : memref<1x160x128xi32, #tpu.memory_space<hbm>> -> memref<160x128xi32, #tpu.memory_space<hbm>>
    %dma_wait3A_49 = arith.constant 0 : i32
    %dma_wait3A_50 = arith.constant 0 : i32
    %dma_wait3A_51 = tpu.memref_slice %arg4[%add3A, %dma_wait3A_49, %dma_wait3A_50] : memref<32x160x128xi32, #tpu.memory_space<hbm>> -> memref<1x160x128xi32, #tpu.memory_space<hbm>>
    %dma_wait3A_52 = tpu.memref_squeeze %dma_wait3A_51 : memref<1x160x128xi32, #tpu.memory_space<hbm>> -> memref<160x128xi32, #tpu.memory_space<hbm>>
    tpu.wait_dma2 semaphore(%arg22 : memref<!tpu.dma_semaphore, #tpu.memory_space<semaphore_mem>>) src(%dma_wait3A_52 : memref<160x128xi32, #tpu.memory_space<hbm>>) dst(%arg8 : memref<160x128xi32, #tpu.memory_space<vmem>>)
    %dma_start3A_53 = arith.constant 0 : i32
    %dma_start3A_54 = arith.constant 0 : i32
    %dma_start3A_55 = tpu.memref_slice %arg7[%dma_start3A_53, %dma_start3A_54] : memref<160x128xi32, #tpu.memory_space<vmem>> -> memref<1x128xi32, #tpu.memory_space<vmem>>
    %dma_start3A_56 = tpu.memref_squeeze %dma_start3A_55 : memref<1x128xi32, #tpu.memory_space<vmem>> -> memref<128xi32, #tpu.memory_space<vmem>>
    %dma_start3A_57 = arith.constant 0 : i32
    %dma_start3A_58 = arith.constant 0 : i32
    %dma_start3A_59 = tpu.memref_slice %arg18[%dma_start3A_57, %dma_start3A_58] : memref<10000x64xbf16, #tpu.memory_space<vmem_shared>> -> memref<10000x64xbf16, #tpu.memory_space<vmem_shared>>
    tpu.enqueue_indirect_dma source(%dma_start3A_59 : memref<10000x64xbf16, #tpu.memory_space<vmem_shared>>) target(%arg9 : memref<128x64xbf16, #tpu.memory_space<vmem>>) offsets(%dma_start3A_56 : memref<128xi32, #tpu.memory_space<vmem>>) semaphore(%arg23 : memref<!tpu.dma_semaphore, #tpu.memory_space<semaphore_mem>>)
    %dma_start3A_60 = arith.constant 1 : i32
    %dma_start3A_61 = arith.constant 0 : i32
    %dma_start3A_62 = tpu.memref_slice %arg7[%dma_start3A_60, %dma_start3A_61] : memref<160x128xi32, #tpu.memory_space<vmem>> -> memref<1x128xi32, #tpu.memory_space<vmem>>
    %dma_start3A_63 = tpu.memref_squeeze %dma_start3A_62 : memref<1x128xi32, #tpu.memory_space<vmem>> -> memref<128xi32, #tpu.memory_space<vmem>>
    %dma_start3A_64 = arith.constant 0 : i32
    %dma_start3A_65 = arith.constant 0 : i32
    %dma_start3A_66 = tpu.memref_slice %arg18[%dma_start3A_64, %dma_start3A_65] : memref<10000x64xbf16, #tpu.memory_space<vmem_shared>> -> memref<10000x64xbf16, #tpu.memory_space<vmem_shared>>
    tpu.enqueue_indirect_dma source(%dma_start3A_66 : memref<10000x64xbf16, #tpu.memory_space<vmem_shared>>) target(%arg10 : memref<128x64xbf16, #tpu.memory_space<vmem>>) offsets(%dma_start3A_63 : memref<128xi32, #tpu.memory_space<vmem>>) semaphore(%arg24 : memref<!tpu.dma_semaphore, #tpu.memory_space<semaphore_mem>>)
    %dma_start3A_67 = arith.constant 2 : i32
    %dma_start3A_68 = arith.constant 0 : i32
    %dma_start3A_69 = tpu.memref_slice %arg7[%dma_start3A_67, %dma_start3A_68] : memref<160x128xi32, #tpu.memory_space<vmem>> -> memref<1x128xi32, #tpu.memory_space<vmem>>
    %dma_start3A_70 = tpu.memref_squeeze %dma_start3A_69 : memref<1x128xi32, #tpu.memory_space<vmem>> -> memref<128xi32, #tpu.memory_space<vmem>>
    %dma_start3A_71 = arith.constant 0 : i32
    %dma_start3A_72 = arith.constant 0 : i32
    %dma_start3A_73 = tpu.memref_slice %arg18[%dma_start3A_71, %dma_start3A_72] : memref<10000x64xbf16, #tpu.memory_space<vmem_shared>> -> memref<10000x64xbf16, #tpu.memory_space<vmem_shared>>
    tpu.enqueue_indirect_dma source(%dma_start3A_73 : memref<10000x64xbf16, #tpu.memory_space<vmem_shared>>) target(%arg11 : memref<128x64xbf16, #tpu.memory_space<vmem>>) offsets(%dma_start3A_70 : memref<128xi32, #tpu.memory_space<vmem>>) semaphore(%arg25 : memref<!tpu.dma_semaphore, #tpu.memory_space<semaphore_mem>>)
    %dma_start3A_74 = arith.constant 3 : i32
    %dma_start3A_75 = arith.constant 0 : i32
    %dma_start3A_76 = tpu.memref_slice %arg7[%dma_start3A_74, %dma_start3A_75] : memref<160x128xi32, #tpu.memory_space<vmem>> -> memref<1x128xi32, #tpu.memory_space<vmem>>
    %dma_start3A_77 = tpu.memref_squeeze %dma_start3A_76 : memref<1x128xi32, #tpu.memory_space<vmem>> -> memref<128xi32, #tpu.memory_space<vmem>>
    %dma_start3A_78 = arith.constant 0 : i32
    %dma_start3A_79 = arith.constant 0 : i32
    %dma_start3A_80 = tpu.memref_slice %arg18[%dma_start3A_78, %dma_start3A_79] : memref<10000x64xbf16, #tpu.memory_space<vmem_shared>> -> memref<10000x64xbf16, #tpu.memory_space<vmem_shared>>
    tpu.enqueue_indirect_dma source(%dma_start3A_80 : memref<10000x64xbf16, #tpu.memory_space<vmem_shared>>) target(%arg12 : memref<128x64xbf16, #tpu.memory_space<vmem>>) offsets(%dma_start3A_77 : memref<128xi32, #tpu.memory_space<vmem>>) semaphore(%arg26 : memref<!tpu.dma_semaphore, #tpu.memory_space<semaphore_mem>>)
    %dma_start3A_81 = arith.constant 4 : i32
    %dma_start3A_82 = arith.constant 0 : i32
    %dma_start3A_83 = tpu.memref_slice %arg7[%dma_start3A_81, %dma_start3A_82] : memref<160x128xi32, #tpu.memory_space<vmem>> -> memref<1x128xi32, #tpu.memory_space<vmem>>
    %dma_start3A_84 = tpu.memref_squeeze %dma_start3A_83 : memref<1x128xi32, #tpu.memory_space<vmem>> -> memref<128xi32, #tpu.memory_space<vmem>>
    %dma_start3A_85 = arith.constant 0 : i32
    %dma_start3A_86 = arith.constant 0 : i32
    %dma_start3A_87 = tpu.memref_slice %arg18[%dma_start3A_85, %dma_start3A_86] : memref<10000x64xbf16, #tpu.memory_space<vmem_shared>> -> memref<10000x64xbf16, #tpu.memory_space<vmem_shared>>
    tpu.enqueue_indirect_dma source(%dma_start3A_87 : memref<10000x64xbf16, #tpu.memory_space<vmem_shared>>) target(%arg13 : memref<128x64xbf16, #tpu.memory_space<vmem>>) offsets(%dma_start3A_84 : memref<128xi32, #tpu.memory_space<vmem>>) semaphore(%arg27 : memref<!tpu.dma_semaphore, #tpu.memory_space<semaphore_mem>>)
    %dma_start3A_88 = arith.constant 5 : i32
    %dma_start3A_89 = arith.constant 0 : i32
    %dma_start3A_90 = tpu.memref_slice %arg7[%dma_start3A_88, %dma_start3A_89] : memref<160x128xi32, #tpu.memory_space<vmem>> -> memref<1x128xi32, #tpu.memory_space<vmem>>
    %dma_start3A_91 = tpu.memref_squeeze %dma_start3A_90 : memref<1x128xi32, #tpu.memory_space<vmem>> -> memref<128xi32, #tpu.memory_space<vmem>>
    %dma_start3A_92 = arith.constant 0 : i32
    %dma_start3A_93 = arith.constant 0 : i32
    %dma_start3A_94 = tpu.memref_slice %arg18[%dma_start3A_92, %dma_start3A_93] : memref<10000x64xbf16, #tpu.memory_space<vmem_shared>> -> memref<10000x64xbf16, #tpu.memory_space<vmem_shared>>
    tpu.enqueue_indirect_dma source(%dma_start3A_94 : memref<10000x64xbf16, #tpu.memory_space<vmem_shared>>) target(%arg14 : memref<128x64xbf16, #tpu.memory_space<vmem>>) offsets(%dma_start3A_91 : memref<128xi32, #tpu.memory_space<vmem>>) semaphore(%arg28 : memref<!tpu.dma_semaphore, #tpu.memory_space<semaphore_mem>>)
    %dma_start3A_95 = arith.constant 6 : i32
    %dma_start3A_96 = arith.constant 0 : i32
    %dma_start3A_97 = tpu.memref_slice %arg7[%dma_start3A_95, %dma_start3A_96] : memref<160x128xi32, #tpu.memory_space<vmem>> -> memref<1x128xi32, #tpu.memory_space<vmem>>
    %dma_start3A_98 = tpu.memref_squeeze %dma_start3A_97 : memref<1x128xi32, #tpu.memory_space<vmem>> -> memref<128xi32, #tpu.memory_space<vmem>>
    %dma_start3A_99 = arith.constant 0 : i32
    %dma_start3A_100 = arith.constant 0 : i32
    %dma_start3A_101 = tpu.memref_slice %arg18[%dma_start3A_99, %dma_start3A_100] : memref<10000x64xbf16, #tpu.memory_space<vmem_shared>> -> memref<10000x64xbf16, #tpu.memory_space<vmem_shared>>
    tpu.enqueue_indirect_dma source(%dma_start3A_101 : memref<10000x64xbf16, #tpu.memory_space<vmem_shared>>) target(%arg15 : memref<128x64xbf16, #tpu.memory_space<vmem>>) offsets(%dma_start3A_98 : memref<128xi32, #tpu.memory_space<vmem>>) semaphore(%arg29 : memref<!tpu.dma_semaphore, #tpu.memory_space<semaphore_mem>>)
    %dma_start3A_102 = arith.constant 7 : i32
    %dma_start3A_103 = arith.constant 0 : i32
    %dma_start3A_104 = tpu.memref_slice %arg7[%dma_start3A_102, %dma_start3A_103] : memref<160x128xi32, #tpu.memory_space<vmem>> -> memref<1x128xi32, #tpu.memory_space<vmem>>
    %dma_start3A_105 = tpu.memref_squeeze %dma_start3A_104 : memref<1x128xi32, #tpu.memory_space<vmem>> -> memref<128xi32, #tpu.memory_space<vmem>>
    %dma_start3A_106 = arith.constant 0 : i32
    %dma_start3A_107 = arith.constant 0 : i32
    %dma_start3A_108 = tpu.memref_slice %arg18[%dma_start3A_106, %dma_start3A_107] : memref<10000x64xbf16, #tpu.memory_space<vmem_shared>> -> memref<10000x64xbf16, #tpu.memory_space<vmem_shared>>
    tpu.enqueue_indirect_dma source(%dma_start3A_108 : memref<10000x64xbf16, #tpu.memory_space<vmem_shared>>) target(%arg16 : memref<128x64xbf16, #tpu.memory_space<vmem>>) offsets(%dma_start3A_105 : memref<128xi32, #tpu.memory_space<vmem>>) semaphore(%arg30 : memref<!tpu.dma_semaphore, #tpu.memory_space<semaphore_mem>>)
    %scan3A = arith.constant 0 : i32
    %scan3A_109 = arith.constant 0 : i32
    %scan3A_110 = arith.constant 19 : i32
    %scan3A_111 = arith.addi %scan3A_109, %scan3A_110 : i32
    %scan3A_112 = arith.constant 1 : i32
    scf.for %scan3A_283 = %scan3A_109 to %scan3A_111 step %scan3A_112  : i32 {
      %mul3A_284 = arith.constant 8 : i32
      %mul3A_285 = arith.muli %mul3A_284, %scan3A_283 : i32
      %add3A_286 = arith.constant 0 : i32
      %add3A_287 = arith.addi %mul3A_285, %add3A_286 : i32
      %dma_wait3A_288 = arith.constant 0 : i32
      %dma_wait3A_289 = tpu.memref_slice %arg7[%add3A_287, %dma_wait3A_288] : memref<160x128xi32, #tpu.memory_space<vmem>> -> memref<1x128xi32, #tpu.memory_space<vmem>>
      %dma_wait3A_290 = tpu.memref_squeeze %dma_wait3A_289 : memref<1x128xi32, #tpu.memory_space<vmem>> -> memref<128xi32, #tpu.memory_space<vmem>>
      %dma_wait3A_291 = arith.constant 0 : i32
      %dma_wait3A_292 = arith.constant 0 : i32
      %dma_wait3A_293 = tpu.memref_slice %arg18[%dma_wait3A_291, %dma_wait3A_292] : memref<10000x64xbf16, #tpu.memory_space<vmem_shared>> -> memref<10000x64xbf16, #tpu.memory_space<vmem_shared>>
      tpu.wait_indirect_dma semaphore(%arg23 : memref<!tpu.dma_semaphore, #tpu.memory_space<semaphore_mem>>) src(%dma_wait3A_293 : memref<10000x64xbf16, #tpu.memory_space<vmem_shared>>) dst(%arg9 : memref<128x64xbf16, #tpu.memory_space<vmem>>)
      %add3A_294 = arith.constant 0 : i32
      %add3A_295 = arith.addi %mul3A_285, %add3A_294 : i32
      %dma_start3A_296 = arith.constant 0 : i32
      %dma_start3A_297 = tpu.memref_slice %arg8[%add3A_295, %dma_start3A_296] : memref<160x128xi32, #tpu.memory_space<vmem>> -> memref<1x128xi32, #tpu.memory_space<vmem>>
      %dma_start3A_298 = tpu.memref_squeeze %dma_start3A_297 : memref<1x128xi32, #tpu.memory_space<vmem>> -> memref<128xi32, #tpu.memory_space<vmem>>
      %dma_start3A_299 = arith.constant 0 : i32
      %dma_start3A_300 = arith.constant 0 : i32
      %dma_start3A_301 = tpu.memref_slice %arg17[%dma_start3A_299, %dma_start3A_300] : memref<10240x64xbf16, #tpu.memory_space<vmem_shared>> -> memref<10240x64xbf16, #tpu.memory_space<vmem_shared>>
      tpu.enqueue_indirect_dma source(%arg9 : memref<128x64xbf16, #tpu.memory_space<vmem>>) target(%dma_start3A_301 : memref<10240x64xbf16, #tpu.memory_space<vmem_shared>>) offsets(%dma_start3A_298 : memref<128xi32, #tpu.memory_space<vmem>>) semaphore(%arg31 : memref<!tpu.dma_semaphore, #tpu.memory_space<semaphore_mem>>) {add = true}
      %add3A_302 = arith.constant 1 : i32
      %add3A_303 = arith.addi %mul3A_285, %add3A_302 : i32
      %dma_wait3A_304 = arith.constant 0 : i32
      %dma_wait3A_305 = tpu.memref_slice %arg7[%add3A_303, %dma_wait3A_304] : memref<160x128xi32, #tpu.memory_space<vmem>> -> memref<1x128xi32, #tpu.memory_space<vmem>>
      %dma_wait3A_306 = tpu.memref_squeeze %dma_wait3A_305 : memref<1x128xi32, #tpu.memory_space<vmem>> -> memref<128xi32, #tpu.memory_space<vmem>>
      %dma_wait3A_307 = arith.constant 0 : i32
      %dma_wait3A_308 = arith.constant 0 : i32
      %dma_wait3A_309 = tpu.memref_slice %arg18[%dma_wait3A_307, %dma_wait3A_308] : memref<10000x64xbf16, #tpu.memory_space<vmem_shared>> -> memref<10000x64xbf16, #tpu.memory_space<vmem_shared>>
      tpu.wait_indirect_dma semaphore(%arg24 : memref<!tpu.dma_semaphore, #tpu.memory_space<semaphore_mem>>) src(%dma_wait3A_309 : memref<10000x64xbf16, #tpu.memory_space<vmem_shared>>) dst(%arg10 : memref<128x64xbf16, #tpu.memory_space<vmem>>)
      %add3A_310 = arith.constant 1 : i32
      %add3A_311 = arith.addi %mul3A_285, %add3A_310 : i32
      %dma_start3A_312 = arith.constant 0 : i32
      %dma_start3A_313 = tpu.memref_slice %arg8[%add3A_311, %dma_start3A_312] : memref<160x128xi32, #tpu.memory_space<vmem>> -> memref<1x128xi32, #tpu.memory_space<vmem>>
      %dma_start3A_314 = tpu.memref_squeeze %dma_start3A_313 : memref<1x128xi32, #tpu.memory_space<vmem>> -> memref<128xi32, #tpu.memory_space<vmem>>
      %dma_start3A_315 = arith.constant 0 : i32
      %dma_start3A_316 = arith.constant 0 : i32
      %dma_start3A_317 = tpu.memref_slice %arg17[%dma_start3A_315, %dma_start3A_316] : memref<10240x64xbf16, #tpu.memory_space<vmem_shared>> -> memref<10240x64xbf16, #tpu.memory_space<vmem_shared>>
      tpu.enqueue_indirect_dma source(%arg10 : memref<128x64xbf16, #tpu.memory_space<vmem>>) target(%dma_start3A_317 : memref<10240x64xbf16, #tpu.memory_space<vmem_shared>>) offsets(%dma_start3A_314 : memref<128xi32, #tpu.memory_space<vmem>>) semaphore(%arg32 : memref<!tpu.dma_semaphore, #tpu.memory_space<semaphore_mem>>) {add = true}
      %add3A_318 = arith.constant 2 : i32
      %add3A_319 = arith.addi %mul3A_285, %add3A_318 : i32
      %dma_wait3A_320 = arith.constant 0 : i32
      %dma_wait3A_321 = tpu.memref_slice %arg7[%add3A_319, %dma_wait3A_320] : memref<160x128xi32, #tpu.memory_space<vmem>> -> memref<1x128xi32, #tpu.memory_space<vmem>>
      %dma_wait3A_322 = tpu.memref_squeeze %dma_wait3A_321 : memref<1x128xi32, #tpu.memory_space<vmem>> -> memref<128xi32, #tpu.memory_space<vmem>>
      %dma_wait3A_323 = arith.constant 0 : i32
      %dma_wait3A_324 = arith.constant 0 : i32
      %dma_wait3A_325 = tpu.memref_slice %arg18[%dma_wait3A_323, %dma_wait3A_324] : memref<10000x64xbf16, #tpu.memory_space<vmem_shared>> -> memref<10000x64xbf16, #tpu.memory_space<vmem_shared>>
      tpu.wait_indirect_dma semaphore(%arg25 : memref<!tpu.dma_semaphore, #tpu.memory_space<semaphore_mem>>) src(%dma_wait3A_325 : memref<10000x64xbf16, #tpu.memory_space<vmem_shared>>) dst(%arg11 : memref<128x64xbf16, #tpu.memory_space<vmem>>)
      %add3A_326 = arith.constant 2 : i32
      %add3A_327 = arith.addi %mul3A_285, %add3A_326 : i32
      %dma_start3A_328 = arith.constant 0 : i32
      %dma_start3A_329 = tpu.memref_slice %arg8[%add3A_327, %dma_start3A_328] : memref<160x128xi32, #tpu.memory_space<vmem>> -> memref<1x128xi32, #tpu.memory_space<vmem>>
      %dma_start3A_330 = tpu.memref_squeeze %dma_start3A_329 : memref<1x128xi32, #tpu.memory_space<vmem>> -> memref<128xi32, #tpu.memory_space<vmem>>
      %dma_start3A_331 = arith.constant 0 : i32
      %dma_start3A_332 = arith.constant 0 : i32
      %dma_start3A_333 = tpu.memref_slice %arg17[%dma_start3A_331, %dma_start3A_332] : memref<10240x64xbf16, #tpu.memory_space<vmem_shared>> -> memref<10240x64xbf16, #tpu.memory_space<vmem_shared>>
      tpu.enqueue_indirect_dma source(%arg11 : memref<128x64xbf16, #tpu.memory_space<vmem>>) target(%dma_start3A_333 : memref<10240x64xbf16, #tpu.memory_space<vmem_shared>>) offsets(%dma_start3A_330 : memref<128xi32, #tpu.memory_space<vmem>>) semaphore(%arg33 : memref<!tpu.dma_semaphore, #tpu.memory_space<semaphore_mem>>) {add = true}
      %add3A_334 = arith.constant 3 : i32
      %add3A_335 = arith.addi %mul3A_285, %add3A_334 : i32
      %dma_wait3A_336 = arith.constant 0 : i32
      %dma_wait3A_337 = tpu.memref_slice %arg7[%add3A_335, %dma_wait3A_336] : memref<160x128xi32, #tpu.memory_space<vmem>> -> memref<1x128xi32, #tpu.memory_space<vmem>>
      %dma_wait3A_338 = tpu.memref_squeeze %dma_wait3A_337 : memref<1x128xi32, #tpu.memory_space<vmem>> -> memref<128xi32, #tpu.memory_space<vmem>>
      %dma_wait3A_339 = arith.constant 0 : i32
      %dma_wait3A_340 = arith.constant 0 : i32
      %dma_wait3A_341 = tpu.memref_slice %arg18[%dma_wait3A_339, %dma_wait3A_340] : memref<10000x64xbf16, #tpu.memory_space<vmem_shared>> -> memref<10000x64xbf16, #tpu.memory_space<vmem_shared>>
      tpu.wait_indirect_dma semaphore(%arg26 : memref<!tpu.dma_semaphore, #tpu.memory_space<semaphore_mem>>) src(%dma_wait3A_341 : memref<10000x64xbf16, #tpu.memory_space<vmem_shared>>) dst(%arg12 : memref<128x64xbf16, #tpu.memory_space<vmem>>)
      %add3A_342 = arith.constant 3 : i32
      %add3A_343 = arith.addi %mul3A_285, %add3A_342 : i32
      %dma_start3A_344 = arith.constant 0 : i32
      %dma_start3A_345 = tpu.memref_slice %arg8[%add3A_343, %dma_start3A_344] : memref<160x128xi32, #tpu.memory_space<vmem>> -> memref<1x128xi32, #tpu.memory_space<vmem>>
      %dma_start3A_346 = tpu.memref_squeeze %dma_start3A_345 : memref<1x128xi32, #tpu.memory_space<vmem>> -> memref<128xi32, #tpu.memory_space<vmem>>
      %dma_start3A_347 = arith.constant 0 : i32
      %dma_start3A_348 = arith.constant 0 : i32
      %dma_start3A_349 = tpu.memref_slice %arg17[%dma_start3A_347, %dma_start3A_348] : memref<10240x64xbf16, #tpu.memory_space<vmem_shared>> -> memref<10240x64xbf16, #tpu.memory_space<vmem_shared>>
      tpu.enqueue_indirect_dma source(%arg12 : memref<128x64xbf16, #tpu.memory_space<vmem>>) target(%dma_start3A_349 : memref<10240x64xbf16, #tpu.memory_space<vmem_shared>>) offsets(%dma_start3A_346 : memref<128xi32, #tpu.memory_space<vmem>>) semaphore(%arg34 : memref<!tpu.dma_semaphore, #tpu.memory_space<semaphore_mem>>) {add = true}
      %add3A_350 = arith.constant 4 : i32
      %add3A_351 = arith.addi %mul3A_285, %add3A_350 : i32
      %dma_wait3A_352 = arith.constant 0 : i32
      %dma_wait3A_353 = tpu.memref_slice %arg7[%add3A_351, %dma_wait3A_352] : memref<160x128xi32, #tpu.memory_space<vmem>> -> memref<1x128xi32, #tpu.memory_space<vmem>>
      %dma_wait3A_354 = tpu.memref_squeeze %dma_wait3A_353 : memref<1x128xi32, #tpu.memory_space<vmem>> -> memref<128xi32, #tpu.memory_space<vmem>>
      %dma_wait3A_355 = arith.constant 0 : i32
      %dma_wait3A_356 = arith.constant 0 : i32
      %dma_wait3A_357 = tpu.memref_slice %arg18[%dma_wait3A_355, %dma_wait3A_356] : memref<10000x64xbf16, #tpu.memory_space<vmem_shared>> -> memref<10000x64xbf16, #tpu.memory_space<vmem_shared>>
      tpu.wait_indirect_dma semaphore(%arg27 : memref<!tpu.dma_semaphore, #tpu.memory_space<semaphore_mem>>) src(%dma_wait3A_357 : memref<10000x64xbf16, #tpu.memory_space<vmem_shared>>) dst(%arg13 : memref<128x64xbf16, #tpu.memory_space<vmem>>)
      %add3A_358 = arith.constant 4 : i32
      %add3A_359 = arith.addi %mul3A_285, %add3A_358 : i32
      %dma_start3A_360 = arith.constant 0 : i32
      %dma_start3A_361 = tpu.memref_slice %arg8[%add3A_359, %dma_start3A_360] : memref<160x128xi32, #tpu.memory_space<vmem>> -> memref<1x128xi32, #tpu.memory_space<vmem>>
      %dma_start3A_362 = tpu.memref_squeeze %dma_start3A_361 : memref<1x128xi32, #tpu.memory_space<vmem>> -> memref<128xi32, #tpu.memory_space<vmem>>
      %dma_start3A_363 = arith.constant 0 : i32
      %dma_start3A_364 = arith.constant 0 : i32
      %dma_start3A_365 = tpu.memref_slice %arg17[%dma_start3A_363, %dma_start3A_364] : memref<10240x64xbf16, #tpu.memory_space<vmem_shared>> -> memref<10240x64xbf16, #tpu.memory_space<vmem_shared>>
      tpu.enqueue_indirect_dma source(%arg13 : memref<128x64xbf16, #tpu.memory_space<vmem>>) target(%dma_start3A_365 : memref<10240x64xbf16, #tpu.memory_space<vmem_shared>>) offsets(%dma_start3A_362 : memref<128xi32, #tpu.memory_space<vmem>>) semaphore(%arg35 : memref<!tpu.dma_semaphore, #tpu.memory_space<semaphore_mem>>) {add = true}
      %add3A_366 = arith.constant 5 : i32
      %add3A_367 = arith.addi %mul3A_285, %add3A_366 : i32
      %dma_wait3A_368 = arith.constant 0 : i32
      %dma_wait3A_369 = tpu.memref_slice %arg7[%add3A_367, %dma_wait3A_368] : memref<160x128xi32, #tpu.memory_space<vmem>> -> memref<1x128xi32, #tpu.memory_space<vmem>>
      %dma_wait3A_370 = tpu.memref_squeeze %dma_wait3A_369 : memref<1x128xi32, #tpu.memory_space<vmem>> -> memref<128xi32, #tpu.memory_space<vmem>>
      %dma_wait3A_371 = arith.constant 0 : i32
      %dma_wait3A_372 = arith.constant 0 : i32
      %dma_wait3A_373 = tpu.memref_slice %arg18[%dma_wait3A_371, %dma_wait3A_372] : memref<10000x64xbf16, #tpu.memory_space<vmem_shared>> -> memref<10000x64xbf16, #tpu.memory_space<vmem_shared>>
      tpu.wait_indirect_dma semaphore(%arg28 : memref<!tpu.dma_semaphore, #tpu.memory_space<semaphore_mem>>) src(%dma_wait3A_373 : memref<10000x64xbf16, #tpu.memory_space<vmem_shared>>) dst(%arg14 : memref<128x64xbf16, #tpu.memory_space<vmem>>)
      %add3A_374 = arith.constant 5 : i32
      %add3A_375 = arith.addi %mul3A_285, %add3A_374 : i32
      %dma_start3A_376 = arith.constant 0 : i32
      %dma_start3A_377 = tpu.memref_slice %arg8[%add3A_375, %dma_start3A_376] : memref<160x128xi32, #tpu.memory_space<vmem>> -> memref<1x128xi32, #tpu.memory_space<vmem>>
      %dma_start3A_378 = tpu.memref_squeeze %dma_start3A_377 : memref<1x128xi32, #tpu.memory_space<vmem>> -> memref<128xi32, #tpu.memory_space<vmem>>
      %dma_start3A_379 = arith.constant 0 : i32
      %dma_start3A_380 = arith.constant 0 : i32
      %dma_start3A_381 = tpu.memref_slice %arg17[%dma_start3A_379, %dma_start3A_380] : memref<10240x64xbf16, #tpu.memory_space<vmem_shared>> -> memref<10240x64xbf16, #tpu.memory_space<vmem_shared>>
      tpu.enqueue_indirect_dma source(%arg14 : memref<128x64xbf16, #tpu.memory_space<vmem>>) target(%dma_start3A_381 : memref<10240x64xbf16, #tpu.memory_space<vmem_shared>>) offsets(%dma_start3A_378 : memref<128xi32, #tpu.memory_space<vmem>>) semaphore(%arg36 : memref<!tpu.dma_semaphore, #tpu.memory_space<semaphore_mem>>) {add = true}
      %add3A_382 = arith.constant 6 : i32
      %add3A_383 = arith.addi %mul3A_285, %add3A_382 : i32
      %dma_wait3A_384 = arith.constant 0 : i32
      %dma_wait3A_385 = tpu.memref_slice %arg7[%add3A_383, %dma_wait3A_384] : memref<160x128xi32, #tpu.memory_space<vmem>> -> memref<1x128xi32, #tpu.memory_space<vmem>>
      %dma_wait3A_386 = tpu.memref_squeeze %dma_wait3A_385 : memref<1x128xi32, #tpu.memory_space<vmem>> -> memref<128xi32, #tpu.memory_space<vmem>>
      %dma_wait3A_387 = arith.constant 0 : i32
      %dma_wait3A_388 = arith.constant 0 : i32
      %dma_wait3A_389 = tpu.memref_slice %arg18[%dma_wait3A_387, %dma_wait3A_388] : memref<10000x64xbf16, #tpu.memory_space<vmem_shared>> -> memref<10000x64xbf16, #tpu.memory_space<vmem_shared>>
      tpu.wait_indirect_dma semaphore(%arg29 : memref<!tpu.dma_semaphore, #tpu.memory_space<semaphore_mem>>) src(%dma_wait3A_389 : memref<10000x64xbf16, #tpu.memory_space<vmem_shared>>) dst(%arg15 : memref<128x64xbf16, #tpu.memory_space<vmem>>)
      %add3A_390 = arith.constant 6 : i32
      %add3A_391 = arith.addi %mul3A_285, %add3A_390 : i32
      %dma_start3A_392 = arith.constant 0 : i32
      %dma_start3A_393 = tpu.memref_slice %arg8[%add3A_391, %dma_start3A_392] : memref<160x128xi32, #tpu.memory_space<vmem>> -> memref<1x128xi32, #tpu.memory_space<vmem>>
      %dma_start3A_394 = tpu.memref_squeeze %dma_start3A_393 : memref<1x128xi32, #tpu.memory_space<vmem>> -> memref<128xi32, #tpu.memory_space<vmem>>
      %dma_start3A_395 = arith.constant 0 : i32
      %dma_start3A_396 = arith.constant 0 : i32
      %dma_start3A_397 = tpu.memref_slice %arg17[%dma_start3A_395, %dma_start3A_396] : memref<10240x64xbf16, #tpu.memory_space<vmem_shared>> -> memref<10240x64xbf16, #tpu.memory_space<vmem_shared>>
      tpu.enqueue_indirect_dma source(%arg15 : memref<128x64xbf16, #tpu.memory_space<vmem>>) target(%dma_start3A_397 : memref<10240x64xbf16, #tpu.memory_space<vmem_shared>>) offsets(%dma_start3A_394 : memref<128xi32, #tpu.memory_space<vmem>>) semaphore(%arg37 : memref<!tpu.dma_semaphore, #tpu.memory_space<semaphore_mem>>) {add = true}
      %add3A_398 = arith.constant 7 : i32
      %add3A_399 = arith.addi %mul3A_285, %add3A_398 : i32
      %dma_wait3A_400 = arith.constant 0 : i32
      %dma_wait3A_401 = tpu.memref_slice %arg7[%add3A_399, %dma_wait3A_400] : memref<160x128xi32, #tpu.memory_space<vmem>> -> memref<1x128xi32, #tpu.memory_space<vmem>>
      %dma_wait3A_402 = tpu.memref_squeeze %dma_wait3A_401 : memref<1x128xi32, #tpu.memory_space<vmem>> -> memref<128xi32, #tpu.memory_space<vmem>>
      %dma_wait3A_403 = arith.constant 0 : i32
      %dma_wait3A_404 = arith.constant 0 : i32
      %dma_wait3A_405 = tpu.memref_slice %arg18[%dma_wait3A_403, %dma_wait3A_404] : memref<10000x64xbf16, #tpu.memory_space<vmem_shared>> -> memref<10000x64xbf16, #tpu.memory_space<vmem_shared>>
      tpu.wait_indirect_dma semaphore(%arg30 : memref<!tpu.dma_semaphore, #tpu.memory_space<semaphore_mem>>) src(%dma_wait3A_405 : memref<10000x64xbf16, #tpu.memory_space<vmem_shared>>) dst(%arg16 : memref<128x64xbf16, #tpu.memory_space<vmem>>)
      %add3A_406 = arith.constant 7 : i32
      %add3A_407 = arith.addi %mul3A_285, %add3A_406 : i32
      %dma_start3A_408 = arith.constant 0 : i32
      %dma_start3A_409 = tpu.memref_slice %arg8[%add3A_407, %dma_start3A_408] : memref<160x128xi32, #tpu.memory_space<vmem>> -> memref<1x128xi32, #tpu.memory_space<vmem>>
      %dma_start3A_410 = tpu.memref_squeeze %dma_start3A_409 : memref<1x128xi32, #tpu.memory_space<vmem>> -> memref<128xi32, #tpu.memory_space<vmem>>
      %dma_start3A_411 = arith.constant 0 : i32
      %dma_start3A_412 = arith.constant 0 : i32
      %dma_start3A_413 = tpu.memref_slice %arg17[%dma_start3A_411, %dma_start3A_412] : memref<10240x64xbf16, #tpu.memory_space<vmem_shared>> -> memref<10240x64xbf16, #tpu.memory_space<vmem_shared>>
      tpu.enqueue_indirect_dma source(%arg16 : memref<128x64xbf16, #tpu.memory_space<vmem>>) target(%dma_start3A_413 : memref<10240x64xbf16, #tpu.memory_space<vmem_shared>>) offsets(%dma_start3A_410 : memref<128xi32, #tpu.memory_space<vmem>>) semaphore(%arg38 : memref<!tpu.dma_semaphore, #tpu.memory_space<semaphore_mem>>) {add = true}
      %add3A_414 = arith.constant 0 : i32
      %add3A_415 = arith.addi %mul3A_285, %add3A_414 : i32
      %dma_wait3A_416 = arith.constant 0 : i32
      %dma_wait3A_417 = tpu.memref_slice %arg8[%add3A_415, %dma_wait3A_416] : memref<160x128xi32, #tpu.memory_space<vmem>> -> memref<1x128xi32, #tpu.memory_space<vmem>>
      %dma_wait3A_418 = tpu.memref_squeeze %dma_wait3A_417 : memref<1x128xi32, #tpu.memory_space<vmem>> -> memref<128xi32, #tpu.memory_space<vmem>>
      %dma_wait3A_419 = arith.constant 0 : i32
      %dma_wait3A_420 = arith.constant 0 : i32
      %dma_wait3A_421 = tpu.memref_slice %arg17[%dma_wait3A_419, %dma_wait3A_420] : memref<10240x64xbf16, #tpu.memory_space<vmem_shared>> -> memref<10240x64xbf16, #tpu.memory_space<vmem_shared>>
      tpu.wait_indirect_dma semaphore(%arg31 : memref<!tpu.dma_semaphore, #tpu.memory_space<semaphore_mem>>) src(%arg9 : memref<128x64xbf16, #tpu.memory_space<vmem>>) dst(%dma_wait3A_421 : memref<10240x64xbf16, #tpu.memory_space<vmem_shared>>)
      %add3A_422 = arith.constant 8 : i32
      %add3A_423 = arith.addi %mul3A_285, %add3A_422 : i32
      %add3A_424 = arith.constant 0 : i32
      %add3A_425 = arith.addi %add3A_423, %add3A_424 : i32
      %dma_start3A_426 = arith.constant 0 : i32
      %dma_start3A_427 = tpu.memref_slice %arg7[%add3A_425, %dma_start3A_426] : memref<160x128xi32, #tpu.memory_space<vmem>> -> memref<1x128xi32, #tpu.memory_space<vmem>>
      %dma_start3A_428 = tpu.memref_squeeze %dma_start3A_427 : memref<1x128xi32, #tpu.memory_space<vmem>> -> memref<128xi32, #tpu.memory_space<vmem>>
      %dma_start3A_429 = arith.constant 0 : i32
      %dma_start3A_430 = arith.constant 0 : i32
      %dma_start3A_431 = tpu.memref_slice %arg18[%dma_start3A_429, %dma_start3A_430] : memref<10000x64xbf16, #tpu.memory_space<vmem_shared>> -> memref<10000x64xbf16, #tpu.memory_space<vmem_shared>>
      tpu.enqueue_indirect_dma source(%dma_start3A_431 : memref<10000x64xbf16, #tpu.memory_space<vmem_shared>>) target(%arg9 : memref<128x64xbf16, #tpu.memory_space<vmem>>) offsets(%dma_start3A_428 : memref<128xi32, #tpu.memory_space<vmem>>) semaphore(%arg23 : memref<!tpu.dma_semaphore, #tpu.memory_space<semaphore_mem>>)
      %add3A_432 = arith.constant 1 : i32
      %add3A_433 = arith.addi %mul3A_285, %add3A_432 : i32
      %dma_wait3A_434 = arith.constant 0 : i32
      %dma_wait3A_435 = tpu.memref_slice %arg8[%add3A_433, %dma_wait3A_434] : memref<160x128xi32, #tpu.memory_space<vmem>> -> memref<1x128xi32, #tpu.memory_space<vmem>>
      %dma_wait3A_436 = tpu.memref_squeeze %dma_wait3A_435 : memref<1x128xi32, #tpu.memory_space<vmem>> -> memref<128xi32, #tpu.memory_space<vmem>>
      %dma_wait3A_437 = arith.constant 0 : i32
      %dma_wait3A_438 = arith.constant 0 : i32
      %dma_wait3A_439 = tpu.memref_slice %arg17[%dma_wait3A_437, %dma_wait3A_438] : memref<10240x64xbf16, #tpu.memory_space<vmem_shared>> -> memref<10240x64xbf16, #tpu.memory_space<vmem_shared>>
      tpu.wait_indirect_dma semaphore(%arg32 : memref<!tpu.dma_semaphore, #tpu.memory_space<semaphore_mem>>) src(%arg10 : memref<128x64xbf16, #tpu.memory_space<vmem>>) dst(%dma_wait3A_439 : memref<10240x64xbf16, #tpu.memory_space<vmem_shared>>)
      %add3A_440 = arith.constant 8 : i32
      %add3A_441 = arith.addi %mul3A_285, %add3A_440 : i32
      %add3A_442 = arith.constant 1 : i32
      %add3A_443 = arith.addi %add3A_441, %add3A_442 : i32
      %dma_start3A_444 = arith.constant 0 : i32
      %dma_start3A_445 = tpu.memref_slice %arg7[%add3A_443, %dma_start3A_444] : memref<160x128xi32, #tpu.memory_space<vmem>> -> memref<1x128xi32, #tpu.memory_space<vmem>>
      %dma_start3A_446 = tpu.memref_squeeze %dma_start3A_445 : memref<1x128xi32, #tpu.memory_space<vmem>> -> memref<128xi32, #tpu.memory_space<vmem>>
      %dma_start3A_447 = arith.constant 0 : i32
      %dma_start3A_448 = arith.constant 0 : i32
      %dma_start3A_449 = tpu.memref_slice %arg18[%dma_start3A_447, %dma_start3A_448] : memref<10000x64xbf16, #tpu.memory_space<vmem_shared>> -> memref<10000x64xbf16, #tpu.memory_space<vmem_shared>>
      tpu.enqueue_indirect_dma source(%dma_start3A_449 : memref<10000x64xbf16, #tpu.memory_space<vmem_shared>>) target(%arg10 : memref<128x64xbf16, #tpu.memory_space<vmem>>) offsets(%dma_start3A_446 : memref<128xi32, #tpu.memory_space<vmem>>) semaphore(%arg24 : memref<!tpu.dma_semaphore, #tpu.memory_space<semaphore_mem>>)
      %add3A_450 = arith.constant 2 : i32
      %add3A_451 = arith.addi %mul3A_285, %add3A_450 : i32
      %dma_wait3A_452 = arith.constant 0 : i32
      %dma_wait3A_453 = tpu.memref_slice %arg8[%add3A_451, %dma_wait3A_452] : memref<160x128xi32, #tpu.memory_space<vmem>> -> memref<1x128xi32, #tpu.memory_space<vmem>>
      %dma_wait3A_454 = tpu.memref_squeeze %dma_wait3A_453 : memref<1x128xi32, #tpu.memory_space<vmem>> -> memref<128xi32, #tpu.memory_space<vmem>>
      %dma_wait3A_455 = arith.constant 0 : i32
      %dma_wait3A_456 = arith.constant 0 : i32
      %dma_wait3A_457 = tpu.memref_slice %arg17[%dma_wait3A_455, %dma_wait3A_456] : memref<10240x64xbf16, #tpu.memory_space<vmem_shared>> -> memref<10240x64xbf16, #tpu.memory_space<vmem_shared>>
      tpu.wait_indirect_dma semaphore(%arg33 : memref<!tpu.dma_semaphore, #tpu.memory_space<semaphore_mem>>) src(%arg11 : memref<128x64xbf16, #tpu.memory_space<vmem>>) dst(%dma_wait3A_457 : memref<10240x64xbf16, #tpu.memory_space<vmem_shared>>)
      %add3A_458 = arith.constant 8 : i32
      %add3A_459 = arith.addi %mul3A_285, %add3A_458 : i32
      %add3A_460 = arith.constant 2 : i32
      %add3A_461 = arith.addi %add3A_459, %add3A_460 : i32
      %dma_start3A_462 = arith.constant 0 : i32
      %dma_start3A_463 = tpu.memref_slice %arg7[%add3A_461, %dma_start3A_462] : memref<160x128xi32, #tpu.memory_space<vmem>> -> memref<1x128xi32, #tpu.memory_space<vmem>>
      %dma_start3A_464 = tpu.memref_squeeze %dma_start3A_463 : memref<1x128xi32, #tpu.memory_space<vmem>> -> memref<128xi32, #tpu.memory_space<vmem>>
      %dma_start3A_465 = arith.constant 0 : i32
      %dma_start3A_466 = arith.constant 0 : i32
      %dma_start3A_467 = tpu.memref_slice %arg18[%dma_start3A_465, %dma_start3A_466] : memref<10000x64xbf16, #tpu.memory_space<vmem_shared>> -> memref<10000x64xbf16, #tpu.memory_space<vmem_shared>>
      tpu.enqueue_indirect_dma source(%dma_start3A_467 : memref<10000x64xbf16, #tpu.memory_space<vmem_shared>>) target(%arg11 : memref<128x64xbf16, #tpu.memory_space<vmem>>) offsets(%dma_start3A_464 : memref<128xi32, #tpu.memory_space<vmem>>) semaphore(%arg25 : memref<!tpu.dma_semaphore, #tpu.memory_space<semaphore_mem>>)
      %add3A_468 = arith.constant 3 : i32
      %add3A_469 = arith.addi %mul3A_285, %add3A_468 : i32
      %dma_wait3A_470 = arith.constant 0 : i32
      %dma_wait3A_471 = tpu.memref_slice %arg8[%add3A_469, %dma_wait3A_470] : memref<160x128xi32, #tpu.memory_space<vmem>> -> memref<1x128xi32, #tpu.memory_space<vmem>>
      %dma_wait3A_472 = tpu.memref_squeeze %dma_wait3A_471 : memref<1x128xi32, #tpu.memory_space<vmem>> -> memref<128xi32, #tpu.memory_space<vmem>>
      %dma_wait3A_473 = arith.constant 0 : i32
      %dma_wait3A_474 = arith.constant 0 : i32
      %dma_wait3A_475 = tpu.memref_slice %arg17[%dma_wait3A_473, %dma_wait3A_474] : memref<10240x64xbf16, #tpu.memory_space<vmem_shared>> -> memref<10240x64xbf16, #tpu.memory_space<vmem_shared>>
      tpu.wait_indirect_dma semaphore(%arg34 : memref<!tpu.dma_semaphore, #tpu.memory_space<semaphore_mem>>) src(%arg12 : memref<128x64xbf16, #tpu.memory_space<vmem>>) dst(%dma_wait3A_475 : memref<10240x64xbf16, #tpu.memory_space<vmem_shared>>)
      %add3A_476 = arith.constant 8 : i32
      %add3A_477 = arith.addi %mul3A_285, %add3A_476 : i32
      %add3A_478 = arith.constant 3 : i32
      %add3A_479 = arith.addi %add3A_477, %add3A_478 : i32
      %dma_start3A_480 = arith.constant 0 : i32
      %dma_start3A_481 = tpu.memref_slice %arg7[%add3A_479, %dma_start3A_480] : memref<160x128xi32, #tpu.memory_space<vmem>> -> memref<1x128xi32, #tpu.memory_space<vmem>>
      %dma_start3A_482 = tpu.memref_squeeze %dma_start3A_481 : memref<1x128xi32, #tpu.memory_space<vmem>> -> memref<128xi32, #tpu.memory_space<vmem>>
      %dma_start3A_483 = arith.constant 0 : i32
      %dma_start3A_484 = arith.constant 0 : i32
      %dma_start3A_485 = tpu.memref_slice %arg18[%dma_start3A_483, %dma_start3A_484] : memref<10000x64xbf16, #tpu.memory_space<vmem_shared>> -> memref<10000x64xbf16, #tpu.memory_space<vmem_shared>>
      tpu.enqueue_indirect_dma source(%dma_start3A_485 : memref<10000x64xbf16, #tpu.memory_space<vmem_shared>>) target(%arg12 : memref<128x64xbf16, #tpu.memory_space<vmem>>) offsets(%dma_start3A_482 : memref<128xi32, #tpu.memory_space<vmem>>) semaphore(%arg26 : memref<!tpu.dma_semaphore, #tpu.memory_space<semaphore_mem>>)
      %add3A_486 = arith.constant 4 : i32
      %add3A_487 = arith.addi %mul3A_285, %add3A_486 : i32
      %dma_wait3A_488 = arith.constant 0 : i32
      %dma_wait3A_489 = tpu.memref_slice %arg8[%add3A_487, %dma_wait3A_488] : memref<160x128xi32, #tpu.memory_space<vmem>> -> memref<1x128xi32, #tpu.memory_space<vmem>>
      %dma_wait3A_490 = tpu.memref_squeeze %dma_wait3A_489 : memref<1x128xi32, #tpu.memory_space<vmem>> -> memref<128xi32, #tpu.memory_space<vmem>>
      %dma_wait3A_491 = arith.constant 0 : i32
      %dma_wait3A_492 = arith.constant 0 : i32
      %dma_wait3A_493 = tpu.memref_slice %arg17[%dma_wait3A_491, %dma_wait3A_492] : memref<10240x64xbf16, #tpu.memory_space<vmem_shared>> -> memref<10240x64xbf16, #tpu.memory_space<vmem_shared>>
      tpu.wait_indirect_dma semaphore(%arg35 : memref<!tpu.dma_semaphore, #tpu.memory_space<semaphore_mem>>) src(%arg13 : memref<128x64xbf16, #tpu.memory_space<vmem>>) dst(%dma_wait3A_493 : memref<10240x64xbf16, #tpu.memory_space<vmem_shared>>)
      %add3A_494 = arith.constant 8 : i32
      %add3A_495 = arith.addi %mul3A_285, %add3A_494 : i32
      %add3A_496 = arith.constant 4 : i32
      %add3A_497 = arith.addi %add3A_495, %add3A_496 : i32
      %dma_start3A_498 = arith.constant 0 : i32
      %dma_start3A_499 = tpu.memref_slice %arg7[%add3A_497, %dma_start3A_498] : memref<160x128xi32, #tpu.memory_space<vmem>> -> memref<1x128xi32, #tpu.memory_space<vmem>>
      %dma_start3A_500 = tpu.memref_squeeze %dma_start3A_499 : memref<1x128xi32, #tpu.memory_space<vmem>> -> memref<128xi32, #tpu.memory_space<vmem>>
      %dma_start3A_501 = arith.constant 0 : i32
      %dma_start3A_502 = arith.constant 0 : i32
      %dma_start3A_503 = tpu.memref_slice %arg18[%dma_start3A_501, %dma_start3A_502] : memref<10000x64xbf16, #tpu.memory_space<vmem_shared>> -> memref<10000x64xbf16, #tpu.memory_space<vmem_shared>>
      tpu.enqueue_indirect_dma source(%dma_start3A_503 : memref<10000x64xbf16, #tpu.memory_space<vmem_shared>>) target(%arg13 : memref<128x64xbf16, #tpu.memory_space<vmem>>) offsets(%dma_start3A_500 : memref<128xi32, #tpu.memory_space<vmem>>) semaphore(%arg27 : memref<!tpu.dma_semaphore, #tpu.memory_space<semaphore_mem>>)
      %add3A_504 = arith.constant 5 : i32
      %add3A_505 = arith.addi %mul3A_285, %add3A_504 : i32
      %dma_wait3A_506 = arith.constant 0 : i32
      %dma_wait3A_507 = tpu.memref_slice %arg8[%add3A_505, %dma_wait3A_506] : memref<160x128xi32, #tpu.memory_space<vmem>> -> memref<1x128xi32, #tpu.memory_space<vmem>>
      %dma_wait3A_508 = tpu.memref_squeeze %dma_wait3A_507 : memref<1x128xi32, #tpu.memory_space<vmem>> -> memref<128xi32, #tpu.memory_space<vmem>>
      %dma_wait3A_509 = arith.constant 0 : i32
      %dma_wait3A_510 = arith.constant 0 : i32
      %dma_wait3A_511 = tpu.memref_slice %arg17[%dma_wait3A_509, %dma_wait3A_510] : memref<10240x64xbf16, #tpu.memory_space<vmem_shared>> -> memref<10240x64xbf16, #tpu.memory_space<vmem_shared>>
      tpu.wait_indirect_dma semaphore(%arg36 : memref<!tpu.dma_semaphore, #tpu.memory_space<semaphore_mem>>) src(%arg14 : memref<128x64xbf16, #tpu.memory_space<vmem>>) dst(%dma_wait3A_511 : memref<10240x64xbf16, #tpu.memory_space<vmem_shared>>)
      %add3A_512 = arith.constant 8 : i32
      %add3A_513 = arith.addi %mul3A_285, %add3A_512 : i32
      %add3A_514 = arith.constant 5 : i32
      %add3A_515 = arith.addi %add3A_513, %add3A_514 : i32
      %dma_start3A_516 = arith.constant 0 : i32
      %dma_start3A_517 = tpu.memref_slice %arg7[%add3A_515, %dma_start3A_516] : memref<160x128xi32, #tpu.memory_space<vmem>> -> memref<1x128xi32, #tpu.memory_space<vmem>>
      %dma_start3A_518 = tpu.memref_squeeze %dma_start3A_517 : memref<1x128xi32, #tpu.memory_space<vmem>> -> memref<128xi32, #tpu.memory_space<vmem>>
      %dma_start3A_519 = arith.constant 0 : i32
      %dma_start3A_520 = arith.constant 0 : i32
      %dma_start3A_521 = tpu.memref_slice %arg18[%dma_start3A_519, %dma_start3A_520] : memref<10000x64xbf16, #tpu.memory_space<vmem_shared>> -> memref<10000x64xbf16, #tpu.memory_space<vmem_shared>>
      tpu.enqueue_indirect_dma source(%dma_start3A_521 : memref<10000x64xbf16, #tpu.memory_space<vmem_shared>>) target(%arg14 : memref<128x64xbf16, #tpu.memory_space<vmem>>) offsets(%dma_start3A_518 : memref<128xi32, #tpu.memory_space<vmem>>) semaphore(%arg28 : memref<!tpu.dma_semaphore, #tpu.memory_space<semaphore_mem>>)
      %add3A_522 = arith.constant 6 : i32
      %add3A_523 = arith.addi %mul3A_285, %add3A_522 : i32
      %dma_wait3A_524 = arith.constant 0 : i32
      %dma_wait3A_525 = tpu.memref_slice %arg8[%add3A_523, %dma_wait3A_524] : memref<160x128xi32, #tpu.memory_space<vmem>> -> memref<1x128xi32, #tpu.memory_space<vmem>>
      %dma_wait3A_526 = tpu.memref_squeeze %dma_wait3A_525 : memref<1x128xi32, #tpu.memory_space<vmem>> -> memref<128xi32, #tpu.memory_space<vmem>>
      %dma_wait3A_527 = arith.constant 0 : i32
      %dma_wait3A_528 = arith.constant 0 : i32
      %dma_wait3A_529 = tpu.memref_slice %arg17[%dma_wait3A_527, %dma_wait3A_528] : memref<10240x64xbf16, #tpu.memory_space<vmem_shared>> -> memref<10240x64xbf16, #tpu.memory_space<vmem_shared>>
      tpu.wait_indirect_dma semaphore(%arg37 : memref<!tpu.dma_semaphore, #tpu.memory_space<semaphore_mem>>) src(%arg15 : memref<128x64xbf16, #tpu.memory_space<vmem>>) dst(%dma_wait3A_529 : memref<10240x64xbf16, #tpu.memory_space<vmem_shared>>)
      %add3A_530 = arith.constant 8 : i32
      %add3A_531 = arith.addi %mul3A_285, %add3A_530 : i32
      %add3A_532 = arith.constant 6 : i32
      %add3A_533 = arith.addi %add3A_531, %add3A_532 : i32
      %dma_start3A_534 = arith.constant 0 : i32
      %dma_start3A_535 = tpu.memref_slice %arg7[%add3A_533, %dma_start3A_534] : memref<160x128xi32, #tpu.memory_space<vmem>> -> memref<1x128xi32, #tpu.memory_space<vmem>>
      %dma_start3A_536 = tpu.memref_squeeze %dma_start3A_535 : memref<1x128xi32, #tpu.memory_space<vmem>> -> memref<128xi32, #tpu.memory_space<vmem>>
      %dma_start3A_537 = arith.constant 0 : i32
      %dma_start3A_538 = arith.constant 0 : i32
      %dma_start3A_539 = tpu.memref_slice %arg18[%dma_start3A_537, %dma_start3A_538] : memref<10000x64xbf16, #tpu.memory_space<vmem_shared>> -> memref<10000x64xbf16, #tpu.memory_space<vmem_shared>>
      tpu.enqueue_indirect_dma source(%dma_start3A_539 : memref<10000x64xbf16, #tpu.memory_space<vmem_shared>>) target(%arg15 : memref<128x64xbf16, #tpu.memory_space<vmem>>) offsets(%dma_start3A_536 : memref<128xi32, #tpu.memory_space<vmem>>) semaphore(%arg29 : memref<!tpu.dma_semaphore, #tpu.memory_space<semaphore_mem>>)
      %add3A_540 = arith.constant 7 : i32
      %add3A_541 = arith.addi %mul3A_285, %add3A_540 : i32
      %dma_wait3A_542 = arith.constant 0 : i32
      %dma_wait3A_543 = tpu.memref_slice %arg8[%add3A_541, %dma_wait3A_542] : memref<160x128xi32, #tpu.memory_space<vmem>> -> memref<1x128xi32, #tpu.memory_space<vmem>>
      %dma_wait3A_544 = tpu.memref_squeeze %dma_wait3A_543 : memref<1x128xi32, #tpu.memory_space<vmem>> -> memref<128xi32, #tpu.memory_space<vmem>>
      %dma_wait3A_545 = arith.constant 0 : i32
      %dma_wait3A_546 = arith.constant 0 : i32
      %dma_wait3A_547 = tpu.memref_slice %arg17[%dma_wait3A_545, %dma_wait3A_546] : memref<10240x64xbf16, #tpu.memory_space<vmem_shared>> -> memref<10240x64xbf16, #tpu.memory_space<vmem_shared>>
      tpu.wait_indirect_dma semaphore(%arg38 : memref<!tpu.dma_semaphore, #tpu.memory_space<semaphore_mem>>) src(%arg16 : memref<128x64xbf16, #tpu.memory_space<vmem>>) dst(%dma_wait3A_547 : memref<10240x64xbf16, #tpu.memory_space<vmem_shared>>)
      %add3A_548 = arith.constant 8 : i32
      %add3A_549 = arith.addi %mul3A_285, %add3A_548 : i32
      %add3A_550 = arith.constant 7 : i32
      %add3A_551 = arith.addi %add3A_549, %add3A_550 : i32
      %dma_start3A_552 = arith.constant 0 : i32
      %dma_start3A_553 = tpu.memref_slice %arg7[%add3A_551, %dma_start3A_552] : memref<160x128xi32, #tpu.memory_space<vmem>> -> memref<1x128xi32, #tpu.memory_space<vmem>>
      %dma_start3A_554 = tpu.memref_squeeze %dma_start3A_553 : memref<1x128xi32, #tpu.memory_space<vmem>> -> memref<128xi32, #tpu.memory_space<vmem>>
      %dma_start3A_555 = arith.constant 0 : i32
      %dma_start3A_556 = arith.constant 0 : i32
      %dma_start3A_557 = tpu.memref_slice %arg18[%dma_start3A_555, %dma_start3A_556] : memref<10000x64xbf16, #tpu.memory_space<vmem_shared>> -> memref<10000x64xbf16, #tpu.memory_space<vmem_shared>>
      tpu.enqueue_indirect_dma source(%dma_start3A_557 : memref<10000x64xbf16, #tpu.memory_space<vmem_shared>>) target(%arg16 : memref<128x64xbf16, #tpu.memory_space<vmem>>) offsets(%dma_start3A_554 : memref<128xi32, #tpu.memory_space<vmem>>) semaphore(%arg30 : memref<!tpu.dma_semaphore, #tpu.memory_space<semaphore_mem>>)
    }
    %scan3A_113 = arith.constant 19 : i32
    %dma_wait3A_114 = arith.constant 152 : i32
    %dma_wait3A_115 = arith.constant 0 : i32
    %dma_wait3A_116 = tpu.memref_slice %arg7[%dma_wait3A_114, %dma_wait3A_115] : memref<160x128xi32, #tpu.memory_space<vmem>> -> memref<1x128xi32, #tpu.memory_space<vmem>>
    %dma_wait3A_117 = tpu.memref_squeeze %dma_wait3A_116 : memref<1x128xi32, #tpu.memory_space<vmem>> -> memref<128xi32, #tpu.memory_space<vmem>>
    %dma_wait3A_118 = arith.constant 0 : i32
    %dma_wait3A_119 = arith.constant 0 : i32
    %dma_wait3A_120 = tpu.memref_slice %arg18[%dma_wait3A_118, %dma_wait3A_119] : memref<10000x64xbf16, #tpu.memory_space<vmem_shared>> -> memref<10000x64xbf16, #tpu.memory_space<vmem_shared>>
    tpu.wait_indirect_dma semaphore(%arg23 : memref<!tpu.dma_semaphore, #tpu.memory_space<semaphore_mem>>) src(%dma_wait3A_120 : memref<10000x64xbf16, #tpu.memory_space<vmem_shared>>) dst(%arg9 : memref<128x64xbf16, #tpu.memory_space<vmem>>)
    %dma_start3A_121 = arith.constant 152 : i32
    %dma_start3A_122 = arith.constant 0 : i32
    %dma_start3A_123 = tpu.memref_slice %arg8[%dma_start3A_121, %dma_start3A_122] : memref<160x128xi32, #tpu.memory_space<vmem>> -> memref<1x128xi32, #tpu.memory_space<vmem>>
    %dma_start3A_124 = tpu.memref_squeeze %dma_start3A_123 : memref<1x128xi32, #tpu.memory_space<vmem>> -> memref<128xi32, #tpu.memory_space<vmem>>
    %dma_start3A_125 = arith.constant 0 : i32
    %dma_start3A_126 = arith.constant 0 : i32
    %dma_start3A_127 = tpu.memref_slice %arg17[%dma_start3A_125, %dma_start3A_126] : memref<10240x64xbf16, #tpu.memory_space<vmem_shared>> -> memref<10240x64xbf16, #tpu.memory_space<vmem_shared>>
    tpu.enqueue_indirect_dma source(%arg9 : memref<128x64xbf16, #tpu.memory_space<vmem>>) target(%dma_start3A_127 : memref<10240x64xbf16, #tpu.memory_space<vmem_shared>>) offsets(%dma_start3A_124 : memref<128xi32, #tpu.memory_space<vmem>>) semaphore(%arg31 : memref<!tpu.dma_semaphore, #tpu.memory_space<semaphore_mem>>) {add = true}
    %dma_wait3A_128 = arith.constant 153 : i32
    %dma_wait3A_129 = arith.constant 0 : i32
    %dma_wait3A_130 = tpu.memref_slice %arg7[%dma_wait3A_128, %dma_wait3A_129] : memref<160x128xi32, #tpu.memory_space<vmem>> -> memref<1x128xi32, #tpu.memory_space<vmem>>
    %dma_wait3A_131 = tpu.memref_squeeze %dma_wait3A_130 : memref<1x128xi32, #tpu.memory_space<vmem>> -> memref<128xi32, #tpu.memory_space<vmem>>
    %dma_wait3A_132 = arith.constant 0 : i32
    %dma_wait3A_133 = arith.constant 0 : i32
    %dma_wait3A_134 = tpu.memref_slice %arg18[%dma_wait3A_132, %dma_wait3A_133] : memref<10000x64xbf16, #tpu.memory_space<vmem_shared>> -> memref<10000x64xbf16, #tpu.memory_space<vmem_shared>>
    tpu.wait_indirect_dma semaphore(%arg24 : memref<!tpu.dma_semaphore, #tpu.memory_space<semaphore_mem>>) src(%dma_wait3A_134 : memref<10000x64xbf16, #tpu.memory_space<vmem_shared>>) dst(%arg10 : memref<128x64xbf16, #tpu.memory_space<vmem>>)
    %dma_start3A_135 = arith.constant 153 : i32
    %dma_start3A_136 = arith.constant 0 : i32
    %dma_start3A_137 = tpu.memref_slice %arg8[%dma_start3A_135, %dma_start3A_136] : memref<160x128xi32, #tpu.memory_space<vmem>> -> memref<1x128xi32, #tpu.memory_space<vmem>>
    %dma_start3A_138 = tpu.memref_squeeze %dma_start3A_137 : memref<1x128xi32, #tpu.memory_space<vmem>> -> memref<128xi32, #tpu.memory_space<vmem>>
    %dma_start3A_139 = arith.constant 0 : i32
    %dma_start3A_140 = arith.constant 0 : i32
    %dma_start3A_141 = tpu.memref_slice %arg17[%dma_start3A_139, %dma_start3A_140] : memref<10240x64xbf16, #tpu.memory_space<vmem_shared>> -> memref<10240x64xbf16, #tpu.memory_space<vmem_shared>>
    tpu.enqueue_indirect_dma source(%arg10 : memref<128x64xbf16, #tpu.memory_space<vmem>>) target(%dma_start3A_141 : memref<10240x64xbf16, #tpu.memory_space<vmem_shared>>) offsets(%dma_start3A_138 : memref<128xi32, #tpu.memory_space<vmem>>) semaphore(%arg32 : memref<!tpu.dma_semaphore, #tpu.memory_space<semaphore_mem>>) {add = true}
    %dma_wait3A_142 = arith.constant 154 : i32
    %dma_wait3A_143 = arith.constant 0 : i32
    %dma_wait3A_144 = tpu.memref_slice %arg7[%dma_wait3A_142, %dma_wait3A_143] : memref<160x128xi32, #tpu.memory_space<vmem>> -> memref<1x128xi32, #tpu.memory_space<vmem>>
    %dma_wait3A_145 = tpu.memref_squeeze %dma_wait3A_144 : memref<1x128xi32, #tpu.memory_space<vmem>> -> memref<128xi32, #tpu.memory_space<vmem>>
    %dma_wait3A_146 = arith.constant 0 : i32
    %dma_wait3A_147 = arith.constant 0 : i32
    %dma_wait3A_148 = tpu.memref_slice %arg18[%dma_wait3A_146, %dma_wait3A_147] : memref<10000x64xbf16, #tpu.memory_space<vmem_shared>> -> memref<10000x64xbf16, #tpu.memory_space<vmem_shared>>
    tpu.wait_indirect_dma semaphore(%arg25 : memref<!tpu.dma_semaphore, #tpu.memory_space<semaphore_mem>>) src(%dma_wait3A_148 : memref<10000x64xbf16, #tpu.memory_space<vmem_shared>>) dst(%arg11 : memref<128x64xbf16, #tpu.memory_space<vmem>>)
    %dma_start3A_149 = arith.constant 154 : i32
    %dma_start3A_150 = arith.constant 0 : i32
    %dma_start3A_151 = tpu.memref_slice %arg8[%dma_start3A_149, %dma_start3A_150] : memref<160x128xi32, #tpu.memory_space<vmem>> -> memref<1x128xi32, #tpu.memory_space<vmem>>
    %dma_start3A_152 = tpu.memref_squeeze %dma_start3A_151 : memref<1x128xi32, #tpu.memory_space<vmem>> -> memref<128xi32, #tpu.memory_space<vmem>>
    %dma_start3A_153 = arith.constant 0 : i32
    %dma_start3A_154 = arith.constant 0 : i32
    %dma_start3A_155 = tpu.memref_slice %arg17[%dma_start3A_153, %dma_start3A_154] : memref<10240x64xbf16, #tpu.memory_space<vmem_shared>> -> memref<10240x64xbf16, #tpu.memory_space<vmem_shared>>
    tpu.enqueue_indirect_dma source(%arg11 : memref<128x64xbf16, #tpu.memory_space<vmem>>) target(%dma_start3A_155 : memref<10240x64xbf16, #tpu.memory_space<vmem_shared>>) offsets(%dma_start3A_152 : memref<128xi32, #tpu.memory_space<vmem>>) semaphore(%arg33 : memref<!tpu.dma_semaphore, #tpu.memory_space<semaphore_mem>>) {add = true}
    %dma_wait3A_156 = arith.constant 155 : i32
    %dma_wait3A_157 = arith.constant 0 : i32
    %dma_wait3A_158 = tpu.memref_slice %arg7[%dma_wait3A_156, %dma_wait3A_157] : memref<160x128xi32, #tpu.memory_space<vmem>> -> memref<1x128xi32, #tpu.memory_space<vmem>>
    %dma_wait3A_159 = tpu.memref_squeeze %dma_wait3A_158 : memref<1x128xi32, #tpu.memory_space<vmem>> -> memref<128xi32, #tpu.memory_space<vmem>>
    %dma_wait3A_160 = arith.constant 0 : i32
    %dma_wait3A_161 = arith.constant 0 : i32
    %dma_wait3A_162 = tpu.memref_slice %arg18[%dma_wait3A_160, %dma_wait3A_161] : memref<10000x64xbf16, #tpu.memory_space<vmem_shared>> -> memref<10000x64xbf16, #tpu.memory_space<vmem_shared>>
    tpu.wait_indirect_dma semaphore(%arg26 : memref<!tpu.dma_semaphore, #tpu.memory_space<semaphore_mem>>) src(%dma_wait3A_162 : memref<10000x64xbf16, #tpu.memory_space<vmem_shared>>) dst(%arg12 : memref<128x64xbf16, #tpu.memory_space<vmem>>)
    %dma_start3A_163 = arith.constant 155 : i32
    %dma_start3A_164 = arith.constant 0 : i32
    %dma_start3A_165 = tpu.memref_slice %arg8[%dma_start3A_163, %dma_start3A_164] : memref<160x128xi32, #tpu.memory_space<vmem>> -> memref<1x128xi32, #tpu.memory_space<vmem>>
    %dma_start3A_166 = tpu.memref_squeeze %dma_start3A_165 : memref<1x128xi32, #tpu.memory_space<vmem>> -> memref<128xi32, #tpu.memory_space<vmem>>
    %dma_start3A_167 = arith.constant 0 : i32
    %dma_start3A_168 = arith.constant 0 : i32
    %dma_start3A_169 = tpu.memref_slice %arg17[%dma_start3A_167, %dma_start3A_168] : memref<10240x64xbf16, #tpu.memory_space<vmem_shared>> -> memref<10240x64xbf16, #tpu.memory_space<vmem_shared>>
    tpu.enqueue_indirect_dma source(%arg12 : memref<128x64xbf16, #tpu.memory_space<vmem>>) target(%dma_start3A_169 : memref<10240x64xbf16, #tpu.memory_space<vmem_shared>>) offsets(%dma_start3A_166 : memref<128xi32, #tpu.memory_space<vmem>>) semaphore(%arg34 : memref<!tpu.dma_semaphore, #tpu.memory_space<semaphore_mem>>) {add = true}
    %dma_wait3A_170 = arith.constant 156 : i32
    %dma_wait3A_171 = arith.constant 0 : i32
    %dma_wait3A_172 = tpu.memref_slice %arg7[%dma_wait3A_170, %dma_wait3A_171] : memref<160x128xi32, #tpu.memory_space<vmem>> -> memref<1x128xi32, #tpu.memory_space<vmem>>
    %dma_wait3A_173 = tpu.memref_squeeze %dma_wait3A_172 : memref<1x128xi32, #tpu.memory_space<vmem>> -> memref<128xi32, #tpu.memory_space<vmem>>
    %dma_wait3A_174 = arith.constant 0 : i32
    %dma_wait3A_175 = arith.constant 0 : i32
    %dma_wait3A_176 = tpu.memref_slice %arg18[%dma_wait3A_174, %dma_wait3A_175] : memref<10000x64xbf16, #tpu.memory_space<vmem_shared>> -> memref<10000x64xbf16, #tpu.memory_space<vmem_shared>>
    tpu.wait_indirect_dma semaphore(%arg27 : memref<!tpu.dma_semaphore, #tpu.memory_space<semaphore_mem>>) src(%dma_wait3A_176 : memref<10000x64xbf16, #tpu.memory_space<vmem_shared>>) dst(%arg13 : memref<128x64xbf16, #tpu.memory_space<vmem>>)
    %dma_start3A_177 = arith.constant 156 : i32
    %dma_start3A_178 = arith.constant 0 : i32
    %dma_start3A_179 = tpu.memref_slice %arg8[%dma_start3A_177, %dma_start3A_178] : memref<160x128xi32, #tpu.memory_space<vmem>> -> memref<1x128xi32, #tpu.memory_space<vmem>>
    %dma_start3A_180 = tpu.memref_squeeze %dma_start3A_179 : memref<1x128xi32, #tpu.memory_space<vmem>> -> memref<128xi32, #tpu.memory_space<vmem>>
    %dma_start3A_181 = arith.constant 0 : i32
    %dma_start3A_182 = arith.constant 0 : i32
    %dma_start3A_183 = tpu.memref_slice %arg17[%dma_start3A_181, %dma_start3A_182] : memref<10240x64xbf16, #tpu.memory_space<vmem_shared>> -> memref<10240x64xbf16, #tpu.memory_space<vmem_shared>>
    tpu.enqueue_indirect_dma source(%arg13 : memref<128x64xbf16, #tpu.memory_space<vmem>>) target(%dma_start3A_183 : memref<10240x64xbf16, #tpu.memory_space<vmem_shared>>) offsets(%dma_start3A_180 : memref<128xi32, #tpu.memory_space<vmem>>) semaphore(%arg35 : memref<!tpu.dma_semaphore, #tpu.memory_space<semaphore_mem>>) {add = true}
    %dma_wait3A_184 = arith.constant 157 : i32
    %dma_wait3A_185 = arith.constant 0 : i32
    %dma_wait3A_186 = tpu.memref_slice %arg7[%dma_wait3A_184, %dma_wait3A_185] : memref<160x128xi32, #tpu.memory_space<vmem>> -> memref<1x128xi32, #tpu.memory_space<vmem>>
    %dma_wait3A_187 = tpu.memref_squeeze %dma_wait3A_186 : memref<1x128xi32, #tpu.memory_space<vmem>> -> memref<128xi32, #tpu.memory_space<vmem>>
    %dma_wait3A_188 = arith.constant 0 : i32
    %dma_wait3A_189 = arith.constant 0 : i32
    %dma_wait3A_190 = tpu.memref_slice %arg18[%dma_wait3A_188, %dma_wait3A_189] : memref<10000x64xbf16, #tpu.memory_space<vmem_shared>> -> memref<10000x64xbf16, #tpu.memory_space<vmem_shared>>
    tpu.wait_indirect_dma semaphore(%arg28 : memref<!tpu.dma_semaphore, #tpu.memory_space<semaphore_mem>>) src(%dma_wait3A_190 : memref<10000x64xbf16, #tpu.memory_space<vmem_shared>>) dst(%arg14 : memref<128x64xbf16, #tpu.memory_space<vmem>>)
    %dma_start3A_191 = arith.constant 157 : i32
    %dma_start3A_192 = arith.constant 0 : i32
    %dma_start3A_193 = tpu.memref_slice %arg8[%dma_start3A_191, %dma_start3A_192] : memref<160x128xi32, #tpu.memory_space<vmem>> -> memref<1x128xi32, #tpu.memory_space<vmem>>
    %dma_start3A_194 = tpu.memref_squeeze %dma_start3A_193 : memref<1x128xi32, #tpu.memory_space<vmem>> -> memref<128xi32, #tpu.memory_space<vmem>>
    %dma_start3A_195 = arith.constant 0 : i32
    %dma_start3A_196 = arith.constant 0 : i32
    %dma_start3A_197 = tpu.memref_slice %arg17[%dma_start3A_195, %dma_start3A_196] : memref<10240x64xbf16, #tpu.memory_space<vmem_shared>> -> memref<10240x64xbf16, #tpu.memory_space<vmem_shared>>
    tpu.enqueue_indirect_dma source(%arg14 : memref<128x64xbf16, #tpu.memory_space<vmem>>) target(%dma_start3A_197 : memref<10240x64xbf16, #tpu.memory_space<vmem_shared>>) offsets(%dma_start3A_194 : memref<128xi32, #tpu.memory_space<vmem>>) semaphore(%arg36 : memref<!tpu.dma_semaphore, #tpu.memory_space<semaphore_mem>>) {add = true}
    %dma_wait3A_198 = arith.constant 158 : i32
    %dma_wait3A_199 = arith.constant 0 : i32
    %dma_wait3A_200 = tpu.memref_slice %arg7[%dma_wait3A_198, %dma_wait3A_199] : memref<160x128xi32, #tpu.memory_space<vmem>> -> memref<1x128xi32, #tpu.memory_space<vmem>>
    %dma_wait3A_201 = tpu.memref_squeeze %dma_wait3A_200 : memref<1x128xi32, #tpu.memory_space<vmem>> -> memref<128xi32, #tpu.memory_space<vmem>>
    %dma_wait3A_202 = arith.constant 0 : i32
    %dma_wait3A_203 = arith.constant 0 : i32
    %dma_wait3A_204 = tpu.memref_slice %arg18[%dma_wait3A_202, %dma_wait3A_203] : memref<10000x64xbf16, #tpu.memory_space<vmem_shared>> -> memref<10000x64xbf16, #tpu.memory_space<vmem_shared>>
    tpu.wait_indirect_dma semaphore(%arg29 : memref<!tpu.dma_semaphore, #tpu.memory_space<semaphore_mem>>) src(%dma_wait3A_204 : memref<10000x64xbf16, #tpu.memory_space<vmem_shared>>) dst(%arg15 : memref<128x64xbf16, #tpu.memory_space<vmem>>)
    %dma_start3A_205 = arith.constant 158 : i32
    %dma_start3A_206 = arith.constant 0 : i32
    %dma_start3A_207 = tpu.memref_slice %arg8[%dma_start3A_205, %dma_start3A_206] : memref<160x128xi32, #tpu.memory_space<vmem>> -> memref<1x128xi32, #tpu.memory_space<vmem>>
    %dma_start3A_208 = tpu.memref_squeeze %dma_start3A_207 : memref<1x128xi32, #tpu.memory_space<vmem>> -> memref<128xi32, #tpu.memory_space<vmem>>
    %dma_start3A_209 = arith.constant 0 : i32
    %dma_start3A_210 = arith.constant 0 : i32
    %dma_start3A_211 = tpu.memref_slice %arg17[%dma_start3A_209, %dma_start3A_210] : memref<10240x64xbf16, #tpu.memory_space<vmem_shared>> -> memref<10240x64xbf16, #tpu.memory_space<vmem_shared>>
    tpu.enqueue_indirect_dma source(%arg15 : memref<128x64xbf16, #tpu.memory_space<vmem>>) target(%dma_start3A_211 : memref<10240x64xbf16, #tpu.memory_space<vmem_shared>>) offsets(%dma_start3A_208 : memref<128xi32, #tpu.memory_space<vmem>>) semaphore(%arg37 : memref<!tpu.dma_semaphore, #tpu.memory_space<semaphore_mem>>) {add = true}
    %dma_wait3A_212 = arith.constant 159 : i32
    %dma_wait3A_213 = arith.constant 0 : i32
    %dma_wait3A_214 = tpu.memref_slice %arg7[%dma_wait3A_212, %dma_wait3A_213] : memref<160x128xi32, #tpu.memory_space<vmem>> -> memref<1x128xi32, #tpu.memory_space<vmem>>
    %dma_wait3A_215 = tpu.memref_squeeze %dma_wait3A_214 : memref<1x128xi32, #tpu.memory_space<vmem>> -> memref<128xi32, #tpu.memory_space<vmem>>
    %dma_wait3A_216 = arith.constant 0 : i32
    %dma_wait3A_217 = arith.constant 0 : i32
    %dma_wait3A_218 = tpu.memref_slice %arg18[%dma_wait3A_216, %dma_wait3A_217] : memref<10000x64xbf16, #tpu.memory_space<vmem_shared>> -> memref<10000x64xbf16, #tpu.memory_space<vmem_shared>>
    tpu.wait_indirect_dma semaphore(%arg30 : memref<!tpu.dma_semaphore, #tpu.memory_space<semaphore_mem>>) src(%dma_wait3A_218 : memref<10000x64xbf16, #tpu.memory_space<vmem_shared>>) dst(%arg16 : memref<128x64xbf16, #tpu.memory_space<vmem>>)
    %dma_start3A_219 = arith.constant 159 : i32
    %dma_start3A_220 = arith.constant 0 : i32
    %dma_start3A_221 = tpu.memref_slice %arg8[%dma_start3A_219, %dma_start3A_220] : memref<160x128xi32, #tpu.memory_space<vmem>> -> memref<1x128xi32, #tpu.memory_space<vmem>>
    %dma_start3A_222 = tpu.memref_squeeze %dma_start3A_221 : memref<1x128xi32, #tpu.memory_space<vmem>> -> memref<128xi32, #tpu.memory_space<vmem>>
    %dma_start3A_223 = arith.constant 0 : i32
    %dma_start3A_224 = arith.constant 0 : i32
    %dma_start3A_225 = tpu.memref_slice %arg17[%dma_start3A_223, %dma_start3A_224] : memref<10240x64xbf16, #tpu.memory_space<vmem_shared>> -> memref<10240x64xbf16, #tpu.memory_space<vmem_shared>>
    tpu.enqueue_indirect_dma source(%arg16 : memref<128x64xbf16, #tpu.memory_space<vmem>>) target(%dma_start3A_225 : memref<10240x64xbf16, #tpu.memory_space<vmem_shared>>) offsets(%dma_start3A_222 : memref<128xi32, #tpu.memory_space<vmem>>) semaphore(%arg38 : memref<!tpu.dma_semaphore, #tpu.memory_space<semaphore_mem>>) {add = true}
    %dma_wait3A_226 = arith.constant 152 : i32
    %dma_wait3A_227 = arith.constant 0 : i32
    %dma_wait3A_228 = tpu.memref_slice %arg8[%dma_wait3A_226, %dma_wait3A_227] : memref<160x128xi32, #tpu.memory_space<vmem>> -> memref<1x128xi32, #tpu.memory_space<vmem>>
    %dma_wait3A_229 = tpu.memref_squeeze %dma_wait3A_228 : memref<1x128xi32, #tpu.memory_space<vmem>> -> memref<128xi32, #tpu.memory_space<vmem>>
    %dma_wait3A_230 = arith.constant 0 : i32
    %dma_wait3A_231 = arith.constant 0 : i32
    %dma_wait3A_232 = tpu.memref_slice %arg17[%dma_wait3A_230, %dma_wait3A_231] : memref<10240x64xbf16, #tpu.memory_space<vmem_shared>> -> memref<10240x64xbf16, #tpu.memory_space<vmem_shared>>
    tpu.wait_indirect_dma semaphore(%arg31 : memref<!tpu.dma_semaphore, #tpu.memory_space<semaphore_mem>>) src(%arg9 : memref<128x64xbf16, #tpu.memory_space<vmem>>) dst(%dma_wait3A_232 : memref<10240x64xbf16, #tpu.memory_space<vmem_shared>>)
    %dma_wait3A_233 = arith.constant 153 : i32
    %dma_wait3A_234 = arith.constant 0 : i32
    %dma_wait3A_235 = tpu.memref_slice %arg8[%dma_wait3A_233, %dma_wait3A_234] : memref<160x128xi32, #tpu.memory_space<vmem>> -> memref<1x128xi32, #tpu.memory_space<vmem>>
    %dma_wait3A_236 = tpu.memref_squeeze %dma_wait3A_235 : memref<1x128xi32, #tpu.memory_space<vmem>> -> memref<128xi32, #tpu.memory_space<vmem>>
    %dma_wait3A_237 = arith.constant 0 : i32
    %dma_wait3A_238 = arith.constant 0 : i32
    %dma_wait3A_239 = tpu.memref_slice %arg17[%dma_wait3A_237, %dma_wait3A_238] : memref<10240x64xbf16, #tpu.memory_space<vmem_shared>> -> memref<10240x64xbf16, #tpu.memory_space<vmem_shared>>
    tpu.wait_indirect_dma semaphore(%arg32 : memref<!tpu.dma_semaphore, #tpu.memory_space<semaphore_mem>>) src(%arg10 : memref<128x64xbf16, #tpu.memory_space<vmem>>) dst(%dma_wait3A_239 : memref<10240x64xbf16, #tpu.memory_space<vmem_shared>>)
    %dma_wait3A_240 = arith.constant 154 : i32
    %dma_wait3A_241 = arith.constant 0 : i32
    %dma_wait3A_242 = tpu.memref_slice %arg8[%dma_wait3A_240, %dma_wait3A_241] : memref<160x128xi32, #tpu.memory_space<vmem>> -> memref<1x128xi32, #tpu.memory_space<vmem>>
    %dma_wait3A_243 = tpu.memref_squeeze %dma_wait3A_242 : memref<1x128xi32, #tpu.memory_space<vmem>> -> memref<128xi32, #tpu.memory_space<vmem>>
    %dma_wait3A_244 = arith.constant 0 : i32
    %dma_wait3A_245 = arith.constant 0 : i32
    %dma_wait3A_246 = tpu.memref_slice %arg17[%dma_wait3A_244, %dma_wait3A_245] : memref<10240x64xbf16, #tpu.memory_space<vmem_shared>> -> memref<10240x64xbf16, #tpu.memory_space<vmem_shared>>
    tpu.wait_indirect_dma semaphore(%arg33 : memref<!tpu.dma_semaphore, #tpu.memory_space<semaphore_mem>>) src(%arg11 : memref<128x64xbf16, #tpu.memory_space<vmem>>) dst(%dma_wait3A_246 : memref<10240x64xbf16, #tpu.memory_space<vmem_shared>>)
    %dma_wait3A_247 = arith.constant 155 : i32
    %dma_wait3A_248 = arith.constant 0 : i32
    %dma_wait3A_249 = tpu.memref_slice %arg8[%dma_wait3A_247, %dma_wait3A_248] : memref<160x128xi32, #tpu.memory_space<vmem>> -> memref<1x128xi32, #tpu.memory_space<vmem>>
    %dma_wait3A_250 = tpu.memref_squeeze %dma_wait3A_249 : memref<1x128xi32, #tpu.memory_space<vmem>> -> memref<128xi32, #tpu.memory_space<vmem>>
    %dma_wait3A_251 = arith.constant 0 : i32
    %dma_wait3A_252 = arith.constant 0 : i32
    %dma_wait3A_253 = tpu.memref_slice %arg17[%dma_wait3A_251, %dma_wait3A_252] : memref<10240x64xbf16, #tpu.memory_space<vmem_shared>> -> memref<10240x64xbf16, #tpu.memory_space<vmem_shared>>
    tpu.wait_indirect_dma semaphore(%arg34 : memref<!tpu.dma_semaphore, #tpu.memory_space<semaphore_mem>>) src(%arg12 : memref<128x64xbf16, #tpu.memory_space<vmem>>) dst(%dma_wait3A_253 : memref<10240x64xbf16, #tpu.memory_space<vmem_shared>>)
    %dma_wait3A_254 = arith.constant 156 : i32
    %dma_wait3A_255 = arith.constant 0 : i32
    %dma_wait3A_256 = tpu.memref_slice %arg8[%dma_wait3A_254, %dma_wait3A_255] : memref<160x128xi32, #tpu.memory_space<vmem>> -> memref<1x128xi32, #tpu.memory_space<vmem>>
    %dma_wait3A_257 = tpu.memref_squeeze %dma_wait3A_256 : memref<1x128xi32, #tpu.memory_space<vmem>> -> memref<128xi32, #tpu.memory_space<vmem>>
    %dma_wait3A_258 = arith.constant 0 : i32
    %dma_wait3A_259 = arith.constant 0 : i32
    %dma_wait3A_260 = tpu.memref_slice %arg17[%dma_wait3A_258, %dma_wait3A_259] : memref<10240x64xbf16, #tpu.memory_space<vmem_shared>> -> memref<10240x64xbf16, #tpu.memory_space<vmem_shared>>
    tpu.wait_indirect_dma semaphore(%arg35 : memref<!tpu.dma_semaphore, #tpu.memory_space<semaphore_mem>>) src(%arg13 : memref<128x64xbf16, #tpu.memory_space<vmem>>) dst(%dma_wait3A_260 : memref<10240x64xbf16, #tpu.memory_space<vmem_shared>>)
    %dma_wait3A_261 = arith.constant 157 : i32
    %dma_wait3A_262 = arith.constant 0 : i32
    %dma_wait3A_263 = tpu.memref_slice %arg8[%dma_wait3A_261, %dma_wait3A_262] : memref<160x128xi32, #tpu.memory_space<vmem>> -> memref<1x128xi32, #tpu.memory_space<vmem>>
    %dma_wait3A_264 = tpu.memref_squeeze %dma_wait3A_263 : memref<1x128xi32, #tpu.memory_space<vmem>> -> memref<128xi32, #tpu.memory_space<vmem>>
    %dma_wait3A_265 = arith.constant 0 : i32
    %dma_wait3A_266 = arith.constant 0 : i32
    %dma_wait3A_267 = tpu.memref_slice %arg17[%dma_wait3A_265, %dma_wait3A_266] : memref<10240x64xbf16, #tpu.memory_space<vmem_shared>> -> memref<10240x64xbf16, #tpu.memory_space<vmem_shared>>
    tpu.wait_indirect_dma semaphore(%arg36 : memref<!tpu.dma_semaphore, #tpu.memory_space<semaphore_mem>>) src(%arg14 : memref<128x64xbf16, #tpu.memory_space<vmem>>) dst(%dma_wait3A_267 : memref<10240x64xbf16, #tpu.memory_space<vmem_shared>>)
    %dma_wait3A_268 = arith.constant 158 : i32
    %dma_wait3A_269 = arith.constant 0 : i32
    %dma_wait3A_270 = tpu.memref_slice %arg8[%dma_wait3A_268, %dma_wait3A_269] : memref<160x128xi32, #tpu.memory_space<vmem>> -> memref<1x128xi32, #tpu.memory_space<vmem>>
    %dma_wait3A_271 = tpu.memref_squeeze %dma_wait3A_270 : memref<1x128xi32, #tpu.memory_space<vmem>> -> memref<128xi32, #tpu.memory_space<vmem>>
    %dma_wait3A_272 = arith.constant 0 : i32
    %dma_wait3A_273 = arith.constant 0 : i32
    %dma_wait3A_274 = tpu.memref_slice %arg17[%dma_wait3A_272, %dma_wait3A_273] : memref<10240x64xbf16, #tpu.memory_space<vmem_shared>> -> memref<10240x64xbf16, #tpu.memory_space<vmem_shared>>
    tpu.wait_indirect_dma semaphore(%arg37 : memref<!tpu.dma_semaphore, #tpu.memory_space<semaphore_mem>>) src(%arg15 : memref<128x64xbf16, #tpu.memory_space<vmem>>) dst(%dma_wait3A_274 : memref<10240x64xbf16, #tpu.memory_space<vmem_shared>>)
    %dma_wait3A_275 = arith.constant 159 : i32
    %dma_wait3A_276 = arith.constant 0 : i32
    %dma_wait3A_277 = tpu.memref_slice %arg8[%dma_wait3A_275, %dma_wait3A_276] : memref<160x128xi32, #tpu.memory_space<vmem>> -> memref<1x128xi32, #tpu.memory_space<vmem>>
    %dma_wait3A_278 = tpu.memref_squeeze %dma_wait3A_277 : memref<1x128xi32, #tpu.memory_space<vmem>> -> memref<128xi32, #tpu.memory_space<vmem>>
    %dma_wait3A_279 = arith.constant 0 : i32
    %dma_wait3A_280 = arith.constant 0 : i32
    %dma_wait3A_281 = tpu.memref_slice %arg17[%dma_wait3A_279, %dma_wait3A_280] : memref<10240x64xbf16, #tpu.memory_space<vmem_shared>> -> memref<10240x64xbf16, #tpu.memory_space<vmem_shared>>
    tpu.wait_indirect_dma semaphore(%arg38 : memref<!tpu.dma_semaphore, #tpu.memory_space<semaphore_mem>>) src(%arg16 : memref<128x64xbf16, #tpu.memory_space<vmem>>) dst(%dma_wait3A_281 : memref<10240x64xbf16, #tpu.memory_space<vmem_shared>>)
    %barrier3A_282 = arith.constant 0 : index
    tpu.barrier barrier_id(%barrier3A_282)
    "tpu.region"() ({
      %run_scoped3A = tpu.sem_alloc : memref<!tpu.dma_semaphore, #tpu.memory_space<semaphore_mem>>
      %dma_start3A_283 = arith.constant 0 : i32
      %dma_start3A_284 = tpu.memref_slice %arg6[%arg0, %mul3A_2, %dma_start3A_283] : memref<2x10240x64xbf16, #tpu.memory_space<hbm>> -> memref<1x640x64xbf16, #tpu.memory_space<hbm>>
      %dma_start3A_285 = tpu.memref_squeeze %dma_start3A_284 : memref<1x640x64xbf16, #tpu.memory_space<hbm>> -> memref<640x64xbf16, #tpu.memory_space<hbm>>
      %dma_start3A_286 = arith.constant 0 : i32
      %dma_start3A_287 = tpu.memref_slice %arg17[%mul3A_2, %dma_start3A_286] : memref<10240x64xbf16, #tpu.memory_space<vmem_shared>> -> memref<640x64xbf16, #tpu.memory_space<vmem_shared>>
      tpu.enqueue_dma source(%dma_start3A_287 : memref<640x64xbf16, #tpu.memory_space<vmem_shared>>) target(%dma_start3A_285 : memref<640x64xbf16, #tpu.memory_space<hbm>>) target_semaphore(%run_scoped3A : memref<!tpu.dma_semaphore, #tpu.memory_space<semaphore_mem>>)
      %dma_wait3A_288 = arith.constant 0 : i32
      %dma_wait3A_289 = tpu.memref_slice %arg6[%arg0, %mul3A_2, %dma_wait3A_288] : memref<2x10240x64xbf16, #tpu.memory_space<hbm>> -> memref<1x640x64xbf16, #tpu.memory_space<hbm>>
      %dma_wait3A_290 = tpu.memref_squeeze %dma_wait3A_289 : memref<1x640x64xbf16, #tpu.memory_space<hbm>> -> memref<640x64xbf16, #tpu.memory_space<hbm>>
      %dma_wait3A_291 = arith.constant 0 : i32
      %dma_wait3A_292 = tpu.memref_slice %arg17[%mul3A_2, %dma_wait3A_291] : memref<10240x64xbf16, #tpu.memory_space<vmem_shared>> -> memref<640x64xbf16, #tpu.memory_space<vmem_shared>>
      tpu.wait_dma2 semaphore(%run_scoped3A : memref<!tpu.dma_semaphore, #tpu.memory_space<semaphore_mem>>) src(%dma_wait3A_292 : memref<640x64xbf16, #tpu.memory_space<vmem_shared>>) dst(%dma_wait3A_290 : memref<640x64xbf16, #tpu.memory_space<hbm>>)
      tpu.yield
    }) : () -> ()
    return
  }
}

#map = affine_map<(d0, d1) -> (0, 0)>
#map1 = affine_map<(d0, d1) -> (0, 0, 0)>
module attributes {stable_mosaic.version = 14 : i64} {
  func.func @k(%arg0: i32, %arg1: i32, %arg2: memref<10000x64xbf16, #tpu.memory_space<hbm>>, %arg3: memref<32x160x128xi32, #tpu.memory_space<hbm>>, %arg4: memref<32x160x128xi32, #tpu.memory_space<hbm>>, %arg5: memref<10240x64xbf16, #tpu.memory_space<hbm>>, %arg6: memref<2x10240x64xbf16, #tpu.memory_space<hbm>>, %arg7: memref<160x128xi32, #tpu.memory_space<vmem>>, %arg8: memref<160x128xi32, #tpu.memory_space<vmem>>, %arg9: memref<128x64xbf16, #tpu.memory_space<vmem>>, %arg10: memref<128x64xbf16, #tpu.memory_space<vmem>>, %arg11: memref<128x64xbf16, #tpu.memory_space<vmem>>, %arg12: memref<128x64xbf16, #tpu.memory_space<vmem>>, %arg13: memref<128x64xbf16, #tpu.memory_space<vmem>>, %arg14: memref<128x64xbf16, #tpu.memory_space<vmem>>, %arg15: memref<128x64xbf16, #tpu.memory_space<vmem>>, %arg16: memref<128x64xbf16, #tpu.memory_space<vmem>>, %arg17: memref<10240x64xbf16, #tpu.memory_space<vmem_shared>>, %arg18: memref<10000x64xbf16, #tpu.memory_space<vmem_shared>>, %arg19: memref<!tpu.dma_semaphore, #tpu.memory_space<semaphore_mem>>, %arg20: memref<!tpu.dma_semaphore, #tpu.memory_space<semaphore_mem>>, %arg21: memref<!tpu.dma_semaphore, #tpu.memory_space<semaphore_mem>>, %arg22: memref<!tpu.dma_semaphore, #tpu.memory_space<semaphore_mem>>, %arg23: memref<!tpu.dma_semaphore, #tpu.memory_space<semaphore_mem>>, %arg24: memref<!tpu.dma_semaphore, #tpu.memory_space<semaphore_mem>>, %arg25: memref<!tpu.dma_semaphore, #tpu.memory_space<semaphore_mem>>, %arg26: memref<!tpu.dma_semaphore, #tpu.memory_space<semaphore_mem>>, %arg27: memref<!tpu.dma_semaphore, #tpu.memory_space<semaphore_mem>>, %arg28: memref<!tpu.dma_semaphore, #tpu.memory_space<semaphore_mem>>, %arg29: memref<!tpu.dma_semaphore, #tpu.memory_space<semaphore_mem>>, %arg30: memref<!tpu.dma_semaphore, #tpu.memory_space<semaphore_mem>>, %arg31: memref<!tpu.dma_semaphore, #tpu.memory_space<semaphore_mem>>, %arg32: memref<!tpu.dma_semaphore, #tpu.memory_space<semaphore_mem>>, %arg33: memref<!tpu.dma_semaphore, #tpu.memory_space<semaphore_mem>>, %arg34: memref<!tpu.dma_semaphore, #tpu.memory_space<semaphore_mem>>, %arg35: memref<!tpu.dma_semaphore, #tpu.memory_space<semaphore_mem>>, %arg36: memref<!tpu.dma_semaphore, #tpu.memory_space<semaphore_mem>>, %arg37: memref<!tpu.dma_semaphore, #tpu.memory_space<semaphore_mem>>, %arg38: memref<!tpu.dma_semaphore, #tpu.memory_space<semaphore_mem>>) attributes {dimension_semantics = [#tpu.dimension_semantics<core_parallel>, #tpu.dimension_semantics<subcore_parallel>], iteration_bounds = array<i64: 2, 16>, scalar_prefetch = 0 : i64, scratch_operands = 32 : i64, tpu.core_type = #tpu.core_type<sc_vector_subcore>, window_params = [{transform_indices = #map}, {transform_indices = #map1}, {transform_indices = #map1}, {transform_indices = #map}, {transform_indices = #map1}]} {
    %mul3A = arith.constant 16 : i32
    %mul3A_0 = arith.muli %arg0, %mul3A : i32
    %add3A = arith.addi %mul3A_0, %arg1 : i32
    %mul3A_1 = arith.constant 640 : i32
    %mul3A_2 = arith.muli %arg1, %mul3A_1 : i32
    %dma_start3A = arith.constant 0 : i32
    %dma_start3A_3 = tpu.memref_slice %arg17[%mul3A_2, %dma_start3A] : memref<10240x64xbf16, #tpu.memory_space<vmem_shared>> -> memref<640x64xbf16, #tpu.memory_space<vmem_shared>>
    %dma_start3A_4 = arith.constant 0 : i32
    %dma_start3A_5 = tpu.memref_slice %arg5[%mul3A_2, %dma_start3A_4] : memref<10240x64xbf16, #tpu.memory_space<hbm>> -> memref<640x64xbf16, #tpu.memory_space<hbm>>
    tpu.enqueue_dma source(%dma_start3A_5 : memref<640x64xbf16, #tpu.memory_space<hbm>>) target(%dma_start3A_3 : memref<640x64xbf16, #tpu.memory_space<vmem_shared>>) target_semaphore(%arg19 : memref<!tpu.dma_semaphore, #tpu.memory_space<semaphore_mem>>)
    %mul3A_6 = arith.constant 625 : i32
    %mul3A_7 = arith.muli %arg1, %mul3A_6 : i32
    %mul3A_8 = arith.constant 625 : i32
    %mul3A_9 = arith.muli %arg1, %mul3A_8 : i32
    %dma_start3A_10 = arith.constant 0 : i32
    %dma_start3A_11 = tpu.memref_slice %arg18[%mul3A_9, %dma_start3A_10] : memref<10000x64xbf16, #tpu.memory_space<vmem_shared>> -> memref<625x64xbf16, #tpu.memory_space<vmem_shared>>
    %dma_start3A_12 = arith.constant 0 : i32
    %dma_start3A_13 = tpu.memref_slice %arg2[%mul3A_7, %dma_start3A_12] : memref<10000x64xbf16, #tpu.memory_space<hbm>> -> memref<625x64xbf16, #tpu.memory_space<hbm>>
    tpu.enqueue_dma source(%dma_start3A_13 : memref<625x64xbf16, #tpu.memory_space<hbm>>) target(%dma_start3A_11 : memref<625x64xbf16, #tpu.memory_space<vmem_shared>>) target_semaphore(%arg20 : memref<!tpu.dma_semaphore, #tpu.memory_space<semaphore_mem>>)
    %dma_start3A_14 = arith.constant 0 : i32
    %dma_start3A_15 = arith.constant 0 : i32
    %dma_start3A_16 = tpu.memref_slice %arg3[%add3A, %dma_start3A_14, %dma_start3A_15] : memref<32x160x128xi32, #tpu.memory_space<hbm>> -> memref<1x160x128xi32, #tpu.memory_space<hbm>>
    %dma_start3A_17 = tpu.memref_squeeze %dma_start3A_16 : memref<1x160x128xi32, #tpu.memory_space<hbm>> -> memref<160x128xi32, #tpu.memory_space<hbm>>
    %dma_start3A_18 = arith.constant 0 : i32
    %dma_start3A_19 = arith.constant 0 : i32
    %dma_start3A_20 = tpu.memref_slice %arg3[%add3A, %dma_start3A_18, %dma_start3A_19] : memref<32x160x128xi32, #tpu.memory_space<hbm>> -> memref<1x160x128xi32, #tpu.memory_space<hbm>>
    %dma_start3A_21 = tpu.memref_squeeze %dma_start3A_20 : memref<1x160x128xi32, #tpu.memory_space<hbm>> -> memref<160x128xi32, #tpu.memory_space<hbm>>
    tpu.enqueue_dma source(%dma_start3A_21 : memref<160x128xi32, #tpu.memory_space<hbm>>) target(%arg7 : memref<160x128xi32, #tpu.memory_space<vmem>>) target_semaphore(%arg21 : memref<!tpu.dma_semaphore, #tpu.memory_space<semaphore_mem>>)
    %dma_start3A_22 = arith.constant 0 : i32
    %dma_start3A_23 = arith.constant 0 : i32
    %dma_start3A_24 = tpu.memref_slice %arg4[%add3A, %dma_start3A_22, %dma_start3A_23] : memref<32x160x128xi32, #tpu.memory_space<hbm>> -> memref<1x160x128xi32, #tpu.memory_space<hbm>>
    %dma_start3A_25 = tpu.memref_squeeze %dma_start3A_24 : memref<1x160x128xi32, #tpu.memory_space<hbm>> -> memref<160x128xi32, #tpu.memory_space<hbm>>
    %dma_start3A_26 = arith.constant 0 : i32
    %dma_start3A_27 = arith.constant 0 : i32
    %dma_start3A_28 = tpu.memref_slice %arg4[%add3A, %dma_start3A_26, %dma_start3A_27] : memref<32x160x128xi32, #tpu.memory_space<hbm>> -> memref<1x160x128xi32, #tpu.memory_space<hbm>>
    %dma_start3A_29 = tpu.memref_squeeze %dma_start3A_28 : memref<1x160x128xi32, #tpu.memory_space<hbm>> -> memref<160x128xi32, #tpu.memory_space<hbm>>
    tpu.enqueue_dma source(%dma_start3A_29 : memref<160x128xi32, #tpu.memory_space<hbm>>) target(%arg8 : memref<160x128xi32, #tpu.memory_space<vmem>>) target_semaphore(%arg22 : memref<!tpu.dma_semaphore, #tpu.memory_space<semaphore_mem>>)
    %dma_wait3A = arith.constant 0 : i32
    %dma_wait3A_30 = tpu.memref_slice %arg17[%mul3A_2, %dma_wait3A] : memref<10240x64xbf16, #tpu.memory_space<vmem_shared>> -> memref<640x64xbf16, #tpu.memory_space<vmem_shared>>
    %dma_wait3A_31 = arith.constant 0 : i32
    %dma_wait3A_32 = tpu.memref_slice %arg5[%mul3A_2, %dma_wait3A_31] : memref<10240x64xbf16, #tpu.memory_space<hbm>> -> memref<640x64xbf16, #tpu.memory_space<hbm>>
    tpu.wait_dma2 semaphore(%arg19 : memref<!tpu.dma_semaphore, #tpu.memory_space<semaphore_mem>>) src(%dma_wait3A_32 : memref<640x64xbf16, #tpu.memory_space<hbm>>) dst(%dma_wait3A_30 : memref<640x64xbf16, #tpu.memory_space<vmem_shared>>)
    %dma_wait3A_33 = arith.constant 0 : i32
    %dma_wait3A_34 = tpu.memref_slice %arg18[%mul3A_9, %dma_wait3A_33] : memref<10000x64xbf16, #tpu.memory_space<vmem_shared>> -> memref<625x64xbf16, #tpu.memory_space<vmem_shared>>
    %dma_wait3A_35 = arith.constant 0 : i32
    %dma_wait3A_36 = tpu.memref_slice %arg2[%mul3A_7, %dma_wait3A_35] : memref<10000x64xbf16, #tpu.memory_space<hbm>> -> memref<625x64xbf16, #tpu.memory_space<hbm>>
    tpu.wait_dma2 semaphore(%arg20 : memref<!tpu.dma_semaphore, #tpu.memory_space<semaphore_mem>>) src(%dma_wait3A_36 : memref<625x64xbf16, #tpu.memory_space<hbm>>) dst(%dma_wait3A_34 : memref<625x64xbf16, #tpu.memory_space<vmem_shared>>)
    %barrier3A = arith.constant 0 : index
    tpu.barrier barrier_id(%barrier3A)
    %dma_wait3A_37 = arith.constant 0 : i32
    %dma_wait3A_38 = arith.constant 0 : i32
    %dma_wait3A_39 = tpu.memref_slice %arg3[%add3A, %dma_wait3A_37, %dma_wait3A_38] : memref<32x160x128xi32, #tpu.memory_space<hbm>> -> memref<1x160x128xi32, #tpu.memory_space<hbm>>
    %dma_wait3A_40 = tpu.memref_squeeze %dma_wait3A_39 : memref<1x160x128xi32, #tpu.memory_space<hbm>> -> memref<160x128xi32, #tpu.memory_space<hbm>>
    %dma_wait3A_41 = arith.constant 0 : i32
    %dma_wait3A_42 = arith.constant 0 : i32
    %dma_wait3A_43 = tpu.memref_slice %arg3[%add3A, %dma_wait3A_41, %dma_wait3A_42] : memref<32x160x128xi32, #tpu.memory_space<hbm>> -> memref<1x160x128xi32, #tpu.memory_space<hbm>>
    %dma_wait3A_44 = tpu.memref_squeeze %dma_wait3A_43 : memref<1x160x128xi32, #tpu.memory_space<hbm>> -> memref<160x128xi32, #tpu.memory_space<hbm>>
    tpu.wait_dma2 semaphore(%arg21 : memref<!tpu.dma_semaphore, #tpu.memory_space<semaphore_mem>>) src(%dma_wait3A_44 : memref<160x128xi32, #tpu.memory_space<hbm>>) dst(%arg7 : memref<160x128xi32, #tpu.memory_space<vmem>>)
    %dma_wait3A_45 = arith.constant 0 : i32
    %dma_wait3A_46 = arith.constant 0 : i32
    %dma_wait3A_47 = tpu.memref_slice %arg4[%add3A, %dma_wait3A_45, %dma_wait3A_46] : memref<32x160x128xi32, #tpu.memory_space<hbm>> -> memref<1x160x128xi32, #tpu.memory_space<hbm>>
    %dma_wait3A_48 = tpu.memref_squeeze %dma_wait3A_47 : memref<1x160x128xi32, #tpu.memory_space<hbm>> -> memref<160x128xi32, #tpu.memory_space<hbm>>
    %dma_wait3A_49 = arith.constant 0 : i32
    %dma_wait3A_50 = arith.constant 0 : i32
    %dma_wait3A_51 = tpu.memref_slice %arg4[%add3A, %dma_wait3A_49, %dma_wait3A_50] : memref<32x160x128xi32, #tpu.memory_space<hbm>> -> memref<1x160x128xi32, #tpu.memory_space<hbm>>
    %dma_wait3A_52 = tpu.memref_squeeze %dma_wait3A_51 : memref<1x160x128xi32, #tpu.memory_space<hbm>> -> memref<160x128xi32, #tpu.memory_space<hbm>>
    tpu.wait_dma2 semaphore(%arg22 : memref<!tpu.dma_semaphore, #tpu.memory_space<semaphore_mem>>) src(%dma_wait3A_52 : memref<160x128xi32, #tpu.memory_space<hbm>>) dst(%arg8 : memref<160x128xi32, #tpu.memory_space<vmem>>)
    %dma_start3A_53 = arith.constant 0 : i32
    %dma_start3A_54 = arith.constant 0 : i32
    %dma_start3A_55 = tpu.memref_slice %arg7[%dma_start3A_53, %dma_start3A_54] : memref<160x128xi32, #tpu.memory_space<vmem>> -> memref<1x128xi32, #tpu.memory_space<vmem>>
    %dma_start3A_56 = tpu.memref_squeeze %dma_start3A_55 : memref<1x128xi32, #tpu.memory_space<vmem>> -> memref<128xi32, #tpu.memory_space<vmem>>
    %dma_start3A_57 = arith.constant 0 : i32
    %dma_start3A_58 = arith.constant 0 : i32
    %dma_start3A_59 = tpu.memref_slice %arg18[%dma_start3A_57, %dma_start3A_58] : memref<10000x64xbf16, #tpu.memory_space<vmem_shared>> -> memref<10000x64xbf16, #tpu.memory_space<vmem_shared>>
    tpu.enqueue_indirect_dma source(%dma_start3A_59 : memref<10000x64xbf16, #tpu.memory_space<vmem_shared>>) target(%arg9 : memref<128x64xbf16, #tpu.memory_space<vmem>>) offsets(%dma_start3A_56 : memref<128xi32, #tpu.memory_space<vmem>>) semaphore(%arg23 : memref<!tpu.dma_semaphore, #tpu.memory_space<semaphore_mem>>)
    %dma_start3A_60 = arith.constant 1 : i32
    %dma_start3A_61 = arith.constant 0 : i32
    %dma_start3A_62 = tpu.memref_slice %arg7[%dma_start3A_60, %dma_start3A_61] : memref<160x128xi32, #tpu.memory_space<vmem>> -> memref<1x128xi32, #tpu.memory_space<vmem>>
    %dma_start3A_63 = tpu.memref_squeeze %dma_start3A_62 : memref<1x128xi32, #tpu.memory_space<vmem>> -> memref<128xi32, #tpu.memory_space<vmem>>
    %dma_start3A_64 = arith.constant 0 : i32
    %dma_start3A_65 = arith.constant 0 : i32
    %dma_start3A_66 = tpu.memref_slice %arg18[%dma_start3A_64, %dma_start3A_65] : memref<10000x64xbf16, #tpu.memory_space<vmem_shared>> -> memref<10000x64xbf16, #tpu.memory_space<vmem_shared>>
    tpu.enqueue_indirect_dma source(%dma_start3A_66 : memref<10000x64xbf16, #tpu.memory_space<vmem_shared>>) target(%arg10 : memref<128x64xbf16, #tpu.memory_space<vmem>>) offsets(%dma_start3A_63 : memref<128xi32, #tpu.memory_space<vmem>>) semaphore(%arg24 : memref<!tpu.dma_semaphore, #tpu.memory_space<semaphore_mem>>)
    %dma_start3A_67 = arith.constant 2 : i32
    %dma_start3A_68 = arith.constant 0 : i32
    %dma_start3A_69 = tpu.memref_slice %arg7[%dma_start3A_67, %dma_start3A_68] : memref<160x128xi32, #tpu.memory_space<vmem>> -> memref<1x128xi32, #tpu.memory_space<vmem>>
    %dma_start3A_70 = tpu.memref_squeeze %dma_start3A_69 : memref<1x128xi32, #tpu.memory_space<vmem>> -> memref<128xi32, #tpu.memory_space<vmem>>
    %dma_start3A_71 = arith.constant 0 : i32
    %dma_start3A_72 = arith.constant 0 : i32
    %dma_start3A_73 = tpu.memref_slice %arg18[%dma_start3A_71, %dma_start3A_72] : memref<10000x64xbf16, #tpu.memory_space<vmem_shared>> -> memref<10000x64xbf16, #tpu.memory_space<vmem_shared>>
    tpu.enqueue_indirect_dma source(%dma_start3A_73 : memref<10000x64xbf16, #tpu.memory_space<vmem_shared>>) target(%arg11 : memref<128x64xbf16, #tpu.memory_space<vmem>>) offsets(%dma_start3A_70 : memref<128xi32, #tpu.memory_space<vmem>>) semaphore(%arg25 : memref<!tpu.dma_semaphore, #tpu.memory_space<semaphore_mem>>)
    %dma_start3A_74 = arith.constant 3 : i32
    %dma_start3A_75 = arith.constant 0 : i32
    %dma_start3A_76 = tpu.memref_slice %arg7[%dma_start3A_74, %dma_start3A_75] : memref<160x128xi32, #tpu.memory_space<vmem>> -> memref<1x128xi32, #tpu.memory_space<vmem>>
    %dma_start3A_77 = tpu.memref_squeeze %dma_start3A_76 : memref<1x128xi32, #tpu.memory_space<vmem>> -> memref<128xi32, #tpu.memory_space<vmem>>
    %dma_start3A_78 = arith.constant 0 : i32
    %dma_start3A_79 = arith.constant 0 : i32
    %dma_start3A_80 = tpu.memref_slice %arg18[%dma_start3A_78, %dma_start3A_79] : memref<10000x64xbf16, #tpu.memory_space<vmem_shared>> -> memref<10000x64xbf16, #tpu.memory_space<vmem_shared>>
    tpu.enqueue_indirect_dma source(%dma_start3A_80 : memref<10000x64xbf16, #tpu.memory_space<vmem_shared>>) target(%arg12 : memref<128x64xbf16, #tpu.memory_space<vmem>>) offsets(%dma_start3A_77 : memref<128xi32, #tpu.memory_space<vmem>>) semaphore(%arg26 : memref<!tpu.dma_semaphore, #tpu.memory_space<semaphore_mem>>)
    %dma_start3A_81 = arith.constant 4 : i32
    %dma_start3A_82 = arith.constant 0 : i32
    %dma_start3A_83 = tpu.memref_slice %arg7[%dma_start3A_81, %dma_start3A_82] : memref<160x128xi32, #tpu.memory_space<vmem>> -> memref<1x128xi32, #tpu.memory_space<vmem>>
    %dma_start3A_84 = tpu.memref_squeeze %dma_start3A_83 : memref<1x128xi32, #tpu.memory_space<vmem>> -> memref<128xi32, #tpu.memory_space<vmem>>
    %dma_start3A_85 = arith.constant 0 : i32
    %dma_start3A_86 = arith.constant 0 : i32
    %dma_start3A_87 = tpu.memref_slice %arg18[%dma_start3A_85, %dma_start3A_86] : memref<10000x64xbf16, #tpu.memory_space<vmem_shared>> -> memref<10000x64xbf16, #tpu.memory_space<vmem_shared>>
    tpu.enqueue_indirect_dma source(%dma_start3A_87 : memref<10000x64xbf16, #tpu.memory_space<vmem_shared>>) target(%arg13 : memref<128x64xbf16, #tpu.memory_space<vmem>>) offsets(%dma_start3A_84 : memref<128xi32, #tpu.memory_space<vmem>>) semaphore(%arg27 : memref<!tpu.dma_semaphore, #tpu.memory_space<semaphore_mem>>)
    %dma_start3A_88 = arith.constant 5 : i32
    %dma_start3A_89 = arith.constant 0 : i32
    %dma_start3A_90 = tpu.memref_slice %arg7[%dma_start3A_88, %dma_start3A_89] : memref<160x128xi32, #tpu.memory_space<vmem>> -> memref<1x128xi32, #tpu.memory_space<vmem>>
    %dma_start3A_91 = tpu.memref_squeeze %dma_start3A_90 : memref<1x128xi32, #tpu.memory_space<vmem>> -> memref<128xi32, #tpu.memory_space<vmem>>
    %dma_start3A_92 = arith.constant 0 : i32
    %dma_start3A_93 = arith.constant 0 : i32
    %dma_start3A_94 = tpu.memref_slice %arg18[%dma_start3A_92, %dma_start3A_93] : memref<10000x64xbf16, #tpu.memory_space<vmem_shared>> -> memref<10000x64xbf16, #tpu.memory_space<vmem_shared>>
    tpu.enqueue_indirect_dma source(%dma_start3A_94 : memref<10000x64xbf16, #tpu.memory_space<vmem_shared>>) target(%arg14 : memref<128x64xbf16, #tpu.memory_space<vmem>>) offsets(%dma_start3A_91 : memref<128xi32, #tpu.memory_space<vmem>>) semaphore(%arg28 : memref<!tpu.dma_semaphore, #tpu.memory_space<semaphore_mem>>)
    %dma_start3A_95 = arith.constant 6 : i32
    %dma_start3A_96 = arith.constant 0 : i32
    %dma_start3A_97 = tpu.memref_slice %arg7[%dma_start3A_95, %dma_start3A_96] : memref<160x128xi32, #tpu.memory_space<vmem>> -> memref<1x128xi32, #tpu.memory_space<vmem>>
    %dma_start3A_98 = tpu.memref_squeeze %dma_start3A_97 : memref<1x128xi32, #tpu.memory_space<vmem>> -> memref<128xi32, #tpu.memory_space<vmem>>
    %dma_start3A_99 = arith.constant 0 : i32
    %dma_start3A_100 = arith.constant 0 : i32
    %dma_start3A_101 = tpu.memref_slice %arg18[%dma_start3A_99, %dma_start3A_100] : memref<10000x64xbf16, #tpu.memory_space<vmem_shared>> -> memref<10000x64xbf16, #tpu.memory_space<vmem_shared>>
    tpu.enqueue_indirect_dma source(%dma_start3A_101 : memref<10000x64xbf16, #tpu.memory_space<vmem_shared>>) target(%arg15 : memref<128x64xbf16, #tpu.memory_space<vmem>>) offsets(%dma_start3A_98 : memref<128xi32, #tpu.memory_space<vmem>>) semaphore(%arg29 : memref<!tpu.dma_semaphore, #tpu.memory_space<semaphore_mem>>)
    %dma_start3A_102 = arith.constant 7 : i32
    %dma_start3A_103 = arith.constant 0 : i32
    %dma_start3A_104 = tpu.memref_slice %arg7[%dma_start3A_102, %dma_start3A_103] : memref<160x128xi32, #tpu.memory_space<vmem>> -> memref<1x128xi32, #tpu.memory_space<vmem>>
    %dma_start3A_105 = tpu.memref_squeeze %dma_start3A_104 : memref<1x128xi32, #tpu.memory_space<vmem>> -> memref<128xi32, #tpu.memory_space<vmem>>
    %dma_start3A_106 = arith.constant 0 : i32
    %dma_start3A_107 = arith.constant 0 : i32
    %dma_start3A_108 = tpu.memref_slice %arg18[%dma_start3A_106, %dma_start3A_107] : memref<10000x64xbf16, #tpu.memory_space<vmem_shared>> -> memref<10000x64xbf16, #tpu.memory_space<vmem_shared>>
    tpu.enqueue_indirect_dma source(%dma_start3A_108 : memref<10000x64xbf16, #tpu.memory_space<vmem_shared>>) target(%arg16 : memref<128x64xbf16, #tpu.memory_space<vmem>>) offsets(%dma_start3A_105 : memref<128xi32, #tpu.memory_space<vmem>>) semaphore(%arg30 : memref<!tpu.dma_semaphore, #tpu.memory_space<semaphore_mem>>)
    %scan3A = arith.constant 0 : i32
    %scan3A_109 = arith.constant 0 : i32
    %scan3A_110 = arith.constant 19 : i32
    %scan3A_111 = arith.addi %scan3A_109, %scan3A_110 : i32
    %scan3A_112 = arith.constant 1 : i32
    scf.for %scan3A_283 = %scan3A_109 to %scan3A_111 step %scan3A_112  : i32 {
      %mul3A_284 = arith.constant 8 : i32
      %mul3A_285 = arith.muli %mul3A_284, %scan3A_283 : i32
      %add3A_286 = arith.constant 0 : i32
      %add3A_287 = arith.addi %mul3A_285, %add3A_286 : i32
      %dma_wait3A_288 = arith.constant 0 : i32
      %dma_wait3A_289 = tpu.memref_slice %arg7[%add3A_287, %dma_wait3A_288] : memref<160x128xi32, #tpu.memory_space<vmem>> -> memref<1x128xi32, #tpu.memory_space<vmem>>
      %dma_wait3A_290 = tpu.memref_squeeze %dma_wait3A_289 : memref<1x128xi32, #tpu.memory_space<vmem>> -> memref<128xi32, #tpu.memory_space<vmem>>
      %dma_wait3A_291 = arith.constant 0 : i32
      %dma_wait3A_292 = arith.constant 0 : i32
      %dma_wait3A_293 = tpu.memref_slice %arg18[%dma_wait3A_291, %dma_wait3A_292] : memref<10000x64xbf16, #tpu.memory_space<vmem_shared>> -> memref<10000x64xbf16, #tpu.memory_space<vmem_shared>>
      tpu.wait_indirect_dma semaphore(%arg23 : memref<!tpu.dma_semaphore, #tpu.memory_space<semaphore_mem>>) src(%dma_wait3A_293 : memref<10000x64xbf16, #tpu.memory_space<vmem_shared>>) dst(%arg9 : memref<128x64xbf16, #tpu.memory_space<vmem>>)
      %add3A_294 = arith.constant 0 : i32
      %add3A_295 = arith.addi %mul3A_285, %add3A_294 : i32
      %dma_start3A_296 = arith.constant 0 : i32
      %dma_start3A_297 = tpu.memref_slice %arg8[%add3A_295, %dma_start3A_296] : memref<160x128xi32, #tpu.memory_space<vmem>> -> memref<1x128xi32, #tpu.memory_space<vmem>>
      %dma_start3A_298 = tpu.memref_squeeze %dma_start3A_297 : memref<1x128xi32, #tpu.memory_space<vmem>> -> memref<128xi32, #tpu.memory_space<vmem>>
      %dma_start3A_299 = arith.constant 0 : i32
      %dma_start3A_300 = arith.constant 0 : i32
      %dma_start3A_301 = tpu.memref_slice %arg17[%dma_start3A_299, %dma_start3A_300] : memref<10240x64xbf16, #tpu.memory_space<vmem_shared>> -> memref<10240x64xbf16, #tpu.memory_space<vmem_shared>>
      tpu.enqueue_indirect_dma source(%arg9 : memref<128x64xbf16, #tpu.memory_space<vmem>>) target(%dma_start3A_301 : memref<10240x64xbf16, #tpu.memory_space<vmem_shared>>) offsets(%dma_start3A_298 : memref<128xi32, #tpu.memory_space<vmem>>) semaphore(%arg31 : memref<!tpu.dma_semaphore, #tpu.memory_space<semaphore_mem>>) {add = true}
      %add3A_302 = arith.constant 1 : i32
      %add3A_303 = arith.addi %mul3A_285, %add3A_302 : i32
      %dma_wait3A_304 = arith.constant 0 : i32
      %dma_wait3A_305 = tpu.memref_slice %arg7[%add3A_303, %dma_wait3A_304] : memref<160x128xi32, #tpu.memory_space<vmem>> -> memref<1x128xi32, #tpu.memory_space<vmem>>
      %dma_wait3A_306 = tpu.memref_squeeze %dma_wait3A_305 : memref<1x128xi32, #tpu.memory_space<vmem>> -> memref<128xi32, #tpu.memory_space<vmem>>
      %dma_wait3A_307 = arith.constant 0 : i32
      %dma_wait3A_308 = arith.constant 0 : i32
      %dma_wait3A_309 = tpu.memref_slice %arg18[%dma_wait3A_307, %dma_wait3A_308] : memref<10000x64xbf16, #tpu.memory_space<vmem_shared>> -> memref<10000x64xbf16, #tpu.memory_space<vmem_shared>>
      tpu.wait_indirect_dma semaphore(%arg24 : memref<!tpu.dma_semaphore, #tpu.memory_space<semaphore_mem>>) src(%dma_wait3A_309 : memref<10000x64xbf16, #tpu.memory_space<vmem_shared>>) dst(%arg10 : memref<128x64xbf16, #tpu.memory_space<vmem>>)
      %add3A_310 = arith.constant 1 : i32
      %add3A_311 = arith.addi %mul3A_285, %add3A_310 : i32
      %dma_start3A_312 = arith.constant 0 : i32
      %dma_start3A_313 = tpu.memref_slice %arg8[%add3A_311, %dma_start3A_312] : memref<160x128xi32, #tpu.memory_space<vmem>> -> memref<1x128xi32, #tpu.memory_space<vmem>>
      %dma_start3A_314 = tpu.memref_squeeze %dma_start3A_313 : memref<1x128xi32, #tpu.memory_space<vmem>> -> memref<128xi32, #tpu.memory_space<vmem>>
      %dma_start3A_315 = arith.constant 0 : i32
      %dma_start3A_316 = arith.constant 0 : i32
      %dma_start3A_317 = tpu.memref_slice %arg17[%dma_start3A_315, %dma_start3A_316] : memref<10240x64xbf16, #tpu.memory_space<vmem_shared>> -> memref<10240x64xbf16, #tpu.memory_space<vmem_shared>>
      tpu.enqueue_indirect_dma source(%arg10 : memref<128x64xbf16, #tpu.memory_space<vmem>>) target(%dma_start3A_317 : memref<10240x64xbf16, #tpu.memory_space<vmem_shared>>) offsets(%dma_start3A_314 : memref<128xi32, #tpu.memory_space<vmem>>) semaphore(%arg32 : memref<!tpu.dma_semaphore, #tpu.memory_space<semaphore_mem>>) {add = true}
      %add3A_318 = arith.constant 2 : i32
      %add3A_319 = arith.addi %mul3A_285, %add3A_318 : i32
      %dma_wait3A_320 = arith.constant 0 : i32
      %dma_wait3A_321 = tpu.memref_slice %arg7[%add3A_319, %dma_wait3A_320] : memref<160x128xi32, #tpu.memory_space<vmem>> -> memref<1x128xi32, #tpu.memory_space<vmem>>
      %dma_wait3A_322 = tpu.memref_squeeze %dma_wait3A_321 : memref<1x128xi32, #tpu.memory_space<vmem>> -> memref<128xi32, #tpu.memory_space<vmem>>
      %dma_wait3A_323 = arith.constant 0 : i32
      %dma_wait3A_324 = arith.constant 0 : i32
      %dma_wait3A_325 = tpu.memref_slice %arg18[%dma_wait3A_323, %dma_wait3A_324] : memref<10000x64xbf16, #tpu.memory_space<vmem_shared>> -> memref<10000x64xbf16, #tpu.memory_space<vmem_shared>>
      tpu.wait_indirect_dma semaphore(%arg25 : memref<!tpu.dma_semaphore, #tpu.memory_space<semaphore_mem>>) src(%dma_wait3A_325 : memref<10000x64xbf16, #tpu.memory_space<vmem_shared>>) dst(%arg11 : memref<128x64xbf16, #tpu.memory_space<vmem>>)
      %add3A_326 = arith.constant 2 : i32
      %add3A_327 = arith.addi %mul3A_285, %add3A_326 : i32
      %dma_start3A_328 = arith.constant 0 : i32
      %dma_start3A_329 = tpu.memref_slice %arg8[%add3A_327, %dma_start3A_328] : memref<160x128xi32, #tpu.memory_space<vmem>> -> memref<1x128xi32, #tpu.memory_space<vmem>>
      %dma_start3A_330 = tpu.memref_squeeze %dma_start3A_329 : memref<1x128xi32, #tpu.memory_space<vmem>> -> memref<128xi32, #tpu.memory_space<vmem>>
      %dma_start3A_331 = arith.constant 0 : i32
      %dma_start3A_332 = arith.constant 0 : i32
      %dma_start3A_333 = tpu.memref_slice %arg17[%dma_start3A_331, %dma_start3A_332] : memref<10240x64xbf16, #tpu.memory_space<vmem_shared>> -> memref<10240x64xbf16, #tpu.memory_space<vmem_shared>>
      tpu.enqueue_indirect_dma source(%arg11 : memref<128x64xbf16, #tpu.memory_space<vmem>>) target(%dma_start3A_333 : memref<10240x64xbf16, #tpu.memory_space<vmem_shared>>) offsets(%dma_start3A_330 : memref<128xi32, #tpu.memory_space<vmem>>) semaphore(%arg33 : memref<!tpu.dma_semaphore, #tpu.memory_space<semaphore_mem>>) {add = true}
      %add3A_334 = arith.constant 3 : i32
      %add3A_335 = arith.addi %mul3A_285, %add3A_334 : i32
      %dma_wait3A_336 = arith.constant 0 : i32
      %dma_wait3A_337 = tpu.memref_slice %arg7[%add3A_335, %dma_wait3A_336] : memref<160x128xi32, #tpu.memory_space<vmem>> -> memref<1x128xi32, #tpu.memory_space<vmem>>
      %dma_wait3A_338 = tpu.memref_squeeze %dma_wait3A_337 : memref<1x128xi32, #tpu.memory_space<vmem>> -> memref<128xi32, #tpu.memory_space<vmem>>
      %dma_wait3A_339 = arith.constant 0 : i32
      %dma_wait3A_340 = arith.constant 0 : i32
      %dma_wait3A_341 = tpu.memref_slice %arg18[%dma_wait3A_339, %dma_wait3A_340] : memref<10000x64xbf16, #tpu.memory_space<vmem_shared>> -> memref<10000x64xbf16, #tpu.memory_space<vmem_shared>>
      tpu.wait_indirect_dma semaphore(%arg26 : memref<!tpu.dma_semaphore, #tpu.memory_space<semaphore_mem>>) src(%dma_wait3A_341 : memref<10000x64xbf16, #tpu.memory_space<vmem_shared>>) dst(%arg12 : memref<128x64xbf16, #tpu.memory_space<vmem>>)
      %add3A_342 = arith.constant 3 : i32
      %add3A_343 = arith.addi %mul3A_285, %add3A_342 : i32
      %dma_start3A_344 = arith.constant 0 : i32
      %dma_start3A_345 = tpu.memref_slice %arg8[%add3A_343, %dma_start3A_344] : memref<160x128xi32, #tpu.memory_space<vmem>> -> memref<1x128xi32, #tpu.memory_space<vmem>>
      %dma_start3A_346 = tpu.memref_squeeze %dma_start3A_345 : memref<1x128xi32, #tpu.memory_space<vmem>> -> memref<128xi32, #tpu.memory_space<vmem>>
      %dma_start3A_347 = arith.constant 0 : i32
      %dma_start3A_348 = arith.constant 0 : i32
      %dma_start3A_349 = tpu.memref_slice %arg17[%dma_start3A_347, %dma_start3A_348] : memref<10240x64xbf16, #tpu.memory_space<vmem_shared>> -> memref<10240x64xbf16, #tpu.memory_space<vmem_shared>>
      tpu.enqueue_indirect_dma source(%arg12 : memref<128x64xbf16, #tpu.memory_space<vmem>>) target(%dma_start3A_349 : memref<10240x64xbf16, #tpu.memory_space<vmem_shared>>) offsets(%dma_start3A_346 : memref<128xi32, #tpu.memory_space<vmem>>) semaphore(%arg34 : memref<!tpu.dma_semaphore, #tpu.memory_space<semaphore_mem>>) {add = true}
      %add3A_350 = arith.constant 4 : i32
      %add3A_351 = arith.addi %mul3A_285, %add3A_350 : i32
      %dma_wait3A_352 = arith.constant 0 : i32
      %dma_wait3A_353 = tpu.memref_slice %arg7[%add3A_351, %dma_wait3A_352] : memref<160x128xi32, #tpu.memory_space<vmem>> -> memref<1x128xi32, #tpu.memory_space<vmem>>
      %dma_wait3A_354 = tpu.memref_squeeze %dma_wait3A_353 : memref<1x128xi32, #tpu.memory_space<vmem>> -> memref<128xi32, #tpu.memory_space<vmem>>
      %dma_wait3A_355 = arith.constant 0 : i32
      %dma_wait3A_356 = arith.constant 0 : i32
      %dma_wait3A_357 = tpu.memref_slice %arg18[%dma_wait3A_355, %dma_wait3A_356] : memref<10000x64xbf16, #tpu.memory_space<vmem_shared>> -> memref<10000x64xbf16, #tpu.memory_space<vmem_shared>>
      tpu.wait_indirect_dma semaphore(%arg27 : memref<!tpu.dma_semaphore, #tpu.memory_space<semaphore_mem>>) src(%dma_wait3A_357 : memref<10000x64xbf16, #tpu.memory_space<vmem_shared>>) dst(%arg13 : memref<128x64xbf16, #tpu.memory_space<vmem>>)
      %add3A_358 = arith.constant 4 : i32
      %add3A_359 = arith.addi %mul3A_285, %add3A_358 : i32
      %dma_start3A_360 = arith.constant 0 : i32
      %dma_start3A_361 = tpu.memref_slice %arg8[%add3A_359, %dma_start3A_360] : memref<160x128xi32, #tpu.memory_space<vmem>> -> memref<1x128xi32, #tpu.memory_space<vmem>>
      %dma_start3A_362 = tpu.memref_squeeze %dma_start3A_361 : memref<1x128xi32, #tpu.memory_space<vmem>> -> memref<128xi32, #tpu.memory_space<vmem>>
      %dma_start3A_363 = arith.constant 0 : i32
      %dma_start3A_364 = arith.constant 0 : i32
      %dma_start3A_365 = tpu.memref_slice %arg17[%dma_start3A_363, %dma_start3A_364] : memref<10240x64xbf16, #tpu.memory_space<vmem_shared>> -> memref<10240x64xbf16, #tpu.memory_space<vmem_shared>>
      tpu.enqueue_indirect_dma source(%arg13 : memref<128x64xbf16, #tpu.memory_space<vmem>>) target(%dma_start3A_365 : memref<10240x64xbf16, #tpu.memory_space<vmem_shared>>) offsets(%dma_start3A_362 : memref<128xi32, #tpu.memory_space<vmem>>) semaphore(%arg35 : memref<!tpu.dma_semaphore, #tpu.memory_space<semaphore_mem>>) {add = true}
      %add3A_366 = arith.constant 5 : i32
      %add3A_367 = arith.addi %mul3A_285, %add3A_366 : i32
      %dma_wait3A_368 = arith.constant 0 : i32
      %dma_wait3A_369 = tpu.memref_slice %arg7[%add3A_367, %dma_wait3A_368] : memref<160x128xi32, #tpu.memory_space<vmem>> -> memref<1x128xi32, #tpu.memory_space<vmem>>
      %dma_wait3A_370 = tpu.memref_squeeze %dma_wait3A_369 : memref<1x128xi32, #tpu.memory_space<vmem>> -> memref<128xi32, #tpu.memory_space<vmem>>
      %dma_wait3A_371 = arith.constant 0 : i32
      %dma_wait3A_372 = arith.constant 0 : i32
      %dma_wait3A_373 = tpu.memref_slice %arg18[%dma_wait3A_371, %dma_wait3A_372] : memref<10000x64xbf16, #tpu.memory_space<vmem_shared>> -> memref<10000x64xbf16, #tpu.memory_space<vmem_shared>>
      tpu.wait_indirect_dma semaphore(%arg28 : memref<!tpu.dma_semaphore, #tpu.memory_space<semaphore_mem>>) src(%dma_wait3A_373 : memref<10000x64xbf16, #tpu.memory_space<vmem_shared>>) dst(%arg14 : memref<128x64xbf16, #tpu.memory_space<vmem>>)
      %add3A_374 = arith.constant 5 : i32
      %add3A_375 = arith.addi %mul3A_285, %add3A_374 : i32
      %dma_start3A_376 = arith.constant 0 : i32
      %dma_start3A_377 = tpu.memref_slice %arg8[%add3A_375, %dma_start3A_376] : memref<160x128xi32, #tpu.memory_space<vmem>> -> memref<1x128xi32, #tpu.memory_space<vmem>>
      %dma_start3A_378 = tpu.memref_squeeze %dma_start3A_377 : memref<1x128xi32, #tpu.memory_space<vmem>> -> memref<128xi32, #tpu.memory_space<vmem>>
      %dma_start3A_379 = arith.constant 0 : i32
      %dma_start3A_380 = arith.constant 0 : i32
      %dma_start3A_381 = tpu.memref_slice %arg17[%dma_start3A_379, %dma_start3A_380] : memref<10240x64xbf16, #tpu.memory_space<vmem_shared>> -> memref<10240x64xbf16, #tpu.memory_space<vmem_shared>>
      tpu.enqueue_indirect_dma source(%arg14 : memref<128x64xbf16, #tpu.memory_space<vmem>>) target(%dma_start3A_381 : memref<10240x64xbf16, #tpu.memory_space<vmem_shared>>) offsets(%dma_start3A_378 : memref<128xi32, #tpu.memory_space<vmem>>) semaphore(%arg36 : memref<!tpu.dma_semaphore, #tpu.memory_space<semaphore_mem>>) {add = true}
      %add3A_382 = arith.constant 6 : i32
      %add3A_383 = arith.addi %mul3A_285, %add3A_382 : i32
      %dma_wait3A_384 = arith.constant 0 : i32
      %dma_wait3A_385 = tpu.memref_slice %arg7[%add3A_383, %dma_wait3A_384] : memref<160x128xi32, #tpu.memory_space<vmem>> -> memref<1x128xi32, #tpu.memory_space<vmem>>
      %dma_wait3A_386 = tpu.memref_squeeze %dma_wait3A_385 : memref<1x128xi32, #tpu.memory_space<vmem>> -> memref<128xi32, #tpu.memory_space<vmem>>
      %dma_wait3A_387 = arith.constant 0 : i32
      %dma_wait3A_388 = arith.constant 0 : i32
      %dma_wait3A_389 = tpu.memref_slice %arg18[%dma_wait3A_387, %dma_wait3A_388] : memref<10000x64xbf16, #tpu.memory_space<vmem_shared>> -> memref<10000x64xbf16, #tpu.memory_space<vmem_shared>>
      tpu.wait_indirect_dma semaphore(%arg29 : memref<!tpu.dma_semaphore, #tpu.memory_space<semaphore_mem>>) src(%dma_wait3A_389 : memref<10000x64xbf16, #tpu.memory_space<vmem_shared>>) dst(%arg15 : memref<128x64xbf16, #tpu.memory_space<vmem>>)
      %add3A_390 = arith.constant 6 : i32
      %add3A_391 = arith.addi %mul3A_285, %add3A_390 : i32
      %dma_start3A_392 = arith.constant 0 : i32
      %dma_start3A_393 = tpu.memref_slice %arg8[%add3A_391, %dma_start3A_392] : memref<160x128xi32, #tpu.memory_space<vmem>> -> memref<1x128xi32, #tpu.memory_space<vmem>>
      %dma_start3A_394 = tpu.memref_squeeze %dma_start3A_393 : memref<1x128xi32, #tpu.memory_space<vmem>> -> memref<128xi32, #tpu.memory_space<vmem>>
      %dma_start3A_395 = arith.constant 0 : i32
      %dma_start3A_396 = arith.constant 0 : i32
      %dma_start3A_397 = tpu.memref_slice %arg17[%dma_start3A_395, %dma_start3A_396] : memref<10240x64xbf16, #tpu.memory_space<vmem_shared>> -> memref<10240x64xbf16, #tpu.memory_space<vmem_shared>>
      tpu.enqueue_indirect_dma source(%arg15 : memref<128x64xbf16, #tpu.memory_space<vmem>>) target(%dma_start3A_397 : memref<10240x64xbf16, #tpu.memory_space<vmem_shared>>) offsets(%dma_start3A_394 : memref<128xi32, #tpu.memory_space<vmem>>) semaphore(%arg37 : memref<!tpu.dma_semaphore, #tpu.memory_space<semaphore_mem>>) {add = true}
      %add3A_398 = arith.constant 7 : i32
      %add3A_399 = arith.addi %mul3A_285, %add3A_398 : i32
      %dma_wait3A_400 = arith.constant 0 : i32
      %dma_wait3A_401 = tpu.memref_slice %arg7[%add3A_399, %dma_wait3A_400] : memref<160x128xi32, #tpu.memory_space<vmem>> -> memref<1x128xi32, #tpu.memory_space<vmem>>
      %dma_wait3A_402 = tpu.memref_squeeze %dma_wait3A_401 : memref<1x128xi32, #tpu.memory_space<vmem>> -> memref<128xi32, #tpu.memory_space<vmem>>
      %dma_wait3A_403 = arith.constant 0 : i32
      %dma_wait3A_404 = arith.constant 0 : i32
      %dma_wait3A_405 = tpu.memref_slice %arg18[%dma_wait3A_403, %dma_wait3A_404] : memref<10000x64xbf16, #tpu.memory_space<vmem_shared>> -> memref<10000x64xbf16, #tpu.memory_space<vmem_shared>>
      tpu.wait_indirect_dma semaphore(%arg30 : memref<!tpu.dma_semaphore, #tpu.memory_space<semaphore_mem>>) src(%dma_wait3A_405 : memref<10000x64xbf16, #tpu.memory_space<vmem_shared>>) dst(%arg16 : memref<128x64xbf16, #tpu.memory_space<vmem>>)
      %add3A_406 = arith.constant 7 : i32
      %add3A_407 = arith.addi %mul3A_285, %add3A_406 : i32
      %dma_start3A_408 = arith.constant 0 : i32
      %dma_start3A_409 = tpu.memref_slice %arg8[%add3A_407, %dma_start3A_408] : memref<160x128xi32, #tpu.memory_space<vmem>> -> memref<1x128xi32, #tpu.memory_space<vmem>>
      %dma_start3A_410 = tpu.memref_squeeze %dma_start3A_409 : memref<1x128xi32, #tpu.memory_space<vmem>> -> memref<128xi32, #tpu.memory_space<vmem>>
      %dma_start3A_411 = arith.constant 0 : i32
      %dma_start3A_412 = arith.constant 0 : i32
      %dma_start3A_413 = tpu.memref_slice %arg17[%dma_start3A_411, %dma_start3A_412] : memref<10240x64xbf16, #tpu.memory_space<vmem_shared>> -> memref<10240x64xbf16, #tpu.memory_space<vmem_shared>>
      tpu.enqueue_indirect_dma source(%arg16 : memref<128x64xbf16, #tpu.memory_space<vmem>>) target(%dma_start3A_413 : memref<10240x64xbf16, #tpu.memory_space<vmem_shared>>) offsets(%dma_start3A_410 : memref<128xi32, #tpu.memory_space<vmem>>) semaphore(%arg38 : memref<!tpu.dma_semaphore, #tpu.memory_space<semaphore_mem>>) {add = true}
      %add3A_414 = arith.constant 0 : i32
      %add3A_415 = arith.addi %mul3A_285, %add3A_414 : i32
      %dma_wait3A_416 = arith.constant 0 : i32
      %dma_wait3A_417 = tpu.memref_slice %arg8[%add3A_415, %dma_wait3A_416] : memref<160x128xi32, #tpu.memory_space<vmem>> -> memref<1x128xi32, #tpu.memory_space<vmem>>
      %dma_wait3A_418 = tpu.memref_squeeze %dma_wait3A_417 : memref<1x128xi32, #tpu.memory_space<vmem>> -> memref<128xi32, #tpu.memory_space<vmem>>
      %dma_wait3A_419 = arith.constant 0 : i32
      %dma_wait3A_420 = arith.constant 0 : i32
      %dma_wait3A_421 = tpu.memref_slice %arg17[%dma_wait3A_419, %dma_wait3A_420] : memref<10240x64xbf16, #tpu.memory_space<vmem_shared>> -> memref<10240x64xbf16, #tpu.memory_space<vmem_shared>>
      tpu.wait_indirect_dma semaphore(%arg31 : memref<!tpu.dma_semaphore, #tpu.memory_space<semaphore_mem>>) src(%arg9 : memref<128x64xbf16, #tpu.memory_space<vmem>>) dst(%dma_wait3A_421 : memref<10240x64xbf16, #tpu.memory_space<vmem_shared>>)
      %add3A_422 = arith.constant 8 : i32
      %add3A_423 = arith.addi %mul3A_285, %add3A_422 : i32
      %add3A_424 = arith.constant 0 : i32
      %add3A_425 = arith.addi %add3A_423, %add3A_424 : i32
      %dma_start3A_426 = arith.constant 0 : i32
      %dma_start3A_427 = tpu.memref_slice %arg7[%add3A_425, %dma_start3A_426] : memref<160x128xi32, #tpu.memory_space<vmem>> -> memref<1x128xi32, #tpu.memory_space<vmem>>
      %dma_start3A_428 = tpu.memref_squeeze %dma_start3A_427 : memref<1x128xi32, #tpu.memory_space<vmem>> -> memref<128xi32, #tpu.memory_space<vmem>>
      %dma_start3A_429 = arith.constant 0 : i32
      %dma_start3A_430 = arith.constant 0 : i32
      %dma_start3A_431 = tpu.memref_slice %arg18[%dma_start3A_429, %dma_start3A_430] : memref<10000x64xbf16, #tpu.memory_space<vmem_shared>> -> memref<10000x64xbf16, #tpu.memory_space<vmem_shared>>
      tpu.enqueue_indirect_dma source(%dma_start3A_431 : memref<10000x64xbf16, #tpu.memory_space<vmem_shared>>) target(%arg9 : memref<128x64xbf16, #tpu.memory_space<vmem>>) offsets(%dma_start3A_428 : memref<128xi32, #tpu.memory_space<vmem>>) semaphore(%arg23 : memref<!tpu.dma_semaphore, #tpu.memory_space<semaphore_mem>>)
      %add3A_432 = arith.constant 1 : i32
      %add3A_433 = arith.addi %mul3A_285, %add3A_432 : i32
      %dma_wait3A_434 = arith.constant 0 : i32
      %dma_wait3A_435 = tpu.memref_slice %arg8[%add3A_433, %dma_wait3A_434] : memref<160x128xi32, #tpu.memory_space<vmem>> -> memref<1x128xi32, #tpu.memory_space<vmem>>
      %dma_wait3A_436 = tpu.memref_squeeze %dma_wait3A_435 : memref<1x128xi32, #tpu.memory_space<vmem>> -> memref<128xi32, #tpu.memory_space<vmem>>
      %dma_wait3A_437 = arith.constant 0 : i32
      %dma_wait3A_438 = arith.constant 0 : i32
      %dma_wait3A_439 = tpu.memref_slice %arg17[%dma_wait3A_437, %dma_wait3A_438] : memref<10240x64xbf16, #tpu.memory_space<vmem_shared>> -> memref<10240x64xbf16, #tpu.memory_space<vmem_shared>>
      tpu.wait_indirect_dma semaphore(%arg32 : memref<!tpu.dma_semaphore, #tpu.memory_space<semaphore_mem>>) src(%arg10 : memref<128x64xbf16, #tpu.memory_space<vmem>>) dst(%dma_wait3A_439 : memref<10240x64xbf16, #tpu.memory_space<vmem_shared>>)
      %add3A_440 = arith.constant 8 : i32
      %add3A_441 = arith.addi %mul3A_285, %add3A_440 : i32
      %add3A_442 = arith.constant 1 : i32
      %add3A_443 = arith.addi %add3A_441, %add3A_442 : i32
      %dma_start3A_444 = arith.constant 0 : i32
      %dma_start3A_445 = tpu.memref_slice %arg7[%add3A_443, %dma_start3A_444] : memref<160x128xi32, #tpu.memory_space<vmem>> -> memref<1x128xi32, #tpu.memory_space<vmem>>
      %dma_start3A_446 = tpu.memref_squeeze %dma_start3A_445 : memref<1x128xi32, #tpu.memory_space<vmem>> -> memref<128xi32, #tpu.memory_space<vmem>>
      %dma_start3A_447 = arith.constant 0 : i32
      %dma_start3A_448 = arith.constant 0 : i32
      %dma_start3A_449 = tpu.memref_slice %arg18[%dma_start3A_447, %dma_start3A_448] : memref<10000x64xbf16, #tpu.memory_space<vmem_shared>> -> memref<10000x64xbf16, #tpu.memory_space<vmem_shared>>
      tpu.enqueue_indirect_dma source(%dma_start3A_449 : memref<10000x64xbf16, #tpu.memory_space<vmem_shared>>) target(%arg10 : memref<128x64xbf16, #tpu.memory_space<vmem>>) offsets(%dma_start3A_446 : memref<128xi32, #tpu.memory_space<vmem>>) semaphore(%arg24 : memref<!tpu.dma_semaphore, #tpu.memory_space<semaphore_mem>>)
      %add3A_450 = arith.constant 2 : i32
      %add3A_451 = arith.addi %mul3A_285, %add3A_450 : i32
      %dma_wait3A_452 = arith.constant 0 : i32
      %dma_wait3A_453 = tpu.memref_slice %arg8[%add3A_451, %dma_wait3A_452] : memref<160x128xi32, #tpu.memory_space<vmem>> -> memref<1x128xi32, #tpu.memory_space<vmem>>
      %dma_wait3A_454 = tpu.memref_squeeze %dma_wait3A_453 : memref<1x128xi32, #tpu.memory_space<vmem>> -> memref<128xi32, #tpu.memory_space<vmem>>
      %dma_wait3A_455 = arith.constant 0 : i32
      %dma_wait3A_456 = arith.constant 0 : i32
      %dma_wait3A_457 = tpu.memref_slice %arg17[%dma_wait3A_455, %dma_wait3A_456] : memref<10240x64xbf16, #tpu.memory_space<vmem_shared>> -> memref<10240x64xbf16, #tpu.memory_space<vmem_shared>>
      tpu.wait_indirect_dma semaphore(%arg33 : memref<!tpu.dma_semaphore, #tpu.memory_space<semaphore_mem>>) src(%arg11 : memref<128x64xbf16, #tpu.memory_space<vmem>>) dst(%dma_wait3A_457 : memref<10240x64xbf16, #tpu.memory_space<vmem_shared>>)
      %add3A_458 = arith.constant 8 : i32
      %add3A_459 = arith.addi %mul3A_285, %add3A_458 : i32
      %add3A_460 = arith.constant 2 : i32
      %add3A_461 = arith.addi %add3A_459, %add3A_460 : i32
      %dma_start3A_462 = arith.constant 0 : i32
      %dma_start3A_463 = tpu.memref_slice %arg7[%add3A_461, %dma_start3A_462] : memref<160x128xi32, #tpu.memory_space<vmem>> -> memref<1x128xi32, #tpu.memory_space<vmem>>
      %dma_start3A_464 = tpu.memref_squeeze %dma_start3A_463 : memref<1x128xi32, #tpu.memory_space<vmem>> -> memref<128xi32, #tpu.memory_space<vmem>>
      %dma_start3A_465 = arith.constant 0 : i32
      %dma_start3A_466 = arith.constant 0 : i32
      %dma_start3A_467 = tpu.memref_slice %arg18[%dma_start3A_465, %dma_start3A_466] : memref<10000x64xbf16, #tpu.memory_space<vmem_shared>> -> memref<10000x64xbf16, #tpu.memory_space<vmem_shared>>
      tpu.enqueue_indirect_dma source(%dma_start3A_467 : memref<10000x64xbf16, #tpu.memory_space<vmem_shared>>) target(%arg11 : memref<128x64xbf16, #tpu.memory_space<vmem>>) offsets(%dma_start3A_464 : memref<128xi32, #tpu.memory_space<vmem>>) semaphore(%arg25 : memref<!tpu.dma_semaphore, #tpu.memory_space<semaphore_mem>>)
      %add3A_468 = arith.constant 3 : i32
      %add3A_469 = arith.addi %mul3A_285, %add3A_468 : i32
      %dma_wait3A_470 = arith.constant 0 : i32
      %dma_wait3A_471 = tpu.memref_slice %arg8[%add3A_469, %dma_wait3A_470] : memref<160x128xi32, #tpu.memory_space<vmem>> -> memref<1x128xi32, #tpu.memory_space<vmem>>
      %dma_wait3A_472 = tpu.memref_squeeze %dma_wait3A_471 : memref<1x128xi32, #tpu.memory_space<vmem>> -> memref<128xi32, #tpu.memory_space<vmem>>
      %dma_wait3A_473 = arith.constant 0 : i32
      %dma_wait3A_474 = arith.constant 0 : i32
      %dma_wait3A_475 = tpu.memref_slice %arg17[%dma_wait3A_473, %dma_wait3A_474] : memref<10240x64xbf16, #tpu.memory_space<vmem_shared>> -> memref<10240x64xbf16, #tpu.memory_space<vmem_shared>>
      tpu.wait_indirect_dma semaphore(%arg34 : memref<!tpu.dma_semaphore, #tpu.memory_space<semaphore_mem>>) src(%arg12 : memref<128x64xbf16, #tpu.memory_space<vmem>>) dst(%dma_wait3A_475 : memref<10240x64xbf16, #tpu.memory_space<vmem_shared>>)
      %add3A_476 = arith.constant 8 : i32
      %add3A_477 = arith.addi %mul3A_285, %add3A_476 : i32
      %add3A_478 = arith.constant 3 : i32
      %add3A_479 = arith.addi %add3A_477, %add3A_478 : i32
      %dma_start3A_480 = arith.constant 0 : i32
      %dma_start3A_481 = tpu.memref_slice %arg7[%add3A_479, %dma_start3A_480] : memref<160x128xi32, #tpu.memory_space<vmem>> -> memref<1x128xi32, #tpu.memory_space<vmem>>
      %dma_start3A_482 = tpu.memref_squeeze %dma_start3A_481 : memref<1x128xi32, #tpu.memory_space<vmem>> -> memref<128xi32, #tpu.memory_space<vmem>>
      %dma_start3A_483 = arith.constant 0 : i32
      %dma_start3A_484 = arith.constant 0 : i32
      %dma_start3A_485 = tpu.memref_slice %arg18[%dma_start3A_483, %dma_start3A_484] : memref<10000x64xbf16, #tpu.memory_space<vmem_shared>> -> memref<10000x64xbf16, #tpu.memory_space<vmem_shared>>
      tpu.enqueue_indirect_dma source(%dma_start3A_485 : memref<10000x64xbf16, #tpu.memory_space<vmem_shared>>) target(%arg12 : memref<128x64xbf16, #tpu.memory_space<vmem>>) offsets(%dma_start3A_482 : memref<128xi32, #tpu.memory_space<vmem>>) semaphore(%arg26 : memref<!tpu.dma_semaphore, #tpu.memory_space<semaphore_mem>>)
      %add3A_486 = arith.constant 4 : i32
      %add3A_487 = arith.addi %mul3A_285, %add3A_486 : i32
      %dma_wait3A_488 = arith.constant 0 : i32
      %dma_wait3A_489 = tpu.memref_slice %arg8[%add3A_487, %dma_wait3A_488] : memref<160x128xi32, #tpu.memory_space<vmem>> -> memref<1x128xi32, #tpu.memory_space<vmem>>
      %dma_wait3A_490 = tpu.memref_squeeze %dma_wait3A_489 : memref<1x128xi32, #tpu.memory_space<vmem>> -> memref<128xi32, #tpu.memory_space<vmem>>
      %dma_wait3A_491 = arith.constant 0 : i32
      %dma_wait3A_492 = arith.constant 0 : i32
      %dma_wait3A_493 = tpu.memref_slice %arg17[%dma_wait3A_491, %dma_wait3A_492] : memref<10240x64xbf16, #tpu.memory_space<vmem_shared>> -> memref<10240x64xbf16, #tpu.memory_space<vmem_shared>>
      tpu.wait_indirect_dma semaphore(%arg35 : memref<!tpu.dma_semaphore, #tpu.memory_space<semaphore_mem>>) src(%arg13 : memref<128x64xbf16, #tpu.memory_space<vmem>>) dst(%dma_wait3A_493 : memref<10240x64xbf16, #tpu.memory_space<vmem_shared>>)
      %add3A_494 = arith.constant 8 : i32
      %add3A_495 = arith.addi %mul3A_285, %add3A_494 : i32
      %add3A_496 = arith.constant 4 : i32
      %add3A_497 = arith.addi %add3A_495, %add3A_496 : i32
      %dma_start3A_498 = arith.constant 0 : i32
      %dma_start3A_499 = tpu.memref_slice %arg7[%add3A_497, %dma_start3A_498] : memref<160x128xi32, #tpu.memory_space<vmem>> -> memref<1x128xi32, #tpu.memory_space<vmem>>
      %dma_start3A_500 = tpu.memref_squeeze %dma_start3A_499 : memref<1x128xi32, #tpu.memory_space<vmem>> -> memref<128xi32, #tpu.memory_space<vmem>>
      %dma_start3A_501 = arith.constant 0 : i32
      %dma_start3A_502 = arith.constant 0 : i32
      %dma_start3A_503 = tpu.memref_slice %arg18[%dma_start3A_501, %dma_start3A_502] : memref<10000x64xbf16, #tpu.memory_space<vmem_shared>> -> memref<10000x64xbf16, #tpu.memory_space<vmem_shared>>
      tpu.enqueue_indirect_dma source(%dma_start3A_503 : memref<10000x64xbf16, #tpu.memory_space<vmem_shared>>) target(%arg13 : memref<128x64xbf16, #tpu.memory_space<vmem>>) offsets(%dma_start3A_500 : memref<128xi32, #tpu.memory_space<vmem>>) semaphore(%arg27 : memref<!tpu.dma_semaphore, #tpu.memory_space<semaphore_mem>>)
      %add3A_504 = arith.constant 5 : i32
      %add3A_505 = arith.addi %mul3A_285, %add3A_504 : i32
      %dma_wait3A_506 = arith.constant 0 : i32
      %dma_wait3A_507 = tpu.memref_slice %arg8[%add3A_505, %dma_wait3A_506] : memref<160x128xi32, #tpu.memory_space<vmem>> -> memref<1x128xi32, #tpu.memory_space<vmem>>
      %dma_wait3A_508 = tpu.memref_squeeze %dma_wait3A_507 : memref<1x128xi32, #tpu.memory_space<vmem>> -> memref<128xi32, #tpu.memory_space<vmem>>
      %dma_wait3A_509 = arith.constant 0 : i32
      %dma_wait3A_510 = arith.constant 0 : i32
      %dma_wait3A_511 = tpu.memref_slice %arg17[%dma_wait3A_509, %dma_wait3A_510] : memref<10240x64xbf16, #tpu.memory_space<vmem_shared>> -> memref<10240x64xbf16, #tpu.memory_space<vmem_shared>>
      tpu.wait_indirect_dma semaphore(%arg36 : memref<!tpu.dma_semaphore, #tpu.memory_space<semaphore_mem>>) src(%arg14 : memref<128x64xbf16, #tpu.memory_space<vmem>>) dst(%dma_wait3A_511 : memref<10240x64xbf16, #tpu.memory_space<vmem_shared>>)
      %add3A_512 = arith.constant 8 : i32
      %add3A_513 = arith.addi %mul3A_285, %add3A_512 : i32
      %add3A_514 = arith.constant 5 : i32
      %add3A_515 = arith.addi %add3A_513, %add3A_514 : i32
      %dma_start3A_516 = arith.constant 0 : i32
      %dma_start3A_517 = tpu.memref_slice %arg7[%add3A_515, %dma_start3A_516] : memref<160x128xi32, #tpu.memory_space<vmem>> -> memref<1x128xi32, #tpu.memory_space<vmem>>
      %dma_start3A_518 = tpu.memref_squeeze %dma_start3A_517 : memref<1x128xi32, #tpu.memory_space<vmem>> -> memref<128xi32, #tpu.memory_space<vmem>>
      %dma_start3A_519 = arith.constant 0 : i32
      %dma_start3A_520 = arith.constant 0 : i32
      %dma_start3A_521 = tpu.memref_slice %arg18[%dma_start3A_519, %dma_start3A_520] : memref<10000x64xbf16, #tpu.memory_space<vmem_shared>> -> memref<10000x64xbf16, #tpu.memory_space<vmem_shared>>
      tpu.enqueue_indirect_dma source(%dma_start3A_521 : memref<10000x64xbf16, #tpu.memory_space<vmem_shared>>) target(%arg14 : memref<128x64xbf16, #tpu.memory_space<vmem>>) offsets(%dma_start3A_518 : memref<128xi32, #tpu.memory_space<vmem>>) semaphore(%arg28 : memref<!tpu.dma_semaphore, #tpu.memory_space<semaphore_mem>>)
      %add3A_522 = arith.constant 6 : i32
      %add3A_523 = arith.addi %mul3A_285, %add3A_522 : i32
      %dma_wait3A_524 = arith.constant 0 : i32
      %dma_wait3A_525 = tpu.memref_slice %arg8[%add3A_523, %dma_wait3A_524] : memref<160x128xi32, #tpu.memory_space<vmem>> -> memref<1x128xi32, #tpu.memory_space<vmem>>
      %dma_wait3A_526 = tpu.memref_squeeze %dma_wait3A_525 : memref<1x128xi32, #tpu.memory_space<vmem>> -> memref<128xi32, #tpu.memory_space<vmem>>
      %dma_wait3A_527 = arith.constant 0 : i32
      %dma_wait3A_528 = arith.constant 0 : i32
      %dma_wait3A_529 = tpu.memref_slice %arg17[%dma_wait3A_527, %dma_wait3A_528] : memref<10240x64xbf16, #tpu.memory_space<vmem_shared>> -> memref<10240x64xbf16, #tpu.memory_space<vmem_shared>>
      tpu.wait_indirect_dma semaphore(%arg37 : memref<!tpu.dma_semaphore, #tpu.memory_space<semaphore_mem>>) src(%arg15 : memref<128x64xbf16, #tpu.memory_space<vmem>>) dst(%dma_wait3A_529 : memref<10240x64xbf16, #tpu.memory_space<vmem_shared>>)
      %add3A_530 = arith.constant 8 : i32
      %add3A_531 = arith.addi %mul3A_285, %add3A_530 : i32
      %add3A_532 = arith.constant 6 : i32
      %add3A_533 = arith.addi %add3A_531, %add3A_532 : i32
      %dma_start3A_534 = arith.constant 0 : i32
      %dma_start3A_535 = tpu.memref_slice %arg7[%add3A_533, %dma_start3A_534] : memref<160x128xi32, #tpu.memory_space<vmem>> -> memref<1x128xi32, #tpu.memory_space<vmem>>
      %dma_start3A_536 = tpu.memref_squeeze %dma_start3A_535 : memref<1x128xi32, #tpu.memory_space<vmem>> -> memref<128xi32, #tpu.memory_space<vmem>>
      %dma_start3A_537 = arith.constant 0 : i32
      %dma_start3A_538 = arith.constant 0 : i32
      %dma_start3A_539 = tpu.memref_slice %arg18[%dma_start3A_537, %dma_start3A_538] : memref<10000x64xbf16, #tpu.memory_space<vmem_shared>> -> memref<10000x64xbf16, #tpu.memory_space<vmem_shared>>
      tpu.enqueue_indirect_dma source(%dma_start3A_539 : memref<10000x64xbf16, #tpu.memory_space<vmem_shared>>) target(%arg15 : memref<128x64xbf16, #tpu.memory_space<vmem>>) offsets(%dma_start3A_536 : memref<128xi32, #tpu.memory_space<vmem>>) semaphore(%arg29 : memref<!tpu.dma_semaphore, #tpu.memory_space<semaphore_mem>>)
      %add3A_540 = arith.constant 7 : i32
      %add3A_541 = arith.addi %mul3A_285, %add3A_540 : i32
      %dma_wait3A_542 = arith.constant 0 : i32
      %dma_wait3A_543 = tpu.memref_slice %arg8[%add3A_541, %dma_wait3A_542] : memref<160x128xi32, #tpu.memory_space<vmem>> -> memref<1x128xi32, #tpu.memory_space<vmem>>
      %dma_wait3A_544 = tpu.memref_squeeze %dma_wait3A_543 : memref<1x128xi32, #tpu.memory_space<vmem>> -> memref<128xi32, #tpu.memory_space<vmem>>
      %dma_wait3A_545 = arith.constant 0 : i32
      %dma_wait3A_546 = arith.constant 0 : i32
      %dma_wait3A_547 = tpu.memref_slice %arg17[%dma_wait3A_545, %dma_wait3A_546] : memref<10240x64xbf16, #tpu.memory_space<vmem_shared>> -> memref<10240x64xbf16, #tpu.memory_space<vmem_shared>>
      tpu.wait_indirect_dma semaphore(%arg38 : memref<!tpu.dma_semaphore, #tpu.memory_space<semaphore_mem>>) src(%arg16 : memref<128x64xbf16, #tpu.memory_space<vmem>>) dst(%dma_wait3A_547 : memref<10240x64xbf16, #tpu.memory_space<vmem_shared>>)
      %add3A_548 = arith.constant 8 : i32
      %add3A_549 = arith.addi %mul3A_285, %add3A_548 : i32
      %add3A_550 = arith.constant 7 : i32
      %add3A_551 = arith.addi %add3A_549, %add3A_550 : i32
      %dma_start3A_552 = arith.constant 0 : i32
      %dma_start3A_553 = tpu.memref_slice %arg7[%add3A_551, %dma_start3A_552] : memref<160x128xi32, #tpu.memory_space<vmem>> -> memref<1x128xi32, #tpu.memory_space<vmem>>
      %dma_start3A_554 = tpu.memref_squeeze %dma_start3A_553 : memref<1x128xi32, #tpu.memory_space<vmem>> -> memref<128xi32, #tpu.memory_space<vmem>>
      %dma_start3A_555 = arith.constant 0 : i32
      %dma_start3A_556 = arith.constant 0 : i32
      %dma_start3A_557 = tpu.memref_slice %arg18[%dma_start3A_555, %dma_start3A_556] : memref<10000x64xbf16, #tpu.memory_space<vmem_shared>> -> memref<10000x64xbf16, #tpu.memory_space<vmem_shared>>
      tpu.enqueue_indirect_dma source(%dma_start3A_557 : memref<10000x64xbf16, #tpu.memory_space<vmem_shared>>) target(%arg16 : memref<128x64xbf16, #tpu.memory_space<vmem>>) offsets(%dma_start3A_554 : memref<128xi32, #tpu.memory_space<vmem>>) semaphore(%arg30 : memref<!tpu.dma_semaphore, #tpu.memory_space<semaphore_mem>>)
    }
    %scan3A_113 = arith.constant 19 : i32
    %dma_wait3A_114 = arith.constant 152 : i32
    %dma_wait3A_115 = arith.constant 0 : i32
    %dma_wait3A_116 = tpu.memref_slice %arg7[%dma_wait3A_114, %dma_wait3A_115] : memref<160x128xi32, #tpu.memory_space<vmem>> -> memref<1x128xi32, #tpu.memory_space<vmem>>
    %dma_wait3A_117 = tpu.memref_squeeze %dma_wait3A_116 : memref<1x128xi32, #tpu.memory_space<vmem>> -> memref<128xi32, #tpu.memory_space<vmem>>
    %dma_wait3A_118 = arith.constant 0 : i32
    %dma_wait3A_119 = arith.constant 0 : i32
    %dma_wait3A_120 = tpu.memref_slice %arg18[%dma_wait3A_118, %dma_wait3A_119] : memref<10000x64xbf16, #tpu.memory_space<vmem_shared>> -> memref<10000x64xbf16, #tpu.memory_space<vmem_shared>>
    tpu.wait_indirect_dma semaphore(%arg23 : memref<!tpu.dma_semaphore, #tpu.memory_space<semaphore_mem>>) src(%dma_wait3A_120 : memref<10000x64xbf16, #tpu.memory_space<vmem_shared>>) dst(%arg9 : memref<128x64xbf16, #tpu.memory_space<vmem>>)
    %dma_start3A_121 = arith.constant 152 : i32
    %dma_start3A_122 = arith.constant 0 : i32
    %dma_start3A_123 = tpu.memref_slice %arg8[%dma_start3A_121, %dma_start3A_122] : memref<160x128xi32, #tpu.memory_space<vmem>> -> memref<1x128xi32, #tpu.memory_space<vmem>>
    %dma_start3A_124 = tpu.memref_squeeze %dma_start3A_123 : memref<1x128xi32, #tpu.memory_space<vmem>> -> memref<128xi32, #tpu.memory_space<vmem>>
    %dma_start3A_125 = arith.constant 0 : i32
    %dma_start3A_126 = arith.constant 0 : i32
    %dma_start3A_127 = tpu.memref_slice %arg17[%dma_start3A_125, %dma_start3A_126] : memref<10240x64xbf16, #tpu.memory_space<vmem_shared>> -> memref<10240x64xbf16, #tpu.memory_space<vmem_shared>>
    tpu.enqueue_indirect_dma source(%arg9 : memref<128x64xbf16, #tpu.memory_space<vmem>>) target(%dma_start3A_127 : memref<10240x64xbf16, #tpu.memory_space<vmem_shared>>) offsets(%dma_start3A_124 : memref<128xi32, #tpu.memory_space<vmem>>) semaphore(%arg31 : memref<!tpu.dma_semaphore, #tpu.memory_space<semaphore_mem>>) {add = true}
    %dma_wait3A_128 = arith.constant 153 : i32
    %dma_wait3A_129 = arith.constant 0 : i32
    %dma_wait3A_130 = tpu.memref_slice %arg7[%dma_wait3A_128, %dma_wait3A_129] : memref<160x128xi32, #tpu.memory_space<vmem>> -> memref<1x128xi32, #tpu.memory_space<vmem>>
    %dma_wait3A_131 = tpu.memref_squeeze %dma_wait3A_130 : memref<1x128xi32, #tpu.memory_space<vmem>> -> memref<128xi32, #tpu.memory_space<vmem>>
    %dma_wait3A_132 = arith.constant 0 : i32
    %dma_wait3A_133 = arith.constant 0 : i32
    %dma_wait3A_134 = tpu.memref_slice %arg18[%dma_wait3A_132, %dma_wait3A_133] : memref<10000x64xbf16, #tpu.memory_space<vmem_shared>> -> memref<10000x64xbf16, #tpu.memory_space<vmem_shared>>
    tpu.wait_indirect_dma semaphore(%arg24 : memref<!tpu.dma_semaphore, #tpu.memory_space<semaphore_mem>>) src(%dma_wait3A_134 : memref<10000x64xbf16, #tpu.memory_space<vmem_shared>>) dst(%arg10 : memref<128x64xbf16, #tpu.memory_space<vmem>>)
    %dma_start3A_135 = arith.constant 153 : i32
    %dma_start3A_136 = arith.constant 0 : i32
    %dma_start3A_137 = tpu.memref_slice %arg8[%dma_start3A_135, %dma_start3A_136] : memref<160x128xi32, #tpu.memory_space<vmem>> -> memref<1x128xi32, #tpu.memory_space<vmem>>
    %dma_start3A_138 = tpu.memref_squeeze %dma_start3A_137 : memref<1x128xi32, #tpu.memory_space<vmem>> -> memref<128xi32, #tpu.memory_space<vmem>>
    %dma_start3A_139 = arith.constant 0 : i32
    %dma_start3A_140 = arith.constant 0 : i32
    %dma_start3A_141 = tpu.memref_slice %arg17[%dma_start3A_139, %dma_start3A_140] : memref<10240x64xbf16, #tpu.memory_space<vmem_shared>> -> memref<10240x64xbf16, #tpu.memory_space<vmem_shared>>
    tpu.enqueue_indirect_dma source(%arg10 : memref<128x64xbf16, #tpu.memory_space<vmem>>) target(%dma_start3A_141 : memref<10240x64xbf16, #tpu.memory_space<vmem_shared>>) offsets(%dma_start3A_138 : memref<128xi32, #tpu.memory_space<vmem>>) semaphore(%arg32 : memref<!tpu.dma_semaphore, #tpu.memory_space<semaphore_mem>>) {add = true}
    %dma_wait3A_142 = arith.constant 154 : i32
    %dma_wait3A_143 = arith.constant 0 : i32
    %dma_wait3A_144 = tpu.memref_slice %arg7[%dma_wait3A_142, %dma_wait3A_143] : memref<160x128xi32, #tpu.memory_space<vmem>> -> memref<1x128xi32, #tpu.memory_space<vmem>>
    %dma_wait3A_145 = tpu.memref_squeeze %dma_wait3A_144 : memref<1x128xi32, #tpu.memory_space<vmem>> -> memref<128xi32, #tpu.memory_space<vmem>>
    %dma_wait3A_146 = arith.constant 0 : i32
    %dma_wait3A_147 = arith.constant 0 : i32
    %dma_wait3A_148 = tpu.memref_slice %arg18[%dma_wait3A_146, %dma_wait3A_147] : memref<10000x64xbf16, #tpu.memory_space<vmem_shared>> -> memref<10000x64xbf16, #tpu.memory_space<vmem_shared>>
    tpu.wait_indirect_dma semaphore(%arg25 : memref<!tpu.dma_semaphore, #tpu.memory_space<semaphore_mem>>) src(%dma_wait3A_148 : memref<10000x64xbf16, #tpu.memory_space<vmem_shared>>) dst(%arg11 : memref<128x64xbf16, #tpu.memory_space<vmem>>)
    %dma_start3A_149 = arith.constant 154 : i32
    %dma_start3A_150 = arith.constant 0 : i32
    %dma_start3A_151 = tpu.memref_slice %arg8[%dma_start3A_149, %dma_start3A_150] : memref<160x128xi32, #tpu.memory_space<vmem>> -> memref<1x128xi32, #tpu.memory_space<vmem>>
    %dma_start3A_152 = tpu.memref_squeeze %dma_start3A_151 : memref<1x128xi32, #tpu.memory_space<vmem>> -> memref<128xi32, #tpu.memory_space<vmem>>
    %dma_start3A_153 = arith.constant 0 : i32
    %dma_start3A_154 = arith.constant 0 : i32
    %dma_start3A_155 = tpu.memref_slice %arg17[%dma_start3A_153, %dma_start3A_154] : memref<10240x64xbf16, #tpu.memory_space<vmem_shared>> -> memref<10240x64xbf16, #tpu.memory_space<vmem_shared>>
    tpu.enqueue_indirect_dma source(%arg11 : memref<128x64xbf16, #tpu.memory_space<vmem>>) target(%dma_start3A_155 : memref<10240x64xbf16, #tpu.memory_space<vmem_shared>>) offsets(%dma_start3A_152 : memref<128xi32, #tpu.memory_space<vmem>>) semaphore(%arg33 : memref<!tpu.dma_semaphore, #tpu.memory_space<semaphore_mem>>) {add = true}
    %dma_wait3A_156 = arith.constant 155 : i32
    %dma_wait3A_157 = arith.constant 0 : i32
    %dma_wait3A_158 = tpu.memref_slice %arg7[%dma_wait3A_156, %dma_wait3A_157] : memref<160x128xi32, #tpu.memory_space<vmem>> -> memref<1x128xi32, #tpu.memory_space<vmem>>
    %dma_wait3A_159 = tpu.memref_squeeze %dma_wait3A_158 : memref<1x128xi32, #tpu.memory_space<vmem>> -> memref<128xi32, #tpu.memory_space<vmem>>
    %dma_wait3A_160 = arith.constant 0 : i32
    %dma_wait3A_161 = arith.constant 0 : i32
    %dma_wait3A_162 = tpu.memref_slice %arg18[%dma_wait3A_160, %dma_wait3A_161] : memref<10000x64xbf16, #tpu.memory_space<vmem_shared>> -> memref<10000x64xbf16, #tpu.memory_space<vmem_shared>>
    tpu.wait_indirect_dma semaphore(%arg26 : memref<!tpu.dma_semaphore, #tpu.memory_space<semaphore_mem>>) src(%dma_wait3A_162 : memref<10000x64xbf16, #tpu.memory_space<vmem_shared>>) dst(%arg12 : memref<128x64xbf16, #tpu.memory_space<vmem>>)
    %dma_start3A_163 = arith.constant 155 : i32
    %dma_start3A_164 = arith.constant 0 : i32
    %dma_start3A_165 = tpu.memref_slice %arg8[%dma_start3A_163, %dma_start3A_164] : memref<160x128xi32, #tpu.memory_space<vmem>> -> memref<1x128xi32, #tpu.memory_space<vmem>>
    %dma_start3A_166 = tpu.memref_squeeze %dma_start3A_165 : memref<1x128xi32, #tpu.memory_space<vmem>> -> memref<128xi32, #tpu.memory_space<vmem>>
    %dma_start3A_167 = arith.constant 0 : i32
    %dma_start3A_168 = arith.constant 0 : i32
    %dma_start3A_169 = tpu.memref_slice %arg17[%dma_start3A_167, %dma_start3A_168] : memref<10240x64xbf16, #tpu.memory_space<vmem_shared>> -> memref<10240x64xbf16, #tpu.memory_space<vmem_shared>>
    tpu.enqueue_indirect_dma source(%arg12 : memref<128x64xbf16, #tpu.memory_space<vmem>>) target(%dma_start3A_169 : memref<10240x64xbf16, #tpu.memory_space<vmem_shared>>) offsets(%dma_start3A_166 : memref<128xi32, #tpu.memory_space<vmem>>) semaphore(%arg34 : memref<!tpu.dma_semaphore, #tpu.memory_space<semaphore_mem>>) {add = true}
    %dma_wait3A_170 = arith.constant 156 : i32
    %dma_wait3A_171 = arith.constant 0 : i32
    %dma_wait3A_172 = tpu.memref_slice %arg7[%dma_wait3A_170, %dma_wait3A_171] : memref<160x128xi32, #tpu.memory_space<vmem>> -> memref<1x128xi32, #tpu.memory_space<vmem>>
    %dma_wait3A_173 = tpu.memref_squeeze %dma_wait3A_172 : memref<1x128xi32, #tpu.memory_space<vmem>> -> memref<128xi32, #tpu.memory_space<vmem>>
    %dma_wait3A_174 = arith.constant 0 : i32
    %dma_wait3A_175 = arith.constant 0 : i32
    %dma_wait3A_176 = tpu.memref_slice %arg18[%dma_wait3A_174, %dma_wait3A_175] : memref<10000x64xbf16, #tpu.memory_space<vmem_shared>> -> memref<10000x64xbf16, #tpu.memory_space<vmem_shared>>
    tpu.wait_indirect_dma semaphore(%arg27 : memref<!tpu.dma_semaphore, #tpu.memory_space<semaphore_mem>>) src(%dma_wait3A_176 : memref<10000x64xbf16, #tpu.memory_space<vmem_shared>>) dst(%arg13 : memref<128x64xbf16, #tpu.memory_space<vmem>>)
    %dma_start3A_177 = arith.constant 156 : i32
    %dma_start3A_178 = arith.constant 0 : i32
    %dma_start3A_179 = tpu.memref_slice %arg8[%dma_start3A_177, %dma_start3A_178] : memref<160x128xi32, #tpu.memory_space<vmem>> -> memref<1x128xi32, #tpu.memory_space<vmem>>
    %dma_start3A_180 = tpu.memref_squeeze %dma_start3A_179 : memref<1x128xi32, #tpu.memory_space<vmem>> -> memref<128xi32, #tpu.memory_space<vmem>>
    %dma_start3A_181 = arith.constant 0 : i32
    %dma_start3A_182 = arith.constant 0 : i32
    %dma_start3A_183 = tpu.memref_slice %arg17[%dma_start3A_181, %dma_start3A_182] : memref<10240x64xbf16, #tpu.memory_space<vmem_shared>> -> memref<10240x64xbf16, #tpu.memory_space<vmem_shared>>
    tpu.enqueue_indirect_dma source(%arg13 : memref<128x64xbf16, #tpu.memory_space<vmem>>) target(%dma_start3A_183 : memref<10240x64xbf16, #tpu.memory_space<vmem_shared>>) offsets(%dma_start3A_180 : memref<128xi32, #tpu.memory_space<vmem>>) semaphore(%arg35 : memref<!tpu.dma_semaphore, #tpu.memory_space<semaphore_mem>>) {add = true}
    %dma_wait3A_184 = arith.constant 157 : i32
    %dma_wait3A_185 = arith.constant 0 : i32
    %dma_wait3A_186 = tpu.memref_slice %arg7[%dma_wait3A_184, %dma_wait3A_185] : memref<160x128xi32, #tpu.memory_space<vmem>> -> memref<1x128xi32, #tpu.memory_space<vmem>>
    %dma_wait3A_187 = tpu.memref_squeeze %dma_wait3A_186 : memref<1x128xi32, #tpu.memory_space<vmem>> -> memref<128xi32, #tpu.memory_space<vmem>>
    %dma_wait3A_188 = arith.constant 0 : i32
    %dma_wait3A_189 = arith.constant 0 : i32
    %dma_wait3A_190 = tpu.memref_slice %arg18[%dma_wait3A_188, %dma_wait3A_189] : memref<10000x64xbf16, #tpu.memory_space<vmem_shared>> -> memref<10000x64xbf16, #tpu.memory_space<vmem_shared>>
    tpu.wait_indirect_dma semaphore(%arg28 : memref<!tpu.dma_semaphore, #tpu.memory_space<semaphore_mem>>) src(%dma_wait3A_190 : memref<10000x64xbf16, #tpu.memory_space<vmem_shared>>) dst(%arg14 : memref<128x64xbf16, #tpu.memory_space<vmem>>)
    %dma_start3A_191 = arith.constant 157 : i32
    %dma_start3A_192 = arith.constant 0 : i32
    %dma_start3A_193 = tpu.memref_slice %arg8[%dma_start3A_191, %dma_start3A_192] : memref<160x128xi32, #tpu.memory_space<vmem>> -> memref<1x128xi32, #tpu.memory_space<vmem>>
    %dma_start3A_194 = tpu.memref_squeeze %dma_start3A_193 : memref<1x128xi32, #tpu.memory_space<vmem>> -> memref<128xi32, #tpu.memory_space<vmem>>
    %dma_start3A_195 = arith.constant 0 : i32
    %dma_start3A_196 = arith.constant 0 : i32
    %dma_start3A_197 = tpu.memref_slice %arg17[%dma_start3A_195, %dma_start3A_196] : memref<10240x64xbf16, #tpu.memory_space<vmem_shared>> -> memref<10240x64xbf16, #tpu.memory_space<vmem_shared>>
    tpu.enqueue_indirect_dma source(%arg14 : memref<128x64xbf16, #tpu.memory_space<vmem>>) target(%dma_start3A_197 : memref<10240x64xbf16, #tpu.memory_space<vmem_shared>>) offsets(%dma_start3A_194 : memref<128xi32, #tpu.memory_space<vmem>>) semaphore(%arg36 : memref<!tpu.dma_semaphore, #tpu.memory_space<semaphore_mem>>) {add = true}
    %dma_wait3A_198 = arith.constant 158 : i32
    %dma_wait3A_199 = arith.constant 0 : i32
    %dma_wait3A_200 = tpu.memref_slice %arg7[%dma_wait3A_198, %dma_wait3A_199] : memref<160x128xi32, #tpu.memory_space<vmem>> -> memref<1x128xi32, #tpu.memory_space<vmem>>
    %dma_wait3A_201 = tpu.memref_squeeze %dma_wait3A_200 : memref<1x128xi32, #tpu.memory_space<vmem>> -> memref<128xi32, #tpu.memory_space<vmem>>
    %dma_wait3A_202 = arith.constant 0 : i32
    %dma_wait3A_203 = arith.constant 0 : i32
    %dma_wait3A_204 = tpu.memref_slice %arg18[%dma_wait3A_202, %dma_wait3A_203] : memref<10000x64xbf16, #tpu.memory_space<vmem_shared>> -> memref<10000x64xbf16, #tpu.memory_space<vmem_shared>>
    tpu.wait_indirect_dma semaphore(%arg29 : memref<!tpu.dma_semaphore, #tpu.memory_space<semaphore_mem>>) src(%dma_wait3A_204 : memref<10000x64xbf16, #tpu.memory_space<vmem_shared>>) dst(%arg15 : memref<128x64xbf16, #tpu.memory_space<vmem>>)
    %dma_start3A_205 = arith.constant 158 : i32
    %dma_start3A_206 = arith.constant 0 : i32
    %dma_start3A_207 = tpu.memref_slice %arg8[%dma_start3A_205, %dma_start3A_206] : memref<160x128xi32, #tpu.memory_space<vmem>> -> memref<1x128xi32, #tpu.memory_space<vmem>>
    %dma_start3A_208 = tpu.memref_squeeze %dma_start3A_207 : memref<1x128xi32, #tpu.memory_space<vmem>> -> memref<128xi32, #tpu.memory_space<vmem>>
    %dma_start3A_209 = arith.constant 0 : i32
    %dma_start3A_210 = arith.constant 0 : i32
    %dma_start3A_211 = tpu.memref_slice %arg17[%dma_start3A_209, %dma_start3A_210] : memref<10240x64xbf16, #tpu.memory_space<vmem_shared>> -> memref<10240x64xbf16, #tpu.memory_space<vmem_shared>>
    tpu.enqueue_indirect_dma source(%arg15 : memref<128x64xbf16, #tpu.memory_space<vmem>>) target(%dma_start3A_211 : memref<10240x64xbf16, #tpu.memory_space<vmem_shared>>) offsets(%dma_start3A_208 : memref<128xi32, #tpu.memory_space<vmem>>) semaphore(%arg37 : memref<!tpu.dma_semaphore, #tpu.memory_space<semaphore_mem>>) {add = true}
    %dma_wait3A_212 = arith.constant 159 : i32
    %dma_wait3A_213 = arith.constant 0 : i32
    %dma_wait3A_214 = tpu.memref_slice %arg7[%dma_wait3A_212, %dma_wait3A_213] : memref<160x128xi32, #tpu.memory_space<vmem>> -> memref<1x128xi32, #tpu.memory_space<vmem>>
    %dma_wait3A_215 = tpu.memref_squeeze %dma_wait3A_214 : memref<1x128xi32, #tpu.memory_space<vmem>> -> memref<128xi32, #tpu.memory_space<vmem>>
    %dma_wait3A_216 = arith.constant 0 : i32
    %dma_wait3A_217 = arith.constant 0 : i32
    %dma_wait3A_218 = tpu.memref_slice %arg18[%dma_wait3A_216, %dma_wait3A_217] : memref<10000x64xbf16, #tpu.memory_space<vmem_shared>> -> memref<10000x64xbf16, #tpu.memory_space<vmem_shared>>
    tpu.wait_indirect_dma semaphore(%arg30 : memref<!tpu.dma_semaphore, #tpu.memory_space<semaphore_mem>>) src(%dma_wait3A_218 : memref<10000x64xbf16, #tpu.memory_space<vmem_shared>>) dst(%arg16 : memref<128x64xbf16, #tpu.memory_space<vmem>>)
    %dma_start3A_219 = arith.constant 159 : i32
    %dma_start3A_220 = arith.constant 0 : i32
    %dma_start3A_221 = tpu.memref_slice %arg8[%dma_start3A_219, %dma_start3A_220] : memref<160x128xi32, #tpu.memory_space<vmem>> -> memref<1x128xi32, #tpu.memory_space<vmem>>
    %dma_start3A_222 = tpu.memref_squeeze %dma_start3A_221 : memref<1x128xi32, #tpu.memory_space<vmem>> -> memref<128xi32, #tpu.memory_space<vmem>>
    %dma_start3A_223 = arith.constant 0 : i32
    %dma_start3A_224 = arith.constant 0 : i32
    %dma_start3A_225 = tpu.memref_slice %arg17[%dma_start3A_223, %dma_start3A_224] : memref<10240x64xbf16, #tpu.memory_space<vmem_shared>> -> memref<10240x64xbf16, #tpu.memory_space<vmem_shared>>
    tpu.enqueue_indirect_dma source(%arg16 : memref<128x64xbf16, #tpu.memory_space<vmem>>) target(%dma_start3A_225 : memref<10240x64xbf16, #tpu.memory_space<vmem_shared>>) offsets(%dma_start3A_222 : memref<128xi32, #tpu.memory_space<vmem>>) semaphore(%arg38 : memref<!tpu.dma_semaphore, #tpu.memory_space<semaphore_mem>>) {add = true}
    %dma_wait3A_226 = arith.constant 152 : i32
    %dma_wait3A_227 = arith.constant 0 : i32
    %dma_wait3A_228 = tpu.memref_slice %arg8[%dma_wait3A_226, %dma_wait3A_227] : memref<160x128xi32, #tpu.memory_space<vmem>> -> memref<1x128xi32, #tpu.memory_space<vmem>>
    %dma_wait3A_229 = tpu.memref_squeeze %dma_wait3A_228 : memref<1x128xi32, #tpu.memory_space<vmem>> -> memref<128xi32, #tpu.memory_space<vmem>>
    %dma_wait3A_230 = arith.constant 0 : i32
    %dma_wait3A_231 = arith.constant 0 : i32
    %dma_wait3A_232 = tpu.memref_slice %arg17[%dma_wait3A_230, %dma_wait3A_231] : memref<10240x64xbf16, #tpu.memory_space<vmem_shared>> -> memref<10240x64xbf16, #tpu.memory_space<vmem_shared>>
    tpu.wait_indirect_dma semaphore(%arg31 : memref<!tpu.dma_semaphore, #tpu.memory_space<semaphore_mem>>) src(%arg9 : memref<128x64xbf16, #tpu.memory_space<vmem>>) dst(%dma_wait3A_232 : memref<10240x64xbf16, #tpu.memory_space<vmem_shared>>)
    %dma_wait3A_233 = arith.constant 153 : i32
    %dma_wait3A_234 = arith.constant 0 : i32
    %dma_wait3A_235 = tpu.memref_slice %arg8[%dma_wait3A_233, %dma_wait3A_234] : memref<160x128xi32, #tpu.memory_space<vmem>> -> memref<1x128xi32, #tpu.memory_space<vmem>>
    %dma_wait3A_236 = tpu.memref_squeeze %dma_wait3A_235 : memref<1x128xi32, #tpu.memory_space<vmem>> -> memref<128xi32, #tpu.memory_space<vmem>>
    %dma_wait3A_237 = arith.constant 0 : i32
    %dma_wait3A_238 = arith.constant 0 : i32
    %dma_wait3A_239 = tpu.memref_slice %arg17[%dma_wait3A_237, %dma_wait3A_238] : memref<10240x64xbf16, #tpu.memory_space<vmem_shared>> -> memref<10240x64xbf16, #tpu.memory_space<vmem_shared>>
    tpu.wait_indirect_dma semaphore(%arg32 : memref<!tpu.dma_semaphore, #tpu.memory_space<semaphore_mem>>) src(%arg10 : memref<128x64xbf16, #tpu.memory_space<vmem>>) dst(%dma_wait3A_239 : memref<10240x64xbf16, #tpu.memory_space<vmem_shared>>)
    %dma_wait3A_240 = arith.constant 154 : i32
    %dma_wait3A_241 = arith.constant 0 : i32
    %dma_wait3A_242 = tpu.memref_slice %arg8[%dma_wait3A_240, %dma_wait3A_241] : memref<160x128xi32, #tpu.memory_space<vmem>> -> memref<1x128xi32, #tpu.memory_space<vmem>>
    %dma_wait3A_243 = tpu.memref_squeeze %dma_wait3A_242 : memref<1x128xi32, #tpu.memory_space<vmem>> -> memref<128xi32, #tpu.memory_space<vmem>>
    %dma_wait3A_244 = arith.constant 0 : i32
    %dma_wait3A_245 = arith.constant 0 : i32
    %dma_wait3A_246 = tpu.memref_slice %arg17[%dma_wait3A_244, %dma_wait3A_245] : memref<10240x64xbf16, #tpu.memory_space<vmem_shared>> -> memref<10240x64xbf16, #tpu.memory_space<vmem_shared>>
    tpu.wait_indirect_dma semaphore(%arg33 : memref<!tpu.dma_semaphore, #tpu.memory_space<semaphore_mem>>) src(%arg11 : memref<128x64xbf16, #tpu.memory_space<vmem>>) dst(%dma_wait3A_246 : memref<10240x64xbf16, #tpu.memory_space<vmem_shared>>)
    %dma_wait3A_247 = arith.constant 155 : i32
    %dma_wait3A_248 = arith.constant 0 : i32
    %dma_wait3A_249 = tpu.memref_slice %arg8[%dma_wait3A_247, %dma_wait3A_248] : memref<160x128xi32, #tpu.memory_space<vmem>> -> memref<1x128xi32, #tpu.memory_space<vmem>>
    %dma_wait3A_250 = tpu.memref_squeeze %dma_wait3A_249 : memref<1x128xi32, #tpu.memory_space<vmem>> -> memref<128xi32, #tpu.memory_space<vmem>>
    %dma_wait3A_251 = arith.constant 0 : i32
    %dma_wait3A_252 = arith.constant 0 : i32
    %dma_wait3A_253 = tpu.memref_slice %arg17[%dma_wait3A_251, %dma_wait3A_252] : memref<10240x64xbf16, #tpu.memory_space<vmem_shared>> -> memref<10240x64xbf16, #tpu.memory_space<vmem_shared>>
    tpu.wait_indirect_dma semaphore(%arg34 : memref<!tpu.dma_semaphore, #tpu.memory_space<semaphore_mem>>) src(%arg12 : memref<128x64xbf16, #tpu.memory_space<vmem>>) dst(%dma_wait3A_253 : memref<10240x64xbf16, #tpu.memory_space<vmem_shared>>)
    %dma_wait3A_254 = arith.constant 156 : i32
    %dma_wait3A_255 = arith.constant 0 : i32
    %dma_wait3A_256 = tpu.memref_slice %arg8[%dma_wait3A_254, %dma_wait3A_255] : memref<160x128xi32, #tpu.memory_space<vmem>> -> memref<1x128xi32, #tpu.memory_space<vmem>>
    %dma_wait3A_257 = tpu.memref_squeeze %dma_wait3A_256 : memref<1x128xi32, #tpu.memory_space<vmem>> -> memref<128xi32, #tpu.memory_space<vmem>>
    %dma_wait3A_258 = arith.constant 0 : i32
    %dma_wait3A_259 = arith.constant 0 : i32
    %dma_wait3A_260 = tpu.memref_slice %arg17[%dma_wait3A_258, %dma_wait3A_259] : memref<10240x64xbf16, #tpu.memory_space<vmem_shared>> -> memref<10240x64xbf16, #tpu.memory_space<vmem_shared>>
    tpu.wait_indirect_dma semaphore(%arg35 : memref<!tpu.dma_semaphore, #tpu.memory_space<semaphore_mem>>) src(%arg13 : memref<128x64xbf16, #tpu.memory_space<vmem>>) dst(%dma_wait3A_260 : memref<10240x64xbf16, #tpu.memory_space<vmem_shared>>)
    %dma_wait3A_261 = arith.constant 157 : i32
    %dma_wait3A_262 = arith.constant 0 : i32
    %dma_wait3A_263 = tpu.memref_slice %arg8[%dma_wait3A_261, %dma_wait3A_262] : memref<160x128xi32, #tpu.memory_space<vmem>> -> memref<1x128xi32, #tpu.memory_space<vmem>>
    %dma_wait3A_264 = tpu.memref_squeeze %dma_wait3A_263 : memref<1x128xi32, #tpu.memory_space<vmem>> -> memref<128xi32, #tpu.memory_space<vmem>>
    %dma_wait3A_265 = arith.constant 0 : i32
    %dma_wait3A_266 = arith.constant 0 : i32
    %dma_wait3A_267 = tpu.memref_slice %arg17[%dma_wait3A_265, %dma_wait3A_266] : memref<10240x64xbf16, #tpu.memory_space<vmem_shared>> -> memref<10240x64xbf16, #tpu.memory_space<vmem_shared>>
    tpu.wait_indirect_dma semaphore(%arg36 : memref<!tpu.dma_semaphore, #tpu.memory_space<semaphore_mem>>) src(%arg14 : memref<128x64xbf16, #tpu.memory_space<vmem>>) dst(%dma_wait3A_267 : memref<10240x64xbf16, #tpu.memory_space<vmem_shared>>)
    %dma_wait3A_268 = arith.constant 158 : i32
    %dma_wait3A_269 = arith.constant 0 : i32
    %dma_wait3A_270 = tpu.memref_slice %arg8[%dma_wait3A_268, %dma_wait3A_269] : memref<160x128xi32, #tpu.memory_space<vmem>> -> memref<1x128xi32, #tpu.memory_space<vmem>>
    %dma_wait3A_271 = tpu.memref_squeeze %dma_wait3A_270 : memref<1x128xi32, #tpu.memory_space<vmem>> -> memref<128xi32, #tpu.memory_space<vmem>>
    %dma_wait3A_272 = arith.constant 0 : i32
    %dma_wait3A_273 = arith.constant 0 : i32
    %dma_wait3A_274 = tpu.memref_slice %arg17[%dma_wait3A_272, %dma_wait3A_273] : memref<10240x64xbf16, #tpu.memory_space<vmem_shared>> -> memref<10240x64xbf16, #tpu.memory_space<vmem_shared>>
    tpu.wait_indirect_dma semaphore(%arg37 : memref<!tpu.dma_semaphore, #tpu.memory_space<semaphore_mem>>) src(%arg15 : memref<128x64xbf16, #tpu.memory_space<vmem>>) dst(%dma_wait3A_274 : memref<10240x64xbf16, #tpu.memory_space<vmem_shared>>)
    %dma_wait3A_275 = arith.constant 159 : i32
    %dma_wait3A_276 = arith.constant 0 : i32
    %dma_wait3A_277 = tpu.memref_slice %arg8[%dma_wait3A_275, %dma_wait3A_276] : memref<160x128xi32, #tpu.memory_space<vmem>> -> memref<1x128xi32, #tpu.memory_space<vmem>>
    %dma_wait3A_278 = tpu.memref_squeeze %dma_wait3A_277 : memref<1x128xi32, #tpu.memory_space<vmem>> -> memref<128xi32, #tpu.memory_space<vmem>>
    %dma_wait3A_279 = arith.constant 0 : i32
    %dma_wait3A_280 = arith.constant 0 : i32
    %dma_wait3A_281 = tpu.memref_slice %arg17[%dma_wait3A_279, %dma_wait3A_280] : memref<10240x64xbf16, #tpu.memory_space<vmem_shared>> -> memref<10240x64xbf16, #tpu.memory_space<vmem_shared>>
    tpu.wait_indirect_dma semaphore(%arg38 : memref<!tpu.dma_semaphore, #tpu.memory_space<semaphore_mem>>) src(%arg16 : memref<128x64xbf16, #tpu.memory_space<vmem>>) dst(%dma_wait3A_281 : memref<10240x64xbf16, #tpu.memory_space<vmem_shared>>)
    %barrier3A_282 = arith.constant 0 : index
    tpu.barrier barrier_id(%barrier3A_282)
    "tpu.region"() ({
      %run_scoped3A = tpu.sem_alloc : memref<!tpu.dma_semaphore, #tpu.memory_space<semaphore_mem>>
      %dma_start3A_283 = arith.constant 0 : i32
      %dma_start3A_284 = tpu.memref_slice %arg6[%arg0, %mul3A_2, %dma_start3A_283] : memref<2x10240x64xbf16, #tpu.memory_space<hbm>> -> memref<1x640x64xbf16, #tpu.memory_space<hbm>>
      %dma_start3A_285 = tpu.memref_squeeze %dma_start3A_284 : memref<1x640x64xbf16, #tpu.memory_space<hbm>> -> memref<640x64xbf16, #tpu.memory_space<hbm>>
      %dma_start3A_286 = arith.constant 0 : i32
      %dma_start3A_287 = tpu.memref_slice %arg17[%mul3A_2, %dma_start3A_286] : memref<10240x64xbf16, #tpu.memory_space<vmem_shared>> -> memref<640x64xbf16, #tpu.memory_space<vmem_shared>>
      tpu.enqueue_dma source(%dma_start3A_287 : memref<640x64xbf16, #tpu.memory_space<vmem_shared>>) target(%dma_start3A_285 : memref<640x64xbf16, #tpu.memory_space<hbm>>) target_semaphore(%run_scoped3A : memref<!tpu.dma_semaphore, #tpu.memory_space<semaphore_mem>>)
      %dma_wait3A_288 = arith.constant 0 : i32
      %dma_wait3A_289 = tpu.memref_slice %arg6[%arg0, %mul3A_2, %dma_wait3A_288] : memref<2x10240x64xbf16, #tpu.memory_space<hbm>> -> memref<1x640x64xbf16, #tpu.memory_space<hbm>>
      %dma_wait3A_290 = tpu.memref_squeeze %dma_wait3A_289 : memref<1x640x64xbf16, #tpu.memory_space<hbm>> -> memref<640x64xbf16, #tpu.memory_space<hbm>>
      %dma_wait3A_291 = arith.constant 0 : i32
      %dma_wait3A_292 = tpu.memref_slice %arg17[%mul3A_2, %dma_wait3A_291] : memref<10240x64xbf16, #tpu.memory_space<vmem_shared>> -> memref<640x64xbf16, #tpu.memory_space<vmem_shared>>
      tpu.wait_dma2 semaphore(%run_scoped3A : memref<!tpu.dma_semaphore, #tpu.memory_space<semaphore_mem>>) src(%dma_wait3A_292 : memref<640x64xbf16, #tpu.memory_space<vmem_shared>>) dst(%dma_wait3A_290 : memref<640x64xbf16, #tpu.memory_space<hbm>>)
      tpu.yield
    }) : () -> ()
    return
  }
}

#map = affine_map<(d0, d1) -> (0, 0)>
#map1 = affine_map<(d0, d1) -> (0, 0, 0)>
#map2 = affine_map<(d0, d1) -> (0)>
module attributes {stable_mosaic.version = 14 : i64} {
  func.func @k(%arg0: i32, %arg1: i32, %arg2: memref<640000x16xf32, #tpu.memory_space<hbm>>, %arg3: memref<32x160x128xi32, #tpu.memory_space<hbm>>, %arg4: memref<10240x16xf32, #tpu.memory_space<hbm>>, %arg5: memref<10240xf32, #tpu.memory_space<hbm>>, %arg6: memref<128xf32, #tpu.memory_space<hbm>>, %arg7: memref<2x10240x16xf32, #tpu.memory_space<hbm>>, %arg8: memref<2x10240xf32, #tpu.memory_space<hbm>>, %arg9: memref<160x128xi32, #tpu.memory_space<vmem>>, %arg10: memref<128x16xf32, #tpu.memory_space<vmem>>, %arg11: memref<128x16xf32, #tpu.memory_space<vmem>>, %arg12: memref<128xf32, #tpu.memory_space<vmem>>, %arg13: memref<10240x16xf32, #tpu.memory_space<vmem_shared>>, %arg14: memref<10240xf32, #tpu.memory_space<vmem_shared>>, %arg15: memref<!tpu.dma_semaphore, #tpu.memory_space<semaphore_mem>>, %arg16: memref<!tpu.dma_semaphore, #tpu.memory_space<semaphore_mem>>, %arg17: memref<!tpu.dma_semaphore, #tpu.memory_space<semaphore_mem>>, %arg18: memref<!tpu.dma_semaphore, #tpu.memory_space<semaphore_mem>>, %arg19: memref<!tpu.dma_semaphore, #tpu.memory_space<semaphore_mem>>, %arg20: memref<!tpu.dma_semaphore, #tpu.memory_space<semaphore_mem>>, %arg21: memref<!tpu.dma_semaphore, #tpu.memory_space<semaphore_mem>>, %arg22: memref<!tpu.dma_semaphore, #tpu.memory_space<semaphore_mem>>, %arg23: memref<!tpu.dma_semaphore, #tpu.memory_space<semaphore_mem>>, %arg24: memref<!tpu.dma_semaphore, #tpu.memory_space<semaphore_mem>>) attributes {dimension_semantics = [#tpu.dimension_semantics<core_parallel>, #tpu.dimension_semantics<subcore_parallel>], iteration_bounds = array<i64: 2, 16>, scalar_prefetch = 0 : i64, scratch_operands = 16 : i64, tpu.core_type = #tpu.core_type<sc_vector_subcore>, window_params = [{transform_indices = #map}, {transform_indices = #map1}, {transform_indices = #map}, {transform_indices = #map2}, {transform_indices = #map2}, {transform_indices = #map1}, {transform_indices = #map}]} {
    %mul3A = arith.constant 16 : i32
    %mul3A_0 = arith.muli %arg0, %mul3A : i32
    %add3A = arith.addi %mul3A_0, %arg1 : i32
    %mul3A_1 = arith.constant 640 : i32
    %mul3A_2 = arith.muli %arg1, %mul3A_1 : i32
    %dma_start3A = arith.constant 0 : i32
    %dma_start3A_3 = tpu.memref_slice %arg13[%mul3A_2, %dma_start3A] : memref<10240x16xf32, #tpu.memory_space<vmem_shared>> -> memref<640x16xf32, #tpu.memory_space<vmem_shared>>
    %dma_start3A_4 = arith.constant 0 : i32
    %dma_start3A_5 = tpu.memref_slice %arg4[%mul3A_2, %dma_start3A_4] : memref<10240x16xf32, #tpu.memory_space<hbm>> -> memref<640x16xf32, #tpu.memory_space<hbm>>
    tpu.enqueue_dma source(%dma_start3A_5 : memref<640x16xf32, #tpu.memory_space<hbm>>) target(%dma_start3A_3 : memref<640x16xf32, #tpu.memory_space<vmem_shared>>) target_semaphore(%arg15 : memref<!tpu.dma_semaphore, #tpu.memory_space<semaphore_mem>>)
    %dma_start3A_6 = tpu.memref_slice %arg14[%mul3A_2] : memref<10240xf32, #tpu.memory_space<vmem_shared>> -> memref<640xf32, #tpu.memory_space<vmem_shared>>
    %dma_start3A_7 = tpu.memref_slice %arg5[%mul3A_2] : memref<10240xf32, #tpu.memory_space<hbm>> -> memref<640xf32, #tpu.memory_space<hbm>>
    tpu.enqueue_dma source(%dma_start3A_7 : memref<640xf32, #tpu.memory_space<hbm>>) target(%dma_start3A_6 : memref<640xf32, #tpu.memory_space<vmem_shared>>) target_semaphore(%arg16 : memref<!tpu.dma_semaphore, #tpu.memory_space<semaphore_mem>>)
    %dma_start3A_8 = arith.constant 0 : i32
    %dma_start3A_9 = arith.constant 0 : i32
    %dma_start3A_10 = tpu.memref_slice %arg3[%add3A, %dma_start3A_8, %dma_start3A_9] : memref<32x160x128xi32, #tpu.memory_space<hbm>> -> memref<1x160x128xi32, #tpu.memory_space<hbm>>
    %dma_start3A_11 = tpu.memref_squeeze %dma_start3A_10 : memref<1x160x128xi32, #tpu.memory_space<hbm>> -> memref<160x128xi32, #tpu.memory_space<hbm>>
    %dma_start3A_12 = arith.constant 0 : i32
    %dma_start3A_13 = arith.constant 0 : i32
    %dma_start3A_14 = tpu.memref_slice %arg3[%add3A, %dma_start3A_12, %dma_start3A_13] : memref<32x160x128xi32, #tpu.memory_space<hbm>> -> memref<1x160x128xi32, #tpu.memory_space<hbm>>
    %dma_start3A_15 = tpu.memref_squeeze %dma_start3A_14 : memref<1x160x128xi32, #tpu.memory_space<hbm>> -> memref<160x128xi32, #tpu.memory_space<hbm>>
    tpu.enqueue_dma source(%dma_start3A_15 : memref<160x128xi32, #tpu.memory_space<hbm>>) target(%arg9 : memref<160x128xi32, #tpu.memory_space<vmem>>) target_semaphore(%arg17 : memref<!tpu.dma_semaphore, #tpu.memory_space<semaphore_mem>>)
    tpu.enqueue_dma source(%arg6 : memref<128xf32, #tpu.memory_space<hbm>>) target(%arg12 : memref<128xf32, #tpu.memory_space<vmem>>) target_semaphore(%arg18 : memref<!tpu.dma_semaphore, #tpu.memory_space<semaphore_mem>>)
    %dma_wait3A = arith.constant 0 : i32
    %dma_wait3A_16 = tpu.memref_slice %arg13[%mul3A_2, %dma_wait3A] : memref<10240x16xf32, #tpu.memory_space<vmem_shared>> -> memref<640x16xf32, #tpu.memory_space<vmem_shared>>
    %dma_wait3A_17 = arith.constant 0 : i32
    %dma_wait3A_18 = tpu.memref_slice %arg4[%mul3A_2, %dma_wait3A_17] : memref<10240x16xf32, #tpu.memory_space<hbm>> -> memref<640x16xf32, #tpu.memory_space<hbm>>
    tpu.wait_dma2 semaphore(%arg15 : memref<!tpu.dma_semaphore, #tpu.memory_space<semaphore_mem>>) src(%dma_wait3A_18 : memref<640x16xf32, #tpu.memory_space<hbm>>) dst(%dma_wait3A_16 : memref<640x16xf32, #tpu.memory_space<vmem_shared>>)
    %dma_wait3A_19 = tpu.memref_slice %arg14[%mul3A_2] : memref<10240xf32, #tpu.memory_space<vmem_shared>> -> memref<640xf32, #tpu.memory_space<vmem_shared>>
    %dma_wait3A_20 = tpu.memref_slice %arg5[%mul3A_2] : memref<10240xf32, #tpu.memory_space<hbm>> -> memref<640xf32, #tpu.memory_space<hbm>>
    tpu.wait_dma2 semaphore(%arg16 : memref<!tpu.dma_semaphore, #tpu.memory_space<semaphore_mem>>) src(%dma_wait3A_20 : memref<640xf32, #tpu.memory_space<hbm>>) dst(%dma_wait3A_19 : memref<640xf32, #tpu.memory_space<vmem_shared>>)
    %barrier3A = arith.constant 0 : index
    tpu.barrier barrier_id(%barrier3A)
    %dma_wait3A_21 = arith.constant 0 : i32
    %dma_wait3A_22 = arith.constant 0 : i32
    %dma_wait3A_23 = tpu.memref_slice %arg3[%add3A, %dma_wait3A_21, %dma_wait3A_22] : memref<32x160x128xi32, #tpu.memory_space<hbm>> -> memref<1x160x128xi32, #tpu.memory_space<hbm>>
    %dma_wait3A_24 = tpu.memref_squeeze %dma_wait3A_23 : memref<1x160x128xi32, #tpu.memory_space<hbm>> -> memref<160x128xi32, #tpu.memory_space<hbm>>
    %dma_wait3A_25 = arith.constant 0 : i32
    %dma_wait3A_26 = arith.constant 0 : i32
    %dma_wait3A_27 = tpu.memref_slice %arg3[%add3A, %dma_wait3A_25, %dma_wait3A_26] : memref<32x160x128xi32, #tpu.memory_space<hbm>> -> memref<1x160x128xi32, #tpu.memory_space<hbm>>
    %dma_wait3A_28 = tpu.memref_squeeze %dma_wait3A_27 : memref<1x160x128xi32, #tpu.memory_space<hbm>> -> memref<160x128xi32, #tpu.memory_space<hbm>>
    tpu.wait_dma2 semaphore(%arg17 : memref<!tpu.dma_semaphore, #tpu.memory_space<semaphore_mem>>) src(%dma_wait3A_28 : memref<160x128xi32, #tpu.memory_space<hbm>>) dst(%arg9 : memref<160x128xi32, #tpu.memory_space<vmem>>)
    tpu.wait_dma2 semaphore(%arg18 : memref<!tpu.dma_semaphore, #tpu.memory_space<semaphore_mem>>) src(%arg6 : memref<128xf32, #tpu.memory_space<hbm>>) dst(%arg12 : memref<128xf32, #tpu.memory_space<vmem>>)
    %mul3A_29 = arith.constant 160 : i32
    %mul3A_30 = arith.muli %add3A, %mul3A_29 : i32
    %add3A_31 = arith.constant 0 : i32
    %add3A_32 = arith.addi %mul3A_30, %add3A_31 : i32
    %mul3A_33 = arith.constant 128 : i32
    %mul3A_34 = arith.muli %add3A_32, %mul3A_33 : i32
    %lt3A = arith.constant 640000 : i32
    %lt3A_35 = arith.cmpi slt, %mul3A_34, %lt3A : i32
    %jit3A = arith.constant 0 : i32
    %select_n3A = arith.select %lt3A_35, %mul3A_34, %jit3A : i32
    %dma_start3A_36 = arith.constant 0 : i32
    %dma_start3A_37 = tpu.memref_slice %arg2[%select_n3A, %dma_start3A_36] : memref<640000x16xf32, #tpu.memory_space<hbm>> -> memref<128x16xf32, #tpu.memory_space<hbm>>
    %dma_start3A_38 = arith.constant 0 : i32
    %dma_start3A_39 = tpu.memref_slice %arg2[%select_n3A, %dma_start3A_38] : memref<640000x16xf32, #tpu.memory_space<hbm>> -> memref<128x16xf32, #tpu.memory_space<hbm>>
    tpu.enqueue_dma source(%dma_start3A_39 : memref<128x16xf32, #tpu.memory_space<hbm>>) target(%arg10 : memref<128x16xf32, #tpu.memory_space<vmem>>) target_semaphore(%arg19 : memref<!tpu.dma_semaphore, #tpu.memory_space<semaphore_mem>>)
    %mul3A_40 = arith.constant 160 : i32
    %mul3A_41 = arith.muli %add3A, %mul3A_40 : i32
    %add3A_42 = arith.constant 1 : i32
    %add3A_43 = arith.addi %mul3A_41, %add3A_42 : i32
    %mul3A_44 = arith.constant 128 : i32
    %mul3A_45 = arith.muli %add3A_43, %mul3A_44 : i32
    %lt3A_46 = arith.constant 640000 : i32
    %lt3A_47 = arith.cmpi slt, %mul3A_45, %lt3A_46 : i32
    %jit3A_48 = arith.constant 0 : i32
    %select_n3A_49 = arith.select %lt3A_47, %mul3A_45, %jit3A_48 : i32
    %dma_start3A_50 = arith.constant 0 : i32
    %dma_start3A_51 = tpu.memref_slice %arg2[%select_n3A_49, %dma_start3A_50] : memref<640000x16xf32, #tpu.memory_space<hbm>> -> memref<128x16xf32, #tpu.memory_space<hbm>>
    %dma_start3A_52 = arith.constant 0 : i32
    %dma_start3A_53 = tpu.memref_slice %arg2[%select_n3A_49, %dma_start3A_52] : memref<640000x16xf32, #tpu.memory_space<hbm>> -> memref<128x16xf32, #tpu.memory_space<hbm>>
    tpu.enqueue_dma source(%dma_start3A_53 : memref<128x16xf32, #tpu.memory_space<hbm>>) target(%arg11 : memref<128x16xf32, #tpu.memory_space<vmem>>) target_semaphore(%arg20 : memref<!tpu.dma_semaphore, #tpu.memory_space<semaphore_mem>>)
    %scan3A = arith.constant 0 : i32
    %scan3A_54 = arith.constant 0 : i32
    %scan3A_55 = arith.constant 79 : i32
    %scan3A_56 = arith.addi %scan3A_54, %scan3A_55 : i32
    %scan3A_57 = arith.constant 1 : i32
    scf.for %scan3A_140 = %scan3A_54 to %scan3A_56 step %scan3A_57  : i32 {
      %mul3A_141 = arith.constant 2 : i32
      %mul3A_142 = arith.muli %mul3A_141, %scan3A_140 : i32
      %add3A_143 = arith.constant 1 : i32
      %add3A_144 = arith.addi %mul3A_142, %add3A_143 : i32
      %mul3A_145 = arith.constant 160 : i32
      %mul3A_146 = arith.muli %add3A, %mul3A_145 : i32
      %add3A_147 = arith.addi %mul3A_146, %mul3A_142 : i32
      %mul3A_148 = arith.constant 128 : i32
      %mul3A_149 = arith.muli %add3A_147, %mul3A_148 : i32
      %lt3A_150 = arith.constant 640000 : i32
      %lt3A_151 = arith.cmpi slt, %mul3A_149, %lt3A_150 : i32
      %jit3A_152 = arith.constant 0 : i32
      %select_n3A_153 = arith.select %lt3A_151, %mul3A_149, %jit3A_152 : i32
      %dma_wait3A_154 = arith.constant 0 : i32
      %dma_wait3A_155 = tpu.memref_slice %arg2[%select_n3A_153, %dma_wait3A_154] : memref<640000x16xf32, #tpu.memory_space<hbm>> -> memref<128x16xf32, #tpu.memory_space<hbm>>
      %dma_wait3A_156 = arith.constant 0 : i32
      %dma_wait3A_157 = tpu.memref_slice %arg2[%select_n3A_153, %dma_wait3A_156] : memref<640000x16xf32, #tpu.memory_space<hbm>> -> memref<128x16xf32, #tpu.memory_space<hbm>>
      tpu.wait_dma2 semaphore(%arg19 : memref<!tpu.dma_semaphore, #tpu.memory_space<semaphore_mem>>) src(%dma_wait3A_157 : memref<128x16xf32, #tpu.memory_space<hbm>>) dst(%arg10 : memref<128x16xf32, #tpu.memory_space<vmem>>)
      %dma_start3A_158 = arith.constant 0 : i32
      %dma_start3A_159 = tpu.memref_slice %arg9[%mul3A_142, %dma_start3A_158] : memref<160x128xi32, #tpu.memory_space<vmem>> -> memref<1x128xi32, #tpu.memory_space<vmem>>
      %dma_start3A_160 = tpu.memref_squeeze %dma_start3A_159 : memref<1x128xi32, #tpu.memory_space<vmem>> -> memref<128xi32, #tpu.memory_space<vmem>>
      %dma_start3A_161 = arith.constant 0 : i32
      %dma_start3A_162 = arith.constant 0 : i32
      %dma_start3A_163 = tpu.memref_slice %arg13[%dma_start3A_161, %dma_start3A_162] : memref<10240x16xf32, #tpu.memory_space<vmem_shared>> -> memref<10240x16xf32, #tpu.memory_space<vmem_shared>>
      tpu.enqueue_indirect_dma source(%arg10 : memref<128x16xf32, #tpu.memory_space<vmem>>) target(%dma_start3A_163 : memref<10240x16xf32, #tpu.memory_space<vmem_shared>>) offsets(%dma_start3A_160 : memref<128xi32, #tpu.memory_space<vmem>>) semaphore(%arg21 : memref<!tpu.dma_semaphore, #tpu.memory_space<semaphore_mem>>) {add = true}
      %dma_start3A_164 = arith.constant 0 : i32
      %dma_start3A_165 = tpu.memref_slice %arg9[%mul3A_142, %dma_start3A_164] : memref<160x128xi32, #tpu.memory_space<vmem>> -> memref<1x128xi32, #tpu.memory_space<vmem>>
      %dma_start3A_166 = tpu.memref_squeeze %dma_start3A_165 : memref<1x128xi32, #tpu.memory_space<vmem>> -> memref<128xi32, #tpu.memory_space<vmem>>
      %dma_start3A_167 = arith.constant 0 : i32
      %dma_start3A_168 = tpu.memref_slice %arg14[%dma_start3A_167] : memref<10240xf32, #tpu.memory_space<vmem_shared>> -> memref<10240xf32, #tpu.memory_space<vmem_shared>>
      tpu.enqueue_indirect_dma source(%arg12 : memref<128xf32, #tpu.memory_space<vmem>>) target(%dma_start3A_168 : memref<10240xf32, #tpu.memory_space<vmem_shared>>) offsets(%dma_start3A_166 : memref<128xi32, #tpu.memory_space<vmem>>) semaphore(%arg23 : memref<!tpu.dma_semaphore, #tpu.memory_space<semaphore_mem>>) {add = true}
      %mul3A_169 = arith.constant 160 : i32
      %mul3A_170 = arith.muli %add3A, %mul3A_169 : i32
      %add3A_171 = arith.addi %mul3A_170, %add3A_144 : i32
      %mul3A_172 = arith.constant 128 : i32
      %mul3A_173 = arith.muli %add3A_171, %mul3A_172 : i32
      %lt3A_174 = arith.constant 640000 : i32
      %lt3A_175 = arith.cmpi slt, %mul3A_173, %lt3A_174 : i32
      %jit3A_176 = arith.constant 0 : i32
      %select_n3A_177 = arith.select %lt3A_175, %mul3A_173, %jit3A_176 : i32
      %dma_wait3A_178 = arith.constant 0 : i32
      %dma_wait3A_179 = tpu.memref_slice %arg2[%select_n3A_177, %dma_wait3A_178] : memref<640000x16xf32, #tpu.memory_space<hbm>> -> memref<128x16xf32, #tpu.memory_space<hbm>>
      %dma_wait3A_180 = arith.constant 0 : i32
      %dma_wait3A_181 = tpu.memref_slice %arg2[%select_n3A_177, %dma_wait3A_180] : memref<640000x16xf32, #tpu.memory_space<hbm>> -> memref<128x16xf32, #tpu.memory_space<hbm>>
      tpu.wait_dma2 semaphore(%arg20 : memref<!tpu.dma_semaphore, #tpu.memory_space<semaphore_mem>>) src(%dma_wait3A_181 : memref<128x16xf32, #tpu.memory_space<hbm>>) dst(%arg11 : memref<128x16xf32, #tpu.memory_space<vmem>>)
      %dma_start3A_182 = arith.constant 0 : i32
      %dma_start3A_183 = tpu.memref_slice %arg9[%add3A_144, %dma_start3A_182] : memref<160x128xi32, #tpu.memory_space<vmem>> -> memref<1x128xi32, #tpu.memory_space<vmem>>
      %dma_start3A_184 = tpu.memref_squeeze %dma_start3A_183 : memref<1x128xi32, #tpu.memory_space<vmem>> -> memref<128xi32, #tpu.memory_space<vmem>>
      %dma_start3A_185 = arith.constant 0 : i32
      %dma_start3A_186 = arith.constant 0 : i32
      %dma_start3A_187 = tpu.memref_slice %arg13[%dma_start3A_185, %dma_start3A_186] : memref<10240x16xf32, #tpu.memory_space<vmem_shared>> -> memref<10240x16xf32, #tpu.memory_space<vmem_shared>>
      tpu.enqueue_indirect_dma source(%arg11 : memref<128x16xf32, #tpu.memory_space<vmem>>) target(%dma_start3A_187 : memref<10240x16xf32, #tpu.memory_space<vmem_shared>>) offsets(%dma_start3A_184 : memref<128xi32, #tpu.memory_space<vmem>>) semaphore(%arg22 : memref<!tpu.dma_semaphore, #tpu.memory_space<semaphore_mem>>) {add = true}
      %dma_start3A_188 = arith.constant 0 : i32
      %dma_start3A_189 = tpu.memref_slice %arg9[%add3A_144, %dma_start3A_188] : memref<160x128xi32, #tpu.memory_space<vmem>> -> memref<1x128xi32, #tpu.memory_space<vmem>>
      %dma_start3A_190 = tpu.memref_squeeze %dma_start3A_189 : memref<1x128xi32, #tpu.memory_space<vmem>> -> memref<128xi32, #tpu.memory_space<vmem>>
      %dma_start3A_191 = arith.constant 0 : i32
      %dma_start3A_192 = tpu.memref_slice %arg14[%dma_start3A_191] : memref<10240xf32, #tpu.memory_space<vmem_shared>> -> memref<10240xf32, #tpu.memory_space<vmem_shared>>
      tpu.enqueue_indirect_dma source(%arg12 : memref<128xf32, #tpu.memory_space<vmem>>) target(%dma_start3A_192 : memref<10240xf32, #tpu.memory_space<vmem_shared>>) offsets(%dma_start3A_190 : memref<128xi32, #tpu.memory_space<vmem>>) semaphore(%arg24 : memref<!tpu.dma_semaphore, #tpu.memory_space<semaphore_mem>>) {add = true}
      %dma_wait3A_193 = arith.constant 0 : i32
      %dma_wait3A_194 = tpu.memref_slice %arg9[%mul3A_142, %dma_wait3A_193] : memref<160x128xi32, #tpu.memory_space<vmem>> -> memref<1x128xi32, #tpu.memory_space<vmem>>
      %dma_wait3A_195 = tpu.memref_squeeze %dma_wait3A_194 : memref<1x128xi32, #tpu.memory_space<vmem>> -> memref<128xi32, #tpu.memory_space<vmem>>
      %dma_wait3A_196 = arith.constant 0 : i32
      %dma_wait3A_197 = arith.constant 0 : i32
      %dma_wait3A_198 = tpu.memref_slice %arg13[%dma_wait3A_196, %dma_wait3A_197] : memref<10240x16xf32, #tpu.memory_space<vmem_shared>> -> memref<10240x16xf32, #tpu.memory_space<vmem_shared>>
      tpu.wait_indirect_dma semaphore(%arg21 : memref<!tpu.dma_semaphore, #tpu.memory_space<semaphore_mem>>) src(%arg10 : memref<128x16xf32, #tpu.memory_space<vmem>>) dst(%dma_wait3A_198 : memref<10240x16xf32, #tpu.memory_space<vmem_shared>>)
      %add3A_199 = arith.constant 2 : i32
      %add3A_200 = arith.addi %mul3A_142, %add3A_199 : i32
      %mul3A_201 = arith.constant 160 : i32
      %mul3A_202 = arith.muli %add3A, %mul3A_201 : i32
      %add3A_203 = arith.addi %mul3A_202, %add3A_200 : i32
      %mul3A_204 = arith.constant 128 : i32
      %mul3A_205 = arith.muli %add3A_203, %mul3A_204 : i32
      %lt3A_206 = arith.constant 640000 : i32
      %lt3A_207 = arith.cmpi slt, %mul3A_205, %lt3A_206 : i32
      %jit3A_208 = arith.constant 0 : i32
      %select_n3A_209 = arith.select %lt3A_207, %mul3A_205, %jit3A_208 : i32
      %dma_start3A_210 = arith.constant 0 : i32
      %dma_start3A_211 = tpu.memref_slice %arg2[%select_n3A_209, %dma_start3A_210] : memref<640000x16xf32, #tpu.memory_space<hbm>> -> memref<128x16xf32, #tpu.memory_space<hbm>>
      %dma_start3A_212 = arith.constant 0 : i32
      %dma_start3A_213 = tpu.memref_slice %arg2[%select_n3A_209, %dma_start3A_212] : memref<640000x16xf32, #tpu.memory_space<hbm>> -> memref<128x16xf32, #tpu.memory_space<hbm>>
      tpu.enqueue_dma source(%dma_start3A_213 : memref<128x16xf32, #tpu.memory_space<hbm>>) target(%arg10 : memref<128x16xf32, #tpu.memory_space<vmem>>) target_semaphore(%arg19 : memref<!tpu.dma_semaphore, #tpu.memory_space<semaphore_mem>>)
      %dma_wait3A_214 = arith.constant 0 : i32
      %dma_wait3A_215 = tpu.memref_slice %arg9[%add3A_144, %dma_wait3A_214] : memref<160x128xi32, #tpu.memory_space<vmem>> -> memref<1x128xi32, #tpu.memory_space<vmem>>
      %dma_wait3A_216 = tpu.memref_squeeze %dma_wait3A_215 : memref<1x128xi32, #tpu.memory_space<vmem>> -> memref<128xi32, #tpu.memory_space<vmem>>
      %dma_wait3A_217 = arith.constant 0 : i32
      %dma_wait3A_218 = arith.constant 0 : i32
      %dma_wait3A_219 = tpu.memref_slice %arg13[%dma_wait3A_217, %dma_wait3A_218] : memref<10240x16xf32, #tpu.memory_space<vmem_shared>> -> memref<10240x16xf32, #tpu.memory_space<vmem_shared>>
      tpu.wait_indirect_dma semaphore(%arg22 : memref<!tpu.dma_semaphore, #tpu.memory_space<semaphore_mem>>) src(%arg11 : memref<128x16xf32, #tpu.memory_space<vmem>>) dst(%dma_wait3A_219 : memref<10240x16xf32, #tpu.memory_space<vmem_shared>>)
      %add3A_220 = arith.constant 2 : i32
      %add3A_221 = arith.addi %add3A_144, %add3A_220 : i32
      %mul3A_222 = arith.constant 160 : i32
      %mul3A_223 = arith.muli %add3A, %mul3A_222 : i32
      %add3A_224 = arith.addi %mul3A_223, %add3A_221 : i32
      %mul3A_225 = arith.constant 128 : i32
      %mul3A_226 = arith.muli %add3A_224, %mul3A_225 : i32
      %lt3A_227 = arith.constant 640000 : i32
      %lt3A_228 = arith.cmpi slt, %mul3A_226, %lt3A_227 : i32
      %jit3A_229 = arith.constant 0 : i32
      %select_n3A_230 = arith.select %lt3A_228, %mul3A_226, %jit3A_229 : i32
      %dma_start3A_231 = arith.constant 0 : i32
      %dma_start3A_232 = tpu.memref_slice %arg2[%select_n3A_230, %dma_start3A_231] : memref<640000x16xf32, #tpu.memory_space<hbm>> -> memref<128x16xf32, #tpu.memory_space<hbm>>
      %dma_start3A_233 = arith.constant 0 : i32
      %dma_start3A_234 = tpu.memref_slice %arg2[%select_n3A_230, %dma_start3A_233] : memref<640000x16xf32, #tpu.memory_space<hbm>> -> memref<128x16xf32, #tpu.memory_space<hbm>>
      tpu.enqueue_dma source(%dma_start3A_234 : memref<128x16xf32, #tpu.memory_space<hbm>>) target(%arg11 : memref<128x16xf32, #tpu.memory_space<vmem>>) target_semaphore(%arg20 : memref<!tpu.dma_semaphore, #tpu.memory_space<semaphore_mem>>)
      %dma_wait3A_235 = arith.constant 0 : i32
      %dma_wait3A_236 = tpu.memref_slice %arg9[%mul3A_142, %dma_wait3A_235] : memref<160x128xi32, #tpu.memory_space<vmem>> -> memref<1x128xi32, #tpu.memory_space<vmem>>
      %dma_wait3A_237 = tpu.memref_squeeze %dma_wait3A_236 : memref<1x128xi32, #tpu.memory_space<vmem>> -> memref<128xi32, #tpu.memory_space<vmem>>
      %dma_wait3A_238 = arith.constant 0 : i32
      %dma_wait3A_239 = tpu.memref_slice %arg14[%dma_wait3A_238] : memref<10240xf32, #tpu.memory_space<vmem_shared>> -> memref<10240xf32, #tpu.memory_space<vmem_shared>>
      tpu.wait_indirect_dma semaphore(%arg23 : memref<!tpu.dma_semaphore, #tpu.memory_space<semaphore_mem>>) src(%arg12 : memref<128xf32, #tpu.memory_space<vmem>>) dst(%dma_wait3A_239 : memref<10240xf32, #tpu.memory_space<vmem_shared>>)
      %dma_wait3A_240 = arith.constant 0 : i32
      %dma_wait3A_241 = tpu.memref_slice %arg9[%add3A_144, %dma_wait3A_240] : memref<160x128xi32, #tpu.memory_space<vmem>> -> memref<1x128xi32, #tpu.memory_space<vmem>>
      %dma_wait3A_242 = tpu.memref_squeeze %dma_wait3A_241 : memref<1x128xi32, #tpu.memory_space<vmem>> -> memref<128xi32, #tpu.memory_space<vmem>>
      %dma_wait3A_243 = arith.constant 0 : i32
      %dma_wait3A_244 = tpu.memref_slice %arg14[%dma_wait3A_243] : memref<10240xf32, #tpu.memory_space<vmem_shared>> -> memref<10240xf32, #tpu.memory_space<vmem_shared>>
      tpu.wait_indirect_dma semaphore(%arg24 : memref<!tpu.dma_semaphore, #tpu.memory_space<semaphore_mem>>) src(%arg12 : memref<128xf32, #tpu.memory_space<vmem>>) dst(%dma_wait3A_244 : memref<10240xf32, #tpu.memory_space<vmem_shared>>)
    }
    %scan3A_58 = arith.constant 79 : i32
    %mul3A_59 = arith.constant 160 : i32
    %mul3A_60 = arith.muli %add3A, %mul3A_59 : i32
    %add3A_61 = arith.constant 158 : i32
    %add3A_62 = arith.addi %mul3A_60, %add3A_61 : i32
    %mul3A_63 = arith.constant 128 : i32
    %mul3A_64 = arith.muli %add3A_62, %mul3A_63 : i32
    %lt3A_65 = arith.constant 640000 : i32
    %lt3A_66 = arith.cmpi slt, %mul3A_64, %lt3A_65 : i32
    %jit3A_67 = arith.constant 0 : i32
    %select_n3A_68 = arith.select %lt3A_66, %mul3A_64, %jit3A_67 : i32
    %dma_wait3A_69 = arith.constant 0 : i32
    %dma_wait3A_70 = tpu.memref_slice %arg2[%select_n3A_68, %dma_wait3A_69] : memref<640000x16xf32, #tpu.memory_space<hbm>> -> memref<128x16xf32, #tpu.memory_space<hbm>>
    %dma_wait3A_71 = arith.constant 0 : i32
    %dma_wait3A_72 = tpu.memref_slice %arg2[%select_n3A_68, %dma_wait3A_71] : memref<640000x16xf32, #tpu.memory_space<hbm>> -> memref<128x16xf32, #tpu.memory_space<hbm>>
    tpu.wait_dma2 semaphore(%arg19 : memref<!tpu.dma_semaphore, #tpu.memory_space<semaphore_mem>>) src(%dma_wait3A_72 : memref<128x16xf32, #tpu.memory_space<hbm>>) dst(%arg10 : memref<128x16xf32, #tpu.memory_space<vmem>>)
    %dma_start3A_73 = arith.constant 158 : i32
    %dma_start3A_74 = arith.constant 0 : i32
    %dma_start3A_75 = tpu.memref_slice %arg9[%dma_start3A_73, %dma_start3A_74] : memref<160x128xi32, #tpu.memory_space<vmem>> -> memref<1x128xi32, #tpu.memory_space<vmem>>
    %dma_start3A_76 = tpu.memref_squeeze %dma_start3A_75 : memref<1x128xi32, #tpu.memory_space<vmem>> -> memref<128xi32, #tpu.memory_space<vmem>>
    %dma_start3A_77 = arith.constant 0 : i32
    %dma_start3A_78 = arith.constant 0 : i32
    %dma_start3A_79 = tpu.memref_slice %arg13[%dma_start3A_77, %dma_start3A_78] : memref<10240x16xf32, #tpu.memory_space<vmem_shared>> -> memref<10240x16xf32, #tpu.memory_space<vmem_shared>>
    tpu.enqueue_indirect_dma source(%arg10 : memref<128x16xf32, #tpu.memory_space<vmem>>) target(%dma_start3A_79 : memref<10240x16xf32, #tpu.memory_space<vmem_shared>>) offsets(%dma_start3A_76 : memref<128xi32, #tpu.memory_space<vmem>>) semaphore(%arg21 : memref<!tpu.dma_semaphore, #tpu.memory_space<semaphore_mem>>) {add = true}
    %dma_start3A_80 = arith.constant 158 : i32
    %dma_start3A_81 = arith.constant 0 : i32
    %dma_start3A_82 = tpu.memref_slice %arg9[%dma_start3A_80, %dma_start3A_81] : memref<160x128xi32, #tpu.memory_space<vmem>> -> memref<1x128xi32, #tpu.memory_space<vmem>>
    %dma_start3A_83 = tpu.memref_squeeze %dma_start3A_82 : memref<1x128xi32, #tpu.memory_space<vmem>> -> memref<128xi32, #tpu.memory_space<vmem>>
    %dma_start3A_84 = arith.constant 0 : i32
    %dma_start3A_85 = tpu.memref_slice %arg14[%dma_start3A_84] : memref<10240xf32, #tpu.memory_space<vmem_shared>> -> memref<10240xf32, #tpu.memory_space<vmem_shared>>
    tpu.enqueue_indirect_dma source(%arg12 : memref<128xf32, #tpu.memory_space<vmem>>) target(%dma_start3A_85 : memref<10240xf32, #tpu.memory_space<vmem_shared>>) offsets(%dma_start3A_83 : memref<128xi32, #tpu.memory_space<vmem>>) semaphore(%arg23 : memref<!tpu.dma_semaphore, #tpu.memory_space<semaphore_mem>>) {add = true}
    %mul3A_86 = arith.constant 160 : i32
    %mul3A_87 = arith.muli %add3A, %mul3A_86 : i32
    %add3A_88 = arith.constant 159 : i32
    %add3A_89 = arith.addi %mul3A_87, %add3A_88 : i32
    %mul3A_90 = arith.constant 128 : i32
    %mul3A_91 = arith.muli %add3A_89, %mul3A_90 : i32
    %lt3A_92 = arith.constant 640000 : i32
    %lt3A_93 = arith.cmpi slt, %mul3A_91, %lt3A_92 : i32
    %jit3A_94 = arith.constant 0 : i32
    %select_n3A_95 = arith.select %lt3A_93, %mul3A_91, %jit3A_94 : i32
    %dma_wait3A_96 = arith.constant 0 : i32
    %dma_wait3A_97 = tpu.memref_slice %arg2[%select_n3A_95, %dma_wait3A_96] : memref<640000x16xf32, #tpu.memory_space<hbm>> -> memref<128x16xf32, #tpu.memory_space<hbm>>
    %dma_wait3A_98 = arith.constant 0 : i32
    %dma_wait3A_99 = tpu.memref_slice %arg2[%select_n3A_95, %dma_wait3A_98] : memref<640000x16xf32, #tpu.memory_space<hbm>> -> memref<128x16xf32, #tpu.memory_space<hbm>>
    tpu.wait_dma2 semaphore(%arg20 : memref<!tpu.dma_semaphore, #tpu.memory_space<semaphore_mem>>) src(%dma_wait3A_99 : memref<128x16xf32, #tpu.memory_space<hbm>>) dst(%arg11 : memref<128x16xf32, #tpu.memory_space<vmem>>)
    %dma_start3A_100 = arith.constant 159 : i32
    %dma_start3A_101 = arith.constant 0 : i32
    %dma_start3A_102 = tpu.memref_slice %arg9[%dma_start3A_100, %dma_start3A_101] : memref<160x128xi32, #tpu.memory_space<vmem>> -> memref<1x128xi32, #tpu.memory_space<vmem>>
    %dma_start3A_103 = tpu.memref_squeeze %dma_start3A_102 : memref<1x128xi32, #tpu.memory_space<vmem>> -> memref<128xi32, #tpu.memory_space<vmem>>
    %dma_start3A_104 = arith.constant 0 : i32
    %dma_start3A_105 = arith.constant 0 : i32
    %dma_start3A_106 = tpu.memref_slice %arg13[%dma_start3A_104, %dma_start3A_105] : memref<10240x16xf32, #tpu.memory_space<vmem_shared>> -> memref<10240x16xf32, #tpu.memory_space<vmem_shared>>
    tpu.enqueue_indirect_dma source(%arg11 : memref<128x16xf32, #tpu.memory_space<vmem>>) target(%dma_start3A_106 : memref<10240x16xf32, #tpu.memory_space<vmem_shared>>) offsets(%dma_start3A_103 : memref<128xi32, #tpu.memory_space<vmem>>) semaphore(%arg22 : memref<!tpu.dma_semaphore, #tpu.memory_space<semaphore_mem>>) {add = true}
    %dma_start3A_107 = arith.constant 159 : i32
    %dma_start3A_108 = arith.constant 0 : i32
    %dma_start3A_109 = tpu.memref_slice %arg9[%dma_start3A_107, %dma_start3A_108] : memref<160x128xi32, #tpu.memory_space<vmem>> -> memref<1x128xi32, #tpu.memory_space<vmem>>
    %dma_start3A_110 = tpu.memref_squeeze %dma_start3A_109 : memref<1x128xi32, #tpu.memory_space<vmem>> -> memref<128xi32, #tpu.memory_space<vmem>>
    %dma_start3A_111 = arith.constant 0 : i32
    %dma_start3A_112 = tpu.memref_slice %arg14[%dma_start3A_111] : memref<10240xf32, #tpu.memory_space<vmem_shared>> -> memref<10240xf32, #tpu.memory_space<vmem_shared>>
    tpu.enqueue_indirect_dma source(%arg12 : memref<128xf32, #tpu.memory_space<vmem>>) target(%dma_start3A_112 : memref<10240xf32, #tpu.memory_space<vmem_shared>>) offsets(%dma_start3A_110 : memref<128xi32, #tpu.memory_space<vmem>>) semaphore(%arg24 : memref<!tpu.dma_semaphore, #tpu.memory_space<semaphore_mem>>) {add = true}
    %dma_wait3A_113 = arith.constant 158 : i32
    %dma_wait3A_114 = arith.constant 0 : i32
    %dma_wait3A_115 = tpu.memref_slice %arg9[%dma_wait3A_113, %dma_wait3A_114] : memref<160x128xi32, #tpu.memory_space<vmem>> -> memref<1x128xi32, #tpu.memory_space<vmem>>
    %dma_wait3A_116 = tpu.memref_squeeze %dma_wait3A_115 : memref<1x128xi32, #tpu.memory_space<vmem>> -> memref<128xi32, #tpu.memory_space<vmem>>
    %dma_wait3A_117 = arith.constant 0 : i32
    %dma_wait3A_118 = arith.constant 0 : i32
    %dma_wait3A_119 = tpu.memref_slice %arg13[%dma_wait3A_117, %dma_wait3A_118] : memref<10240x16xf32, #tpu.memory_space<vmem_shared>> -> memref<10240x16xf32, #tpu.memory_space<vmem_shared>>
    tpu.wait_indirect_dma semaphore(%arg21 : memref<!tpu.dma_semaphore, #tpu.memory_space<semaphore_mem>>) src(%arg10 : memref<128x16xf32, #tpu.memory_space<vmem>>) dst(%dma_wait3A_119 : memref<10240x16xf32, #tpu.memory_space<vmem_shared>>)
    %dma_wait3A_120 = arith.constant 159 : i32
    %dma_wait3A_121 = arith.constant 0 : i32
    %dma_wait3A_122 = tpu.memref_slice %arg9[%dma_wait3A_120, %dma_wait3A_121] : memref<160x128xi32, #tpu.memory_space<vmem>> -> memref<1x128xi32, #tpu.memory_space<vmem>>
    %dma_wait3A_123 = tpu.memref_squeeze %dma_wait3A_122 : memref<1x128xi32, #tpu.memory_space<vmem>> -> memref<128xi32, #tpu.memory_space<vmem>>
    %dma_wait3A_124 = arith.constant 0 : i32
    %dma_wait3A_125 = arith.constant 0 : i32
    %dma_wait3A_126 = tpu.memref_slice %arg13[%dma_wait3A_124, %dma_wait3A_125] : memref<10240x16xf32, #tpu.memory_space<vmem_shared>> -> memref<10240x16xf32, #tpu.memory_space<vmem_shared>>
    tpu.wait_indirect_dma semaphore(%arg22 : memref<!tpu.dma_semaphore, #tpu.memory_space<semaphore_mem>>) src(%arg11 : memref<128x16xf32, #tpu.memory_space<vmem>>) dst(%dma_wait3A_126 : memref<10240x16xf32, #tpu.memory_space<vmem_shared>>)
    %dma_wait3A_127 = arith.constant 158 : i32
    %dma_wait3A_128 = arith.constant 0 : i32
    %dma_wait3A_129 = tpu.memref_slice %arg9[%dma_wait3A_127, %dma_wait3A_128] : memref<160x128xi32, #tpu.memory_space<vmem>> -> memref<1x128xi32, #tpu.memory_space<vmem>>
    %dma_wait3A_130 = tpu.memref_squeeze %dma_wait3A_129 : memref<1x128xi32, #tpu.memory_space<vmem>> -> memref<128xi32, #tpu.memory_space<vmem>>
    %dma_wait3A_131 = arith.constant 0 : i32
    %dma_wait3A_132 = tpu.memref_slice %arg14[%dma_wait3A_131] : memref<10240xf32, #tpu.memory_space<vmem_shared>> -> memref<10240xf32, #tpu.memory_space<vmem_shared>>
    tpu.wait_indirect_dma semaphore(%arg23 : memref<!tpu.dma_semaphore, #tpu.memory_space<semaphore_mem>>) src(%arg12 : memref<128xf32, #tpu.memory_space<vmem>>) dst(%dma_wait3A_132 : memref<10240xf32, #tpu.memory_space<vmem_shared>>)
    %dma_wait3A_133 = arith.constant 159 : i32
    %dma_wait3A_134 = arith.constant 0 : i32
    %dma_wait3A_135 = tpu.memref_slice %arg9[%dma_wait3A_133, %dma_wait3A_134] : memref<160x128xi32, #tpu.memory_space<vmem>> -> memref<1x128xi32, #tpu.memory_space<vmem>>
    %dma_wait3A_136 = tpu.memref_squeeze %dma_wait3A_135 : memref<1x128xi32, #tpu.memory_space<vmem>> -> memref<128xi32, #tpu.memory_space<vmem>>
    %dma_wait3A_137 = arith.constant 0 : i32
    %dma_wait3A_138 = tpu.memref_slice %arg14[%dma_wait3A_137] : memref<10240xf32, #tpu.memory_space<vmem_shared>> -> memref<10240xf32, #tpu.memory_space<vmem_shared>>
    tpu.wait_indirect_dma semaphore(%arg24 : memref<!tpu.dma_semaphore, #tpu.memory_space<semaphore_mem>>) src(%arg12 : memref<128xf32, #tpu.memory_space<vmem>>) dst(%dma_wait3A_138 : memref<10240xf32, #tpu.memory_space<vmem_shared>>)
    %barrier3A_139 = arith.constant 0 : index
    tpu.barrier barrier_id(%barrier3A_139)
    "tpu.region"() ({
      %run_scoped3A = tpu.sem_alloc : memref<!tpu.dma_semaphore, #tpu.memory_space<semaphore_mem>>
      %dma_start3A_140 = arith.constant 0 : i32
      %dma_start3A_141 = tpu.memref_slice %arg7[%arg0, %mul3A_2, %dma_start3A_140] : memref<2x10240x16xf32, #tpu.memory_space<hbm>> -> memref<1x640x16xf32, #tpu.memory_space<hbm>>
      %dma_start3A_142 = tpu.memref_squeeze %dma_start3A_141 : memref<1x640x16xf32, #tpu.memory_space<hbm>> -> memref<640x16xf32, #tpu.memory_space<hbm>>
      %dma_start3A_143 = arith.constant 0 : i32
      %dma_start3A_144 = tpu.memref_slice %arg13[%mul3A_2, %dma_start3A_143] : memref<10240x16xf32, #tpu.memory_space<vmem_shared>> -> memref<640x16xf32, #tpu.memory_space<vmem_shared>>
      tpu.enqueue_dma source(%dma_start3A_144 : memref<640x16xf32, #tpu.memory_space<vmem_shared>>) target(%dma_start3A_142 : memref<640x16xf32, #tpu.memory_space<hbm>>) target_semaphore(%run_scoped3A : memref<!tpu.dma_semaphore, #tpu.memory_space<semaphore_mem>>)
      %dma_wait3A_145 = arith.constant 0 : i32
      %dma_wait3A_146 = tpu.memref_slice %arg7[%arg0, %mul3A_2, %dma_wait3A_145] : memref<2x10240x16xf32, #tpu.memory_space<hbm>> -> memref<1x640x16xf32, #tpu.memory_space<hbm>>
      %dma_wait3A_147 = tpu.memref_squeeze %dma_wait3A_146 : memref<1x640x16xf32, #tpu.memory_space<hbm>> -> memref<640x16xf32, #tpu.memory_space<hbm>>
      %dma_wait3A_148 = arith.constant 0 : i32
      %dma_wait3A_149 = tpu.memref_slice %arg13[%mul3A_2, %dma_wait3A_148] : memref<10240x16xf32, #tpu.memory_space<vmem_shared>> -> memref<640x16xf32, #tpu.memory_space<vmem_shared>>
      tpu.wait_dma2 semaphore(%run_scoped3A : memref<!tpu.dma_semaphore, #tpu.memory_space<semaphore_mem>>) src(%dma_wait3A_149 : memref<640x16xf32, #tpu.memory_space<vmem_shared>>) dst(%dma_wait3A_147 : memref<640x16xf32, #tpu.memory_space<hbm>>)
      tpu.yield
    }) : () -> ()
    "tpu.region"() ({
      %run_scoped3A = tpu.sem_alloc : memref<!tpu.dma_semaphore, #tpu.memory_space<semaphore_mem>>
      %dma_start3A_140 = tpu.memref_slice %arg8[%arg0, %mul3A_2] : memref<2x10240xf32, #tpu.memory_space<hbm>> -> memref<1x640xf32, #tpu.memory_space<hbm>>
      %dma_start3A_141 = tpu.memref_squeeze %dma_start3A_140 : memref<1x640xf32, #tpu.memory_space<hbm>> -> memref<640xf32, #tpu.memory_space<hbm>>
      %dma_start3A_142 = tpu.memref_slice %arg14[%mul3A_2] : memref<10240xf32, #tpu.memory_space<vmem_shared>> -> memref<640xf32, #tpu.memory_space<vmem_shared>>
      tpu.enqueue_dma source(%dma_start3A_142 : memref<640xf32, #tpu.memory_space<vmem_shared>>) target(%dma_start3A_141 : memref<640xf32, #tpu.memory_space<hbm>>) target_semaphore(%run_scoped3A : memref<!tpu.dma_semaphore, #tpu.memory_space<semaphore_mem>>)
      %dma_wait3A_143 = tpu.memref_slice %arg8[%arg0, %mul3A_2] : memref<2x10240xf32, #tpu.memory_space<hbm>> -> memref<1x640xf32, #tpu.memory_space<hbm>>
      %dma_wait3A_144 = tpu.memref_squeeze %dma_wait3A_143 : memref<1x640xf32, #tpu.memory_space<hbm>> -> memref<640xf32, #tpu.memory_space<hbm>>
      %dma_wait3A_145 = tpu.memref_slice %arg14[%mul3A_2] : memref<10240xf32, #tpu.memory_space<vmem_shared>> -> memref<640xf32, #tpu.memory_space<vmem_shared>>
      tpu.wait_dma2 semaphore(%run_scoped3A : memref<!tpu.dma_semaphore, #tpu.memory_space<semaphore_mem>>) src(%dma_wait3A_145 : memref<640xf32, #tpu.memory_space<vmem_shared>>) dst(%dma_wait3A_144 : memref<640xf32, #tpu.memory_space<hbm>>)
      tpu.yield
    }) : () -> ()
    return
  }
}

#map = affine_map<(d0, d1) -> (0, 0)>
#map1 = affine_map<(d0, d1) -> (0, 0, 0)>
module attributes {stable_mosaic.version = 14 : i64} {
  func.func @k(%arg0: i32, %arg1: i32, %arg2: memref<10000x64xbf16, #tpu.memory_space<hbm>>, %arg3: memref<32x160x128xi32, #tpu.memory_space<hbm>>, %arg4: memref<32x160x128xi32, #tpu.memory_space<hbm>>, %arg5: memref<10240x64xbf16, #tpu.memory_space<hbm>>, %arg6: memref<2x10240x64xbf16, #tpu.memory_space<hbm>>, %arg7: memref<160x128xi32, #tpu.memory_space<vmem>>, %arg8: memref<160x128xi32, #tpu.memory_space<vmem>>, %arg9: memref<128x64xbf16, #tpu.memory_space<vmem>>, %arg10: memref<128x64xbf16, #tpu.memory_space<vmem>>, %arg11: memref<128x64xbf16, #tpu.memory_space<vmem>>, %arg12: memref<128x64xbf16, #tpu.memory_space<vmem>>, %arg13: memref<128x64xbf16, #tpu.memory_space<vmem>>, %arg14: memref<128x64xbf16, #tpu.memory_space<vmem>>, %arg15: memref<128x64xbf16, #tpu.memory_space<vmem>>, %arg16: memref<128x64xbf16, #tpu.memory_space<vmem>>, %arg17: memref<10240x64xbf16, #tpu.memory_space<vmem_shared>>, %arg18: memref<10000x64xbf16, #tpu.memory_space<vmem_shared>>, %arg19: memref<!tpu.dma_semaphore, #tpu.memory_space<semaphore_mem>>, %arg20: memref<!tpu.dma_semaphore, #tpu.memory_space<semaphore_mem>>, %arg21: memref<!tpu.dma_semaphore, #tpu.memory_space<semaphore_mem>>, %arg22: memref<!tpu.dma_semaphore, #tpu.memory_space<semaphore_mem>>, %arg23: memref<!tpu.dma_semaphore, #tpu.memory_space<semaphore_mem>>, %arg24: memref<!tpu.dma_semaphore, #tpu.memory_space<semaphore_mem>>, %arg25: memref<!tpu.dma_semaphore, #tpu.memory_space<semaphore_mem>>, %arg26: memref<!tpu.dma_semaphore, #tpu.memory_space<semaphore_mem>>, %arg27: memref<!tpu.dma_semaphore, #tpu.memory_space<semaphore_mem>>, %arg28: memref<!tpu.dma_semaphore, #tpu.memory_space<semaphore_mem>>, %arg29: memref<!tpu.dma_semaphore, #tpu.memory_space<semaphore_mem>>, %arg30: memref<!tpu.dma_semaphore, #tpu.memory_space<semaphore_mem>>, %arg31: memref<!tpu.dma_semaphore, #tpu.memory_space<semaphore_mem>>, %arg32: memref<!tpu.dma_semaphore, #tpu.memory_space<semaphore_mem>>, %arg33: memref<!tpu.dma_semaphore, #tpu.memory_space<semaphore_mem>>, %arg34: memref<!tpu.dma_semaphore, #tpu.memory_space<semaphore_mem>>, %arg35: memref<!tpu.dma_semaphore, #tpu.memory_space<semaphore_mem>>, %arg36: memref<!tpu.dma_semaphore, #tpu.memory_space<semaphore_mem>>, %arg37: memref<!tpu.dma_semaphore, #tpu.memory_space<semaphore_mem>>, %arg38: memref<!tpu.dma_semaphore, #tpu.memory_space<semaphore_mem>>) attributes {dimension_semantics = [#tpu.dimension_semantics<core_parallel>, #tpu.dimension_semantics<subcore_parallel>], iteration_bounds = array<i64: 2, 16>, scalar_prefetch = 0 : i64, scratch_operands = 32 : i64, tpu.core_type = #tpu.core_type<sc_vector_subcore>, window_params = [{transform_indices = #map}, {transform_indices = #map1}, {transform_indices = #map1}, {transform_indices = #map}, {transform_indices = #map1}]} {
    %mul3A = arith.constant 16 : i32
    %mul3A_0 = arith.muli %arg0, %mul3A : i32
    %add3A = arith.addi %mul3A_0, %arg1 : i32
    %mul3A_1 = arith.constant 640 : i32
    %mul3A_2 = arith.muli %arg1, %mul3A_1 : i32
    %dma_start3A = arith.constant 0 : i32
    %dma_start3A_3 = tpu.memref_slice %arg17[%mul3A_2, %dma_start3A] : memref<10240x64xbf16, #tpu.memory_space<vmem_shared>> -> memref<640x64xbf16, #tpu.memory_space<vmem_shared>>
    %dma_start3A_4 = arith.constant 0 : i32
    %dma_start3A_5 = tpu.memref_slice %arg5[%mul3A_2, %dma_start3A_4] : memref<10240x64xbf16, #tpu.memory_space<hbm>> -> memref<640x64xbf16, #tpu.memory_space<hbm>>
    tpu.enqueue_dma source(%dma_start3A_5 : memref<640x64xbf16, #tpu.memory_space<hbm>>) target(%dma_start3A_3 : memref<640x64xbf16, #tpu.memory_space<vmem_shared>>) target_semaphore(%arg19 : memref<!tpu.dma_semaphore, #tpu.memory_space<semaphore_mem>>)
    %mul3A_6 = arith.constant 625 : i32
    %mul3A_7 = arith.muli %arg1, %mul3A_6 : i32
    %mul3A_8 = arith.constant 625 : i32
    %mul3A_9 = arith.muli %arg1, %mul3A_8 : i32
    %dma_start3A_10 = arith.constant 0 : i32
    %dma_start3A_11 = tpu.memref_slice %arg18[%mul3A_9, %dma_start3A_10] : memref<10000x64xbf16, #tpu.memory_space<vmem_shared>> -> memref<625x64xbf16, #tpu.memory_space<vmem_shared>>
    %dma_start3A_12 = arith.constant 0 : i32
    %dma_start3A_13 = tpu.memref_slice %arg2[%mul3A_7, %dma_start3A_12] : memref<10000x64xbf16, #tpu.memory_space<hbm>> -> memref<625x64xbf16, #tpu.memory_space<hbm>>
    tpu.enqueue_dma source(%dma_start3A_13 : memref<625x64xbf16, #tpu.memory_space<hbm>>) target(%dma_start3A_11 : memref<625x64xbf16, #tpu.memory_space<vmem_shared>>) target_semaphore(%arg20 : memref<!tpu.dma_semaphore, #tpu.memory_space<semaphore_mem>>)
    %dma_start3A_14 = arith.constant 0 : i32
    %dma_start3A_15 = arith.constant 0 : i32
    %dma_start3A_16 = tpu.memref_slice %arg3[%add3A, %dma_start3A_14, %dma_start3A_15] : memref<32x160x128xi32, #tpu.memory_space<hbm>> -> memref<1x160x128xi32, #tpu.memory_space<hbm>>
    %dma_start3A_17 = tpu.memref_squeeze %dma_start3A_16 : memref<1x160x128xi32, #tpu.memory_space<hbm>> -> memref<160x128xi32, #tpu.memory_space<hbm>>
    %dma_start3A_18 = arith.constant 0 : i32
    %dma_start3A_19 = arith.constant 0 : i32
    %dma_start3A_20 = tpu.memref_slice %arg3[%add3A, %dma_start3A_18, %dma_start3A_19] : memref<32x160x128xi32, #tpu.memory_space<hbm>> -> memref<1x160x128xi32, #tpu.memory_space<hbm>>
    %dma_start3A_21 = tpu.memref_squeeze %dma_start3A_20 : memref<1x160x128xi32, #tpu.memory_space<hbm>> -> memref<160x128xi32, #tpu.memory_space<hbm>>
    tpu.enqueue_dma source(%dma_start3A_21 : memref<160x128xi32, #tpu.memory_space<hbm>>) target(%arg7 : memref<160x128xi32, #tpu.memory_space<vmem>>) target_semaphore(%arg21 : memref<!tpu.dma_semaphore, #tpu.memory_space<semaphore_mem>>)
    %dma_start3A_22 = arith.constant 0 : i32
    %dma_start3A_23 = arith.constant 0 : i32
    %dma_start3A_24 = tpu.memref_slice %arg4[%add3A, %dma_start3A_22, %dma_start3A_23] : memref<32x160x128xi32, #tpu.memory_space<hbm>> -> memref<1x160x128xi32, #tpu.memory_space<hbm>>
    %dma_start3A_25 = tpu.memref_squeeze %dma_start3A_24 : memref<1x160x128xi32, #tpu.memory_space<hbm>> -> memref<160x128xi32, #tpu.memory_space<hbm>>
    %dma_start3A_26 = arith.constant 0 : i32
    %dma_start3A_27 = arith.constant 0 : i32
    %dma_start3A_28 = tpu.memref_slice %arg4[%add3A, %dma_start3A_26, %dma_start3A_27] : memref<32x160x128xi32, #tpu.memory_space<hbm>> -> memref<1x160x128xi32, #tpu.memory_space<hbm>>
    %dma_start3A_29 = tpu.memref_squeeze %dma_start3A_28 : memref<1x160x128xi32, #tpu.memory_space<hbm>> -> memref<160x128xi32, #tpu.memory_space<hbm>>
    tpu.enqueue_dma source(%dma_start3A_29 : memref<160x128xi32, #tpu.memory_space<hbm>>) target(%arg8 : memref<160x128xi32, #tpu.memory_space<vmem>>) target_semaphore(%arg22 : memref<!tpu.dma_semaphore, #tpu.memory_space<semaphore_mem>>)
    %dma_wait3A = arith.constant 0 : i32
    %dma_wait3A_30 = tpu.memref_slice %arg17[%mul3A_2, %dma_wait3A] : memref<10240x64xbf16, #tpu.memory_space<vmem_shared>> -> memref<640x64xbf16, #tpu.memory_space<vmem_shared>>
    %dma_wait3A_31 = arith.constant 0 : i32
    %dma_wait3A_32 = tpu.memref_slice %arg5[%mul3A_2, %dma_wait3A_31] : memref<10240x64xbf16, #tpu.memory_space<hbm>> -> memref<640x64xbf16, #tpu.memory_space<hbm>>
    tpu.wait_dma2 semaphore(%arg19 : memref<!tpu.dma_semaphore, #tpu.memory_space<semaphore_mem>>) src(%dma_wait3A_32 : memref<640x64xbf16, #tpu.memory_space<hbm>>) dst(%dma_wait3A_30 : memref<640x64xbf16, #tpu.memory_space<vmem_shared>>)
    %dma_wait3A_33 = arith.constant 0 : i32
    %dma_wait3A_34 = tpu.memref_slice %arg18[%mul3A_9, %dma_wait3A_33] : memref<10000x64xbf16, #tpu.memory_space<vmem_shared>> -> memref<625x64xbf16, #tpu.memory_space<vmem_shared>>
    %dma_wait3A_35 = arith.constant 0 : i32
    %dma_wait3A_36 = tpu.memref_slice %arg2[%mul3A_7, %dma_wait3A_35] : memref<10000x64xbf16, #tpu.memory_space<hbm>> -> memref<625x64xbf16, #tpu.memory_space<hbm>>
    tpu.wait_dma2 semaphore(%arg20 : memref<!tpu.dma_semaphore, #tpu.memory_space<semaphore_mem>>) src(%dma_wait3A_36 : memref<625x64xbf16, #tpu.memory_space<hbm>>) dst(%dma_wait3A_34 : memref<625x64xbf16, #tpu.memory_space<vmem_shared>>)
    %barrier3A = arith.constant 0 : index
    tpu.barrier barrier_id(%barrier3A)
    %dma_wait3A_37 = arith.constant 0 : i32
    %dma_wait3A_38 = arith.constant 0 : i32
    %dma_wait3A_39 = tpu.memref_slice %arg3[%add3A, %dma_wait3A_37, %dma_wait3A_38] : memref<32x160x128xi32, #tpu.memory_space<hbm>> -> memref<1x160x128xi32, #tpu.memory_space<hbm>>
    %dma_wait3A_40 = tpu.memref_squeeze %dma_wait3A_39 : memref<1x160x128xi32, #tpu.memory_space<hbm>> -> memref<160x128xi32, #tpu.memory_space<hbm>>
    %dma_wait3A_41 = arith.constant 0 : i32
    %dma_wait3A_42 = arith.constant 0 : i32
    %dma_wait3A_43 = tpu.memref_slice %arg3[%add3A, %dma_wait3A_41, %dma_wait3A_42] : memref<32x160x128xi32, #tpu.memory_space<hbm>> -> memref<1x160x128xi32, #tpu.memory_space<hbm>>
    %dma_wait3A_44 = tpu.memref_squeeze %dma_wait3A_43 : memref<1x160x128xi32, #tpu.memory_space<hbm>> -> memref<160x128xi32, #tpu.memory_space<hbm>>
    tpu.wait_dma2 semaphore(%arg21 : memref<!tpu.dma_semaphore, #tpu.memory_space<semaphore_mem>>) src(%dma_wait3A_44 : memref<160x128xi32, #tpu.memory_space<hbm>>) dst(%arg7 : memref<160x128xi32, #tpu.memory_space<vmem>>)
    %dma_wait3A_45 = arith.constant 0 : i32
    %dma_wait3A_46 = arith.constant 0 : i32
    %dma_wait3A_47 = tpu.memref_slice %arg4[%add3A, %dma_wait3A_45, %dma_wait3A_46] : memref<32x160x128xi32, #tpu.memory_space<hbm>> -> memref<1x160x128xi32, #tpu.memory_space<hbm>>
    %dma_wait3A_48 = tpu.memref_squeeze %dma_wait3A_47 : memref<1x160x128xi32, #tpu.memory_space<hbm>> -> memref<160x128xi32, #tpu.memory_space<hbm>>
    %dma_wait3A_49 = arith.constant 0 : i32
    %dma_wait3A_50 = arith.constant 0 : i32
    %dma_wait3A_51 = tpu.memref_slice %arg4[%add3A, %dma_wait3A_49, %dma_wait3A_50] : memref<32x160x128xi32, #tpu.memory_space<hbm>> -> memref<1x160x128xi32, #tpu.memory_space<hbm>>
    %dma_wait3A_52 = tpu.memref_squeeze %dma_wait3A_51 : memref<1x160x128xi32, #tpu.memory_space<hbm>> -> memref<160x128xi32, #tpu.memory_space<hbm>>
    tpu.wait_dma2 semaphore(%arg22 : memref<!tpu.dma_semaphore, #tpu.memory_space<semaphore_mem>>) src(%dma_wait3A_52 : memref<160x128xi32, #tpu.memory_space<hbm>>) dst(%arg8 : memref<160x128xi32, #tpu.memory_space<vmem>>)
    %dma_start3A_53 = arith.constant 0 : i32
    %dma_start3A_54 = arith.constant 0 : i32
    %dma_start3A_55 = tpu.memref_slice %arg7[%dma_start3A_53, %dma_start3A_54] : memref<160x128xi32, #tpu.memory_space<vmem>> -> memref<1x128xi32, #tpu.memory_space<vmem>>
    %dma_start3A_56 = tpu.memref_squeeze %dma_start3A_55 : memref<1x128xi32, #tpu.memory_space<vmem>> -> memref<128xi32, #tpu.memory_space<vmem>>
    %dma_start3A_57 = arith.constant 0 : i32
    %dma_start3A_58 = arith.constant 0 : i32
    %dma_start3A_59 = tpu.memref_slice %arg18[%dma_start3A_57, %dma_start3A_58] : memref<10000x64xbf16, #tpu.memory_space<vmem_shared>> -> memref<10000x64xbf16, #tpu.memory_space<vmem_shared>>
    tpu.enqueue_indirect_dma source(%dma_start3A_59 : memref<10000x64xbf16, #tpu.memory_space<vmem_shared>>) target(%arg9 : memref<128x64xbf16, #tpu.memory_space<vmem>>) offsets(%dma_start3A_56 : memref<128xi32, #tpu.memory_space<vmem>>) semaphore(%arg23 : memref<!tpu.dma_semaphore, #tpu.memory_space<semaphore_mem>>)
    %dma_start3A_60 = arith.constant 1 : i32
    %dma_start3A_61 = arith.constant 0 : i32
    %dma_start3A_62 = tpu.memref_slice %arg7[%dma_start3A_60, %dma_start3A_61] : memref<160x128xi32, #tpu.memory_space<vmem>> -> memref<1x128xi32, #tpu.memory_space<vmem>>
    %dma_start3A_63 = tpu.memref_squeeze %dma_start3A_62 : memref<1x128xi32, #tpu.memory_space<vmem>> -> memref<128xi32, #tpu.memory_space<vmem>>
    %dma_start3A_64 = arith.constant 0 : i32
    %dma_start3A_65 = arith.constant 0 : i32
    %dma_start3A_66 = tpu.memref_slice %arg18[%dma_start3A_64, %dma_start3A_65] : memref<10000x64xbf16, #tpu.memory_space<vmem_shared>> -> memref<10000x64xbf16, #tpu.memory_space<vmem_shared>>
    tpu.enqueue_indirect_dma source(%dma_start3A_66 : memref<10000x64xbf16, #tpu.memory_space<vmem_shared>>) target(%arg10 : memref<128x64xbf16, #tpu.memory_space<vmem>>) offsets(%dma_start3A_63 : memref<128xi32, #tpu.memory_space<vmem>>) semaphore(%arg24 : memref<!tpu.dma_semaphore, #tpu.memory_space<semaphore_mem>>)
    %dma_start3A_67 = arith.constant 2 : i32
    %dma_start3A_68 = arith.constant 0 : i32
    %dma_start3A_69 = tpu.memref_slice %arg7[%dma_start3A_67, %dma_start3A_68] : memref<160x128xi32, #tpu.memory_space<vmem>> -> memref<1x128xi32, #tpu.memory_space<vmem>>
    %dma_start3A_70 = tpu.memref_squeeze %dma_start3A_69 : memref<1x128xi32, #tpu.memory_space<vmem>> -> memref<128xi32, #tpu.memory_space<vmem>>
    %dma_start3A_71 = arith.constant 0 : i32
    %dma_start3A_72 = arith.constant 0 : i32
    %dma_start3A_73 = tpu.memref_slice %arg18[%dma_start3A_71, %dma_start3A_72] : memref<10000x64xbf16, #tpu.memory_space<vmem_shared>> -> memref<10000x64xbf16, #tpu.memory_space<vmem_shared>>
    tpu.enqueue_indirect_dma source(%dma_start3A_73 : memref<10000x64xbf16, #tpu.memory_space<vmem_shared>>) target(%arg11 : memref<128x64xbf16, #tpu.memory_space<vmem>>) offsets(%dma_start3A_70 : memref<128xi32, #tpu.memory_space<vmem>>) semaphore(%arg25 : memref<!tpu.dma_semaphore, #tpu.memory_space<semaphore_mem>>)
    %dma_start3A_74 = arith.constant 3 : i32
    %dma_start3A_75 = arith.constant 0 : i32
    %dma_start3A_76 = tpu.memref_slice %arg7[%dma_start3A_74, %dma_start3A_75] : memref<160x128xi32, #tpu.memory_space<vmem>> -> memref<1x128xi32, #tpu.memory_space<vmem>>
    %dma_start3A_77 = tpu.memref_squeeze %dma_start3A_76 : memref<1x128xi32, #tpu.memory_space<vmem>> -> memref<128xi32, #tpu.memory_space<vmem>>
    %dma_start3A_78 = arith.constant 0 : i32
    %dma_start3A_79 = arith.constant 0 : i32
    %dma_start3A_80 = tpu.memref_slice %arg18[%dma_start3A_78, %dma_start3A_79] : memref<10000x64xbf16, #tpu.memory_space<vmem_shared>> -> memref<10000x64xbf16, #tpu.memory_space<vmem_shared>>
    tpu.enqueue_indirect_dma source(%dma_start3A_80 : memref<10000x64xbf16, #tpu.memory_space<vmem_shared>>) target(%arg12 : memref<128x64xbf16, #tpu.memory_space<vmem>>) offsets(%dma_start3A_77 : memref<128xi32, #tpu.memory_space<vmem>>) semaphore(%arg26 : memref<!tpu.dma_semaphore, #tpu.memory_space<semaphore_mem>>)
    %dma_start3A_81 = arith.constant 4 : i32
    %dma_start3A_82 = arith.constant 0 : i32
    %dma_start3A_83 = tpu.memref_slice %arg7[%dma_start3A_81, %dma_start3A_82] : memref<160x128xi32, #tpu.memory_space<vmem>> -> memref<1x128xi32, #tpu.memory_space<vmem>>
    %dma_start3A_84 = tpu.memref_squeeze %dma_start3A_83 : memref<1x128xi32, #tpu.memory_space<vmem>> -> memref<128xi32, #tpu.memory_space<vmem>>
    %dma_start3A_85 = arith.constant 0 : i32
    %dma_start3A_86 = arith.constant 0 : i32
    %dma_start3A_87 = tpu.memref_slice %arg18[%dma_start3A_85, %dma_start3A_86] : memref<10000x64xbf16, #tpu.memory_space<vmem_shared>> -> memref<10000x64xbf16, #tpu.memory_space<vmem_shared>>
    tpu.enqueue_indirect_dma source(%dma_start3A_87 : memref<10000x64xbf16, #tpu.memory_space<vmem_shared>>) target(%arg13 : memref<128x64xbf16, #tpu.memory_space<vmem>>) offsets(%dma_start3A_84 : memref<128xi32, #tpu.memory_space<vmem>>) semaphore(%arg27 : memref<!tpu.dma_semaphore, #tpu.memory_space<semaphore_mem>>)
    %dma_start3A_88 = arith.constant 5 : i32
    %dma_start3A_89 = arith.constant 0 : i32
    %dma_start3A_90 = tpu.memref_slice %arg7[%dma_start3A_88, %dma_start3A_89] : memref<160x128xi32, #tpu.memory_space<vmem>> -> memref<1x128xi32, #tpu.memory_space<vmem>>
    %dma_start3A_91 = tpu.memref_squeeze %dma_start3A_90 : memref<1x128xi32, #tpu.memory_space<vmem>> -> memref<128xi32, #tpu.memory_space<vmem>>
    %dma_start3A_92 = arith.constant 0 : i32
    %dma_start3A_93 = arith.constant 0 : i32
    %dma_start3A_94 = tpu.memref_slice %arg18[%dma_start3A_92, %dma_start3A_93] : memref<10000x64xbf16, #tpu.memory_space<vmem_shared>> -> memref<10000x64xbf16, #tpu.memory_space<vmem_shared>>
    tpu.enqueue_indirect_dma source(%dma_start3A_94 : memref<10000x64xbf16, #tpu.memory_space<vmem_shared>>) target(%arg14 : memref<128x64xbf16, #tpu.memory_space<vmem>>) offsets(%dma_start3A_91 : memref<128xi32, #tpu.memory_space<vmem>>) semaphore(%arg28 : memref<!tpu.dma_semaphore, #tpu.memory_space<semaphore_mem>>)
    %dma_start3A_95 = arith.constant 6 : i32
    %dma_start3A_96 = arith.constant 0 : i32
    %dma_start3A_97 = tpu.memref_slice %arg7[%dma_start3A_95, %dma_start3A_96] : memref<160x128xi32, #tpu.memory_space<vmem>> -> memref<1x128xi32, #tpu.memory_space<vmem>>
    %dma_start3A_98 = tpu.memref_squeeze %dma_start3A_97 : memref<1x128xi32, #tpu.memory_space<vmem>> -> memref<128xi32, #tpu.memory_space<vmem>>
    %dma_start3A_99 = arith.constant 0 : i32
    %dma_start3A_100 = arith.constant 0 : i32
    %dma_start3A_101 = tpu.memref_slice %arg18[%dma_start3A_99, %dma_start3A_100] : memref<10000x64xbf16, #tpu.memory_space<vmem_shared>> -> memref<10000x64xbf16, #tpu.memory_space<vmem_shared>>
    tpu.enqueue_indirect_dma source(%dma_start3A_101 : memref<10000x64xbf16, #tpu.memory_space<vmem_shared>>) target(%arg15 : memref<128x64xbf16, #tpu.memory_space<vmem>>) offsets(%dma_start3A_98 : memref<128xi32, #tpu.memory_space<vmem>>) semaphore(%arg29 : memref<!tpu.dma_semaphore, #tpu.memory_space<semaphore_mem>>)
    %dma_start3A_102 = arith.constant 7 : i32
    %dma_start3A_103 = arith.constant 0 : i32
    %dma_start3A_104 = tpu.memref_slice %arg7[%dma_start3A_102, %dma_start3A_103] : memref<160x128xi32, #tpu.memory_space<vmem>> -> memref<1x128xi32, #tpu.memory_space<vmem>>
    %dma_start3A_105 = tpu.memref_squeeze %dma_start3A_104 : memref<1x128xi32, #tpu.memory_space<vmem>> -> memref<128xi32, #tpu.memory_space<vmem>>
    %dma_start3A_106 = arith.constant 0 : i32
    %dma_start3A_107 = arith.constant 0 : i32
    %dma_start3A_108 = tpu.memref_slice %arg18[%dma_start3A_106, %dma_start3A_107] : memref<10000x64xbf16, #tpu.memory_space<vmem_shared>> -> memref<10000x64xbf16, #tpu.memory_space<vmem_shared>>
    tpu.enqueue_indirect_dma source(%dma_start3A_108 : memref<10000x64xbf16, #tpu.memory_space<vmem_shared>>) target(%arg16 : memref<128x64xbf16, #tpu.memory_space<vmem>>) offsets(%dma_start3A_105 : memref<128xi32, #tpu.memory_space<vmem>>) semaphore(%arg30 : memref<!tpu.dma_semaphore, #tpu.memory_space<semaphore_mem>>)
    %scan3A = arith.constant 0 : i32
    %scan3A_109 = arith.constant 0 : i32
    %scan3A_110 = arith.constant 19 : i32
    %scan3A_111 = arith.addi %scan3A_109, %scan3A_110 : i32
    %scan3A_112 = arith.constant 1 : i32
    scf.for %scan3A_283 = %scan3A_109 to %scan3A_111 step %scan3A_112  : i32 {
      %mul3A_284 = arith.constant 8 : i32
      %mul3A_285 = arith.muli %mul3A_284, %scan3A_283 : i32
      %add3A_286 = arith.constant 0 : i32
      %add3A_287 = arith.addi %mul3A_285, %add3A_286 : i32
      %dma_wait3A_288 = arith.constant 0 : i32
      %dma_wait3A_289 = tpu.memref_slice %arg7[%add3A_287, %dma_wait3A_288] : memref<160x128xi32, #tpu.memory_space<vmem>> -> memref<1x128xi32, #tpu.memory_space<vmem>>
      %dma_wait3A_290 = tpu.memref_squeeze %dma_wait3A_289 : memref<1x128xi32, #tpu.memory_space<vmem>> -> memref<128xi32, #tpu.memory_space<vmem>>
      %dma_wait3A_291 = arith.constant 0 : i32
      %dma_wait3A_292 = arith.constant 0 : i32
      %dma_wait3A_293 = tpu.memref_slice %arg18[%dma_wait3A_291, %dma_wait3A_292] : memref<10000x64xbf16, #tpu.memory_space<vmem_shared>> -> memref<10000x64xbf16, #tpu.memory_space<vmem_shared>>
      tpu.wait_indirect_dma semaphore(%arg23 : memref<!tpu.dma_semaphore, #tpu.memory_space<semaphore_mem>>) src(%dma_wait3A_293 : memref<10000x64xbf16, #tpu.memory_space<vmem_shared>>) dst(%arg9 : memref<128x64xbf16, #tpu.memory_space<vmem>>)
      %add3A_294 = arith.constant 0 : i32
      %add3A_295 = arith.addi %mul3A_285, %add3A_294 : i32
      %dma_start3A_296 = arith.constant 0 : i32
      %dma_start3A_297 = tpu.memref_slice %arg8[%add3A_295, %dma_start3A_296] : memref<160x128xi32, #tpu.memory_space<vmem>> -> memref<1x128xi32, #tpu.memory_space<vmem>>
      %dma_start3A_298 = tpu.memref_squeeze %dma_start3A_297 : memref<1x128xi32, #tpu.memory_space<vmem>> -> memref<128xi32, #tpu.memory_space<vmem>>
      %dma_start3A_299 = arith.constant 0 : i32
      %dma_start3A_300 = arith.constant 0 : i32
      %dma_start3A_301 = tpu.memref_slice %arg17[%dma_start3A_299, %dma_start3A_300] : memref<10240x64xbf16, #tpu.memory_space<vmem_shared>> -> memref<10240x64xbf16, #tpu.memory_space<vmem_shared>>
      tpu.enqueue_indirect_dma source(%arg9 : memref<128x64xbf16, #tpu.memory_space<vmem>>) target(%dma_start3A_301 : memref<10240x64xbf16, #tpu.memory_space<vmem_shared>>) offsets(%dma_start3A_298 : memref<128xi32, #tpu.memory_space<vmem>>) semaphore(%arg31 : memref<!tpu.dma_semaphore, #tpu.memory_space<semaphore_mem>>) {add = true}
      %add3A_302 = arith.constant 1 : i32
      %add3A_303 = arith.addi %mul3A_285, %add3A_302 : i32
      %dma_wait3A_304 = arith.constant 0 : i32
      %dma_wait3A_305 = tpu.memref_slice %arg7[%add3A_303, %dma_wait3A_304] : memref<160x128xi32, #tpu.memory_space<vmem>> -> memref<1x128xi32, #tpu.memory_space<vmem>>
      %dma_wait3A_306 = tpu.memref_squeeze %dma_wait3A_305 : memref<1x128xi32, #tpu.memory_space<vmem>> -> memref<128xi32, #tpu.memory_space<vmem>>
      %dma_wait3A_307 = arith.constant 0 : i32
      %dma_wait3A_308 = arith.constant 0 : i32
      %dma_wait3A_309 = tpu.memref_slice %arg18[%dma_wait3A_307, %dma_wait3A_308] : memref<10000x64xbf16, #tpu.memory_space<vmem_shared>> -> memref<10000x64xbf16, #tpu.memory_space<vmem_shared>>
      tpu.wait_indirect_dma semaphore(%arg24 : memref<!tpu.dma_semaphore, #tpu.memory_space<semaphore_mem>>) src(%dma_wait3A_309 : memref<10000x64xbf16, #tpu.memory_space<vmem_shared>>) dst(%arg10 : memref<128x64xbf16, #tpu.memory_space<vmem>>)
      %add3A_310 = arith.constant 1 : i32
      %add3A_311 = arith.addi %mul3A_285, %add3A_310 : i32
      %dma_start3A_312 = arith.constant 0 : i32
      %dma_start3A_313 = tpu.memref_slice %arg8[%add3A_311, %dma_start3A_312] : memref<160x128xi32, #tpu.memory_space<vmem>> -> memref<1x128xi32, #tpu.memory_space<vmem>>
      %dma_start3A_314 = tpu.memref_squeeze %dma_start3A_313 : memref<1x128xi32, #tpu.memory_space<vmem>> -> memref<128xi32, #tpu.memory_space<vmem>>
      %dma_start3A_315 = arith.constant 0 : i32
      %dma_start3A_316 = arith.constant 0 : i32
      %dma_start3A_317 = tpu.memref_slice %arg17[%dma_start3A_315, %dma_start3A_316] : memref<10240x64xbf16, #tpu.memory_space<vmem_shared>> -> memref<10240x64xbf16, #tpu.memory_space<vmem_shared>>
      tpu.enqueue_indirect_dma source(%arg10 : memref<128x64xbf16, #tpu.memory_space<vmem>>) target(%dma_start3A_317 : memref<10240x64xbf16, #tpu.memory_space<vmem_shared>>) offsets(%dma_start3A_314 : memref<128xi32, #tpu.memory_space<vmem>>) semaphore(%arg32 : memref<!tpu.dma_semaphore, #tpu.memory_space<semaphore_mem>>) {add = true}
      %add3A_318 = arith.constant 2 : i32
      %add3A_319 = arith.addi %mul3A_285, %add3A_318 : i32
      %dma_wait3A_320 = arith.constant 0 : i32
      %dma_wait3A_321 = tpu.memref_slice %arg7[%add3A_319, %dma_wait3A_320] : memref<160x128xi32, #tpu.memory_space<vmem>> -> memref<1x128xi32, #tpu.memory_space<vmem>>
      %dma_wait3A_322 = tpu.memref_squeeze %dma_wait3A_321 : memref<1x128xi32, #tpu.memory_space<vmem>> -> memref<128xi32, #tpu.memory_space<vmem>>
      %dma_wait3A_323 = arith.constant 0 : i32
      %dma_wait3A_324 = arith.constant 0 : i32
      %dma_wait3A_325 = tpu.memref_slice %arg18[%dma_wait3A_323, %dma_wait3A_324] : memref<10000x64xbf16, #tpu.memory_space<vmem_shared>> -> memref<10000x64xbf16, #tpu.memory_space<vmem_shared>>
      tpu.wait_indirect_dma semaphore(%arg25 : memref<!tpu.dma_semaphore, #tpu.memory_space<semaphore_mem>>) src(%dma_wait3A_325 : memref<10000x64xbf16, #tpu.memory_space<vmem_shared>>) dst(%arg11 : memref<128x64xbf16, #tpu.memory_space<vmem>>)
      %add3A_326 = arith.constant 2 : i32
      %add3A_327 = arith.addi %mul3A_285, %add3A_326 : i32
      %dma_start3A_328 = arith.constant 0 : i32
      %dma_start3A_329 = tpu.memref_slice %arg8[%add3A_327, %dma_start3A_328] : memref<160x128xi32, #tpu.memory_space<vmem>> -> memref<1x128xi32, #tpu.memory_space<vmem>>
      %dma_start3A_330 = tpu.memref_squeeze %dma_start3A_329 : memref<1x128xi32, #tpu.memory_space<vmem>> -> memref<128xi32, #tpu.memory_space<vmem>>
      %dma_start3A_331 = arith.constant 0 : i32
      %dma_start3A_332 = arith.constant 0 : i32
      %dma_start3A_333 = tpu.memref_slice %arg17[%dma_start3A_331, %dma_start3A_332] : memref<10240x64xbf16, #tpu.memory_space<vmem_shared>> -> memref<10240x64xbf16, #tpu.memory_space<vmem_shared>>
      tpu.enqueue_indirect_dma source(%arg11 : memref<128x64xbf16, #tpu.memory_space<vmem>>) target(%dma_start3A_333 : memref<10240x64xbf16, #tpu.memory_space<vmem_shared>>) offsets(%dma_start3A_330 : memref<128xi32, #tpu.memory_space<vmem>>) semaphore(%arg33 : memref<!tpu.dma_semaphore, #tpu.memory_space<semaphore_mem>>) {add = true}
      %add3A_334 = arith.constant 3 : i32
      %add3A_335 = arith.addi %mul3A_285, %add3A_334 : i32
      %dma_wait3A_336 = arith.constant 0 : i32
      %dma_wait3A_337 = tpu.memref_slice %arg7[%add3A_335, %dma_wait3A_336] : memref<160x128xi32, #tpu.memory_space<vmem>> -> memref<1x128xi32, #tpu.memory_space<vmem>>
      %dma_wait3A_338 = tpu.memref_squeeze %dma_wait3A_337 : memref<1x128xi32, #tpu.memory_space<vmem>> -> memref<128xi32, #tpu.memory_space<vmem>>
      %dma_wait3A_339 = arith.constant 0 : i32
      %dma_wait3A_340 = arith.constant 0 : i32
      %dma_wait3A_341 = tpu.memref_slice %arg18[%dma_wait3A_339, %dma_wait3A_340] : memref<10000x64xbf16, #tpu.memory_space<vmem_shared>> -> memref<10000x64xbf16, #tpu.memory_space<vmem_shared>>
      tpu.wait_indirect_dma semaphore(%arg26 : memref<!tpu.dma_semaphore, #tpu.memory_space<semaphore_mem>>) src(%dma_wait3A_341 : memref<10000x64xbf16, #tpu.memory_space<vmem_shared>>) dst(%arg12 : memref<128x64xbf16, #tpu.memory_space<vmem>>)
      %add3A_342 = arith.constant 3 : i32
      %add3A_343 = arith.addi %mul3A_285, %add3A_342 : i32
      %dma_start3A_344 = arith.constant 0 : i32
      %dma_start3A_345 = tpu.memref_slice %arg8[%add3A_343, %dma_start3A_344] : memref<160x128xi32, #tpu.memory_space<vmem>> -> memref<1x128xi32, #tpu.memory_space<vmem>>
      %dma_start3A_346 = tpu.memref_squeeze %dma_start3A_345 : memref<1x128xi32, #tpu.memory_space<vmem>> -> memref<128xi32, #tpu.memory_space<vmem>>
      %dma_start3A_347 = arith.constant 0 : i32
      %dma_start3A_348 = arith.constant 0 : i32
      %dma_start3A_349 = tpu.memref_slice %arg17[%dma_start3A_347, %dma_start3A_348] : memref<10240x64xbf16, #tpu.memory_space<vmem_shared>> -> memref<10240x64xbf16, #tpu.memory_space<vmem_shared>>
      tpu.enqueue_indirect_dma source(%arg12 : memref<128x64xbf16, #tpu.memory_space<vmem>>) target(%dma_start3A_349 : memref<10240x64xbf16, #tpu.memory_space<vmem_shared>>) offsets(%dma_start3A_346 : memref<128xi32, #tpu.memory_space<vmem>>) semaphore(%arg34 : memref<!tpu.dma_semaphore, #tpu.memory_space<semaphore_mem>>) {add = true}
      %add3A_350 = arith.constant 4 : i32
      %add3A_351 = arith.addi %mul3A_285, %add3A_350 : i32
      %dma_wait3A_352 = arith.constant 0 : i32
      %dma_wait3A_353 = tpu.memref_slice %arg7[%add3A_351, %dma_wait3A_352] : memref<160x128xi32, #tpu.memory_space<vmem>> -> memref<1x128xi32, #tpu.memory_space<vmem>>
      %dma_wait3A_354 = tpu.memref_squeeze %dma_wait3A_353 : memref<1x128xi32, #tpu.memory_space<vmem>> -> memref<128xi32, #tpu.memory_space<vmem>>
      %dma_wait3A_355 = arith.constant 0 : i32
      %dma_wait3A_356 = arith.constant 0 : i32
      %dma_wait3A_357 = tpu.memref_slice %arg18[%dma_wait3A_355, %dma_wait3A_356] : memref<10000x64xbf16, #tpu.memory_space<vmem_shared>> -> memref<10000x64xbf16, #tpu.memory_space<vmem_shared>>
      tpu.wait_indirect_dma semaphore(%arg27 : memref<!tpu.dma_semaphore, #tpu.memory_space<semaphore_mem>>) src(%dma_wait3A_357 : memref<10000x64xbf16, #tpu.memory_space<vmem_shared>>) dst(%arg13 : memref<128x64xbf16, #tpu.memory_space<vmem>>)
      %add3A_358 = arith.constant 4 : i32
      %add3A_359 = arith.addi %mul3A_285, %add3A_358 : i32
      %dma_start3A_360 = arith.constant 0 : i32
      %dma_start3A_361 = tpu.memref_slice %arg8[%add3A_359, %dma_start3A_360] : memref<160x128xi32, #tpu.memory_space<vmem>> -> memref<1x128xi32, #tpu.memory_space<vmem>>
      %dma_start3A_362 = tpu.memref_squeeze %dma_start3A_361 : memref<1x128xi32, #tpu.memory_space<vmem>> -> memref<128xi32, #tpu.memory_space<vmem>>
      %dma_start3A_363 = arith.constant 0 : i32
      %dma_start3A_364 = arith.constant 0 : i32
      %dma_start3A_365 = tpu.memref_slice %arg17[%dma_start3A_363, %dma_start3A_364] : memref<10240x64xbf16, #tpu.memory_space<vmem_shared>> -> memref<10240x64xbf16, #tpu.memory_space<vmem_shared>>
      tpu.enqueue_indirect_dma source(%arg13 : memref<128x64xbf16, #tpu.memory_space<vmem>>) target(%dma_start3A_365 : memref<10240x64xbf16, #tpu.memory_space<vmem_shared>>) offsets(%dma_start3A_362 : memref<128xi32, #tpu.memory_space<vmem>>) semaphore(%arg35 : memref<!tpu.dma_semaphore, #tpu.memory_space<semaphore_mem>>) {add = true}
      %add3A_366 = arith.constant 5 : i32
      %add3A_367 = arith.addi %mul3A_285, %add3A_366 : i32
      %dma_wait3A_368 = arith.constant 0 : i32
      %dma_wait3A_369 = tpu.memref_slice %arg7[%add3A_367, %dma_wait3A_368] : memref<160x128xi32, #tpu.memory_space<vmem>> -> memref<1x128xi32, #tpu.memory_space<vmem>>
      %dma_wait3A_370 = tpu.memref_squeeze %dma_wait3A_369 : memref<1x128xi32, #tpu.memory_space<vmem>> -> memref<128xi32, #tpu.memory_space<vmem>>
      %dma_wait3A_371 = arith.constant 0 : i32
      %dma_wait3A_372 = arith.constant 0 : i32
      %dma_wait3A_373 = tpu.memref_slice %arg18[%dma_wait3A_371, %dma_wait3A_372] : memref<10000x64xbf16, #tpu.memory_space<vmem_shared>> -> memref<10000x64xbf16, #tpu.memory_space<vmem_shared>>
      tpu.wait_indirect_dma semaphore(%arg28 : memref<!tpu.dma_semaphore, #tpu.memory_space<semaphore_mem>>) src(%dma_wait3A_373 : memref<10000x64xbf16, #tpu.memory_space<vmem_shared>>) dst(%arg14 : memref<128x64xbf16, #tpu.memory_space<vmem>>)
      %add3A_374 = arith.constant 5 : i32
      %add3A_375 = arith.addi %mul3A_285, %add3A_374 : i32
      %dma_start3A_376 = arith.constant 0 : i32
      %dma_start3A_377 = tpu.memref_slice %arg8[%add3A_375, %dma_start3A_376] : memref<160x128xi32, #tpu.memory_space<vmem>> -> memref<1x128xi32, #tpu.memory_space<vmem>>
      %dma_start3A_378 = tpu.memref_squeeze %dma_start3A_377 : memref<1x128xi32, #tpu.memory_space<vmem>> -> memref<128xi32, #tpu.memory_space<vmem>>
      %dma_start3A_379 = arith.constant 0 : i32
      %dma_start3A_380 = arith.constant 0 : i32
      %dma_start3A_381 = tpu.memref_slice %arg17[%dma_start3A_379, %dma_start3A_380] : memref<10240x64xbf16, #tpu.memory_space<vmem_shared>> -> memref<10240x64xbf16, #tpu.memory_space<vmem_shared>>
      tpu.enqueue_indirect_dma source(%arg14 : memref<128x64xbf16, #tpu.memory_space<vmem>>) target(%dma_start3A_381 : memref<10240x64xbf16, #tpu.memory_space<vmem_shared>>) offsets(%dma_start3A_378 : memref<128xi32, #tpu.memory_space<vmem>>) semaphore(%arg36 : memref<!tpu.dma_semaphore, #tpu.memory_space<semaphore_mem>>) {add = true}
      %add3A_382 = arith.constant 6 : i32
      %add3A_383 = arith.addi %mul3A_285, %add3A_382 : i32
      %dma_wait3A_384 = arith.constant 0 : i32
      %dma_wait3A_385 = tpu.memref_slice %arg7[%add3A_383, %dma_wait3A_384] : memref<160x128xi32, #tpu.memory_space<vmem>> -> memref<1x128xi32, #tpu.memory_space<vmem>>
      %dma_wait3A_386 = tpu.memref_squeeze %dma_wait3A_385 : memref<1x128xi32, #tpu.memory_space<vmem>> -> memref<128xi32, #tpu.memory_space<vmem>>
      %dma_wait3A_387 = arith.constant 0 : i32
      %dma_wait3A_388 = arith.constant 0 : i32
      %dma_wait3A_389 = tpu.memref_slice %arg18[%dma_wait3A_387, %dma_wait3A_388] : memref<10000x64xbf16, #tpu.memory_space<vmem_shared>> -> memref<10000x64xbf16, #tpu.memory_space<vmem_shared>>
      tpu.wait_indirect_dma semaphore(%arg29 : memref<!tpu.dma_semaphore, #tpu.memory_space<semaphore_mem>>) src(%dma_wait3A_389 : memref<10000x64xbf16, #tpu.memory_space<vmem_shared>>) dst(%arg15 : memref<128x64xbf16, #tpu.memory_space<vmem>>)
      %add3A_390 = arith.constant 6 : i32
      %add3A_391 = arith.addi %mul3A_285, %add3A_390 : i32
      %dma_start3A_392 = arith.constant 0 : i32
      %dma_start3A_393 = tpu.memref_slice %arg8[%add3A_391, %dma_start3A_392] : memref<160x128xi32, #tpu.memory_space<vmem>> -> memref<1x128xi32, #tpu.memory_space<vmem>>
      %dma_start3A_394 = tpu.memref_squeeze %dma_start3A_393 : memref<1x128xi32, #tpu.memory_space<vmem>> -> memref<128xi32, #tpu.memory_space<vmem>>
      %dma_start3A_395 = arith.constant 0 : i32
      %dma_start3A_396 = arith.constant 0 : i32
      %dma_start3A_397 = tpu.memref_slice %arg17[%dma_start3A_395, %dma_start3A_396] : memref<10240x64xbf16, #tpu.memory_space<vmem_shared>> -> memref<10240x64xbf16, #tpu.memory_space<vmem_shared>>
      tpu.enqueue_indirect_dma source(%arg15 : memref<128x64xbf16, #tpu.memory_space<vmem>>) target(%dma_start3A_397 : memref<10240x64xbf16, #tpu.memory_space<vmem_shared>>) offsets(%dma_start3A_394 : memref<128xi32, #tpu.memory_space<vmem>>) semaphore(%arg37 : memref<!tpu.dma_semaphore, #tpu.memory_space<semaphore_mem>>) {add = true}
      %add3A_398 = arith.constant 7 : i32
      %add3A_399 = arith.addi %mul3A_285, %add3A_398 : i32
      %dma_wait3A_400 = arith.constant 0 : i32
      %dma_wait3A_401 = tpu.memref_slice %arg7[%add3A_399, %dma_wait3A_400] : memref<160x128xi32, #tpu.memory_space<vmem>> -> memref<1x128xi32, #tpu.memory_space<vmem>>
      %dma_wait3A_402 = tpu.memref_squeeze %dma_wait3A_401 : memref<1x128xi32, #tpu.memory_space<vmem>> -> memref<128xi32, #tpu.memory_space<vmem>>
      %dma_wait3A_403 = arith.constant 0 : i32
      %dma_wait3A_404 = arith.constant 0 : i32
      %dma_wait3A_405 = tpu.memref_slice %arg18[%dma_wait3A_403, %dma_wait3A_404] : memref<10000x64xbf16, #tpu.memory_space<vmem_shared>> -> memref<10000x64xbf16, #tpu.memory_space<vmem_shared>>
      tpu.wait_indirect_dma semaphore(%arg30 : memref<!tpu.dma_semaphore, #tpu.memory_space<semaphore_mem>>) src(%dma_wait3A_405 : memref<10000x64xbf16, #tpu.memory_space<vmem_shared>>) dst(%arg16 : memref<128x64xbf16, #tpu.memory_space<vmem>>)
      %add3A_406 = arith.constant 7 : i32
      %add3A_407 = arith.addi %mul3A_285, %add3A_406 : i32
      %dma_start3A_408 = arith.constant 0 : i32
      %dma_start3A_409 = tpu.memref_slice %arg8[%add3A_407, %dma_start3A_408] : memref<160x128xi32, #tpu.memory_space<vmem>> -> memref<1x128xi32, #tpu.memory_space<vmem>>
      %dma_start3A_410 = tpu.memref_squeeze %dma_start3A_409 : memref<1x128xi32, #tpu.memory_space<vmem>> -> memref<128xi32, #tpu.memory_space<vmem>>
      %dma_start3A_411 = arith.constant 0 : i32
      %dma_start3A_412 = arith.constant 0 : i32
      %dma_start3A_413 = tpu.memref_slice %arg17[%dma_start3A_411, %dma_start3A_412] : memref<10240x64xbf16, #tpu.memory_space<vmem_shared>> -> memref<10240x64xbf16, #tpu.memory_space<vmem_shared>>
      tpu.enqueue_indirect_dma source(%arg16 : memref<128x64xbf16, #tpu.memory_space<vmem>>) target(%dma_start3A_413 : memref<10240x64xbf16, #tpu.memory_space<vmem_shared>>) offsets(%dma_start3A_410 : memref<128xi32, #tpu.memory_space<vmem>>) semaphore(%arg38 : memref<!tpu.dma_semaphore, #tpu.memory_space<semaphore_mem>>) {add = true}
      %add3A_414 = arith.constant 0 : i32
      %add3A_415 = arith.addi %mul3A_285, %add3A_414 : i32
      %dma_wait3A_416 = arith.constant 0 : i32
      %dma_wait3A_417 = tpu.memref_slice %arg8[%add3A_415, %dma_wait3A_416] : memref<160x128xi32, #tpu.memory_space<vmem>> -> memref<1x128xi32, #tpu.memory_space<vmem>>
      %dma_wait3A_418 = tpu.memref_squeeze %dma_wait3A_417 : memref<1x128xi32, #tpu.memory_space<vmem>> -> memref<128xi32, #tpu.memory_space<vmem>>
      %dma_wait3A_419 = arith.constant 0 : i32
      %dma_wait3A_420 = arith.constant 0 : i32
      %dma_wait3A_421 = tpu.memref_slice %arg17[%dma_wait3A_419, %dma_wait3A_420] : memref<10240x64xbf16, #tpu.memory_space<vmem_shared>> -> memref<10240x64xbf16, #tpu.memory_space<vmem_shared>>
      tpu.wait_indirect_dma semaphore(%arg31 : memref<!tpu.dma_semaphore, #tpu.memory_space<semaphore_mem>>) src(%arg9 : memref<128x64xbf16, #tpu.memory_space<vmem>>) dst(%dma_wait3A_421 : memref<10240x64xbf16, #tpu.memory_space<vmem_shared>>)
      %add3A_422 = arith.constant 8 : i32
      %add3A_423 = arith.addi %mul3A_285, %add3A_422 : i32
      %add3A_424 = arith.constant 0 : i32
      %add3A_425 = arith.addi %add3A_423, %add3A_424 : i32
      %dma_start3A_426 = arith.constant 0 : i32
      %dma_start3A_427 = tpu.memref_slice %arg7[%add3A_425, %dma_start3A_426] : memref<160x128xi32, #tpu.memory_space<vmem>> -> memref<1x128xi32, #tpu.memory_space<vmem>>
      %dma_start3A_428 = tpu.memref_squeeze %dma_start3A_427 : memref<1x128xi32, #tpu.memory_space<vmem>> -> memref<128xi32, #tpu.memory_space<vmem>>
      %dma_start3A_429 = arith.constant 0 : i32
      %dma_start3A_430 = arith.constant 0 : i32
      %dma_start3A_431 = tpu.memref_slice %arg18[%dma_start3A_429, %dma_start3A_430] : memref<10000x64xbf16, #tpu.memory_space<vmem_shared>> -> memref<10000x64xbf16, #tpu.memory_space<vmem_shared>>
      tpu.enqueue_indirect_dma source(%dma_start3A_431 : memref<10000x64xbf16, #tpu.memory_space<vmem_shared>>) target(%arg9 : memref<128x64xbf16, #tpu.memory_space<vmem>>) offsets(%dma_start3A_428 : memref<128xi32, #tpu.memory_space<vmem>>) semaphore(%arg23 : memref<!tpu.dma_semaphore, #tpu.memory_space<semaphore_mem>>)
      %add3A_432 = arith.constant 1 : i32
      %add3A_433 = arith.addi %mul3A_285, %add3A_432 : i32
      %dma_wait3A_434 = arith.constant 0 : i32
      %dma_wait3A_435 = tpu.memref_slice %arg8[%add3A_433, %dma_wait3A_434] : memref<160x128xi32, #tpu.memory_space<vmem>> -> memref<1x128xi32, #tpu.memory_space<vmem>>
      %dma_wait3A_436 = tpu.memref_squeeze %dma_wait3A_435 : memref<1x128xi32, #tpu.memory_space<vmem>> -> memref<128xi32, #tpu.memory_space<vmem>>
      %dma_wait3A_437 = arith.constant 0 : i32
      %dma_wait3A_438 = arith.constant 0 : i32
      %dma_wait3A_439 = tpu.memref_slice %arg17[%dma_wait3A_437, %dma_wait3A_438] : memref<10240x64xbf16, #tpu.memory_space<vmem_shared>> -> memref<10240x64xbf16, #tpu.memory_space<vmem_shared>>
      tpu.wait_indirect_dma semaphore(%arg32 : memref<!tpu.dma_semaphore, #tpu.memory_space<semaphore_mem>>) src(%arg10 : memref<128x64xbf16, #tpu.memory_space<vmem>>) dst(%dma_wait3A_439 : memref<10240x64xbf16, #tpu.memory_space<vmem_shared>>)
      %add3A_440 = arith.constant 8 : i32
      %add3A_441 = arith.addi %mul3A_285, %add3A_440 : i32
      %add3A_442 = arith.constant 1 : i32
      %add3A_443 = arith.addi %add3A_441, %add3A_442 : i32
      %dma_start3A_444 = arith.constant 0 : i32
      %dma_start3A_445 = tpu.memref_slice %arg7[%add3A_443, %dma_start3A_444] : memref<160x128xi32, #tpu.memory_space<vmem>> -> memref<1x128xi32, #tpu.memory_space<vmem>>
      %dma_start3A_446 = tpu.memref_squeeze %dma_start3A_445 : memref<1x128xi32, #tpu.memory_space<vmem>> -> memref<128xi32, #tpu.memory_space<vmem>>
      %dma_start3A_447 = arith.constant 0 : i32
      %dma_start3A_448 = arith.constant 0 : i32
      %dma_start3A_449 = tpu.memref_slice %arg18[%dma_start3A_447, %dma_start3A_448] : memref<10000x64xbf16, #tpu.memory_space<vmem_shared>> -> memref<10000x64xbf16, #tpu.memory_space<vmem_shared>>
      tpu.enqueue_indirect_dma source(%dma_start3A_449 : memref<10000x64xbf16, #tpu.memory_space<vmem_shared>>) target(%arg10 : memref<128x64xbf16, #tpu.memory_space<vmem>>) offsets(%dma_start3A_446 : memref<128xi32, #tpu.memory_space<vmem>>) semaphore(%arg24 : memref<!tpu.dma_semaphore, #tpu.memory_space<semaphore_mem>>)
      %add3A_450 = arith.constant 2 : i32
      %add3A_451 = arith.addi %mul3A_285, %add3A_450 : i32
      %dma_wait3A_452 = arith.constant 0 : i32
      %dma_wait3A_453 = tpu.memref_slice %arg8[%add3A_451, %dma_wait3A_452] : memref<160x128xi32, #tpu.memory_space<vmem>> -> memref<1x128xi32, #tpu.memory_space<vmem>>
      %dma_wait3A_454 = tpu.memref_squeeze %dma_wait3A_453 : memref<1x128xi32, #tpu.memory_space<vmem>> -> memref<128xi32, #tpu.memory_space<vmem>>
      %dma_wait3A_455 = arith.constant 0 : i32
      %dma_wait3A_456 = arith.constant 0 : i32
      %dma_wait3A_457 = tpu.memref_slice %arg17[%dma_wait3A_455, %dma_wait3A_456] : memref<10240x64xbf16, #tpu.memory_space<vmem_shared>> -> memref<10240x64xbf16, #tpu.memory_space<vmem_shared>>
      tpu.wait_indirect_dma semaphore(%arg33 : memref<!tpu.dma_semaphore, #tpu.memory_space<semaphore_mem>>) src(%arg11 : memref<128x64xbf16, #tpu.memory_space<vmem>>) dst(%dma_wait3A_457 : memref<10240x64xbf16, #tpu.memory_space<vmem_shared>>)
      %add3A_458 = arith.constant 8 : i32
      %add3A_459 = arith.addi %mul3A_285, %add3A_458 : i32
      %add3A_460 = arith.constant 2 : i32
      %add3A_461 = arith.addi %add3A_459, %add3A_460 : i32
      %dma_start3A_462 = arith.constant 0 : i32
      %dma_start3A_463 = tpu.memref_slice %arg7[%add3A_461, %dma_start3A_462] : memref<160x128xi32, #tpu.memory_space<vmem>> -> memref<1x128xi32, #tpu.memory_space<vmem>>
      %dma_start3A_464 = tpu.memref_squeeze %dma_start3A_463 : memref<1x128xi32, #tpu.memory_space<vmem>> -> memref<128xi32, #tpu.memory_space<vmem>>
      %dma_start3A_465 = arith.constant 0 : i32
      %dma_start3A_466 = arith.constant 0 : i32
      %dma_start3A_467 = tpu.memref_slice %arg18[%dma_start3A_465, %dma_start3A_466] : memref<10000x64xbf16, #tpu.memory_space<vmem_shared>> -> memref<10000x64xbf16, #tpu.memory_space<vmem_shared>>
      tpu.enqueue_indirect_dma source(%dma_start3A_467 : memref<10000x64xbf16, #tpu.memory_space<vmem_shared>>) target(%arg11 : memref<128x64xbf16, #tpu.memory_space<vmem>>) offsets(%dma_start3A_464 : memref<128xi32, #tpu.memory_space<vmem>>) semaphore(%arg25 : memref<!tpu.dma_semaphore, #tpu.memory_space<semaphore_mem>>)
      %add3A_468 = arith.constant 3 : i32
      %add3A_469 = arith.addi %mul3A_285, %add3A_468 : i32
      %dma_wait3A_470 = arith.constant 0 : i32
      %dma_wait3A_471 = tpu.memref_slice %arg8[%add3A_469, %dma_wait3A_470] : memref<160x128xi32, #tpu.memory_space<vmem>> -> memref<1x128xi32, #tpu.memory_space<vmem>>
      %dma_wait3A_472 = tpu.memref_squeeze %dma_wait3A_471 : memref<1x128xi32, #tpu.memory_space<vmem>> -> memref<128xi32, #tpu.memory_space<vmem>>
      %dma_wait3A_473 = arith.constant 0 : i32
      %dma_wait3A_474 = arith.constant 0 : i32
      %dma_wait3A_475 = tpu.memref_slice %arg17[%dma_wait3A_473, %dma_wait3A_474] : memref<10240x64xbf16, #tpu.memory_space<vmem_shared>> -> memref<10240x64xbf16, #tpu.memory_space<vmem_shared>>
      tpu.wait_indirect_dma semaphore(%arg34 : memref<!tpu.dma_semaphore, #tpu.memory_space<semaphore_mem>>) src(%arg12 : memref<128x64xbf16, #tpu.memory_space<vmem>>) dst(%dma_wait3A_475 : memref<10240x64xbf16, #tpu.memory_space<vmem_shared>>)
      %add3A_476 = arith.constant 8 : i32
      %add3A_477 = arith.addi %mul3A_285, %add3A_476 : i32
      %add3A_478 = arith.constant 3 : i32
      %add3A_479 = arith.addi %add3A_477, %add3A_478 : i32
      %dma_start3A_480 = arith.constant 0 : i32
      %dma_start3A_481 = tpu.memref_slice %arg7[%add3A_479, %dma_start3A_480] : memref<160x128xi32, #tpu.memory_space<vmem>> -> memref<1x128xi32, #tpu.memory_space<vmem>>
      %dma_start3A_482 = tpu.memref_squeeze %dma_start3A_481 : memref<1x128xi32, #tpu.memory_space<vmem>> -> memref<128xi32, #tpu.memory_space<vmem>>
      %dma_start3A_483 = arith.constant 0 : i32
      %dma_start3A_484 = arith.constant 0 : i32
      %dma_start3A_485 = tpu.memref_slice %arg18[%dma_start3A_483, %dma_start3A_484] : memref<10000x64xbf16, #tpu.memory_space<vmem_shared>> -> memref<10000x64xbf16, #tpu.memory_space<vmem_shared>>
      tpu.enqueue_indirect_dma source(%dma_start3A_485 : memref<10000x64xbf16, #tpu.memory_space<vmem_shared>>) target(%arg12 : memref<128x64xbf16, #tpu.memory_space<vmem>>) offsets(%dma_start3A_482 : memref<128xi32, #tpu.memory_space<vmem>>) semaphore(%arg26 : memref<!tpu.dma_semaphore, #tpu.memory_space<semaphore_mem>>)
      %add3A_486 = arith.constant 4 : i32
      %add3A_487 = arith.addi %mul3A_285, %add3A_486 : i32
      %dma_wait3A_488 = arith.constant 0 : i32
      %dma_wait3A_489 = tpu.memref_slice %arg8[%add3A_487, %dma_wait3A_488] : memref<160x128xi32, #tpu.memory_space<vmem>> -> memref<1x128xi32, #tpu.memory_space<vmem>>
      %dma_wait3A_490 = tpu.memref_squeeze %dma_wait3A_489 : memref<1x128xi32, #tpu.memory_space<vmem>> -> memref<128xi32, #tpu.memory_space<vmem>>
      %dma_wait3A_491 = arith.constant 0 : i32
      %dma_wait3A_492 = arith.constant 0 : i32
      %dma_wait3A_493 = tpu.memref_slice %arg17[%dma_wait3A_491, %dma_wait3A_492] : memref<10240x64xbf16, #tpu.memory_space<vmem_shared>> -> memref<10240x64xbf16, #tpu.memory_space<vmem_shared>>
      tpu.wait_indirect_dma semaphore(%arg35 : memref<!tpu.dma_semaphore, #tpu.memory_space<semaphore_mem>>) src(%arg13 : memref<128x64xbf16, #tpu.memory_space<vmem>>) dst(%dma_wait3A_493 : memref<10240x64xbf16, #tpu.memory_space<vmem_shared>>)
      %add3A_494 = arith.constant 8 : i32
      %add3A_495 = arith.addi %mul3A_285, %add3A_494 : i32
      %add3A_496 = arith.constant 4 : i32
      %add3A_497 = arith.addi %add3A_495, %add3A_496 : i32
      %dma_start3A_498 = arith.constant 0 : i32
      %dma_start3A_499 = tpu.memref_slice %arg7[%add3A_497, %dma_start3A_498] : memref<160x128xi32, #tpu.memory_space<vmem>> -> memref<1x128xi32, #tpu.memory_space<vmem>>
      %dma_start3A_500 = tpu.memref_squeeze %dma_start3A_499 : memref<1x128xi32, #tpu.memory_space<vmem>> -> memref<128xi32, #tpu.memory_space<vmem>>
      %dma_start3A_501 = arith.constant 0 : i32
      %dma_start3A_502 = arith.constant 0 : i32
      %dma_start3A_503 = tpu.memref_slice %arg18[%dma_start3A_501, %dma_start3A_502] : memref<10000x64xbf16, #tpu.memory_space<vmem_shared>> -> memref<10000x64xbf16, #tpu.memory_space<vmem_shared>>
      tpu.enqueue_indirect_dma source(%dma_start3A_503 : memref<10000x64xbf16, #tpu.memory_space<vmem_shared>>) target(%arg13 : memref<128x64xbf16, #tpu.memory_space<vmem>>) offsets(%dma_start3A_500 : memref<128xi32, #tpu.memory_space<vmem>>) semaphore(%arg27 : memref<!tpu.dma_semaphore, #tpu.memory_space<semaphore_mem>>)
      %add3A_504 = arith.constant 5 : i32
      %add3A_505 = arith.addi %mul3A_285, %add3A_504 : i32
      %dma_wait3A_506 = arith.constant 0 : i32
      %dma_wait3A_507 = tpu.memref_slice %arg8[%add3A_505, %dma_wait3A_506] : memref<160x128xi32, #tpu.memory_space<vmem>> -> memref<1x128xi32, #tpu.memory_space<vmem>>
      %dma_wait3A_508 = tpu.memref_squeeze %dma_wait3A_507 : memref<1x128xi32, #tpu.memory_space<vmem>> -> memref<128xi32, #tpu.memory_space<vmem>>
      %dma_wait3A_509 = arith.constant 0 : i32
      %dma_wait3A_510 = arith.constant 0 : i32
      %dma_wait3A_511 = tpu.memref_slice %arg17[%dma_wait3A_509, %dma_wait3A_510] : memref<10240x64xbf16, #tpu.memory_space<vmem_shared>> -> memref<10240x64xbf16, #tpu.memory_space<vmem_shared>>
      tpu.wait_indirect_dma semaphore(%arg36 : memref<!tpu.dma_semaphore, #tpu.memory_space<semaphore_mem>>) src(%arg14 : memref<128x64xbf16, #tpu.memory_space<vmem>>) dst(%dma_wait3A_511 : memref<10240x64xbf16, #tpu.memory_space<vmem_shared>>)
      %add3A_512 = arith.constant 8 : i32
      %add3A_513 = arith.addi %mul3A_285, %add3A_512 : i32
      %add3A_514 = arith.constant 5 : i32
      %add3A_515 = arith.addi %add3A_513, %add3A_514 : i32
      %dma_start3A_516 = arith.constant 0 : i32
      %dma_start3A_517 = tpu.memref_slice %arg7[%add3A_515, %dma_start3A_516] : memref<160x128xi32, #tpu.memory_space<vmem>> -> memref<1x128xi32, #tpu.memory_space<vmem>>
      %dma_start3A_518 = tpu.memref_squeeze %dma_start3A_517 : memref<1x128xi32, #tpu.memory_space<vmem>> -> memref<128xi32, #tpu.memory_space<vmem>>
      %dma_start3A_519 = arith.constant 0 : i32
      %dma_start3A_520 = arith.constant 0 : i32
      %dma_start3A_521 = tpu.memref_slice %arg18[%dma_start3A_519, %dma_start3A_520] : memref<10000x64xbf16, #tpu.memory_space<vmem_shared>> -> memref<10000x64xbf16, #tpu.memory_space<vmem_shared>>
      tpu.enqueue_indirect_dma source(%dma_start3A_521 : memref<10000x64xbf16, #tpu.memory_space<vmem_shared>>) target(%arg14 : memref<128x64xbf16, #tpu.memory_space<vmem>>) offsets(%dma_start3A_518 : memref<128xi32, #tpu.memory_space<vmem>>) semaphore(%arg28 : memref<!tpu.dma_semaphore, #tpu.memory_space<semaphore_mem>>)
      %add3A_522 = arith.constant 6 : i32
      %add3A_523 = arith.addi %mul3A_285, %add3A_522 : i32
      %dma_wait3A_524 = arith.constant 0 : i32
      %dma_wait3A_525 = tpu.memref_slice %arg8[%add3A_523, %dma_wait3A_524] : memref<160x128xi32, #tpu.memory_space<vmem>> -> memref<1x128xi32, #tpu.memory_space<vmem>>
      %dma_wait3A_526 = tpu.memref_squeeze %dma_wait3A_525 : memref<1x128xi32, #tpu.memory_space<vmem>> -> memref<128xi32, #tpu.memory_space<vmem>>
      %dma_wait3A_527 = arith.constant 0 : i32
      %dma_wait3A_528 = arith.constant 0 : i32
      %dma_wait3A_529 = tpu.memref_slice %arg17[%dma_wait3A_527, %dma_wait3A_528] : memref<10240x64xbf16, #tpu.memory_space<vmem_shared>> -> memref<10240x64xbf16, #tpu.memory_space<vmem_shared>>
      tpu.wait_indirect_dma semaphore(%arg37 : memref<!tpu.dma_semaphore, #tpu.memory_space<semaphore_mem>>) src(%arg15 : memref<128x64xbf16, #tpu.memory_space<vmem>>) dst(%dma_wait3A_529 : memref<10240x64xbf16, #tpu.memory_space<vmem_shared>>)
      %add3A_530 = arith.constant 8 : i32
      %add3A_531 = arith.addi %mul3A_285, %add3A_530 : i32
      %add3A_532 = arith.constant 6 : i32
      %add3A_533 = arith.addi %add3A_531, %add3A_532 : i32
      %dma_start3A_534 = arith.constant 0 : i32
      %dma_start3A_535 = tpu.memref_slice %arg7[%add3A_533, %dma_start3A_534] : memref<160x128xi32, #tpu.memory_space<vmem>> -> memref<1x128xi32, #tpu.memory_space<vmem>>
      %dma_start3A_536 = tpu.memref_squeeze %dma_start3A_535 : memref<1x128xi32, #tpu.memory_space<vmem>> -> memref<128xi32, #tpu.memory_space<vmem>>
      %dma_start3A_537 = arith.constant 0 : i32
      %dma_start3A_538 = arith.constant 0 : i32
      %dma_start3A_539 = tpu.memref_slice %arg18[%dma_start3A_537, %dma_start3A_538] : memref<10000x64xbf16, #tpu.memory_space<vmem_shared>> -> memref<10000x64xbf16, #tpu.memory_space<vmem_shared>>
      tpu.enqueue_indirect_dma source(%dma_start3A_539 : memref<10000x64xbf16, #tpu.memory_space<vmem_shared>>) target(%arg15 : memref<128x64xbf16, #tpu.memory_space<vmem>>) offsets(%dma_start3A_536 : memref<128xi32, #tpu.memory_space<vmem>>) semaphore(%arg29 : memref<!tpu.dma_semaphore, #tpu.memory_space<semaphore_mem>>)
      %add3A_540 = arith.constant 7 : i32
      %add3A_541 = arith.addi %mul3A_285, %add3A_540 : i32
      %dma_wait3A_542 = arith.constant 0 : i32
      %dma_wait3A_543 = tpu.memref_slice %arg8[%add3A_541, %dma_wait3A_542] : memref<160x128xi32, #tpu.memory_space<vmem>> -> memref<1x128xi32, #tpu.memory_space<vmem>>
      %dma_wait3A_544 = tpu.memref_squeeze %dma_wait3A_543 : memref<1x128xi32, #tpu.memory_space<vmem>> -> memref<128xi32, #tpu.memory_space<vmem>>
      %dma_wait3A_545 = arith.constant 0 : i32
      %dma_wait3A_546 = arith.constant 0 : i32
      %dma_wait3A_547 = tpu.memref_slice %arg17[%dma_wait3A_545, %dma_wait3A_546] : memref<10240x64xbf16, #tpu.memory_space<vmem_shared>> -> memref<10240x64xbf16, #tpu.memory_space<vmem_shared>>
      tpu.wait_indirect_dma semaphore(%arg38 : memref<!tpu.dma_semaphore, #tpu.memory_space<semaphore_mem>>) src(%arg16 : memref<128x64xbf16, #tpu.memory_space<vmem>>) dst(%dma_wait3A_547 : memref<10240x64xbf16, #tpu.memory_space<vmem_shared>>)
      %add3A_548 = arith.constant 8 : i32
      %add3A_549 = arith.addi %mul3A_285, %add3A_548 : i32
      %add3A_550 = arith.constant 7 : i32
      %add3A_551 = arith.addi %add3A_549, %add3A_550 : i32
      %dma_start3A_552 = arith.constant 0 : i32
      %dma_start3A_553 = tpu.memref_slice %arg7[%add3A_551, %dma_start3A_552] : memref<160x128xi32, #tpu.memory_space<vmem>> -> memref<1x128xi32, #tpu.memory_space<vmem>>
      %dma_start3A_554 = tpu.memref_squeeze %dma_start3A_553 : memref<1x128xi32, #tpu.memory_space<vmem>> -> memref<128xi32, #tpu.memory_space<vmem>>
      %dma_start3A_555 = arith.constant 0 : i32
      %dma_start3A_556 = arith.constant 0 : i32
      %dma_start3A_557 = tpu.memref_slice %arg18[%dma_start3A_555, %dma_start3A_556] : memref<10000x64xbf16, #tpu.memory_space<vmem_shared>> -> memref<10000x64xbf16, #tpu.memory_space<vmem_shared>>
      tpu.enqueue_indirect_dma source(%dma_start3A_557 : memref<10000x64xbf16, #tpu.memory_space<vmem_shared>>) target(%arg16 : memref<128x64xbf16, #tpu.memory_space<vmem>>) offsets(%dma_start3A_554 : memref<128xi32, #tpu.memory_space<vmem>>) semaphore(%arg30 : memref<!tpu.dma_semaphore, #tpu.memory_space<semaphore_mem>>)
    }
    %scan3A_113 = arith.constant 19 : i32
    %dma_wait3A_114 = arith.constant 152 : i32
    %dma_wait3A_115 = arith.constant 0 : i32
    %dma_wait3A_116 = tpu.memref_slice %arg7[%dma_wait3A_114, %dma_wait3A_115] : memref<160x128xi32, #tpu.memory_space<vmem>> -> memref<1x128xi32, #tpu.memory_space<vmem>>
    %dma_wait3A_117 = tpu.memref_squeeze %dma_wait3A_116 : memref<1x128xi32, #tpu.memory_space<vmem>> -> memref<128xi32, #tpu.memory_space<vmem>>
    %dma_wait3A_118 = arith.constant 0 : i32
    %dma_wait3A_119 = arith.constant 0 : i32
    %dma_wait3A_120 = tpu.memref_slice %arg18[%dma_wait3A_118, %dma_wait3A_119] : memref<10000x64xbf16, #tpu.memory_space<vmem_shared>> -> memref<10000x64xbf16, #tpu.memory_space<vmem_shared>>
    tpu.wait_indirect_dma semaphore(%arg23 : memref<!tpu.dma_semaphore, #tpu.memory_space<semaphore_mem>>) src(%dma_wait3A_120 : memref<10000x64xbf16, #tpu.memory_space<vmem_shared>>) dst(%arg9 : memref<128x64xbf16, #tpu.memory_space<vmem>>)
    %dma_start3A_121 = arith.constant 152 : i32
    %dma_start3A_122 = arith.constant 0 : i32
    %dma_start3A_123 = tpu.memref_slice %arg8[%dma_start3A_121, %dma_start3A_122] : memref<160x128xi32, #tpu.memory_space<vmem>> -> memref<1x128xi32, #tpu.memory_space<vmem>>
    %dma_start3A_124 = tpu.memref_squeeze %dma_start3A_123 : memref<1x128xi32, #tpu.memory_space<vmem>> -> memref<128xi32, #tpu.memory_space<vmem>>
    %dma_start3A_125 = arith.constant 0 : i32
    %dma_start3A_126 = arith.constant 0 : i32
    %dma_start3A_127 = tpu.memref_slice %arg17[%dma_start3A_125, %dma_start3A_126] : memref<10240x64xbf16, #tpu.memory_space<vmem_shared>> -> memref<10240x64xbf16, #tpu.memory_space<vmem_shared>>
    tpu.enqueue_indirect_dma source(%arg9 : memref<128x64xbf16, #tpu.memory_space<vmem>>) target(%dma_start3A_127 : memref<10240x64xbf16, #tpu.memory_space<vmem_shared>>) offsets(%dma_start3A_124 : memref<128xi32, #tpu.memory_space<vmem>>) semaphore(%arg31 : memref<!tpu.dma_semaphore, #tpu.memory_space<semaphore_mem>>) {add = true}
    %dma_wait3A_128 = arith.constant 153 : i32
    %dma_wait3A_129 = arith.constant 0 : i32
    %dma_wait3A_130 = tpu.memref_slice %arg7[%dma_wait3A_128, %dma_wait3A_129] : memref<160x128xi32, #tpu.memory_space<vmem>> -> memref<1x128xi32, #tpu.memory_space<vmem>>
    %dma_wait3A_131 = tpu.memref_squeeze %dma_wait3A_130 : memref<1x128xi32, #tpu.memory_space<vmem>> -> memref<128xi32, #tpu.memory_space<vmem>>
    %dma_wait3A_132 = arith.constant 0 : i32
    %dma_wait3A_133 = arith.constant 0 : i32
    %dma_wait3A_134 = tpu.memref_slice %arg18[%dma_wait3A_132, %dma_wait3A_133] : memref<10000x64xbf16, #tpu.memory_space<vmem_shared>> -> memref<10000x64xbf16, #tpu.memory_space<vmem_shared>>
    tpu.wait_indirect_dma semaphore(%arg24 : memref<!tpu.dma_semaphore, #tpu.memory_space<semaphore_mem>>) src(%dma_wait3A_134 : memref<10000x64xbf16, #tpu.memory_space<vmem_shared>>) dst(%arg10 : memref<128x64xbf16, #tpu.memory_space<vmem>>)
    %dma_start3A_135 = arith.constant 153 : i32
    %dma_start3A_136 = arith.constant 0 : i32
    %dma_start3A_137 = tpu.memref_slice %arg8[%dma_start3A_135, %dma_start3A_136] : memref<160x128xi32, #tpu.memory_space<vmem>> -> memref<1x128xi32, #tpu.memory_space<vmem>>
    %dma_start3A_138 = tpu.memref_squeeze %dma_start3A_137 : memref<1x128xi32, #tpu.memory_space<vmem>> -> memref<128xi32, #tpu.memory_space<vmem>>
    %dma_start3A_139 = arith.constant 0 : i32
    %dma_start3A_140 = arith.constant 0 : i32
    %dma_start3A_141 = tpu.memref_slice %arg17[%dma_start3A_139, %dma_start3A_140] : memref<10240x64xbf16, #tpu.memory_space<vmem_shared>> -> memref<10240x64xbf16, #tpu.memory_space<vmem_shared>>
    tpu.enqueue_indirect_dma source(%arg10 : memref<128x64xbf16, #tpu.memory_space<vmem>>) target(%dma_start3A_141 : memref<10240x64xbf16, #tpu.memory_space<vmem_shared>>) offsets(%dma_start3A_138 : memref<128xi32, #tpu.memory_space<vmem>>) semaphore(%arg32 : memref<!tpu.dma_semaphore, #tpu.memory_space<semaphore_mem>>) {add = true}
    %dma_wait3A_142 = arith.constant 154 : i32
    %dma_wait3A_143 = arith.constant 0 : i32
    %dma_wait3A_144 = tpu.memref_slice %arg7[%dma_wait3A_142, %dma_wait3A_143] : memref<160x128xi32, #tpu.memory_space<vmem>> -> memref<1x128xi32, #tpu.memory_space<vmem>>
    %dma_wait3A_145 = tpu.memref_squeeze %dma_wait3A_144 : memref<1x128xi32, #tpu.memory_space<vmem>> -> memref<128xi32, #tpu.memory_space<vmem>>
    %dma_wait3A_146 = arith.constant 0 : i32
    %dma_wait3A_147 = arith.constant 0 : i32
    %dma_wait3A_148 = tpu.memref_slice %arg18[%dma_wait3A_146, %dma_wait3A_147] : memref<10000x64xbf16, #tpu.memory_space<vmem_shared>> -> memref<10000x64xbf16, #tpu.memory_space<vmem_shared>>
    tpu.wait_indirect_dma semaphore(%arg25 : memref<!tpu.dma_semaphore, #tpu.memory_space<semaphore_mem>>) src(%dma_wait3A_148 : memref<10000x64xbf16, #tpu.memory_space<vmem_shared>>) dst(%arg11 : memref<128x64xbf16, #tpu.memory_space<vmem>>)
    %dma_start3A_149 = arith.constant 154 : i32
    %dma_start3A_150 = arith.constant 0 : i32
    %dma_start3A_151 = tpu.memref_slice %arg8[%dma_start3A_149, %dma_start3A_150] : memref<160x128xi32, #tpu.memory_space<vmem>> -> memref<1x128xi32, #tpu.memory_space<vmem>>
    %dma_start3A_152 = tpu.memref_squeeze %dma_start3A_151 : memref<1x128xi32, #tpu.memory_space<vmem>> -> memref<128xi32, #tpu.memory_space<vmem>>
    %dma_start3A_153 = arith.constant 0 : i32
    %dma_start3A_154 = arith.constant 0 : i32
    %dma_start3A_155 = tpu.memref_slice %arg17[%dma_start3A_153, %dma_start3A_154] : memref<10240x64xbf16, #tpu.memory_space<vmem_shared>> -> memref<10240x64xbf16, #tpu.memory_space<vmem_shared>>
    tpu.enqueue_indirect_dma source(%arg11 : memref<128x64xbf16, #tpu.memory_space<vmem>>) target(%dma_start3A_155 : memref<10240x64xbf16, #tpu.memory_space<vmem_shared>>) offsets(%dma_start3A_152 : memref<128xi32, #tpu.memory_space<vmem>>) semaphore(%arg33 : memref<!tpu.dma_semaphore, #tpu.memory_space<semaphore_mem>>) {add = true}
    %dma_wait3A_156 = arith.constant 155 : i32
    %dma_wait3A_157 = arith.constant 0 : i32
    %dma_wait3A_158 = tpu.memref_slice %arg7[%dma_wait3A_156, %dma_wait3A_157] : memref<160x128xi32, #tpu.memory_space<vmem>> -> memref<1x128xi32, #tpu.memory_space<vmem>>
    %dma_wait3A_159 = tpu.memref_squeeze %dma_wait3A_158 : memref<1x128xi32, #tpu.memory_space<vmem>> -> memref<128xi32, #tpu.memory_space<vmem>>
    %dma_wait3A_160 = arith.constant 0 : i32
    %dma_wait3A_161 = arith.constant 0 : i32
    %dma_wait3A_162 = tpu.memref_slice %arg18[%dma_wait3A_160, %dma_wait3A_161] : memref<10000x64xbf16, #tpu.memory_space<vmem_shared>> -> memref<10000x64xbf16, #tpu.memory_space<vmem_shared>>
    tpu.wait_indirect_dma semaphore(%arg26 : memref<!tpu.dma_semaphore, #tpu.memory_space<semaphore_mem>>) src(%dma_wait3A_162 : memref<10000x64xbf16, #tpu.memory_space<vmem_shared>>) dst(%arg12 : memref<128x64xbf16, #tpu.memory_space<vmem>>)
    %dma_start3A_163 = arith.constant 155 : i32
    %dma_start3A_164 = arith.constant 0 : i32
    %dma_start3A_165 = tpu.memref_slice %arg8[%dma_start3A_163, %dma_start3A_164] : memref<160x128xi32, #tpu.memory_space<vmem>> -> memref<1x128xi32, #tpu.memory_space<vmem>>
    %dma_start3A_166 = tpu.memref_squeeze %dma_start3A_165 : memref<1x128xi32, #tpu.memory_space<vmem>> -> memref<128xi32, #tpu.memory_space<vmem>>
    %dma_start3A_167 = arith.constant 0 : i32
    %dma_start3A_168 = arith.constant 0 : i32
    %dma_start3A_169 = tpu.memref_slice %arg17[%dma_start3A_167, %dma_start3A_168] : memref<10240x64xbf16, #tpu.memory_space<vmem_shared>> -> memref<10240x64xbf16, #tpu.memory_space<vmem_shared>>
    tpu.enqueue_indirect_dma source(%arg12 : memref<128x64xbf16, #tpu.memory_space<vmem>>) target(%dma_start3A_169 : memref<10240x64xbf16, #tpu.memory_space<vmem_shared>>) offsets(%dma_start3A_166 : memref<128xi32, #tpu.memory_space<vmem>>) semaphore(%arg34 : memref<!tpu.dma_semaphore, #tpu.memory_space<semaphore_mem>>) {add = true}
    %dma_wait3A_170 = arith.constant 156 : i32
    %dma_wait3A_171 = arith.constant 0 : i32
    %dma_wait3A_172 = tpu.memref_slice %arg7[%dma_wait3A_170, %dma_wait3A_171] : memref<160x128xi32, #tpu.memory_space<vmem>> -> memref<1x128xi32, #tpu.memory_space<vmem>>
    %dma_wait3A_173 = tpu.memref_squeeze %dma_wait3A_172 : memref<1x128xi32, #tpu.memory_space<vmem>> -> memref<128xi32, #tpu.memory_space<vmem>>
    %dma_wait3A_174 = arith.constant 0 : i32
    %dma_wait3A_175 = arith.constant 0 : i32
    %dma_wait3A_176 = tpu.memref_slice %arg18[%dma_wait3A_174, %dma_wait3A_175] : memref<10000x64xbf16, #tpu.memory_space<vmem_shared>> -> memref<10000x64xbf16, #tpu.memory_space<vmem_shared>>
    tpu.wait_indirect_dma semaphore(%arg27 : memref<!tpu.dma_semaphore, #tpu.memory_space<semaphore_mem>>) src(%dma_wait3A_176 : memref<10000x64xbf16, #tpu.memory_space<vmem_shared>>) dst(%arg13 : memref<128x64xbf16, #tpu.memory_space<vmem>>)
    %dma_start3A_177 = arith.constant 156 : i32
    %dma_start3A_178 = arith.constant 0 : i32
    %dma_start3A_179 = tpu.memref_slice %arg8[%dma_start3A_177, %dma_start3A_178] : memref<160x128xi32, #tpu.memory_space<vmem>> -> memref<1x128xi32, #tpu.memory_space<vmem>>
    %dma_start3A_180 = tpu.memref_squeeze %dma_start3A_179 : memref<1x128xi32, #tpu.memory_space<vmem>> -> memref<128xi32, #tpu.memory_space<vmem>>
    %dma_start3A_181 = arith.constant 0 : i32
    %dma_start3A_182 = arith.constant 0 : i32
    %dma_start3A_183 = tpu.memref_slice %arg17[%dma_start3A_181, %dma_start3A_182] : memref<10240x64xbf16, #tpu.memory_space<vmem_shared>> -> memref<10240x64xbf16, #tpu.memory_space<vmem_shared>>
    tpu.enqueue_indirect_dma source(%arg13 : memref<128x64xbf16, #tpu.memory_space<vmem>>) target(%dma_start3A_183 : memref<10240x64xbf16, #tpu.memory_space<vmem_shared>>) offsets(%dma_start3A_180 : memref<128xi32, #tpu.memory_space<vmem>>) semaphore(%arg35 : memref<!tpu.dma_semaphore, #tpu.memory_space<semaphore_mem>>) {add = true}
    %dma_wait3A_184 = arith.constant 157 : i32
    %dma_wait3A_185 = arith.constant 0 : i32
    %dma_wait3A_186 = tpu.memref_slice %arg7[%dma_wait3A_184, %dma_wait3A_185] : memref<160x128xi32, #tpu.memory_space<vmem>> -> memref<1x128xi32, #tpu.memory_space<vmem>>
    %dma_wait3A_187 = tpu.memref_squeeze %dma_wait3A_186 : memref<1x128xi32, #tpu.memory_space<vmem>> -> memref<128xi32, #tpu.memory_space<vmem>>
    %dma_wait3A_188 = arith.constant 0 : i32
    %dma_wait3A_189 = arith.constant 0 : i32
    %dma_wait3A_190 = tpu.memref_slice %arg18[%dma_wait3A_188, %dma_wait3A_189] : memref<10000x64xbf16, #tpu.memory_space<vmem_shared>> -> memref<10000x64xbf16, #tpu.memory_space<vmem_shared>>
    tpu.wait_indirect_dma semaphore(%arg28 : memref<!tpu.dma_semaphore, #tpu.memory_space<semaphore_mem>>) src(%dma_wait3A_190 : memref<10000x64xbf16, #tpu.memory_space<vmem_shared>>) dst(%arg14 : memref<128x64xbf16, #tpu.memory_space<vmem>>)
    %dma_start3A_191 = arith.constant 157 : i32
    %dma_start3A_192 = arith.constant 0 : i32
    %dma_start3A_193 = tpu.memref_slice %arg8[%dma_start3A_191, %dma_start3A_192] : memref<160x128xi32, #tpu.memory_space<vmem>> -> memref<1x128xi32, #tpu.memory_space<vmem>>
    %dma_start3A_194 = tpu.memref_squeeze %dma_start3A_193 : memref<1x128xi32, #tpu.memory_space<vmem>> -> memref<128xi32, #tpu.memory_space<vmem>>
    %dma_start3A_195 = arith.constant 0 : i32
    %dma_start3A_196 = arith.constant 0 : i32
    %dma_start3A_197 = tpu.memref_slice %arg17[%dma_start3A_195, %dma_start3A_196] : memref<10240x64xbf16, #tpu.memory_space<vmem_shared>> -> memref<10240x64xbf16, #tpu.memory_space<vmem_shared>>
    tpu.enqueue_indirect_dma source(%arg14 : memref<128x64xbf16, #tpu.memory_space<vmem>>) target(%dma_start3A_197 : memref<10240x64xbf16, #tpu.memory_space<vmem_shared>>) offsets(%dma_start3A_194 : memref<128xi32, #tpu.memory_space<vmem>>) semaphore(%arg36 : memref<!tpu.dma_semaphore, #tpu.memory_space<semaphore_mem>>) {add = true}
    %dma_wait3A_198 = arith.constant 158 : i32
    %dma_wait3A_199 = arith.constant 0 : i32
    %dma_wait3A_200 = tpu.memref_slice %arg7[%dma_wait3A_198, %dma_wait3A_199] : memref<160x128xi32, #tpu.memory_space<vmem>> -> memref<1x128xi32, #tpu.memory_space<vmem>>
    %dma_wait3A_201 = tpu.memref_squeeze %dma_wait3A_200 : memref<1x128xi32, #tpu.memory_space<vmem>> -> memref<128xi32, #tpu.memory_space<vmem>>
    %dma_wait3A_202 = arith.constant 0 : i32
    %dma_wait3A_203 = arith.constant 0 : i32
    %dma_wait3A_204 = tpu.memref_slice %arg18[%dma_wait3A_202, %dma_wait3A_203] : memref<10000x64xbf16, #tpu.memory_space<vmem_shared>> -> memref<10000x64xbf16, #tpu.memory_space<vmem_shared>>
    tpu.wait_indirect_dma semaphore(%arg29 : memref<!tpu.dma_semaphore, #tpu.memory_space<semaphore_mem>>) src(%dma_wait3A_204 : memref<10000x64xbf16, #tpu.memory_space<vmem_shared>>) dst(%arg15 : memref<128x64xbf16, #tpu.memory_space<vmem>>)
    %dma_start3A_205 = arith.constant 158 : i32
    %dma_start3A_206 = arith.constant 0 : i32
    %dma_start3A_207 = tpu.memref_slice %arg8[%dma_start3A_205, %dma_start3A_206] : memref<160x128xi32, #tpu.memory_space<vmem>> -> memref<1x128xi32, #tpu.memory_space<vmem>>
    %dma_start3A_208 = tpu.memref_squeeze %dma_start3A_207 : memref<1x128xi32, #tpu.memory_space<vmem>> -> memref<128xi32, #tpu.memory_space<vmem>>
    %dma_start3A_209 = arith.constant 0 : i32
    %dma_start3A_210 = arith.constant 0 : i32
    %dma_start3A_211 = tpu.memref_slice %arg17[%dma_start3A_209, %dma_start3A_210] : memref<10240x64xbf16, #tpu.memory_space<vmem_shared>> -> memref<10240x64xbf16, #tpu.memory_space<vmem_shared>>
    tpu.enqueue_indirect_dma source(%arg15 : memref<128x64xbf16, #tpu.memory_space<vmem>>) target(%dma_start3A_211 : memref<10240x64xbf16, #tpu.memory_space<vmem_shared>>) offsets(%dma_start3A_208 : memref<128xi32, #tpu.memory_space<vmem>>) semaphore(%arg37 : memref<!tpu.dma_semaphore, #tpu.memory_space<semaphore_mem>>) {add = true}
    %dma_wait3A_212 = arith.constant 159 : i32
    %dma_wait3A_213 = arith.constant 0 : i32
    %dma_wait3A_214 = tpu.memref_slice %arg7[%dma_wait3A_212, %dma_wait3A_213] : memref<160x128xi32, #tpu.memory_space<vmem>> -> memref<1x128xi32, #tpu.memory_space<vmem>>
    %dma_wait3A_215 = tpu.memref_squeeze %dma_wait3A_214 : memref<1x128xi32, #tpu.memory_space<vmem>> -> memref<128xi32, #tpu.memory_space<vmem>>
    %dma_wait3A_216 = arith.constant 0 : i32
    %dma_wait3A_217 = arith.constant 0 : i32
    %dma_wait3A_218 = tpu.memref_slice %arg18[%dma_wait3A_216, %dma_wait3A_217] : memref<10000x64xbf16, #tpu.memory_space<vmem_shared>> -> memref<10000x64xbf16, #tpu.memory_space<vmem_shared>>
    tpu.wait_indirect_dma semaphore(%arg30 : memref<!tpu.dma_semaphore, #tpu.memory_space<semaphore_mem>>) src(%dma_wait3A_218 : memref<10000x64xbf16, #tpu.memory_space<vmem_shared>>) dst(%arg16 : memref<128x64xbf16, #tpu.memory_space<vmem>>)
    %dma_start3A_219 = arith.constant 159 : i32
    %dma_start3A_220 = arith.constant 0 : i32
    %dma_start3A_221 = tpu.memref_slice %arg8[%dma_start3A_219, %dma_start3A_220] : memref<160x128xi32, #tpu.memory_space<vmem>> -> memref<1x128xi32, #tpu.memory_space<vmem>>
    %dma_start3A_222 = tpu.memref_squeeze %dma_start3A_221 : memref<1x128xi32, #tpu.memory_space<vmem>> -> memref<128xi32, #tpu.memory_space<vmem>>
    %dma_start3A_223 = arith.constant 0 : i32
    %dma_start3A_224 = arith.constant 0 : i32
    %dma_start3A_225 = tpu.memref_slice %arg17[%dma_start3A_223, %dma_start3A_224] : memref<10240x64xbf16, #tpu.memory_space<vmem_shared>> -> memref<10240x64xbf16, #tpu.memory_space<vmem_shared>>
    tpu.enqueue_indirect_dma source(%arg16 : memref<128x64xbf16, #tpu.memory_space<vmem>>) target(%dma_start3A_225 : memref<10240x64xbf16, #tpu.memory_space<vmem_shared>>) offsets(%dma_start3A_222 : memref<128xi32, #tpu.memory_space<vmem>>) semaphore(%arg38 : memref<!tpu.dma_semaphore, #tpu.memory_space<semaphore_mem>>) {add = true}
    %dma_wait3A_226 = arith.constant 152 : i32
    %dma_wait3A_227 = arith.constant 0 : i32
    %dma_wait3A_228 = tpu.memref_slice %arg8[%dma_wait3A_226, %dma_wait3A_227] : memref<160x128xi32, #tpu.memory_space<vmem>> -> memref<1x128xi32, #tpu.memory_space<vmem>>
    %dma_wait3A_229 = tpu.memref_squeeze %dma_wait3A_228 : memref<1x128xi32, #tpu.memory_space<vmem>> -> memref<128xi32, #tpu.memory_space<vmem>>
    %dma_wait3A_230 = arith.constant 0 : i32
    %dma_wait3A_231 = arith.constant 0 : i32
    %dma_wait3A_232 = tpu.memref_slice %arg17[%dma_wait3A_230, %dma_wait3A_231] : memref<10240x64xbf16, #tpu.memory_space<vmem_shared>> -> memref<10240x64xbf16, #tpu.memory_space<vmem_shared>>
    tpu.wait_indirect_dma semaphore(%arg31 : memref<!tpu.dma_semaphore, #tpu.memory_space<semaphore_mem>>) src(%arg9 : memref<128x64xbf16, #tpu.memory_space<vmem>>) dst(%dma_wait3A_232 : memref<10240x64xbf16, #tpu.memory_space<vmem_shared>>)
    %dma_wait3A_233 = arith.constant 153 : i32
    %dma_wait3A_234 = arith.constant 0 : i32
    %dma_wait3A_235 = tpu.memref_slice %arg8[%dma_wait3A_233, %dma_wait3A_234] : memref<160x128xi32, #tpu.memory_space<vmem>> -> memref<1x128xi32, #tpu.memory_space<vmem>>
    %dma_wait3A_236 = tpu.memref_squeeze %dma_wait3A_235 : memref<1x128xi32, #tpu.memory_space<vmem>> -> memref<128xi32, #tpu.memory_space<vmem>>
    %dma_wait3A_237 = arith.constant 0 : i32
    %dma_wait3A_238 = arith.constant 0 : i32
    %dma_wait3A_239 = tpu.memref_slice %arg17[%dma_wait3A_237, %dma_wait3A_238] : memref<10240x64xbf16, #tpu.memory_space<vmem_shared>> -> memref<10240x64xbf16, #tpu.memory_space<vmem_shared>>
    tpu.wait_indirect_dma semaphore(%arg32 : memref<!tpu.dma_semaphore, #tpu.memory_space<semaphore_mem>>) src(%arg10 : memref<128x64xbf16, #tpu.memory_space<vmem>>) dst(%dma_wait3A_239 : memref<10240x64xbf16, #tpu.memory_space<vmem_shared>>)
    %dma_wait3A_240 = arith.constant 154 : i32
    %dma_wait3A_241 = arith.constant 0 : i32
    %dma_wait3A_242 = tpu.memref_slice %arg8[%dma_wait3A_240, %dma_wait3A_241] : memref<160x128xi32, #tpu.memory_space<vmem>> -> memref<1x128xi32, #tpu.memory_space<vmem>>
    %dma_wait3A_243 = tpu.memref_squeeze %dma_wait3A_242 : memref<1x128xi32, #tpu.memory_space<vmem>> -> memref<128xi32, #tpu.memory_space<vmem>>
    %dma_wait3A_244 = arith.constant 0 : i32
    %dma_wait3A_245 = arith.constant 0 : i32
    %dma_wait3A_246 = tpu.memref_slice %arg17[%dma_wait3A_244, %dma_wait3A_245] : memref<10240x64xbf16, #tpu.memory_space<vmem_shared>> -> memref<10240x64xbf16, #tpu.memory_space<vmem_shared>>
    tpu.wait_indirect_dma semaphore(%arg33 : memref<!tpu.dma_semaphore, #tpu.memory_space<semaphore_mem>>) src(%arg11 : memref<128x64xbf16, #tpu.memory_space<vmem>>) dst(%dma_wait3A_246 : memref<10240x64xbf16, #tpu.memory_space<vmem_shared>>)
    %dma_wait3A_247 = arith.constant 155 : i32
    %dma_wait3A_248 = arith.constant 0 : i32
    %dma_wait3A_249 = tpu.memref_slice %arg8[%dma_wait3A_247, %dma_wait3A_248] : memref<160x128xi32, #tpu.memory_space<vmem>> -> memref<1x128xi32, #tpu.memory_space<vmem>>
    %dma_wait3A_250 = tpu.memref_squeeze %dma_wait3A_249 : memref<1x128xi32, #tpu.memory_space<vmem>> -> memref<128xi32, #tpu.memory_space<vmem>>
    %dma_wait3A_251 = arith.constant 0 : i32
    %dma_wait3A_252 = arith.constant 0 : i32
    %dma_wait3A_253 = tpu.memref_slice %arg17[%dma_wait3A_251, %dma_wait3A_252] : memref<10240x64xbf16, #tpu.memory_space<vmem_shared>> -> memref<10240x64xbf16, #tpu.memory_space<vmem_shared>>
    tpu.wait_indirect_dma semaphore(%arg34 : memref<!tpu.dma_semaphore, #tpu.memory_space<semaphore_mem>>) src(%arg12 : memref<128x64xbf16, #tpu.memory_space<vmem>>) dst(%dma_wait3A_253 : memref<10240x64xbf16, #tpu.memory_space<vmem_shared>>)
    %dma_wait3A_254 = arith.constant 156 : i32
    %dma_wait3A_255 = arith.constant 0 : i32
    %dma_wait3A_256 = tpu.memref_slice %arg8[%dma_wait3A_254, %dma_wait3A_255] : memref<160x128xi32, #tpu.memory_space<vmem>> -> memref<1x128xi32, #tpu.memory_space<vmem>>
    %dma_wait3A_257 = tpu.memref_squeeze %dma_wait3A_256 : memref<1x128xi32, #tpu.memory_space<vmem>> -> memref<128xi32, #tpu.memory_space<vmem>>
    %dma_wait3A_258 = arith.constant 0 : i32
    %dma_wait3A_259 = arith.constant 0 : i32
    %dma_wait3A_260 = tpu.memref_slice %arg17[%dma_wait3A_258, %dma_wait3A_259] : memref<10240x64xbf16, #tpu.memory_space<vmem_shared>> -> memref<10240x64xbf16, #tpu.memory_space<vmem_shared>>
    tpu.wait_indirect_dma semaphore(%arg35 : memref<!tpu.dma_semaphore, #tpu.memory_space<semaphore_mem>>) src(%arg13 : memref<128x64xbf16, #tpu.memory_space<vmem>>) dst(%dma_wait3A_260 : memref<10240x64xbf16, #tpu.memory_space<vmem_shared>>)
    %dma_wait3A_261 = arith.constant 157 : i32
    %dma_wait3A_262 = arith.constant 0 : i32
    %dma_wait3A_263 = tpu.memref_slice %arg8[%dma_wait3A_261, %dma_wait3A_262] : memref<160x128xi32, #tpu.memory_space<vmem>> -> memref<1x128xi32, #tpu.memory_space<vmem>>
    %dma_wait3A_264 = tpu.memref_squeeze %dma_wait3A_263 : memref<1x128xi32, #tpu.memory_space<vmem>> -> memref<128xi32, #tpu.memory_space<vmem>>
    %dma_wait3A_265 = arith.constant 0 : i32
    %dma_wait3A_266 = arith.constant 0 : i32
    %dma_wait3A_267 = tpu.memref_slice %arg17[%dma_wait3A_265, %dma_wait3A_266] : memref<10240x64xbf16, #tpu.memory_space<vmem_shared>> -> memref<10240x64xbf16, #tpu.memory_space<vmem_shared>>
    tpu.wait_indirect_dma semaphore(%arg36 : memref<!tpu.dma_semaphore, #tpu.memory_space<semaphore_mem>>) src(%arg14 : memref<128x64xbf16, #tpu.memory_space<vmem>>) dst(%dma_wait3A_267 : memref<10240x64xbf16, #tpu.memory_space<vmem_shared>>)
    %dma_wait3A_268 = arith.constant 158 : i32
    %dma_wait3A_269 = arith.constant 0 : i32
    %dma_wait3A_270 = tpu.memref_slice %arg8[%dma_wait3A_268, %dma_wait3A_269] : memref<160x128xi32, #tpu.memory_space<vmem>> -> memref<1x128xi32, #tpu.memory_space<vmem>>
    %dma_wait3A_271 = tpu.memref_squeeze %dma_wait3A_270 : memref<1x128xi32, #tpu.memory_space<vmem>> -> memref<128xi32, #tpu.memory_space<vmem>>
    %dma_wait3A_272 = arith.constant 0 : i32
    %dma_wait3A_273 = arith.constant 0 : i32
    %dma_wait3A_274 = tpu.memref_slice %arg17[%dma_wait3A_272, %dma_wait3A_273] : memref<10240x64xbf16, #tpu.memory_space<vmem_shared>> -> memref<10240x64xbf16, #tpu.memory_space<vmem_shared>>
    tpu.wait_indirect_dma semaphore(%arg37 : memref<!tpu.dma_semaphore, #tpu.memory_space<semaphore_mem>>) src(%arg15 : memref<128x64xbf16, #tpu.memory_space<vmem>>) dst(%dma_wait3A_274 : memref<10240x64xbf16, #tpu.memory_space<vmem_shared>>)
    %dma_wait3A_275 = arith.constant 159 : i32
    %dma_wait3A_276 = arith.constant 0 : i32
    %dma_wait3A_277 = tpu.memref_slice %arg8[%dma_wait3A_275, %dma_wait3A_276] : memref<160x128xi32, #tpu.memory_space<vmem>> -> memref<1x128xi32, #tpu.memory_space<vmem>>
    %dma_wait3A_278 = tpu.memref_squeeze %dma_wait3A_277 : memref<1x128xi32, #tpu.memory_space<vmem>> -> memref<128xi32, #tpu.memory_space<vmem>>
    %dma_wait3A_279 = arith.constant 0 : i32
    %dma_wait3A_280 = arith.constant 0 : i32
    %dma_wait3A_281 = tpu.memref_slice %arg17[%dma_wait3A_279, %dma_wait3A_280] : memref<10240x64xbf16, #tpu.memory_space<vmem_shared>> -> memref<10240x64xbf16, #tpu.memory_space<vmem_shared>>
    tpu.wait_indirect_dma semaphore(%arg38 : memref<!tpu.dma_semaphore, #tpu.memory_space<semaphore_mem>>) src(%arg16 : memref<128x64xbf16, #tpu.memory_space<vmem>>) dst(%dma_wait3A_281 : memref<10240x64xbf16, #tpu.memory_space<vmem_shared>>)
    %barrier3A_282 = arith.constant 0 : index
    tpu.barrier barrier_id(%barrier3A_282)
    "tpu.region"() ({
      %run_scoped3A = tpu.sem_alloc : memref<!tpu.dma_semaphore, #tpu.memory_space<semaphore_mem>>
      %dma_start3A_283 = arith.constant 0 : i32
      %dma_start3A_284 = tpu.memref_slice %arg6[%arg0, %mul3A_2, %dma_start3A_283] : memref<2x10240x64xbf16, #tpu.memory_space<hbm>> -> memref<1x640x64xbf16, #tpu.memory_space<hbm>>
      %dma_start3A_285 = tpu.memref_squeeze %dma_start3A_284 : memref<1x640x64xbf16, #tpu.memory_space<hbm>> -> memref<640x64xbf16, #tpu.memory_space<hbm>>
      %dma_start3A_286 = arith.constant 0 : i32
      %dma_start3A_287 = tpu.memref_slice %arg17[%mul3A_2, %dma_start3A_286] : memref<10240x64xbf16, #tpu.memory_space<vmem_shared>> -> memref<640x64xbf16, #tpu.memory_space<vmem_shared>>
      tpu.enqueue_dma source(%dma_start3A_287 : memref<640x64xbf16, #tpu.memory_space<vmem_shared>>) target(%dma_start3A_285 : memref<640x64xbf16, #tpu.memory_space<hbm>>) target_semaphore(%run_scoped3A : memref<!tpu.dma_semaphore, #tpu.memory_space<semaphore_mem>>)
      %dma_wait3A_288 = arith.constant 0 : i32
      %dma_wait3A_289 = tpu.memref_slice %arg6[%arg0, %mul3A_2, %dma_wait3A_288] : memref<2x10240x64xbf16, #tpu.memory_space<hbm>> -> memref<1x640x64xbf16, #tpu.memory_space<hbm>>
      %dma_wait3A_290 = tpu.memref_squeeze %dma_wait3A_289 : memref<1x640x64xbf16, #tpu.memory_space<hbm>> -> memref<640x64xbf16, #tpu.memory_space<hbm>>
      %dma_wait3A_291 = arith.constant 0 : i32
      %dma_wait3A_292 = tpu.memref_slice %arg17[%mul3A_2, %dma_wait3A_291] : memref<10240x64xbf16, #tpu.memory_space<vmem_shared>> -> memref<640x64xbf16, #tpu.memory_space<vmem_shared>>
      tpu.wait_dma2 semaphore(%run_scoped3A : memref<!tpu.dma_semaphore, #tpu.memory_space<semaphore_mem>>) src(%dma_wait3A_292 : memref<640x64xbf16, #tpu.memory_space<vmem_shared>>) dst(%dma_wait3A_290 : memref<640x64xbf16, #tpu.memory_space<hbm>>)
      tpu.yield
    }) : () -> ()
    return
  }
}

module attributes {stable_mosaic.version = 14 : i64} {
  func.func @_pad_idx_body(%arg0: memref<2x5000x128xi32, #tpu.memory_space<vmem>>, %arg1: memref<5120x128xi32, #tpu.memory_space<vmem>>, %arg2: memref<5120x128xi32, #tpu.memory_space<vmem>>) attributes {dimension_semantics = [], scalar_prefetch = 0 : i64, scratch_operands = 0 : i64, tpu.core_type = #tpu.core_type<tc>} {
    %broadcast_in_dim3A = arith.constant 0 : i32
    %broadcast_in_dim3A_0 = vector.broadcast %broadcast_in_dim3A : i32 to vector<120x128xi32>
    %broadcast_in_dim3A_1 = arith.constant 10000 : i32
    %broadcast_in_dim3A_2 = vector.broadcast %broadcast_in_dim3A_1 : i32 to vector<120x128xi32>
    %get3A = arith.constant 0 : index
    %get3A_3 = arith.constant 0 : index
    %get3A_4 = arith.constant 0 : index
    %get3A_5 = vector.load %arg0[%get3A, %get3A_3, %get3A_4] : memref<2x5000x128xi32, #tpu.memory_space<vmem>>, vector<1x5000x128xi32>
    %get3A_6 = vector.shape_cast %get3A_5 : vector<1x5000x128xi32> to vector<5000x128xi32>
    %concatenate3A = tpu.concatenate %get3A_6, %broadcast_in_dim3A_0 in 0 : vector<5000x128xi32>, vector<120x128xi32> -> vector<5120x128xi32>
    %swap3A = arith.constant 0 : index
    %swap3A_7 = arith.constant 0 : index
    %swap3A_8 = vector.load %arg1[%swap3A, %swap3A_7] : memref<5120x128xi32, #tpu.memory_space<vmem>>, vector<5120x128xi32>
    tpu.vector_store %arg1[%swap3A, %swap3A_7], %concatenate3A {strides = array<i32>} : memref<5120x128xi32, #tpu.memory_space<vmem>>, vector<5120x128xi32>,
    %get3A_9 = arith.constant 1 : index
    %get3A_10 = arith.constant 0 : index
    %get3A_11 = arith.constant 0 : index
    %get3A_12 = vector.load %arg0[%get3A_9, %get3A_10, %get3A_11] : memref<2x5000x128xi32, #tpu.memory_space<vmem>>, vector<1x5000x128xi32>
    %get3A_13 = vector.shape_cast %get3A_12 : vector<1x5000x128xi32> to vector<5000x128xi32>
    %concatenate3A_14 = tpu.concatenate %get3A_13, %broadcast_in_dim3A_2 in 0 : vector<5000x128xi32>, vector<120x128xi32> -> vector<5120x128xi32>
    %swap3A_15 = arith.constant 0 : index
    %swap3A_16 = arith.constant 0 : index
    %swap3A_17 = vector.load %arg2[%swap3A_15, %swap3A_16] : memref<5120x128xi32, #tpu.memory_space<vmem>>, vector<5120x128xi32>
    tpu.vector_store %arg2[%swap3A_15, %swap3A_16], %concatenate3A_14 {strides = array<i32>} : memref<5120x128xi32, #tpu.memory_space<vmem>>, vector<5120x128xi32>,
    return
  }
}

module attributes {stable_mosaic.version = 14 : i64} {
  func.func @_first_body(%arg0: memref<10000x128xf32, #tpu.memory_space<vmem>>, %arg1: memref<128x64xf32, #tpu.memory_space<vmem>>, %arg2: memref<1x64xf32, #tpu.memory_space<vmem>>, %arg3: memref<1x64xf32, #tpu.memory_space<vmem>>, %arg4: memref<1x64xf32, #tpu.memory_space<vmem>>, %arg5: memref<10000x64xf32, #tpu.memory_space<vmem>>, %arg6: memref<10000x64xbf16, #tpu.memory_space<vmem>>) attributes {dimension_semantics = [], scalar_prefetch = 0 : i64, scratch_operands = 0 : i64, tpu.core_type = #tpu.core_type<tc>} {
    %get3A = arith.constant 0 : index
    %get3A_0 = arith.constant 0 : index
    %get3A_1 = vector.load %arg0[%get3A, %get3A_0] : memref<10000x128xf32, #tpu.memory_space<vmem>>, vector<10000x128xf32>
    %get3A_2 = arith.constant 0 : index
    %get3A_3 = arith.constant 0 : index
    %get3A_4 = vector.load %arg1[%get3A_2, %get3A_3] : memref<128x64xf32, #tpu.memory_space<vmem>>, vector<128x64xf32>
    %dot_general3A = arith.constant dense<0.000000e+00> : vector<10000x64xf32>
    %dot_general3A_5 = tpu.matmul %get3A_1, %get3A_4, %dot_general3A {dimension_numbers = #tpu.dot_dimension_numbers<[1], [0], [0], [1], [0, 0, 1, 1], [], []>, transpose_lhs_hint = false} : vector<10000x128xf32>, vector<128x64xf32>, vector<10000x64xf32> -> vector<10000x64xf32>
    %get3A_6 = arith.constant 0 : index
    %get3A_7 = arith.constant 0 : index
    %get3A_8 = vector.load %arg2[%get3A_6, %get3A_7] : memref<1x64xf32, #tpu.memory_space<vmem>>, vector<1x64xf32>
    %add3A = vector.broadcast %get3A_8 : vector<1x64xf32> to vector<10000x64xf32>
    %add3A_9 = arith.addf %dot_general3A_5, %add3A : vector<10000x64xf32>
    %swap3A = arith.constant 0 : index
    %swap3A_10 = arith.constant 0 : index
    %swap3A_11 = vector.load %arg5[%swap3A, %swap3A_10] : memref<10000x64xf32, #tpu.memory_space<vmem>>, vector<10000x64xf32>
    tpu.vector_store %arg5[%swap3A, %swap3A_10], %add3A_9 {strides = array<i32>} : memref<10000x64xf32, #tpu.memory_space<vmem>>, vector<10000x64xf32>,
    %get3A_12 = arith.constant 0 : index
    %get3A_13 = arith.constant 0 : index
    %get3A_14 = vector.load %arg3[%get3A_12, %get3A_13] : memref<1x64xf32, #tpu.memory_space<vmem>>, vector<1x64xf32>
    %get3A_15 = arith.constant 0 : index
    %get3A_16 = arith.constant 0 : index
    %get3A_17 = vector.load %arg4[%get3A_15, %get3A_16] : memref<1x64xf32, #tpu.memory_space<vmem>>, vector<1x64xf32>
    %reduce_sum3A = arith.constant dense<0.000000e+00> : vector<10000xf32>
    %reduce_sum3A_18 = vector.multi_reduction <add>, %add3A_9, %reduce_sum3A [1] : vector<10000x64xf32> to vector<10000xf32>
    %broadcast_in_dim3A = vector.shape_cast %reduce_sum3A_18 : vector<10000xf32> to vector<10000x1xf32>
    %div3A = arith.constant 6.400000e+01 : f32
    %div3A_19 = vector.broadcast %div3A : f32 to vector<10000x1xf32>
    %div3A_20 = arith.divf %broadcast_in_dim3A, %div3A_19 : vector<10000x1xf32>
    %sub3A = vector.broadcast %div3A_20 : vector<10000x1xf32> to vector<10000x64xf32>
    %sub3A_21 = arith.subf %add3A_9, %sub3A : vector<10000x64xf32>
    %integer_pow3A = arith.mulf %sub3A_21, %sub3A_21 : vector<10000x64xf32>
    %reduce_sum3A_22 = arith.constant dense<0.000000e+00> : vector<10000xf32>
    %reduce_sum3A_23 = vector.multi_reduction <add>, %integer_pow3A, %reduce_sum3A_22 [1] : vector<10000x64xf32> to vector<10000xf32>
    %broadcast_in_dim3A_24 = vector.shape_cast %reduce_sum3A_23 : vector<10000xf32> to vector<10000x1xf32>
    %div3A_25 = arith.constant 6.400000e+01 : f32
    %div3A_26 = vector.broadcast %div3A_25 : f32 to vector<10000x1xf32>
    %div3A_27 = arith.divf %broadcast_in_dim3A_24, %div3A_26 : vector<10000x1xf32>
    %sub3A_28 = vector.broadcast %div3A_20 : vector<10000x1xf32> to vector<10000x64xf32>
    %sub3A_29 = arith.subf %add3A_9, %sub3A_28 : vector<10000x64xf32>
    %add3A_30 = arith.constant 9.99999974E-6 : f32
    %add3A_31 = vector.broadcast %add3A_30 : f32 to vector<10000x1xf32>
    %add3A_32 = arith.addf %div3A_27, %add3A_31 : vector<10000x1xf32>
    %sqrt3A = math.sqrt %add3A_32 : vector<10000x1xf32>
    %div3A_33 = vector.broadcast %sqrt3A : vector<10000x1xf32> to vector<10000x64xf32>
    %div3A_34 = arith.divf %sub3A_29, %div3A_33 : vector<10000x64xf32>
    %mul3A = vector.broadcast %get3A_14 : vector<1x64xf32> to vector<10000x64xf32>
    %mul3A_35 = arith.mulf %div3A_34, %mul3A : vector<10000x64xf32>
    %add3A_36 = vector.broadcast %get3A_17 : vector<1x64xf32> to vector<10000x64xf32>
    %add3A_37 = arith.addf %mul3A_35, %add3A_36 : vector<10000x64xf32>
    %convert_element_type3A = arith.truncf %add3A_37 : vector<10000x64xf32> to vector<10000x64xbf16>
    %swap3A_38 = arith.constant 0 : index
    %swap3A_39 = arith.constant 0 : index
    %swap3A_40 = vector.load %arg6[%swap3A_38, %swap3A_39] : memref<10000x64xbf16, #tpu.memory_space<vmem>>, vector<10000x64xbf16>
    tpu.vector_store %arg6[%swap3A_38, %swap3A_39], %convert_element_type3A {strides = array<i32>} : memref<10000x64xbf16, #tpu.memory_space<vmem>>, vector<10000x64xbf16>,
    return
  }
}

module attributes {stable_mosaic.version = 14 : i64} {
  func.func @_bea_body(%arg0: memref<2x10240x16xf32, #tpu.memory_space<vmem>>, %arg1: memref<10000x1xf32, #tpu.memory_space<vmem>>, %arg2: memref<3x16x64xf32, #tpu.memory_space<vmem>>, %arg3: memref<3x1x64xf32, #tpu.memory_space<vmem>>, %arg4: memref<10000x64xf32, #tpu.memory_space<vmem>>, %arg5: memref<10000x64xf32, #tpu.memory_space<vmem>>, %arg6: memref<10000x64xf32, #tpu.memory_space<vmem>>) attributes {dimension_semantics = [], scalar_prefetch = 0 : i64, scratch_operands = 0 : i64, tpu.core_type = #tpu.core_type<tc>} {
    %get3A = arith.constant 0 : index
    %get3A_0 = arith.constant 0 : index
    %get3A_1 = arith.constant 0 : index
    %get3A_2 = vector.load %arg0[%get3A, %get3A_0, %get3A_1] : memref<2x10240x16xf32, #tpu.memory_space<vmem>>, vector<1x10000x16xf32>
    %get3A_3 = vector.shape_cast %get3A_2 : vector<1x10000x16xf32> to vector<10000x16xf32>
    %get3A_4 = arith.constant 1 : index
    %get3A_5 = arith.constant 0 : index
    %get3A_6 = arith.constant 0 : index
    %get3A_7 = vector.load %arg0[%get3A_4, %get3A_5, %get3A_6] : memref<2x10240x16xf32, #tpu.memory_space<vmem>>, vector<1x10000x16xf32>
    %get3A_8 = vector.shape_cast %get3A_7 : vector<1x10000x16xf32> to vector<10000x16xf32>
    %add3A = arith.addf %get3A_3, %get3A_8 : vector<10000x16xf32>
    %get3A_9 = arith.constant 0 : index
    %get3A_10 = arith.constant 0 : index
    %get3A_11 = vector.load %arg1[%get3A_9, %get3A_10] : memref<10000x1xf32, #tpu.memory_space<vmem>>, vector<10000x1xf32>
    %get3A_12 = arith.constant 0 : index
    %get3A_13 = arith.constant 0 : index
    %get3A_14 = arith.constant 0 : index
    %get3A_15 = vector.load %arg2[%get3A_12, %get3A_13, %get3A_14] : memref<3x16x64xf32, #tpu.memory_space<vmem>>, vector<1x16x64xf32>
    %get3A_16 = vector.shape_cast %get3A_15 : vector<1x16x64xf32> to vector<16x64xf32>
    %dot_general3A = arith.constant dense<0.000000e+00> : vector<10000x64xf32>
    %dot_general3A_17 = tpu.matmul %add3A, %get3A_16, %dot_general3A {dimension_numbers = #tpu.dot_dimension_numbers<[1], [0], [0], [1], [0, 0, 1, 1], [], []>, transpose_lhs_hint = false} : vector<10000x16xf32>, vector<16x64xf32>, vector<10000x64xf32> -> vector<10000x64xf32>
    %get3A_18 = arith.constant 0 : index
    %get3A_19 = arith.constant 0 : index
    %get3A_20 = arith.constant 0 : index
    %get3A_21 = vector.load %arg3[%get3A_18, %get3A_19, %get3A_20] : memref<3x1x64xf32, #tpu.memory_space<vmem>>, vector<1x1x64xf32>
    %get3A_22 = vector.shape_cast %get3A_21 : vector<1x1x64xf32> to vector<1x64xf32>
    %mul3A = vector.broadcast %get3A_11 : vector<10000x1xf32> to vector<10000x64xf32>
    %mul3A_23 = vector.broadcast %get3A_22 : vector<1x64xf32> to vector<10000x64xf32>
    %mul3A_24 = arith.mulf %mul3A, %mul3A_23 : vector<10000x64xf32>
    %add3A_25 = arith.addf %dot_general3A_17, %mul3A_24 : vector<10000x64xf32>
    %swap3A = arith.constant 0 : index
    %swap3A_26 = arith.constant 0 : index
    %swap3A_27 = vector.load %arg4[%swap3A, %swap3A_26] : memref<10000x64xf32, #tpu.memory_space<vmem>>, vector<10000x64xf32>
    tpu.vector_store %arg4[%swap3A, %swap3A_26], %add3A_25 {strides = array<i32>} : memref<10000x64xf32, #tpu.memory_space<vmem>>, vector<10000x64xf32>,
    %get3A_28 = arith.constant 1 : index
    %get3A_29 = arith.constant 0 : index
    %get3A_30 = arith.constant 0 : index
    %get3A_31 = vector.load %arg2[%get3A_28, %get3A_29, %get3A_30] : memref<3x16x64xf32, #tpu.memory_space<vmem>>, vector<1x16x64xf32>
    %get3A_32 = vector.shape_cast %get3A_31 : vector<1x16x64xf32> to vector<16x64xf32>
    %dot_general3A_33 = arith.constant dense<0.000000e+00> : vector<10000x64xf32>
    %dot_general3A_34 = tpu.matmul %add3A, %get3A_32, %dot_general3A_33 {dimension_numbers = #tpu.dot_dimension_numbers<[1], [0], [0], [1], [0, 0, 1, 1], [], []>, transpose_lhs_hint = false} : vector<10000x16xf32>, vector<16x64xf32>, vector<10000x64xf32> -> vector<10000x64xf32>
    %get3A_35 = arith.constant 1 : index
    %get3A_36 = arith.constant 0 : index
    %get3A_37 = arith.constant 0 : index
    %get3A_38 = vector.load %arg3[%get3A_35, %get3A_36, %get3A_37] : memref<3x1x64xf32, #tpu.memory_space<vmem>>, vector<1x1x64xf32>
    %get3A_39 = vector.shape_cast %get3A_38 : vector<1x1x64xf32> to vector<1x64xf32>
    %mul3A_40 = vector.broadcast %get3A_11 : vector<10000x1xf32> to vector<10000x64xf32>
    %mul3A_41 = vector.broadcast %get3A_39 : vector<1x64xf32> to vector<10000x64xf32>
    %mul3A_42 = arith.mulf %mul3A_40, %mul3A_41 : vector<10000x64xf32>
    %add3A_43 = arith.addf %dot_general3A_34, %mul3A_42 : vector<10000x64xf32>
    %swap3A_44 = arith.constant 0 : index
    %swap3A_45 = arith.constant 0 : index
    %swap3A_46 = vector.load %arg5[%swap3A_44, %swap3A_45] : memref<10000x64xf32, #tpu.memory_space<vmem>>, vector<10000x64xf32>
    tpu.vector_store %arg5[%swap3A_44, %swap3A_45], %add3A_43 {strides = array<i32>} : memref<10000x64xf32, #tpu.memory_space<vmem>>, vector<10000x64xf32>,
    %get3A_47 = arith.constant 2 : index
    %get3A_48 = arith.constant 0 : index
    %get3A_49 = arith.constant 0 : index
    %get3A_50 = vector.load %arg2[%get3A_47, %get3A_48, %get3A_49] : memref<3x16x64xf32, #tpu.memory_space<vmem>>, vector<1x16x64xf32>
    %get3A_51 = vector.shape_cast %get3A_50 : vector<1x16x64xf32> to vector<16x64xf32>
    %dot_general3A_52 = arith.constant dense<0.000000e+00> : vector<10000x64xf32>
    %dot_general3A_53 = tpu.matmul %add3A, %get3A_51, %dot_general3A_52 {dimension_numbers = #tpu.dot_dimension_numbers<[1], [0], [0], [1], [0, 0, 1, 1], [], []>, transpose_lhs_hint = false} : vector<10000x16xf32>, vector<16x64xf32>, vector<10000x64xf32> -> vector<10000x64xf32>
    %get3A_54 = arith.constant 2 : index
    %get3A_55 = arith.constant 0 : index
    %get3A_56 = arith.constant 0 : index
    %get3A_57 = vector.load %arg3[%get3A_54, %get3A_55, %get3A_56] : memref<3x1x64xf32, #tpu.memory_space<vmem>>, vector<1x1x64xf32>
    %get3A_58 = vector.shape_cast %get3A_57 : vector<1x1x64xf32> to vector<1x64xf32>
    %mul3A_59 = vector.broadcast %get3A_11 : vector<10000x1xf32> to vector<10000x64xf32>
    %mul3A_60 = vector.broadcast %get3A_58 : vector<1x64xf32> to vector<10000x64xf32>
    %mul3A_61 = arith.mulf %mul3A_59, %mul3A_60 : vector<10000x64xf32>
    %add3A_62 = arith.addf %dot_general3A_53, %mul3A_61 : vector<10000x64xf32>
    %swap3A_63 = arith.constant 0 : index
    %swap3A_64 = arith.constant 0 : index
    %swap3A_65 = vector.load %arg6[%swap3A_63, %swap3A_64] : memref<10000x64xf32, #tpu.memory_space<vmem>>, vector<10000x64xf32>
    tpu.vector_store %arg6[%swap3A_63, %swap3A_64], %add3A_62 {strides = array<i32>} : memref<10000x64xf32, #tpu.memory_space<vmem>>, vector<10000x64xf32>,
    return
  }
}

module attributes {stable_mosaic.version = 14 : i64} {
  func.func @_t0_body(%arg0: memref<10000x64xbf16, #tpu.memory_space<vmem>>, %arg1: memref<64x64xf32, #tpu.memory_space<vmem>>, %arg2: memref<1x64xf32, #tpu.memory_space<vmem>>, %arg3: memref<10000x64xf32, #tpu.memory_space<vmem>>, %arg4: memref<10000x64xf32, #tpu.memory_space<vmem>>) attributes {dimension_semantics = [], scalar_prefetch = 0 : i64, scratch_operands = 0 : i64, tpu.core_type = #tpu.core_type<tc>} {
    %get3A = arith.constant 0 : index
    %get3A_0 = arith.constant 0 : index
    %get3A_1 = vector.load %arg0[%get3A, %get3A_0] : memref<10000x64xbf16, #tpu.memory_space<vmem>>, vector<10000x64xbf16>
    %get3A_2 = arith.constant 0 : index
    %get3A_3 = arith.constant 0 : index
    %get3A_4 = vector.load %arg1[%get3A_2, %get3A_3] : memref<64x64xf32, #tpu.memory_space<vmem>>, vector<64x64xf32>
    %dot_general3A = arith.constant dense<0.000000e+00> : vector<10000x64xf32>
    %dot_general3A_5 = tpu.matmul %get3A_1, %get3A_4, %dot_general3A {dimension_numbers = #tpu.dot_dimension_numbers<[1], [0], [0], [1], [0, 0, 1, 1], [], []>, transpose_lhs_hint = false} : vector<10000x64xbf16>, vector<64x64xf32>, vector<10000x64xf32> -> vector<10000x64xf32>
    %get3A_6 = arith.constant 0 : index
    %get3A_7 = arith.constant 0 : index
    %get3A_8 = vector.load %arg2[%get3A_6, %get3A_7] : memref<1x64xf32, #tpu.memory_space<vmem>>, vector<1x64xf32>
    %add3A = vector.broadcast %get3A_8 : vector<1x64xf32> to vector<10000x64xf32>
    %add3A_9 = arith.addf %dot_general3A_5, %add3A : vector<10000x64xf32>
    %get3A_10 = arith.constant 0 : index
    %get3A_11 = arith.constant 0 : index
    %get3A_12 = vector.load %arg3[%get3A_10, %get3A_11] : memref<10000x64xf32, #tpu.memory_space<vmem>>, vector<10000x64xf32>
    %add3A_13 = arith.addf %add3A_9, %get3A_12 : vector<10000x64xf32>
    %swap3A = arith.constant 0 : index
    %swap3A_14 = arith.constant 0 : index
    %swap3A_15 = vector.load %arg4[%swap3A, %swap3A_14] : memref<10000x64xf32, #tpu.memory_space<vmem>>, vector<10000x64xf32>
    tpu.vector_store %arg4[%swap3A, %swap3A_14], %add3A_13 {strides = array<i32>} : memref<10000x64xf32, #tpu.memory_space<vmem>>, vector<10000x64xf32>,
    return
  }
}

module attributes {stable_mosaic.version = 14 : i64} {
  func.func @_upd_body(%arg0: memref<10000x64xf32, #tpu.memory_space<vmem>>, %arg1: memref<10000x64xf32, #tpu.memory_space<vmem>>, %arg2: memref<2x10240x64xbf16, #tpu.memory_space<vmem>>, %arg3: memref<64x64xf32, #tpu.memory_space<vmem>>, %arg4: memref<1x64xf32, #tpu.memory_space<vmem>>, %arg5: memref<1x64xf32, #tpu.memory_space<vmem>>, %arg6: memref<64x64xf32, #tpu.memory_space<vmem>>, %arg7: memref<1x64xf32, #tpu.memory_space<vmem>>, %arg8: memref<10000x64xf32, #tpu.memory_space<vmem>>, %arg9: memref<10000x64xf32, #tpu.memory_space<vmem>>, %arg10: memref<10000x64xbf16, #tpu.memory_space<vmem>>, %arg11: memref<10000x64xf32, #tpu.memory_space<vmem>>) attributes {dimension_semantics = [], scalar_prefetch = 0 : i64, scratch_operands = 0 : i64, tpu.core_type = #tpu.core_type<tc>} {
    %get3A = arith.constant 0 : index
    %get3A_0 = arith.constant 0 : index
    %get3A_1 = arith.constant 0 : index
    %get3A_2 = vector.load %arg2[%get3A, %get3A_0, %get3A_1] : memref<2x10240x64xbf16, #tpu.memory_space<vmem>>, vector<1x10000x64xbf16>
    %get3A_3 = vector.shape_cast %get3A_2 : vector<1x10000x64xbf16> to vector<10000x64xbf16>
    %convert_element_type3A = arith.extf %get3A_3 : vector<10000x64xbf16> to vector<10000x64xf32>
    %get3A_4 = arith.constant 1 : index
    %get3A_5 = arith.constant 0 : index
    %get3A_6 = arith.constant 0 : index
    %get3A_7 = vector.load %arg2[%get3A_4, %get3A_5, %get3A_6] : memref<2x10240x64xbf16, #tpu.memory_space<vmem>>, vector<1x10000x64xbf16>
    %get3A_8 = vector.shape_cast %get3A_7 : vector<1x10000x64xbf16> to vector<10000x64xbf16>
    %convert_element_type3A_9 = arith.extf %get3A_8 : vector<10000x64xbf16> to vector<10000x64xf32>
    %add3A = arith.addf %convert_element_type3A, %convert_element_type3A_9 : vector<10000x64xf32>
    %get3A_10 = arith.constant 0 : index
    %get3A_11 = arith.constant 0 : index
    %get3A_12 = vector.load %arg1[%get3A_10, %get3A_11] : memref<10000x64xf32, #tpu.memory_space<vmem>>, vector<10000x64xf32>
    %get3A_13 = arith.constant 0 : index
    %get3A_14 = arith.constant 0 : index
    %get3A_15 = vector.load %arg3[%get3A_13, %get3A_14] : memref<64x64xf32, #tpu.memory_space<vmem>>, vector<64x64xf32>
    %dot_general3A = arith.constant dense<0.000000e+00> : vector<10000x64xf32>
    %dot_general3A_16 = tpu.matmul %add3A, %get3A_15, %dot_general3A {dimension_numbers = #tpu.dot_dimension_numbers<[1], [0], [0], [1], [0, 0, 1, 1], [], []>, transpose_lhs_hint = false} : vector<10000x64xf32>, vector<64x64xf32>, vector<10000x64xf32> -> vector<10000x64xf32>
    %add3A_17 = arith.addf %get3A_12, %dot_general3A_16 : vector<10000x64xf32>
    %get3A_18 = arith.constant 0 : index
    %get3A_19 = arith.constant 0 : index
    %get3A_20 = vector.load %arg0[%get3A_18, %get3A_19] : memref<10000x64xf32, #tpu.memory_space<vmem>>, vector<10000x64xf32>
    %max3A = arith.constant 0.000000e+00 : f32
    %max3A_21 = vector.broadcast %max3A : f32 to vector<10000x64xf32>
    %max3A_22 = arith.maximumf %add3A_17, %max3A_21 : vector<10000x64xf32>
    %add3A_23 = arith.addf %get3A_20, %max3A_22 : vector<10000x64xf32>
    %swap3A = arith.constant 0 : index
    %swap3A_24 = arith.constant 0 : index
    %swap3A_25 = vector.load %arg9[%swap3A, %swap3A_24] : memref<10000x64xf32, #tpu.memory_space<vmem>>, vector<10000x64xf32>
    tpu.vector_store %arg9[%swap3A, %swap3A_24], %add3A_23 {strides = array<i32>} : memref<10000x64xf32, #tpu.memory_space<vmem>>, vector<10000x64xf32>,
    %get3A_26 = arith.constant 0 : index
    %get3A_27 = arith.constant 0 : index
    %get3A_28 = vector.load %arg4[%get3A_26, %get3A_27] : memref<1x64xf32, #tpu.memory_space<vmem>>, vector<1x64xf32>
    %get3A_29 = arith.constant 0 : index
    %get3A_30 = arith.constant 0 : index
    %get3A_31 = vector.load %arg5[%get3A_29, %get3A_30] : memref<1x64xf32, #tpu.memory_space<vmem>>, vector<1x64xf32>
    %reduce_sum3A = arith.constant dense<0.000000e+00> : vector<10000xf32>
    %reduce_sum3A_32 = vector.multi_reduction <add>, %add3A_23, %reduce_sum3A [1] : vector<10000x64xf32> to vector<10000xf32>
    %broadcast_in_dim3A = vector.shape_cast %reduce_sum3A_32 : vector<10000xf32> to vector<10000x1xf32>
    %div3A = arith.constant 6.400000e+01 : f32
    %div3A_33 = vector.broadcast %div3A : f32 to vector<10000x1xf32>
    %div3A_34 = arith.divf %broadcast_in_dim3A, %div3A_33 : vector<10000x1xf32>
    %sub3A = vector.broadcast %div3A_34 : vector<10000x1xf32> to vector<10000x64xf32>
    %sub3A_35 = arith.subf %add3A_23, %sub3A : vector<10000x64xf32>
    %integer_pow3A = arith.mulf %sub3A_35, %sub3A_35 : vector<10000x64xf32>
    %reduce_sum3A_36 = arith.constant dense<0.000000e+00> : vector<10000xf32>
    %reduce_sum3A_37 = vector.multi_reduction <add>, %integer_pow3A, %reduce_sum3A_36 [1] : vector<10000x64xf32> to vector<10000xf32>
    %broadcast_in_dim3A_38 = vector.shape_cast %reduce_sum3A_37 : vector<10000xf32> to vector<10000x1xf32>
    %div3A_39 = arith.constant 6.400000e+01 : f32
    %div3A_40 = vector.broadcast %div3A_39 : f32 to vector<10000x1xf32>
    %div3A_41 = arith.divf %broadcast_in_dim3A_38, %div3A_40 : vector<10000x1xf32>
    %sub3A_42 = vector.broadcast %div3A_34 : vector<10000x1xf32> to vector<10000x64xf32>
    %sub3A_43 = arith.subf %add3A_23, %sub3A_42 : vector<10000x64xf32>
    %add3A_44 = arith.constant 9.99999974E-6 : f32
    %add3A_45 = vector.broadcast %add3A_44 : f32 to vector<10000x1xf32>
    %add3A_46 = arith.addf %div3A_41, %add3A_45 : vector<10000x1xf32>
    %sqrt3A = math.sqrt %add3A_46 : vector<10000x1xf32>
    %div3A_47 = vector.broadcast %sqrt3A : vector<10000x1xf32> to vector<10000x64xf32>
    %div3A_48 = arith.divf %sub3A_43, %div3A_47 : vector<10000x64xf32>
    %mul3A = vector.broadcast %get3A_28 : vector<1x64xf32> to vector<10000x64xf32>
    %mul3A_49 = arith.mulf %div3A_48, %mul3A : vector<10000x64xf32>
    %add3A_50 = vector.broadcast %get3A_31 : vector<1x64xf32> to vector<10000x64xf32>
    %add3A_51 = arith.addf %mul3A_49, %add3A_50 : vector<10000x64xf32>
    %convert_element_type3A_52 = arith.truncf %add3A_51 : vector<10000x64xf32> to vector<10000x64xbf16>
    %swap3A_53 = arith.constant 0 : index
    %swap3A_54 = arith.constant 0 : index
    %swap3A_55 = vector.load %arg10[%swap3A_53, %swap3A_54] : memref<10000x64xbf16, #tpu.memory_space<vmem>>, vector<10000x64xbf16>
    tpu.vector_store %arg10[%swap3A_53, %swap3A_54], %convert_element_type3A_52 {strides = array<i32>} : memref<10000x64xbf16, #tpu.memory_space<vmem>>, vector<10000x64xbf16>,
    %get3A_56 = arith.constant 0 : index
    %get3A_57 = arith.constant 0 : index
    %get3A_58 = vector.load %arg6[%get3A_56, %get3A_57] : memref<64x64xf32, #tpu.memory_space<vmem>>, vector<64x64xf32>
    %dot_general3A_59 = arith.constant dense<0.000000e+00> : vector<10000x64xf32>
    %dot_general3A_60 = tpu.matmul %add3A_51, %get3A_58, %dot_general3A_59 {dimension_numbers = #tpu.dot_dimension_numbers<[1], [0], [0], [1], [0, 0, 1, 1], [], []>, transpose_lhs_hint = false} : vector<10000x64xf32>, vector<64x64xf32>, vector<10000x64xf32> -> vector<10000x64xf32>
    %get3A_61 = arith.constant 0 : index
    %get3A_62 = arith.constant 0 : index
    %get3A_63 = vector.load %arg7[%get3A_61, %get3A_62] : memref<1x64xf32, #tpu.memory_space<vmem>>, vector<1x64xf32>
    %add3A_64 = vector.broadcast %get3A_63 : vector<1x64xf32> to vector<10000x64xf32>
    %add3A_65 = arith.addf %dot_general3A_60, %add3A_64 : vector<10000x64xf32>
    %get3A_66 = arith.constant 0 : index
    %get3A_67 = arith.constant 0 : index
    %get3A_68 = vector.load %arg8[%get3A_66, %get3A_67] : memref<10000x64xf32, #tpu.memory_space<vmem>>, vector<10000x64xf32>
    %add3A_69 = arith.addf %add3A_65, %get3A_68 : vector<10000x64xf32>
    %swap3A_70 = arith.constant 0 : index
    %swap3A_71 = arith.constant 0 : index
    %swap3A_72 = vector.load %arg11[%swap3A_70, %swap3A_71] : memref<10000x64xf32, #tpu.memory_space<vmem>>, vector<10000x64xf32>
    tpu.vector_store %arg11[%swap3A_70, %swap3A_71], %add3A_69 {strides = array<i32>} : memref<10000x64xf32, #tpu.memory_space<vmem>>, vector<10000x64xf32>,
    return
  }
}

module attributes {stable_mosaic.version = 14 : i64} {
  func.func @_final_body(%arg0: memref<10000x64xf32, #tpu.memory_space<vmem>>, %arg1: memref<10000x64xf32, #tpu.memory_space<vmem>>, %arg2: memref<2x10240x64xbf16, #tpu.memory_space<vmem>>, %arg3: memref<64x64xf32, #tpu.memory_space<vmem>>, %arg4: memref<10000x1xi32, #tpu.memory_space<vmem>>, %arg5: memref<64x128xf32, #tpu.memory_space<vmem>>, %arg6: memref<1x128xf32, #tpu.memory_space<vmem>>, %arg7: memref<128x128xf32, #tpu.memory_space<vmem>>, %arg8: memref<1x128xf32, #tpu.memory_space<vmem>>, %arg9: memref<64x128xf32, #tpu.memory_space<vmem>>) attributes {dimension_semantics = [], scalar_prefetch = 0 : i64, scratch_operands = 0 : i64, tpu.core_type = #tpu.core_type<tc>} {
    %get3A = arith.constant 0 : index
    %get3A_0 = arith.constant 0 : index
    %get3A_1 = arith.constant 0 : index
    %get3A_2 = vector.load %arg2[%get3A, %get3A_0, %get3A_1] : memref<2x10240x64xbf16, #tpu.memory_space<vmem>>, vector<1x10000x64xbf16>
    %get3A_3 = vector.shape_cast %get3A_2 : vector<1x10000x64xbf16> to vector<10000x64xbf16>
    %convert_element_type3A = arith.extf %get3A_3 : vector<10000x64xbf16> to vector<10000x64xf32>
    %get3A_4 = arith.constant 1 : index
    %get3A_5 = arith.constant 0 : index
    %get3A_6 = arith.constant 0 : index
    %get3A_7 = vector.load %arg2[%get3A_4, %get3A_5, %get3A_6] : memref<2x10240x64xbf16, #tpu.memory_space<vmem>>, vector<1x10000x64xbf16>
    %get3A_8 = vector.shape_cast %get3A_7 : vector<1x10000x64xbf16> to vector<10000x64xbf16>
    %convert_element_type3A_9 = arith.extf %get3A_8 : vector<10000x64xbf16> to vector<10000x64xf32>
    %add3A = arith.addf %convert_element_type3A, %convert_element_type3A_9 : vector<10000x64xf32>
    %get3A_10 = arith.constant 0 : index
    %get3A_11 = arith.constant 0 : index
    %get3A_12 = vector.load %arg1[%get3A_10, %get3A_11] : memref<10000x64xf32, #tpu.memory_space<vmem>>, vector<10000x64xf32>
    %get3A_13 = arith.constant 0 : index
    %get3A_14 = arith.constant 0 : index
    %get3A_15 = vector.load %arg3[%get3A_13, %get3A_14] : memref<64x64xf32, #tpu.memory_space<vmem>>, vector<64x64xf32>
    %dot_general3A = arith.constant dense<0.000000e+00> : vector<10000x64xf32>
    %dot_general3A_16 = tpu.matmul %add3A, %get3A_15, %dot_general3A {dimension_numbers = #tpu.dot_dimension_numbers<[1], [0], [0], [1], [0, 0, 1, 1], [], []>, transpose_lhs_hint = false} : vector<10000x64xf32>, vector<64x64xf32>, vector<10000x64xf32> -> vector<10000x64xf32>
    %add3A_17 = arith.addf %get3A_12, %dot_general3A_16 : vector<10000x64xf32>
    %get3A_18 = arith.constant 0 : index
    %get3A_19 = arith.constant 0 : index
    %get3A_20 = vector.load %arg0[%get3A_18, %get3A_19] : memref<10000x64xf32, #tpu.memory_space<vmem>>, vector<10000x64xf32>
    %max3A = arith.constant 0.000000e+00 : f32
    %max3A_21 = vector.broadcast %max3A : f32 to vector<10000x64xf32>
    %max3A_22 = arith.maximumf %add3A_17, %max3A_21 : vector<10000x64xf32>
    %add3A_23 = arith.addf %get3A_20, %max3A_22 : vector<10000x64xf32>
    %iota3A = tpu.iota {dimensions = array<i32: 1>} : vector<1x64xi32>
    %get3A_24 = arith.constant 0 : index
    %get3A_25 = arith.constant 0 : index
    %get3A_26 = vector.load %arg4[%get3A_24, %get3A_25] : memref<10000x1xi32, #tpu.memory_space<vmem>>, vector<10000x1xi32>
    %eq3A = vector.broadcast %get3A_26 : vector<10000x1xi32> to vector<10000x64xi32>
    %eq3A_27 = vector.broadcast %iota3A : vector<1x64xi32> to vector<10000x64xi32>
    %eq3A_28 = arith.cmpi eq, %eq3A, %eq3A_27 : vector<10000x64xi32>
    %convert_element_type3A_29 = arith.extui %eq3A_28 : vector<10000x64xi1> to vector<10000x64xi32>
    %convert_element_type3A_30 = arith.sitofp %convert_element_type3A_29 : vector<10000x64xi32> to vector<10000x64xf32>
    %dot_general3A_31 = arith.constant dense<0.000000e+00> : vector<64x64xf32>
    %dot_general3A_32 = tpu.matmul %convert_element_type3A_30, %add3A_23, %dot_general3A_31 {dimension_numbers = #tpu.dot_dimension_numbers<[0], [0], [1], [1], [0, 1, 1, 1], [], []>, transpose_lhs_hint = false} : vector<10000x64xf32>, vector<10000x64xf32>, vector<64x64xf32> -> vector<64x64xf32>
    %broadcast_in_dim3A = arith.constant 1.000000e+00 : f32
    %broadcast_in_dim3A_33 = vector.broadcast %broadcast_in_dim3A : f32 to vector<10000x1xf32>
    %dot_general3A_34 = arith.constant dense<0.000000e+00> : vector<64x1xf32>
    %dot_general3A_35 = tpu.matmul %convert_element_type3A_30, %broadcast_in_dim3A_33, %dot_general3A_34 {dimension_numbers = #tpu.dot_dimension_numbers<[0], [0], [1], [1], [0, 1, 1, 1], [], []>, transpose_lhs_hint = false} : vector<10000x64xf32>, vector<10000x1xf32>, vector<64x1xf32> -> vector<64x1xf32>
    %max3A_36 = arith.constant 1.000000e+00 : f32
    %max3A_37 = vector.broadcast %max3A_36 : f32 to vector<64x1xf32>
    %max3A_38 = arith.maximumf %dot_general3A_35, %max3A_37 : vector<64x1xf32>
    %div3A = vector.broadcast %max3A_38 : vector<64x1xf32> to vector<64x64xf32>
    %div3A_39 = arith.divf %dot_general3A_32, %div3A : vector<64x64xf32>
    %get3A_40 = arith.constant 0 : index
    %get3A_41 = arith.constant 0 : index
    %get3A_42 = vector.load %arg5[%get3A_40, %get3A_41] : memref<64x128xf32, #tpu.memory_space<vmem>>, vector<64x128xf32>
    %dot_general3A_43 = arith.constant dense<0.000000e+00> : vector<64x128xf32>
    %dot_general3A_44 = tpu.matmul %div3A_39, %get3A_42, %dot_general3A_43 {dimension_numbers = #tpu.dot_dimension_numbers<[1], [0], [0], [1], [0, 0, 1, 1], [], []>, transpose_lhs_hint = false} : vector<64x64xf32>, vector<64x128xf32>, vector<64x128xf32> -> vector<64x128xf32>
    %get3A_45 = arith.constant 0 : index
    %get3A_46 = arith.constant 0 : index
    %get3A_47 = vector.load %arg6[%get3A_45, %get3A_46] : memref<1x128xf32, #tpu.memory_space<vmem>>, vector<1x128xf32>
    %add3A_48 = vector.broadcast %get3A_47 : vector<1x128xf32> to vector<64x128xf32>
    %add3A_49 = arith.addf %dot_general3A_44, %add3A_48 : vector<64x128xf32>
    %max3A_50 = arith.constant 0.000000e+00 : f32
    %max3A_51 = vector.broadcast %max3A_50 : f32 to vector<64x128xf32>
    %max3A_52 = arith.maximumf %add3A_49, %max3A_51 : vector<64x128xf32>
    %get3A_53 = arith.constant 0 : index
    %get3A_54 = arith.constant 0 : index
    %get3A_55 = vector.load %arg7[%get3A_53, %get3A_54] : memref<128x128xf32, #tpu.memory_space<vmem>>, vector<128x128xf32>
    %dot_general3A_56 = arith.constant dense<0.000000e+00> : vector<64x128xf32>
    %dot_general3A_57 = tpu.matmul %max3A_52, %get3A_55, %dot_general3A_56 {dimension_numbers = #tpu.dot_dimension_numbers<[1], [0], [0], [1], [0, 0, 1, 1], [], []>, transpose_lhs_hint = false} : vector<64x128xf32>, vector<128x128xf32>, vector<64x128xf32> -> vector<64x128xf32>
    %get3A_58 = arith.constant 0 : index
    %get3A_59 = arith.constant 0 : index
    %get3A_60 = vector.load %arg8[%get3A_58, %get3A_59] : memref<1x128xf32, #tpu.memory_space<vmem>>, vector<1x128xf32>
    %add3A_61 = vector.broadcast %get3A_60 : vector<1x128xf32> to vector<64x128xf32>
    %add3A_62 = arith.addf %dot_general3A_57, %add3A_61 : vector<64x128xf32>
    %mul3A = arith.mulf %add3A_62, %add3A_62 : vector<64x128xf32>
    %reduce_sum3A = arith.constant dense<0.000000e+00> : vector<64xf32>
    %reduce_sum3A_63 = vector.multi_reduction <add>, %mul3A, %reduce_sum3A [1] : vector<64x128xf32> to vector<64xf32>
    %broadcast_in_dim3A_64 = vector.shape_cast %reduce_sum3A_63 : vector<64xf32> to vector<64x1xf32>
    %sqrt3A = math.sqrt %broadcast_in_dim3A_64 : vector<64x1xf32>
    %max3A_65 = arith.constant 9.99999996E-13 : f32
    %max3A_66 = vector.broadcast %max3A_65 : f32 to vector<64x1xf32>
    %max3A_67 = arith.maximumf %sqrt3A, %max3A_66 : vector<64x1xf32>
    %div3A_68 = vector.broadcast %max3A_67 : vector<64x1xf32> to vector<64x128xf32>
    %div3A_69 = arith.divf %add3A_62, %div3A_68 : vector<64x128xf32>
    %swap3A = arith.constant 0 : index
    %swap3A_70 = arith.constant 0 : index
    %swap3A_71 = vector.load %arg9[%swap3A, %swap3A_70] : memref<64x128xf32, #tpu.memory_space<vmem>>, vector<64x128xf32>
    tpu.vector_store %arg9[%swap3A, %swap3A_70], %div3A_69 {strides = array<i32>} : memref<64x128xf32, #tpu.memory_space<vmem>>, vector<64x128xf32>,
    return
  }
}

</mosaic_0001>

<sc_bundles>
// kernel: kernel.13.cloned.1.call-start
scs
__scs_entry_jumppad:
0x0: {  	(pc) =	sbr.rel $0x88, $3  }
0x1: {  	(tag) =	ssettag $0x0;
	lr =	simm.s32 $0x1  }
0x2: {  	[smem:$0x3F91] =	sst lr;
	_ =	strace $0xD0000000  }
0x3: {  	_ = 	snop  }
0x4: {  	_ = 	snop  }
0x5: {  	_ = 	snop  }
0x6: {  	_ = 	snop  }
0x7: {  	_ = 	snop  }
__scs_overlays_trampoline_lowered:
0x8: {  	[smem:$0x3FA0] =	sst s0  }
0x9: {  	[smem:$0x3FA1] =	sst s1  }
0xa: {  	[smem:$0x3FA2] =	sst s2  }
0xb: {  	[smem:$0x3FA3] =	sst s3  }
0xc: {  	[smem:$0x3FA4] =	sst s4  }
0xd: {  	[smem:$0x3FA5] =	sst s5  }
0xe: {  	[smem:$0x3FA6] =	sst s6  }
0xf: {  	[smem:$0x3FA7] =	sst s7  }
0x10: {  	[smem:$0x3FA8] =	sst s8  }
0x11: {  	[smem:$0x3FA9] =	sst s9;
	s0 =	simm.s32 @!p0 $0x0  }
0x12: {  	s1 =	sld [smem:$0x3F8F];
	s0 =	simm.s32 @p0 $0x1  }
0x13: {  	[smem:$0x3FAA] =	sst s0;
	s0 =	simm.s32 @!p1 $0x0  }
0x14: {  	s2 =	sld [smem:$0x3F8E];
	s0 =	simm.s32 @p1 $0x1  }
0x15: {  	[smem:$0x3FAB] =	sst s0;
	s0 =	simm.s32 @!p2 $0x0  }
0x16: {  	s3 =	sld [smem:$0x3FDB];
	s0 =	simm.s32 @p2 $0x1  }
0x17: {  	s4 =	simm.s32 $0x1BF5;
	[smem:$0x3FAD] =	sst s0  }
0x18: {  	s0 =	sld [smem:$0x3F90];
	_ =	swait.ge [sflag:s4], $0x0  }
0x19: {  	s7 =	sld [smem:$0x3F91]  }
0x1a: {  	s8 =	sadd.s32 $0xFFFFE003, lr  }
0x1b: {  	s9 =	sadd.s32 $0xFFFFFEF7, lr;
	s5 =	simm.s32 $0xFFFFFFFF;
	p2 =	slt.u32 s8, $0xFFFFF086  }
0x1c: {  	p1 =	slt.u32 s9, $0xF7A;
	s5 =	simm.s32 @!p2 $0x0  }
0x1d: {  	s5 =	simm.s32 @p1 $0x1;
	p0 =	seq.s32 s7, s2  }
0x1e: {  	s7 =	smul.u32 @!p0 $0xF7A, s2;
	p2 =	seq.s32 @!p0 s5, $0x0  }
0x1f: {  	s9 =	smul.u32 $0xF7A, s1;
	s8 =	simm.s32 @!p0 $0x1BF5;
	p2 =	por !p2, p0  }
0x20: {  	[sflag:s8] =	ssyncset.s32 @!p0 $0xFFFFF086;
	s6 =	sadd.s32 @!p0 s3, s7;
	s7 =	simm.s32 @!p0 $0x108  }
0x21: {  	s3 =	sadd.s32 s3, s9;
	s6 =	sadd.s32 @!p0 $0x88, s6;
	s7 =	simm.s32 @p2 $0x1082  }
0x22: {  	[simem:s7], [sflag:s8] =	dma.local @!p0 [hbm:s6], $0xF7A  }
0x23: {  	s9 =	sor.u32 $0xD0000000, s2;
	s6 =	simm.s32 $0x108;
	_ =	swait.ge @!p0 [sflag:s8], $0x0  }
0x24: {  	s3 =	sadd.s32 $0x88, s3;
	s6 =	simm.s32 @!p1 $0x1082;
	[sflag:s4] =	ssyncset.s32 $0xFFFFF086  }
0x25: {  	[simem:s6], [sflag:s4] =	dma.local [hbm:s3], $0xF7A  }
0x26: {  	[smem:$0x3F91] =	sst s1;
	(tag) =	ssettag s2;
	_ =	strace s9  }
0x27: {  	s1 =	sld [smem:$0x3FA1]  }
0x28: {  	s2 =	sld [smem:$0x3FA2]  }
0x29: {  	s4 =	sld [smem:$0x3FA4]  }
0x2a: {  	p0 =	seq.s32 s5, $0x0;
	s5 =	sld [smem:$0x3FA5]  }
0x2b: {  	s6 =	sld [smem:$0x3FA6]  }
0x2c: {  	s7 =	sld [smem:$0x3FA7]  }
0x2d: {  	s3 =	simm.s32 $0x108;
	s8 =	sld [smem:$0x3FA8]  }
0x2e: {  	s3 =	simm.s32 @!p0 $0x1082;
	s9 =	sld [smem:$0x3FA9]  }
0x2f: {  	lr =	sadd.s32 s0, s3;
	s0 =	sld [smem:$0x3FA0]  }
0x30: {  	s3 =	sld [smem:$0x3FA3]  }
0x31: {  	[smem:$0x3FAC] =	sst s10  }
0x32: {  	s10 =	sld [smem:$0x3FAA];
	_ =	sdelay $0x3  }
0x33: {  	p0 =	seq.s32 s10, $0x1;
	s10 =	sld [smem:$0x3FAC];
	_ =	sdelay $0x3  }
0x34: {  	[smem:$0x3FAC] =	sst s10  }
0x35: {  	s10 =	sld [smem:$0x3FAB];
	_ =	sdelay $0x3  }
0x36: {  	p1 =	seq.s32 s10, $0x1;
	s10 =	sld [smem:$0x3FAC];
	_ =	sdelay $0x3  }
0x37: {  	[smem:$0x3FAC] =	sst s10  }
0x38: {  	s10 =	sld [smem:$0x3FAD]  }
0x39: {  	_ = 	snop;
	(pc) =	sbr.ind lr, $3  }
0x3a: {  	_ = 	snop  }
0x3b: {  	_ = 	snop  }
0x3c: {  	p2 =	seq.s32 s10, $0x1;
	s10 =	sld [smem:$0x3FAC]  }
0x3d: {  	_ =	shalt  }
0x3e: {  	_ =	shalt  }
0x3f: {  	_ =	shalt  }
0x40: {  	_ =	shalt  }
0x41: {  	_ =	shalt  }
0x42: {  	_ =	shalt  }
0x43: {  	_ =	shalt  }
0x44: {  	_ =	shalt  }
0x45: {  	_ =	shalt  }
0x46: {  	_ =	shalt  }
0x47: {  	_ =	shalt  }
0x48: {  	_ =	shalt  }
0x49: {  	_ =	shalt  }
0x4a: {  	_ =	shalt  }
0x4b: {  	_ =	shalt  }
0x4c: {  	_ =	shalt  }
0x4d: {  	_ =	shalt  }
0x4e: {  	_ =	shalt  }
0x4f: {  	_ =	shalt  }
0x50: {  	_ =	shalt  }
0x51: {  	_ =	shalt  }
0x52: {  	_ =	shalt  }
0x53: {  	_ =	shalt  }
0x54: {  	_ =	shalt  }
0x55: {  	_ =	shalt  }
0x56: {  	_ =	shalt  }
0x57: {  	_ =	shalt  }
0x58: {  	_ =	shalt  }
0x59: {  	_ =	shalt  }
0x5a: {  	_ =	shalt  }
0x5b: {  	_ =	shalt  }
0x5c: {  	_ =	shalt  }
0x5d: {  	_ =	shalt  }
0x5e: {  	_ =	shalt  }
0x5f: {  	_ =	shalt  }
0x60: {  	_ =	shalt  }
0x61: {  	_ =	shalt  }
0x62: {  	_ =	shalt  }
0x63: {  	_ =	shalt  }
0x64: {  	_ =	shalt  }
0x65: {  	_ =	shalt  }
0x66: {  	_ =	shalt  }
0x67: {  	_ =	shalt  }
0x68: {  	_ =	shalt  }
0x69: {  	_ =	shalt  }
0x6a: {  	_ =	shalt  }
0x6b: {  	_ =	shalt  }
0x6c: {  	_ =	shalt  }
0x6d: {  	_ =	shalt  }
0x6e: {  	_ =	shalt  }
0x6f: {  	_ =	shalt  }
0x70: {  	_ =	shalt  }
0x71: {  	_ =	shalt  }
0x72: {  	_ =	shalt  }
0x73: {  	_ =	shalt  }
0x74: {  	_ =	shalt  }
0x75: {  	_ =	shalt  }
0x76: {  	_ =	shalt  }
0x77: {  	_ =	shalt  }
0x78: {  	_ =	shalt  }
0x79: {  	_ =	shalt  }
0x7a: {  	_ =	shalt  }
0x7b: {  	_ =	shalt  }
0x7c: {  	_ =	shalt  }
0x7d: {  	_ =	shalt  }
0x7e: {  	_ =	shalt  }
0x7f: {  	_ =	shalt  }
0x80: {  	_ =	shalt  }
0x81: {  	_ =	shalt  }
0x82: {  	_ =	shalt  }
0x83: {  	_ =	shalt  }
0x84: {  	_ =	shalt  }
0x85: {  	_ =	shalt  }
0x86: {  	_ =	shalt  }
0x87: {  	_ =	shalt  }
.Lfunc_end0:
.L_simem_size_0:
called_computation_lowered:
.L_overlay_start_0:
0x88: {  	s2 =	sld [smem:$0x3FD9]  }
0x89: {  	s3 =	sld [smem:$0x3FFE];
	_ =	sdelay $0x1  }
0x8a: {  	s1 =	srdreg.scid  }
0x8b: {  	s0 =	sand.u32 $0x1, s1  }
0x8c: {  	s17 =	sshll.u32 s0, $0xA;
	s2 =	sadd.s32 s3, s2  }
0x8d: {  	s2 =	sadd.s32 s2, s17  }
0x8e: {  	[smem:$0x3FB8] =	sst s2  }
0x8f: {  	_ = 	snop  }
0x90: {  	s2 =	sld [smem:$0x3FD0];
	(tm) =	ssettm $0x1  }
0x91: {  	s18 =	sld [smem:$0x3FFB];
	_ =	sdelay $0x3  }
0x92: {  	_ =	strace s18  }
0x93: {  	s3 =	sld [smem:$0x3FFC];
	_ =	sdelay $0x3  }
0x94: {  	_ =	strace s3  }
0x95: {  	s3 =	sld [smem:$0x3FFD];
	_ =	sdelay $0x3  }
0x96: {  	_ =	strace s3  }
0x97: {  	_ =	strace $0x8FFFFFFF  }
0x98: {  	s19 =	sld [smem:$0x3FDB];
	_ =	sdelay $0x1  }
0x99: {  	s4 =	simm.s32 $_scs_section_size  }
0x9a: {  	s5 =	simm.s32 $_size__tile_overlayer_lowered;
	s6 =	simm.s32 $_tile_overlayer_lowered  }
0x9b: {  	s22 =	simm.s32 $0x1BFF;
	s21 =	sshll.u32 s6, $0x1;
	s3 =	sadd.s32 s4, s19  }
0x9c: {  	s7 =	simm.s32 $0x0;
	s20 =	sshll.u32 s5, $0x1;
	s5 =	sadd.s32 s21, s3  }
0x9d: {  	[timem:s7], [sflag:s22] =	dma.local [hbm:s5], s20  }
0x9e: {  	_ =	swait.ge [sflag:s22], s20  }
0x9f: {  	s4 =	ssub.s32 $0x0, s20;
	[sflag:s22] =	ssyncset.done $0x0  }
0xa0: {  	[sflag:s22] =	ssyncadd.s32 s4;
	_ =	sdelay $0x1  }
0xa1: {  	s23 =	simm.s32 $0x1B8B  }
0xa2: {  	_ =	swait.ge [sflag:s23], $0x1  }
0xa3: {  	[sflag:s23] =	ssyncset.done $0x0  }
0xa4: {  	s25 =	simm.s32 $0x1B8E;
	s24 =	sld [smem:$0x3FFE];
	[sflag:s23] =	ssyncadd.s32 $0xFFFFFFFF  }
0xa5: {  	s26 =	simm.s32 $execute0_lowered;
	[smem:$0x3FD2] =	sst s25  }
0xa6: {  	s5 =	sshll.u32 s26, $0x1;
	_ =	strace $0x80000046;
	[dreg:$0x1] =	wrdreg $0xFFFFFFFF  }
0xa7: {  	s28 =	simm.s32 $_size_execute0_lowered;
	s3 =	sadd.s32 s3, s5;
	[dreg:$0x0] =	wrdreg $0x0  }
0xa8: {  	s5 =	sshll.u32 s28, $0x1;
	[dreg:$0x2] =	wrdreg s3  }
0xa9: {  	[dreg:$0x3] =	wrdreg s5  }
0xaa: {  	[dreg:$0x4] =	wrdreg $0xC0  }
0xab: {  	_ =	task [dreg:s7], $0x5FFFF  }
0xac: {  	[dreg:$0x1] =	wrdreg $0xFFFFFFFF  }
0xad: {  	[dreg:$0x0] =	wrdreg $0x60  }
0xae: {  	[dreg:$0x2] =	wrdreg s24  }
0xaf: {  	[dreg:$0x3] =	wrdreg s2  }
0xb0: {  	[dreg:$0x4] =	wrdreg $0x60800  }
0xb1: {  	[dreg:$0x5] =	wrdreg $0x88800  }
0xb2: {  	[dreg:$0x6] =	wrdreg $0x9  }
0xb3: {  	_ =	task.clear_ibuf [dreg:s7], $0x7FFFF;
	_ =	strace $0x90000046  }
0xb4: {  	s29 =	simm.s32 $0x9;
	_ =	strace $0x80000048  }
0xb5: {  	_ =	swait.ge [sflag:s29], $0x1  }
0xb6: {  	[sflag:s29] =	ssyncadd.s32 $0xFFFFFFFF  }
0xb7: {  	_ =	strace $0x90000048  }
0xb8: {  	_ =	sfence  }
0xb9: {  	s30 =	sld [smem:$0x0];
	_ =	sdelay $0x2  }
0xba: {  	s31 =	sshll.u32 s1, $0xD;
	s1 =	sshrl.u32 s1, $0x2  }
0xbb: {  	s3 =	sand.u32 $0x4000, s31;
	s1 =	sadd.s32 s1, s30  }
0xbc: {  	s0 =	sor.u32 s3, s0;
	s1 =	sshll.u32 s1, $0x11  }
0xbd: {  	s0 =	sor.u32 s1, s0  }
0xbe: {  	s0 =	sadd.s32 $0x8F2B, s0  }
0xbf: {  	[sflag:s0] =	ssyncadd.remote.s32 $0x1  }
0xc0: {  	_ =	sfence.sel $0xFFFF  }
0xc1: {  	[dreg:$0x0] =	wrdreg $0xFFFFFFFF;
	(pc) =	sbr.abs _section_cstart, $3  }
0xc2: {  	[dreg:$0x1] =	wrdreg $0xFFFFFFFF  }
0xc3: {  	_ =	task.clear_ibuf [dreg:s7], $0x2FFFF;
	_ =	strace $0x9FFFFFFF  }
0xc4: {  	(tm) =	ssettm $0x7FFFFFFF  }
0xc5: {  	_ =	shalt  }
tec
execute0_lowered:
.L_overlay_start_1:
0x0: {  	(tag) =	ssettag $0x1  }
0x1: {  	s0 =	rddreg [dreg:$0x0]  }
0x2: {  	s1 =	srdreg.scid;
	s3 =	rddreg [dreg:$0x2]  }
0x3: {  	s16 =	stileid.u32;
	s4 =	rddreg [dreg:$0x3];
	s5 =	simm.s32 $0x0  }
0x4: {  	s28 =	simm.s32 $0x4;
	s29 =	simm.s32 $0x5000;
	s8 =	smul.u32 $0x2800, s16  }
0x5: {  	s30 =	simm.s32 $0x5800;
	s31 =	simm.s32 $0x5;
	s9 =	smul.u32 $0x280, s16  }
0x6: {  	s1 =	sand.u32 $0x1, s1;
	[smem:$0x7FF] =	sst s5;
	s21 =	smul.u32 $0xA0, s16  }
0x7: {  	s6 =	sadd.s32 $0x9F1600, s0;
	s19 =	sshll.u32 s16, $0x6;
	s10 =	smul.u32 $0x28000, s1  }
0x8: {  	s2 =	sshll.u32 s1, $0x4;
	_ =	strace $0x80000047;
	s13 =	smul.u32 $0x2800, s1  }
0x9: {  	s14 =	ssub.s32 $0x2, s1;
	s1 =	smul.u32 $0xA00, s1;
	s20 =	sor.u32 $0x1C01, s19  }
0xa: {  	[dreg:$0x5] =	wrdreg s19;
	s26 =	sor.u32 $0x1C02, s19;
	s2 =	sor.u32 s16, s2  }
0xb: {  	s11 =	sshrl.u32 s8, $0x3;
	s12 =	sshrl.u32 s9, $0x3;
	[dreg:$0x7] =	wrdreg s20  }
0xc: {  	s15 =	sshrl.u32 s14, $0x1;
	[dreg:$0x10] =	wrdreg s26;
	s26 =	simm.s32 $0x3  }
0xd: {  	s7 =	smul.u32 $0xA00, s2;
	s11 =	sadd.s32 s11, s0;
	s12 =	sadd.s32 s12, s0  }
0xe: {  	s10 =	sadd.s32 s8, s10;
	s13 =	sadd.s32 s9, s13;
	s18 =	ssub.s32 s14, s15  }
0xf: {  	s2 =	smul.u32 $0xA000, s2;
	s8 =	sadd.s32 s8, s3;
	s9 =	sadd.s32 s9, s4  }
0x10: {  	s1 =	sadd.s32 s21, s1;
	s14 =	simm.s32 $0xB;
	s15 =	simm.s32 $0x0  }
0x11: {  	s10 =	sshrl.u32 s10, $0x3;
	s13 =	sshrl.u32 s13, $0x3;
	s11 =	sadd.s32 $0x2D600, s11  }
0x12: {  	[dreg:$0x8] =	wrdreg s9;
	s22 =	sadd.s32 $0x32600, s12;
	s24 =	sshll.u32 s1, $0x8  }
0x13: {  	s25 =	smax.u32 s18, $0x1;
	s17 =	sor.u32 $0x3, s1;
	s21 =	sshrl.u32 s8, $0x3  }
0x14: {  	s1 =	simm.s32 $0x7;
	s8 =	simm.s32 $0x8;
	[dreg:$0x6] =	wrdreg s11  }
0x15: {  	s9 =	simm.s32 $0x9;
	s7 =	sadd.s32 s7, s0;
	[dreg:$0x9] =	wrdreg s22  }
0x16: {  	s10 =	sadd.s32 s10, s0;
	s2 =	sadd.s32 s6, s2;
	[dreg:$0xf] =	wrdreg s25  }
0x17: {  	s0 =	sadd.s32 s13, s0;
	s7 =	sadd.s32 $0x5600, s7;
	[dreg:$0xa] =	wrdreg s2  }
0x18: {  	s22 =	sor.u32 $0x300, s24;
	s2 =	sadd.s32 $0x100, s2;
	[dreg:$0xb] =	wrdreg s7  }
0x19: {  	s20 =	sor.u32 $0x200, s24;
	s23 =	sadd.s32 $0x32C00, s10;
	[dreg:$0xc] =	wrdreg s2  }
0x1a: {  	s24 =	simm.s32 $0x1;
	s0 =	sadd.s32 $0x3CC00, s0;
	[dreg:$0xd] =	wrdreg s23  }
0x1b: {  	s25 =	simm.s32 $0x2;
	s10 =	simm.s32 $0xA;
	[dreg:$0xe] =	wrdreg s0  }
0x1c: {  	s23 =	simm.s32 $0x6000;
	s2 =	simm.s32 $0x80;
	s0 =	simm.s32 $0x6  }
.LBB2_1:
0x1d: {  	s7 =	rddreg [dreg:$0x6]  }
0x1e: {  	s11 =	rddreg [dreg:$0x7]  }
0x1f: {  	[spmem:s21], [sflag:s11] =	dma.local [hbm:s7], $0x500  }
0x20: {  	s7 =	rddreg [dreg:$0x8]  }
0x21: {  	s19 =	rddreg [dreg:$0x9]  }
0x22: {  	s11 =	rddreg [dreg:$0x10];
	s16 =	sshrl.u32 s7, $0x3  }
0x23: {  	[spmem:s16], [sflag:s11] =	dma.local [hbm:s19], $0x50  }
0x24: {  	s7 =	rddreg [dreg:$0xb]  }
0x25: {  	[tilespmem:s5], [sflag:$0x3] =	stream.linear.gather [hbm4b:s7+s5], $0x5000, $0x38;
	[tilespmem:$0x8B00] =	vst v63  }
0x26: {  	s11 =	rddreg [dreg:$0x1]  }
0x27: {  	[tilespmem:s23], [sflag:$0x4] =	stream.linear.gather [hbm4b:s11+s5], $0x80, $0x38;
	[tilespmem:$0x8B00] =	vst v63  }
0x28: {  	_ =	swait.ge [sflag:s24], $0x500  }
0x29: {  	[sflag:s24] =	ssyncset.done $0x0  }
0x2a: {  	[sflag:s24] =	ssyncadd.s32 $0xFFFFFB00  }
0x2b: {  	_ =	swait.ge [sflag:s25], $0x50  }
0x2c: {  	[sflag:s25] =	ssyncset.done $0x0  }
0x2d: {  	[sflag:s25] =	ssyncadd.s32 $0xFFFFFFB0  }
0x2e: {  	[bflag:$0x0] =	sbarrier.arrive $0xFFFF  }
0x2f: {  	_ =	swait.ge [sflag:s26], $0x5000  }
0x30: {  	[sflag:s26] =	ssyncset.done $0x0  }
0x31: {  	[sflag:s26] =	ssyncadd.s32 $0xFFFFB000  }
0x32: {  	_ =	swait.ge [sflag:s28], $0x80  }
0x33: {  	[sflag:s28] =	ssyncset.done $0x0  }
0x34: {  	s12 =	rddreg [dreg:$0xa];
	[sflag:s28] =	ssyncadd.s32 $0xFFFFFF80  }
0x35: {  	[tilespmem:s29], [sflag:$0x5] =	stream.linear.gather [hbm4b:s12+s5], $0x800, $0x38;
	[tilespmem:$0x8B00] =	vst v63  }
0x36: {  	s13 =	rddreg [dreg:$0xc]  }
0x37: {  	[tilespmem:s30], [sflag:$0x6] =	stream.linear.gather [hbm4b:s13+s5], $0x800, $0x38;
	[tilespmem:$0x8B00] =	vst v63  }
0x38: {  	_ =	swait.ge [sflag:s31], $0x800  }
0x39: {  	[sflag:s31] =	ssyncset.done $0x0  }
0x3a: {  	s18 =	simm.s32 $0x0;
	[sflag:s31] =	ssyncadd.s32 $0xFFFFF800  }
0x3b: {  	[spmem:s3] =	stream.indirect.scatter.add.f32 [tilespmem:s29], [sflag:$0x7], $0x10, s18, s2, $0xb8;
	[tilespmem:$0x8B00] =	vst v63  }
0x3c: {  	_ = 	snop  }
0x3d: {  	[spmem:s4] =	stream.indirect.scatter.add.f32 [tilespmem:s23], [sflag:$0x9], $0x1, s18, s2, $0xb8;
	[tilespmem:$0x8B00] =	vst v63  }
0x3e: {  	_ =	swait.ge [sflag:s0], $0x800  }
0x3f: {  	[sflag:s0] =	ssyncset.done $0x0  }
0x40: {  	s19 =	simm.s32 $0x80;
	[sflag:s0] =	ssyncadd.s32 $0xFFFFF800  }
0x41: {  	[spmem:s3] =	stream.indirect.scatter.add.f32 [tilespmem:s30], [sflag:$0x8], $0x10, s19, s2, $0xb8;
	[tilespmem:$0x8B00] =	vst v63  }
0x42: {  	s12 =	sadd.s32 $0xFFFFFFFF, s17  }
0x43: {  	[spmem:s4] =	stream.indirect.scatter.add.f32 [tilespmem:s23], [sflag:$0xA], $0x1, s19, s2, $0xb8;
	[tilespmem:$0x8B00] =	vst v63  }
0x44: {  	s7 =	smov.u32 s20;
	p0 =	slt.u32 s12, $0x1388;
	_ =	swait.ge [sflag:s1], $0x800  }
0x45: {  	s7 =	simm.s32 @!p0 $0x0;
	[sflag:s1] =	ssyncset.done $0x0  }
0x46: {  	s7 =	sadd.s32 s6, s7;
	[sflag:s1] =	ssyncadd.s32 $0xFFFFF800  }
0x47: {  	[tilespmem:s29], [sflag:$0x5] =	stream.linear.gather [hbm4b:s7+s5], $0x800, $0x38;
	[tilespmem:$0x8B00] =	vst v63  }
0x48: {  	p0 =	slt.u32 s17, $0x1388;
	s7 =	smov.u32 s22;
	_ =	swait.ge [sflag:s8], $0x800  }
0x49: {  	s7 =	simm.s32 @!p0 $0x0;
	[sflag:s8] =	ssyncset.done $0x0  }
0x4a: {  	s7 =	sadd.s32 s6, s7;
	[sflag:s8] =	ssyncadd.s32 $0xFFFFF800  }
0x4b: {  	[tilespmem:s30], [sflag:$0x6] =	stream.linear.gather [hbm4b:s7+s5], $0x800, $0x38;
	[tilespmem:$0x8B00] =	vst v63  }
0x4c: {  	_ =	swait.ge [sflag:s9], $0x80  }
0x4d: {  	[sflag:s9] =	ssyncset.done $0x0  }
0x4e: {  	[sflag:s9] =	ssyncadd.s32 $0xFFFFFF80  }
0x4f: {  	s12 =	sadd.s32 $0x200, s20;
	s18 =	smov.u32 s17;
	_ =	swait.ge [sflag:s10], $0x80  }
0x50: {  	s19 =	smov.u32 s22;
	s7 =	simm.s32 $0x400;
	[sflag:s10] =	ssyncset.done $0x0  }
.LBB2_2:
0x51: {  	[sflag:s10] =	ssyncadd.s32 $0xFFFFFF80  }
0x52: {  	s18 =	sadd.s32 $0x2, s18;
	s19 =	sadd.s32 $0x200, s19;
	s11 =	smov.u32 s7  }
0x53: {  	p0 =	sne.s32 s7, $0x13800;
	s7 =	sadd.s32 $0x400, s7;
	_ =	swait.ge [sflag:s31], $0x800  }
0x54: {  	[sflag:s31] =	ssyncset.done $0x0  }
0x55: {  	s11 =	sshra.s32 s11, $0x2;
	[sflag:s31] =	ssyncadd.s32 $0xFFFFF800  }
0x56: {  	[spmem:s3] =	stream.indirect.scatter.add.f32 [tilespmem:s29], [sflag:$0x7], $0x10, s11, s2, $0xb8;
	[tilespmem:$0x8B00] =	vst v63  }
0x57: {  	_ = 	snop  }
0x58: {  	[spmem:s4] =	stream.indirect.scatter.add.f32 [tilespmem:s23], [sflag:$0x9], $0x1, s11, s2, $0xb8;
	[tilespmem:$0x8B00] =	vst v63  }
0x59: {  	_ =	swait.ge [sflag:s0], $0x800  }
0x5a: {  	[sflag:s0] =	ssyncset.done $0x0  }
0x5b: {  	s11 =	sadd.s32 $0x80, s11;
	[sflag:s0] =	ssyncadd.s32 $0xFFFFF800  }
0x5c: {  	[spmem:s3] =	stream.indirect.scatter.add.f32 [tilespmem:s30], [sflag:$0x8], $0x10, s11, s2, $0xb8;
	[tilespmem:$0x8B00] =	vst v63  }
0x5d: {  	s13 =	sadd.s32 $0xFFFFFFFF, s18  }
0x5e: {  	[spmem:s4] =	stream.indirect.scatter.add.f32 [tilespmem:s23], [sflag:$0xA], $0x1, s11, s2, $0xb8;
	[tilespmem:$0x8B00] =	vst v63  }
0x5f: {  	p1 =	slt.u32 s13, $0x1388;
	s11 =	smov.u32 s12;
	_ =	swait.ge [sflag:s1], $0x800  }
0x60: {  	s11 =	simm.s32 @!p1 $0x0;
	[sflag:s1] =	ssyncset.done $0x0  }
0x61: {  	s11 =	sadd.s32 s6, s11;
	[sflag:s1] =	ssyncadd.s32 $0xFFFFF800  }
0x62: {  	[tilespmem:s29], [sflag:$0x5] =	stream.linear.gather [hbm4b:s11+s5], $0x800, $0x38;
	[tilespmem:$0x8B00] =	vst v63  }
0x63: {  	p1 =	slt.u32 s18, $0x1388;
	s11 =	smov.u32 s19;
	_ =	swait.ge [sflag:s8], $0x800  }
0x64: {  	s11 =	simm.s32 @!p1 $0x0;
	[sflag:s8] =	ssyncset.done $0x0  }
0x65: {  	s11 =	sadd.s32 s6, s11;
	[sflag:s8] =	ssyncadd.s32 $0xFFFFF800  }
0x66: {  	[tilespmem:s30], [sflag:$0x6] =	stream.linear.gather [hbm4b:s11+s5], $0x800, $0x38;
	[tilespmem:$0x8B00] =	vst v63  }
.Ltmp0:
0x67: {  	_ =	swait.ge [sflag:s9], $0x80;
	(pc) =	sbr.rel @p0 .LBB2_2-.Ltmp0, $4  }
0x68: {  	[sflag:s9] =	ssyncset.done $0x0  }
0x69: {  	[sflag:s9] =	ssyncadd.s32 $0xFFFFFF80  }
0x6a: {  	_ =	swait.ge [sflag:s10], $0x80  }
0x6b: {  	s12 =	sadd.s32 $0x200, s12;
	[sflag:s10] =	ssyncset.done $0x0  }
0x6c: {  	[sflag:s10] =	ssyncadd.s32 $0xFFFFFF80  }
0x6d: {  	_ =	swait.ge [sflag:s31], $0x800  }
0x6e: {  	[sflag:s31] =	ssyncset.done $0x0  }
0x6f: {  	s7 =	simm.s32 $0x4F00;
	[sflag:s31] =	ssyncadd.s32 $0xFFFFF800  }
0x70: {  	[spmem:s3] =	stream.indirect.scatter.add.f32 [tilespmem:s29], [sflag:$0x7], $0x10, s7, s2, $0xb8;
	[tilespmem:$0x8B00] =	vst v63  }
0x71: {  	_ = 	snop  }
0x72: {  	[spmem:s4] =	stream.indirect.scatter.add.f32 [tilespmem:s23], [sflag:$0x9], $0x1, s7, s2, $0xb8;
	[tilespmem:$0x8B00] =	vst v63  }
0x73: {  	_ =	swait.ge [sflag:s0], $0x800  }
0x74: {  	[sflag:s0] =	ssyncset.done $0x0  }
0x75: {  	s12 =	simm.s32 $0x4F80;
	[sflag:s0] =	ssyncadd.s32 $0xFFFFF800  }
0x76: {  	[spmem:s3] =	stream.indirect.scatter.add.f32 [tilespmem:s30], [sflag:$0x8], $0x10, s12, s2, $0xb8;
	[tilespmem:$0x8B00] =	vst v63  }
0x77: {  	_ = 	snop  }
0x78: {  	[spmem:s4] =	stream.indirect.scatter.add.f32 [tilespmem:s23], [sflag:$0xA], $0x1, s12, s2, $0xb8;
	[tilespmem:$0x8B00] =	vst v63  }
0x79: {  	_ =	swait.ge [sflag:s1], $0x800  }
0x7a: {  	[sflag:s1] =	ssyncset.done $0x0  }
0x7b: {  	[sflag:s1] =	ssyncadd.s32 $0xFFFFF800  }
0x7c: {  	_ =	swait.ge [sflag:s8], $0x800  }
0x7d: {  	[sflag:s8] =	ssyncset.done $0x0  }
0x7e: {  	[sflag:s8] =	ssyncadd.s32 $0xFFFFF800  }
0x7f: {  	_ =	swait.ge [sflag:s9], $0x80  }
0x80: {  	[sflag:s9] =	ssyncset.done $0x0  }
0x81: {  	[sflag:s9] =	ssyncadd.s32 $0xFFFFFF80  }
0x82: {  	_ =	swait.ge [sflag:s10], $0x80  }
0x83: {  	[sflag:s10] =	ssyncset.done $0x0  }
0x84: {  	[sflag:s10] =	ssyncadd.s32 $0xFFFFFF80  }
0x85: {  	[bflag:$0x0] =	sbarrier.arrive $0xFFFF  }
0x86: {  	s13 =	rddreg [dreg:$0x5]  }
0x87: {  	s11 =	rddreg [dreg:$0xd];
	s7 =	sor.u32 $0x1C0B, s13  }
0x88: {  	[hbm:s11], [sflag:s7] =	dma.local [spmem:s21], $0x500  }
0x89: {  	_ =	swait.ge [sflag:s14], $0x500  }
0x8a: {  	[sflag:s14] =	ssyncset.done $0x0  }
0x8b: {  	s18 =	rddreg [dreg:$0xe];
	[sflag:s14] =	ssyncadd.s32 $0xFFFFFB00  }
0x8c: {  	[hbm:s18], [sflag:s7] =	dma.local [spmem:s16], $0x50  }
0x8d: {  	_ =	swait.ge [sflag:s14], $0x50  }
0x8e: {  	s15 =	sadd.s32 $0x1, s15;
	s19 =	rddreg [dreg:$0xf]  }
0x8f: {  	p0 =	sne.s32 s15, s19  }
.Ltmp1:
0x90: {  	_ = 	snop;
	(pc) =	sbr.rel @p0 .LBB2_1-.Ltmp1, $3  }
0x91: {  	_ =	sdelay $0x1  }
0x92: {  	[sflag:s14] =	ssyncset.done $0x0  }
0x93: {  	[sflag:s14] =	ssyncadd.s32 $0xFFFFFFB0  }
0x94: {  	_ =	sfence.sel $0x180000  }
0x95: {  	[bflag:$0x0] =	sbarrier.arrive $0xFFFF  }
0x96: {  	_ =	strace $0x90000047  }
0x97: {  	s0 =	stileid.u32;
	[bflag:$0x2] =	sbarrier.arrive $0xFFFF  }
0x98: {  	p0 =	sne.s32 s0, $0x0;
	s0 =	rddreg [dreg:$0x4]  }
0x99: {  	s0 =	sadd.s32 @!p0 $0x100000, s0  }
0x9a: {  	[sflag:s0] =	ssyncadd.tile.s32 @!p0 $0x1;
	_ =	shalt  }
.Lfunc_end2:
_tile_overlayer_lowered:
.L_overlay_start_2:
0x9b: {  	(tag) =	ssettag $0x2  }
0x9c: {  	s0 =	rddreg [dreg:$0x0];
	s2 =	stileid.u32  }
0x9d: {  	s1 =	rddreg [dreg:$0x1];
	p0 =	sne.s32 s2, $0x0  }
0x9e: {  	s3 =	rddreg [dreg:$0x2];
	[bflag:$0x3] =	sbarrier.arrive $0xFFFF;
	s2 =	simm.s32 @!p0 $0x1C0B  }
0x9f: {  	[timem:s3], [sflag:s2] =	dma.local @!p0 [hbm:s0], s1  }
0xa0: {  	s0 =	simm.s32 @!p0 $0xB  }
0xa1: {  	_ =	swait.ge @!p0 [sflag:s0], s1  }
0xa2: {  	s1 =	ssub.s32 @!p0 $0x0, s1;
	[sflag:s0] =	ssyncset.done @!p0 $0x0  }
0xa3: {  	[sflag:s0] =	ssyncadd.s32 @!p0 s1  }
0xa4: {  	[bflag:$0x3] =	sbarrier.arrive $0xFFFF  }
0xa5: {  	_ =	shalt  }

// kernel: kernel.16.cloned.1.call-start
scs
__scs_entry_jumppad:
0x0: {  	(pc) =	sbr.rel $0x88, $3  }
0x1: {  	(tag) =	ssettag $0x0;
	lr =	simm.s32 $0x1  }
0x2: {  	[smem:$0x3F91] =	sst lr;
	_ =	strace $0xD0000000  }
0x3: {  	_ = 	snop  }
0x4: {  	_ = 	snop  }
0x5: {  	_ = 	snop  }
0x6: {  	_ = 	snop  }
0x7: {  	_ = 	snop  }
__scs_overlays_trampoline_lowered:
0x8: {  	[smem:$0x3FA0] =	sst s0  }
0x9: {  	[smem:$0x3FA1] =	sst s1  }
0xa: {  	[smem:$0x3FA2] =	sst s2  }
0xb: {  	[smem:$0x3FA3] =	sst s3  }
0xc: {  	[smem:$0x3FA4] =	sst s4  }
0xd: {  	[smem:$0x3FA5] =	sst s5  }
0xe: {  	[smem:$0x3FA6] =	sst s6  }
0xf: {  	[smem:$0x3FA7] =	sst s7  }
0x10: {  	[smem:$0x3FA8] =	sst s8  }
0x11: {  	[smem:$0x3FA9] =	sst s9;
	s0 =	simm.s32 @!p0 $0x0  }
0x12: {  	s1 =	sld [smem:$0x3F8F];
	s0 =	simm.s32 @p0 $0x1  }
0x13: {  	[smem:$0x3FAA] =	sst s0;
	s0 =	simm.s32 @!p1 $0x0  }
0x14: {  	s2 =	sld [smem:$0x3F8E];
	s0 =	simm.s32 @p1 $0x1  }
0x15: {  	[smem:$0x3FAB] =	sst s0;
	s0 =	simm.s32 @!p2 $0x0  }
0x16: {  	s3 =	sld [smem:$0x3FDB];
	s0 =	simm.s32 @p2 $0x1  }
0x17: {  	s4 =	simm.s32 $0x1BF5;
	[smem:$0x3FAD] =	sst s0  }
0x18: {  	s0 =	sld [smem:$0x3F90];
	_ =	swait.ge [sflag:s4], $0x0  }
0x19: {  	s7 =	sld [smem:$0x3F91]  }
0x1a: {  	s8 =	sadd.s32 $0xFFFFE003, lr  }
0x1b: {  	s9 =	sadd.s32 $0xFFFFFEF7, lr;
	s5 =	simm.s32 $0xFFFFFFFF;
	p2 =	slt.u32 s8, $0xFFFFF086  }
0x1c: {  	p1 =	slt.u32 s9, $0xF7A;
	s5 =	simm.s32 @!p2 $0x0  }
0x1d: {  	s5 =	simm.s32 @p1 $0x1;
	p0 =	seq.s32 s7, s2  }
0x1e: {  	s7 =	smul.u32 @!p0 $0xF7A, s2;
	p2 =	seq.s32 @!p0 s5, $0x0  }
0x1f: {  	s9 =	smul.u32 $0xF7A, s1;
	s8 =	simm.s32 @!p0 $0x1BF5;
	p2 =	por !p2, p0  }
0x20: {  	[sflag:s8] =	ssyncset.s32 @!p0 $0xFFFFF086;
	s6 =	sadd.s32 @!p0 s3, s7;
	s7 =	simm.s32 @!p0 $0x108  }
0x21: {  	s3 =	sadd.s32 s3, s9;
	s6 =	sadd.s32 @!p0 $0x88, s6;
	s7 =	simm.s32 @p2 $0x1082  }
0x22: {  	[simem:s7], [sflag:s8] =	dma.local @!p0 [hbm:s6], $0xF7A  }
0x23: {  	s9 =	sor.u32 $0xD0000000, s2;
	s6 =	simm.s32 $0x108;
	_ =	swait.ge @!p0 [sflag:s8], $0x0  }
0x24: {  	s3 =	sadd.s32 $0x88, s3;
	s6 =	simm.s32 @!p1 $0x1082;
	[sflag:s4] =	ssyncset.s32 $0xFFFFF086  }
0x25: {  	[simem:s6], [sflag:s4] =	dma.local [hbm:s3], $0xF7A  }
0x26: {  	[smem:$0x3F91] =	sst s1;
	(tag) =	ssettag s2;
	_ =	strace s9  }
0x27: {  	s1 =	sld [smem:$0x3FA1]  }
0x28: {  	s2 =	sld [smem:$0x3FA2]  }
0x29: {  	s4 =	sld [smem:$0x3FA4]  }
0x2a: {  	p0 =	seq.s32 s5, $0x0;
	s5 =	sld [smem:$0x3FA5]  }
0x2b: {  	s6 =	sld [smem:$0x3FA6]  }
0x2c: {  	s7 =	sld [smem:$0x3FA7]  }
0x2d: {  	s3 =	simm.s32 $0x108;
	s8 =	sld [smem:$0x3FA8]  }
0x2e: {  	s3 =	simm.s32 @!p0 $0x1082;
	s9 =	sld [smem:$0x3FA9]  }
0x2f: {  	lr =	sadd.s32 s0, s3;
	s0 =	sld [smem:$0x3FA0]  }
0x30: {  	s3 =	sld [smem:$0x3FA3]  }
0x31: {  	[smem:$0x3FAC] =	sst s10  }
0x32: {  	s10 =	sld [smem:$0x3FAA];
	_ =	sdelay $0x3  }
0x33: {  	p0 =	seq.s32 s10, $0x1;
	s10 =	sld [smem:$0x3FAC];
	_ =	sdelay $0x3  }
0x34: {  	[smem:$0x3FAC] =	sst s10  }
0x35: {  	s10 =	sld [smem:$0x3FAB];
	_ =	sdelay $0x3  }
0x36: {  	p1 =	seq.s32 s10, $0x1;
	s10 =	sld [smem:$0x3FAC];
	_ =	sdelay $0x3  }
0x37: {  	[smem:$0x3FAC] =	sst s10  }
0x38: {  	s10 =	sld [smem:$0x3FAD]  }
0x39: {  	_ = 	snop;
	(pc) =	sbr.ind lr, $3  }
0x3a: {  	_ = 	snop  }
0x3b: {  	_ = 	snop  }
0x3c: {  	p2 =	seq.s32 s10, $0x1;
	s10 =	sld [smem:$0x3FAC]  }
0x3d: {  	_ =	shalt  }
0x3e: {  	_ =	shalt  }
0x3f: {  	_ =	shalt  }
0x40: {  	_ =	shalt  }
0x41: {  	_ =	shalt  }
0x42: {  	_ =	shalt  }
0x43: {  	_ =	shalt  }
0x44: {  	_ =	shalt  }
0x45: {  	_ =	shalt  }
0x46: {  	_ =	shalt  }
0x47: {  	_ =	shalt  }
0x48: {  	_ =	shalt  }
0x49: {  	_ =	shalt  }
0x4a: {  	_ =	shalt  }
0x4b: {  	_ =	shalt  }
0x4c: {  	_ =	shalt  }
0x4d: {  	_ =	shalt  }
0x4e: {  	_ =	shalt  }
0x4f: {  	_ =	shalt  }
0x50: {  	_ =	shalt  }
0x51: {  	_ =	shalt  }
0x52: {  	_ =	shalt  }
0x53: {  	_ =	shalt  }
0x54: {  	_ =	shalt  }
0x55: {  	_ =	shalt  }
0x56: {  	_ =	shalt  }
0x57: {  	_ =	shalt  }
0x58: {  	_ =	shalt  }
0x59: {  	_ =	shalt  }
0x5a: {  	_ =	shalt  }
0x5b: {  	_ =	shalt  }
0x5c: {  	_ =	shalt  }
0x5d: {  	_ =	shalt  }
0x5e: {  	_ =	shalt  }
0x5f: {  	_ =	shalt  }
0x60: {  	_ =	shalt  }
0x61: {  	_ =	shalt  }
0x62: {  	_ =	shalt  }
0x63: {  	_ =	shalt  }
0x64: {  	_ =	shalt  }
0x65: {  	_ =	shalt  }
0x66: {  	_ =	shalt  }
0x67: {  	_ =	shalt  }
0x68: {  	_ =	shalt  }
0x69: {  	_ =	shalt  }
0x6a: {  	_ =	shalt  }
0x6b: {  	_ =	shalt  }
0x6c: {  	_ =	shalt  }
0x6d: {  	_ =	shalt  }
0x6e: {  	_ =	shalt  }
0x6f: {  	_ =	shalt  }
0x70: {  	_ =	shalt  }
0x71: {  	_ =	shalt  }
0x72: {  	_ =	shalt  }
0x73: {  	_ =	shalt  }
0x74: {  	_ =	shalt  }
0x75: {  	_ =	shalt  }
0x76: {  	_ =	shalt  }
0x77: {  	_ =	shalt  }
0x78: {  	_ =	shalt  }
0x79: {  	_ =	shalt  }
0x7a: {  	_ =	shalt  }
0x7b: {  	_ =	shalt  }
0x7c: {  	_ =	shalt  }
0x7d: {  	_ =	shalt  }
0x7e: {  	_ =	shalt  }
0x7f: {  	_ =	shalt  }
0x80: {  	_ =	shalt  }
0x81: {  	_ =	shalt  }
0x82: {  	_ =	shalt  }
0x83: {  	_ =	shalt  }
0x84: {  	_ =	shalt  }
0x85: {  	_ =	shalt  }
0x86: {  	_ =	shalt  }
0x87: {  	_ =	shalt  }
.Lfunc_end0:
.L_simem_size_0:
called_computation.1_lowered:
.L_overlay_start_0:
0x88: {  	s2 =	sld [smem:$0x3FD9]  }
0x89: {  	s3 =	sld [smem:$0x3FFE];
	_ =	sdelay $0x1  }
0x8a: {  	s1 =	srdreg.scid  }
0x8b: {  	s0 =	sand.u32 $0x1, s1  }
0x8c: {  	s17 =	sshll.u32 s0, $0xA;
	s2 =	sadd.s32 s3, s2  }
0x8d: {  	s2 =	sadd.s32 s2, s17  }
0x8e: {  	[smem:$0x3FB8] =	sst s2  }
0x8f: {  	_ = 	snop  }
0x90: {  	(tm) =	ssettm $0x1  }
0x91: {  	s18 =	sld [smem:$0x3FFB];
	_ =	sdelay $0x3  }
0x92: {  	_ =	strace s18  }
0x93: {  	s2 =	sld [smem:$0x3FFC];
	_ =	sdelay $0x3  }
0x94: {  	_ =	strace s2  }
0x95: {  	s2 =	sld [smem:$0x3FFD];
	_ =	sdelay $0x3  }
0x96: {  	_ =	strace s2  }
0x97: {  	_ =	strace $0x8FFFFFFF  }
0x98: {  	s19 =	sld [smem:$0x3FDB];
	_ =	sdelay $0x1  }
0x99: {  	s20 =	simm.s32 $_scs_section_size  }
0x9a: {  	s4 =	simm.s32 $_size__tile_overlayer_lowered;
	s5 =	simm.s32 $_tile_overlayer_lowered  }
0x9b: {  	s6 =	simm.s32 $0x1BFF;
	s21 =	sshll.u32 s5, $0x1;
	s3 =	sadd.s32 s20, s19  }
0x9c: {  	s22 =	simm.s32 $0x0;
	s4 =	sshll.u32 s4, $0x1;
	s5 =	sadd.s32 s21, s3  }
0x9d: {  	[timem:s22], [sflag:s6] =	dma.local [hbm:s5], s4  }
0x9e: {  	_ =	swait.ge [sflag:s6], s4  }
0x9f: {  	s4 =	ssub.s32 $0x0, s4;
	[sflag:s6] =	ssyncset.done $0x0  }
0xa0: {  	[sflag:s6] =	ssyncadd.s32 s4;
	_ =	sdelay $0x1  }
0xa1: {  	s23 =	simm.s32 $0x1B8B  }
0xa2: {  	_ =	swait.ge [sflag:s23], $0x1  }
0xa3: {  	[sflag:s23] =	ssyncset.done $0x0  }
0xa4: {  	[sflag:s23] =	ssyncadd.s32 $0xFFFFFFFF  }
0xa5: {  	s4 =	sld [smem:$0x0]  }
0xa6: {  	s5 =	sand.u32 $0xFFFFFFFE, s1  }
0xa7: {  	p0 =	sne.s32 s1, s5  }
0xa8: {  	s5 =	sshll.u32 @p0 s5, $0xE  }
0xa9: {  	s5 =	sadd.s32 @p0 $0x11B8D, s5;
	s6 =	sshll.u32 @p0 s4, $0x11  }
0xaa: {  	s5 =	sor.u32 @p0 s6, s5  }
0xab: {  	[sflag:s5] =	ssyncadd.remote.s32 @p0 $0x1;
	_ =	sdelay $0x1  }
0xac: {  	s5 =	simm.s32 @p0 $0x1B8D  }
0xad: {  	_ =	swait.eq @p0 [sflag:s5], $0x1  }
0xae: {  	[sflag:s5] =	ssyncadd.s32 @p0 $0xFFFFFFFF  }
0xaf: {  	s6 =	sshll.u32 @!p0 s1, $0xE  }
0xb0: {  	s6 =	sor.u32 @!p0 $0x4000, s6;
	s5 =	simm.s32 @!p0 $0x1B8D  }
0xb1: {  	s4 =	sshll.u32 @!p0 s4, $0x11;
	s6 =	sadd.s32 @!p0 $0x11B8D, s6;
	_ =	swait.eq @!p0 [sflag:s5], $0x1  }
0xb2: {  	s4 =	sor.u32 @!p0 s4, s6;
	[sflag:s5] =	ssyncadd.s32 @!p0 $0xFFFFFFFF  }
0xb3: {  	s25 =	simm.s32 $0x1B8E;
	s24 =	sld [smem:$0x3FFE];
	[sflag:s4] =	ssyncadd.remote.s32 @!p0 $0x1  }
0xb4: {  	s26 =	simm.s32 $execute0_lowered;
	[smem:$0x3FD2] =	sst s25  }
0xb5: {  	s5 =	sshll.u32 s26, $0x1;
	_ =	strace $0x80000049;
	[dreg:$0x1] =	wrdreg $0xFFFFFFFF  }
0xb6: {  	s28 =	simm.s32 $_size_execute0_lowered;
	s3 =	sadd.s32 s3, s5;
	[dreg:$0x0] =	wrdreg $0x0  }
0xb7: {  	s5 =	sshll.u32 s28, $0x1;
	[dreg:$0x2] =	wrdreg s3  }
0xb8: {  	[dreg:$0x3] =	wrdreg s5  }
0xb9: {  	[dreg:$0x4] =	wrdreg $0xC0  }
0xba: {  	_ =	task [dreg:s22], $0x5FFFF  }
0xbb: {  	[dreg:$0x1] =	wrdreg $0xFFFFFFFF  }
0xbc: {  	[dreg:$0x0] =	wrdreg $0x60  }
0xbd: {  	[dreg:$0x2] =	wrdreg s24  }
0xbe: {  	[dreg:$0x3] =	wrdreg $0x120000  }
0xbf: {  	[dreg:$0x4] =	wrdreg $0x170000  }
0xc0: {  	[dreg:$0x5] =	wrdreg $0xA  }
0xc1: {  	_ =	task.clear_ibuf [dreg:s22], $0x6FFFF;
	_ =	strace $0x90000049  }
0xc2: {  	s29 =	simm.s32 $0xA;
	_ =	strace $0x8000004B  }
0xc3: {  	_ =	swait.ge [sflag:s29], $0x1  }
0xc4: {  	[sflag:s29] =	ssyncadd.s32 $0xFFFFFFFF  }
0xc5: {  	_ =	strace $0x9000004B  }
0xc6: {  	_ =	sfence  }
0xc7: {  	s30 =	sld [smem:$0x0];
	_ =	sdelay $0x2  }
0xc8: {  	s31 =	sshll.u32 s1, $0xD;
	s1 =	sshrl.u32 s1, $0x2  }
0xc9: {  	s4 =	sand.u32 $0x4000, s31;
	s1 =	sadd.s32 s1, s30  }
0xca: {  	s0 =	sor.u32 s4, s0;
	s1 =	sshll.u32 s1, $0x11  }
0xcb: {  	s0 =	sor.u32 s1, s0  }
0xcc: {  	s0 =	sadd.s32 $0x8F2B, s0  }
0xcd: {  	[sflag:s0] =	ssyncadd.remote.s32 $0x1  }
0xce: {  	_ =	sfence.sel $0xFFFF  }
0xcf: {  	[dreg:$0x0] =	wrdreg $0xFFFFFFFF;
	(pc) =	sbr.abs _section_cstart, $3  }
0xd0: {  	[dreg:$0x1] =	wrdreg $0xFFFFFFFF  }
0xd1: {  	_ =	task.clear_ibuf [dreg:s22], $0x2FFFF;
	_ =	strace $0x9FFFFFFF  }
0xd2: {  	(tm) =	ssettm $0x7FFFFFFF  }
0xd3: {  	_ =	shalt  }
tec
execute0_lowered:
.L_overlay_start_1:
0x0: {  	(tag) =	ssettag $0x1  }
0x1: {  	s0 =	srdreg.scid  }
0x2: {  	s1 =	rddreg [dreg:$0x0];
	s11 =	stileid.u32  }
0x3: {  	s2 =	rddreg [dreg:$0x1];
	s7 =	simm.s32 $0x0;
	s28 =	simm.s32 $0xD000  }
0x4: {  	s30 =	simm.s32 $0xE000;
	s16 =	simm.s32 $0x10000;
	s29 =	simm.s32 $0x5  }
0x5: {  	s31 =	simm.s32 $0x6;
	s12 =	simm.s32 $0xF;
	s14 =	simm.s32 $0x10  }
0x6: {  	s15 =	simm.s32 $0x11;
	s17 =	simm.s32 $0x14;
	s4 =	smul.u32 $0x9C40, s11  }
0x7: {  	s19 =	simm.s32 $0x0;
	s0 =	sand.u32 $0x1, s0;
	s6 =	smul.u32 $0xA000, s11  }
0x8: {  	[smem:$0x7FF] =	sst s7;
	s22 =	sshll.u32 s11, $0x6;
	s3 =	sshll.u32 s0, $0x4  }
0x9: {  	s8 =	smul.u32 $0xA0000, s0;
	s0 =	ssub.s32 $0x2, s0;
	s23 =	sor.u32 $0x1C01, s22  }
0xa: {  	s25 =	sor.u32 $0x1C02, s22;
	s5 =	sor.u32 s11, s3;
	s3 =	rddreg [dreg:$0x2]  }
0xb: {  	s21 =	sshrl.u32 s4, $0x4;
	_ =	strace $0x8000004A;
	[dreg:$0x6] =	wrdreg s23  }
0xc: {  	s9 =	sshrl.u32 s6, $0x4;
	s10 =	sshrl.u32 s0, $0x1;
	[dreg:$0x4] =	wrdreg s22  }
0xd: {  	s4 =	sshrl.u32 s4, $0x1;
	[dreg:$0xd] =	wrdreg s25;
	s22 =	simm.s32 $0xA000  }
0xe: {  	s23 =	simm.s32 $0xB000;
	s25 =	simm.s32 $0xC000;
	s11 =	simm.s32 $0xE  }
0xf: {  	s5 =	smul.u32 $0xA00, s5;
	s7 =	sadd.s32 s21, s1;
	s8 =	sadd.s32 s6, s8  }
0x10: {  	s9 =	sadd.s32 s9, s1;
	s0 =	ssub.s32 s0, s10;
	s6 =	sshrl.u32 s6, $0x1  }
0x11: {  	s4 =	sadd.s32 s4, s3;
	s21 =	simm.s32 $0x80;
	s10 =	simm.s32 $0xD  }
0x12: {  	s8 =	sshrl.u32 s8, $0x4;
	s6 =	sadd.s32 s6, s2;
	s9 =	sadd.s32 $0x47400, s9  }
0x13: {  	s7 =	sadd.s32 $0x3D600, s7;
	s0 =	smax.u32 s0, $0x1;
	[dreg:$0x5] =	wrdreg s9  }
0x14: {  	s26 =	sshrl.u32 s4, $0x3;
	s4 =	simm.s32 $0x13;
	[dreg:$0x7] =	wrdreg s7  }
0x15: {  	s5 =	sadd.s32 s5, s1;
	s1 =	sadd.s32 s8, s1;
	[dreg:$0xb] =	wrdreg s0  }
0x16: {  	s20 =	sshrl.u32 s6, $0x3;
	[dreg:$0xe] =	wrdreg s26;
	s26 =	simm.s32 $0x11000  }
0x17: {  	s0 =	simm.s32 $0x7;
	s24 =	sadd.s32 $0x19600, s5;
	[dreg:$0xc] =	wrdreg s20  }
0x18: {  	s6 =	simm.s32 $0x9;
	s5 =	sadd.s32 $0x5600, s5;
	[dreg:$0x8] =	wrdreg s24  }
0x19: {  	s7 =	simm.s32 $0xA;
	s1 =	sadd.s32 $0x51400, s1;
	[dreg:$0x9] =	wrdreg s5  }
0x1a: {  	s8 =	simm.s32 $0xB;
	s9 =	simm.s32 $0xC;
	[dreg:$0xa] =	wrdreg s1  }
0x1b: {  	s1 =	simm.s32 $0xF000;
	s24 =	simm.s32 $0x8;
	s5 =	simm.s32 $0x12  }
.LBB2_1:
0x1c: {  	s13 =	rddreg [dreg:$0x5]  }
0x1d: {  	s18 =	rddreg [dreg:$0x6]  }
0x1e: {  	[spmem:s20], [sflag:s18] =	dma.local [hbm:s13], $0xA00  }
0x1f: {  	s13 =	rddreg [dreg:$0x7]  }
0x20: {  	s18 =	rddreg [dreg:$0xd]  }
0x21: {  	s20 =	rddreg [dreg:$0xe]  }
0x22: {  	[spmem:s20], [sflag:s18] =	dma.local [hbm:s13], $0x9C4  }
0x23: {  	s13 =	simm.s32 $0x0;
	s18 =	rddreg [dreg:$0x8]  }
0x24: {  	[tilespmem:s13], [sflag:$0x3] =	stream.linear.gather [hbm4b:s18+s13], $0x5000, $0x38;
	[tilespmem:$0x1BE20] =	vst v63  }
0x25: {  	s20 =	simm.s32 $0x5000;
	s18 =	rddreg [dreg:$0x9]  }
0x26: {  	[tilespmem:s20], [sflag:$0x4] =	stream.linear.gather [hbm4b:s18+s13], $0x5000, $0x38;
	[tilespmem:$0x1BE20] =	vst v63  }
0x27: {  	s20 =	simm.s32 $0x1  }
0x28: {  	_ =	swait.ge [sflag:s20], $0xA00  }
0x29: {  	[sflag:s20] =	ssyncset.done $0x0  }
0x2a: {  	[sflag:s20] =	ssyncadd.s32 $0xFFFFF600;
	s20 =	simm.s32 $0x2  }
0x2b: {  	_ =	swait.ge [sflag:s20], $0x9C4  }
0x2c: {  	[sflag:s20] =	ssyncset.done $0x0  }
0x2d: {  	[sflag:s20] =	ssyncadd.s32 $0xFFFFF63C  }
0x2e: {  	s20 =	simm.s32 $0x3;
	[bflag:$0x0] =	sbarrier.arrive $0xFFFF  }
0x2f: {  	_ =	swait.ge [sflag:s20], $0x5000  }
0x30: {  	[sflag:s20] =	ssyncset.done $0x0  }
0x31: {  	[sflag:s20] =	ssyncadd.s32 $0xFFFFB000;
	s20 =	simm.s32 $0x4  }
0x32: {  	_ =	swait.ge [sflag:s20], $0x5000  }
0x33: {  	[sflag:s20] =	ssyncset.done $0x0  }
0x34: {  	[sflag:s20] =	ssyncadd.s32 $0xFFFFB000  }
0x35: {  	[tilespmem:s22], [sflag:$0x5] =	stream.indirect.gather [spmem:s3], $0x20, s13, s21, $0xb8;
	[tilespmem:$0x1BE20] =	vst v63  }
0x36: {  	_ = 	snop  }
0x37: {  	[tilespmem:s23], [sflag:$0x6] =	stream.indirect.gather [spmem:s3], $0x20, s21, s21, $0xb8;
	[tilespmem:$0x1BE20] =	vst v63  }
0x38: {  	s20 =	simm.s32 $0x100  }
0x39: {  	[tilespmem:s25], [sflag:$0x7] =	stream.indirect.gather [spmem:s3], $0x20, s20, s21, $0xb8;
	[tilespmem:$0x1BE20] =	vst v63  }
0x3a: {  	s18 =	simm.s32 $0x180  }
0x3b: {  	[tilespmem:s28], [sflag:$0x8] =	stream.indirect.gather [spmem:s3], $0x20, s18, s21, $0xb8;
	[tilespmem:$0x1BE20] =	vst v63  }
0x3c: {  	s20 =	simm.s32 $0x200  }
0x3d: {  	[tilespmem:s30], [sflag:$0x9] =	stream.indirect.gather [spmem:s3], $0x20, s20, s21, $0xb8;
	[tilespmem:$0x1BE20] =	vst v63  }
0x3e: {  	s18 =	simm.s32 $0x280  }
0x3f: {  	[tilespmem:s1], [sflag:$0xA] =	stream.indirect.gather [spmem:s3], $0x20, s18, s21, $0xb8;
	[tilespmem:$0x1BE20] =	vst v63  }
0x40: {  	s20 =	simm.s32 $0x300  }
0x41: {  	[tilespmem:s16], [sflag:$0xB] =	stream.indirect.gather [spmem:s3], $0x20, s20, s21, $0xb8;
	[tilespmem:$0x1BE20] =	vst v63  }
0x42: {  	s18 =	simm.s32 $0x380  }
0x43: {  	[tilespmem:s26], [sflag:$0xC] =	stream.indirect.gather [spmem:s3], $0x20, s18, s21, $0xb8;
	[tilespmem:$0x1BE20] =	vst v63  }
0x44: {  	_ =	swait.ge [sflag:s29], $0x1000  }
0x45: {  	[sflag:s29] =	ssyncset.done $0x0  }
0x46: {  	s20 =	simm.s32 $0x5000;
	[sflag:s29] =	ssyncadd.s32 $0xFFFFF000  }
0x47: {  	[spmem:s2] =	stream.indirect.scatter.add.bf16 [tilespmem:s22], [sflag:$0xD], $0x20, s20, s21, $0xb8;
	[tilespmem:$0x1BE20] =	vst v63  }
0x48: {  	_ =	swait.ge [sflag:s31], $0x1000  }
0x49: {  	[sflag:s31] =	ssyncset.done $0x0  }
0x4a: {  	s13 =	simm.s32 $0x5080;
	[sflag:s31] =	ssyncadd.s32 $0xFFFFF000  }
0x4b: {  	[spmem:s2] =	stream.indirect.scatter.add.bf16 [tilespmem:s23], [sflag:$0xE], $0x20, s13, s21, $0xb8;
	[tilespmem:$0x1BE20] =	vst v63  }
0x4c: {  	_ =	swait.ge [sflag:s0], $0x1000  }
0x4d: {  	[sflag:s0] =	ssyncset.done $0x0  }
0x4e: {  	s20 =	simm.s32 $0x5100;
	[sflag:s0] =	ssyncadd.s32 $0xFFFFF000  }
0x4f: {  	[spmem:s2] =	stream.indirect.scatter.add.bf16 [tilespmem:s25], [sflag:$0xF], $0x20, s20, s21, $0xb8;
	[tilespmem:$0x1BE20] =	vst v63  }
0x50: {  	_ =	swait.ge [sflag:s24], $0x1000  }
0x51: {  	[sflag:s24] =	ssyncset.done $0x0  }
0x52: {  	s13 =	simm.s32 $0x5180;
	[sflag:s24] =	ssyncadd.s32 $0xFFFFF000  }
0x53: {  	[spmem:s2] =	stream.indirect.scatter.add.bf16 [tilespmem:s28], [sflag:$0x10], $0x20, s13, s21, $0xb8;
	[tilespmem:$0x1BE20] =	vst v63  }
0x54: {  	_ =	swait.ge [sflag:s6], $0x1000  }
0x55: {  	[sflag:s6] =	ssyncset.done $0x0  }
0x56: {  	s20 =	simm.s32 $0x5200;
	[sflag:s6] =	ssyncadd.s32 $0xFFFFF000  }
0x57: {  	[spmem:s2] =	stream.indirect.scatter.add.bf16 [tilespmem:s30], [sflag:$0x11], $0x20, s20, s21, $0xb8;
	[tilespmem:$0x1BE20] =	vst v63  }
0x58: {  	_ =	swait.ge [sflag:s7], $0x1000  }
0x59: {  	[sflag:s7] =	ssyncset.done $0x0  }
0x5a: {  	s13 =	simm.s32 $0x5280;
	[sflag:s7] =	ssyncadd.s32 $0xFFFFF000  }
0x5b: {  	[spmem:s2] =	stream.indirect.scatter.add.bf16 [tilespmem:s1], [sflag:$0x12], $0x20, s13, s21, $0xb8;
	[tilespmem:$0x1BE20] =	vst v63  }
0x5c: {  	_ =	swait.ge [sflag:s8], $0x1000  }
0x5d: {  	[sflag:s8] =	ssyncset.done $0x0  }
0x5e: {  	s20 =	simm.s32 $0x5300;
	[sflag:s8] =	ssyncadd.s32 $0xFFFFF000  }
0x5f: {  	[spmem:s2] =	stream.indirect.scatter.add.bf16 [tilespmem:s16], [sflag:$0x13], $0x20, s20, s21, $0xb8;
	[tilespmem:$0x1BE20] =	vst v63  }
0x60: {  	_ =	swait.ge [sflag:s9], $0x1000  }
0x61: {  	[sflag:s9] =	ssyncset.done $0x0  }
0x62: {  	s13 =	simm.s32 $0x5380;
	[sflag:s9] =	ssyncadd.s32 $0xFFFFF000  }
0x63: {  	[spmem:s2] =	stream.indirect.scatter.add.bf16 [tilespmem:s26], [sflag:$0x14], $0x20, s13, s21, $0xb8;
	[tilespmem:$0x1BE20] =	vst v63  }
0x64: {  	_ =	swait.ge [sflag:s10], $0x1000  }
0x65: {  	[sflag:s10] =	ssyncset.done $0x0  }
0x66: {  	s20 =	simm.s32 $0x400;
	[sflag:s10] =	ssyncadd.s32 $0xFFFFF000  }
0x67: {  	[tilespmem:s22], [sflag:$0x5] =	stream.indirect.gather [spmem:s3], $0x20, s20, s21, $0xb8;
	[tilespmem:$0x1BE20] =	vst v63  }
0x68: {  	_ =	swait.ge [sflag:s11], $0x1000  }
0x69: {  	[sflag:s11] =	ssyncset.done $0x0  }
0x6a: {  	s13 =	simm.s32 $0x480;
	[sflag:s11] =	ssyncadd.s32 $0xFFFFF000  }
0x6b: {  	[tilespmem:s23], [sflag:$0x6] =	stream.indirect.gather [spmem:s3], $0x20, s13, s21, $0xb8;
	[tilespmem:$0x1BE20] =	vst v63  }
0x6c: {  	_ =	swait.ge [sflag:s12], $0x1000  }
0x6d: {  	[sflag:s12] =	ssyncset.done $0x0  }
0x6e: {  	s20 =	simm.s32 $0x500;
	[sflag:s12] =	ssyncadd.s32 $0xFFFFF000  }
0x6f: {  	[tilespmem:s25], [sflag:$0x7] =	stream.indirect.gather [spmem:s3], $0x20, s20, s21, $0xb8;
	[tilespmem:$0x1BE20] =	vst v63  }
0x70: {  	_ =	swait.ge [sflag:s14], $0x1000  }
0x71: {  	[sflag:s14] =	ssyncset.done $0x0  }
0x72: {  	s13 =	simm.s32 $0x580;
	[sflag:s14] =	ssyncadd.s32 $0xFFFFF000  }
0x73: {  	[tilespmem:s28], [sflag:$0x8] =	stream.indirect.gather [spmem:s3], $0x20, s13, s21, $0xb8;
	[tilespmem:$0x1BE20] =	vst v63  }
0x74: {  	_ =	swait.ge [sflag:s15], $0x1000  }
0x75: {  	[sflag:s15] =	ssyncset.done $0x0  }
0x76: {  	s20 =	simm.s32 $0x600;
	[sflag:s15] =	ssyncadd.s32 $0xFFFFF000  }
0x77: {  	[tilespmem:s30], [sflag:$0x9] =	stream.indirect.gather [spmem:s3], $0x20, s20, s21, $0xb8;
	[tilespmem:$0x1BE20] =	vst v63  }
0x78: {  	_ =	swait.ge [sflag:s5], $0x1000  }
0x79: {  	[sflag:s5] =	ssyncset.done $0x0  }
0x7a: {  	s13 =	simm.s32 $0x680;
	[sflag:s5] =	ssyncadd.s32 $0xFFFFF000  }
0x7b: {  	[tilespmem:s1], [sflag:$0xA] =	stream.indirect.gather [spmem:s3], $0x20, s13, s21, $0xb8;
	[tilespmem:$0x1BE20] =	vst v63  }
0x7c: {  	_ =	swait.ge [sflag:s4], $0x1000  }
0x7d: {  	[sflag:s4] =	ssyncset.done $0x0  }
0x7e: {  	s20 =	simm.s32 $0x700;
	[sflag:s4] =	ssyncadd.s32 $0xFFFFF000  }
0x7f: {  	[tilespmem:s16], [sflag:$0xB] =	stream.indirect.gather [spmem:s3], $0x20, s20, s21, $0xb8;
	[tilespmem:$0x1BE20] =	vst v63  }
0x80: {  	_ =	swait.ge [sflag:s17], $0x1000  }
0x81: {  	[sflag:s17] =	ssyncset.done $0x0  }
0x82: {  	s18 =	simm.s32 $0x780;
	s20 =	simm.s32 $0x1000;
	[sflag:s17] =	ssyncadd.s32 $0xFFFFF000  }
.LBB2_2:
0x83: {  	[tilespmem:s26], [sflag:$0xC] =	stream.indirect.gather [spmem:s3], $0x20, s18, s21, $0xb8;
	[tilespmem:$0x1BE20] =	vst v63  }
0x84: {  	s18 =	smov.u32 s20  }
0x85: {  	p0 =	sne.s32 s20, $0x12000;
	s20 =	sadd.s32 $0x1000, s20;
	_ =	swait.ge [sflag:s29], $0x1000  }
0x86: {  	s18 =	sshra.s32 s18, $0x2;
	[sflag:s29] =	ssyncset.done $0x0  }
0x87: {  	s13 =	sadd.s32 $0x5000, s18;
	[sflag:s29] =	ssyncadd.s32 $0xFFFFF000  }
0x88: {  	[spmem:s2] =	stream.indirect.scatter.add.bf16 [tilespmem:s22], [sflag:$0xD], $0x20, s13, s21, $0xb8;
	[tilespmem:$0x1BE20] =	vst v63  }
0x89: {  	_ =	swait.ge [sflag:s31], $0x1000  }
0x8a: {  	[sflag:s31] =	ssyncset.done $0x0  }
0x8b: {  	s13 =	sadd.s32 $0x5080, s18;
	[sflag:s31] =	ssyncadd.s32 $0xFFFFF000  }
0x8c: {  	[spmem:s2] =	stream.indirect.scatter.add.bf16 [tilespmem:s23], [sflag:$0xE], $0x20, s13, s21, $0xb8;
	[tilespmem:$0x1BE20] =	vst v63  }
0x8d: {  	_ =	swait.ge [sflag:s0], $0x1000  }
0x8e: {  	[sflag:s0] =	ssyncset.done $0x0  }
0x8f: {  	s13 =	sadd.s32 $0x5100, s18;
	[sflag:s0] =	ssyncadd.s32 $0xFFFFF000  }
0x90: {  	[spmem:s2] =	stream.indirect.scatter.add.bf16 [tilespmem:s25], [sflag:$0xF], $0x20, s13, s21, $0xb8;
	[tilespmem:$0x1BE20] =	vst v63  }
0x91: {  	_ =	swait.ge [sflag:s24], $0x1000  }
0x92: {  	[sflag:s24] =	ssyncset.done $0x0  }
0x93: {  	s13 =	sadd.s32 $0x5180, s18;
	[sflag:s24] =	ssyncadd.s32 $0xFFFFF000  }
0x94: {  	[spmem:s2] =	stream.indirect.scatter.add.bf16 [tilespmem:s28], [sflag:$0x10], $0x20, s13, s21, $0xb8;
	[tilespmem:$0x1BE20] =	vst v63  }
0x95: {  	_ =	swait.ge [sflag:s6], $0x1000  }
0x96: {  	[sflag:s6] =	ssyncset.done $0x0  }
0x97: {  	s13 =	sadd.s32 $0x5200, s18;
	[sflag:s6] =	ssyncadd.s32 $0xFFFFF000  }
0x98: {  	[spmem:s2] =	stream.indirect.scatter.add.bf16 [tilespmem:s30], [sflag:$0x11], $0x20, s13, s21, $0xb8;
	[tilespmem:$0x1BE20] =	vst v63  }
0x99: {  	_ =	swait.ge [sflag:s7], $0x1000  }
0x9a: {  	[sflag:s7] =	ssyncset.done $0x0  }
0x9b: {  	s13 =	sadd.s32 $0x5280, s18;
	[sflag:s7] =	ssyncadd.s32 $0xFFFFF000  }
0x9c: {  	[spmem:s2] =	stream.indirect.scatter.add.bf16 [tilespmem:s1], [sflag:$0x12], $0x20, s13, s21, $0xb8;
	[tilespmem:$0x1BE20] =	vst v63  }
0x9d: {  	_ =	swait.ge [sflag:s8], $0x1000  }
0x9e: {  	[sflag:s8] =	ssyncset.done $0x0  }
0x9f: {  	s13 =	sadd.s32 $0x5300, s18;
	[sflag:s8] =	ssyncadd.s32 $0xFFFFF000  }
0xa0: {  	[spmem:s2] =	stream.indirect.scatter.add.bf16 [tilespmem:s16], [sflag:$0x13], $0x20, s13, s21, $0xb8;
	[tilespmem:$0x1BE20] =	vst v63  }
0xa1: {  	_ =	swait.ge [sflag:s9], $0x1000  }
0xa2: {  	[sflag:s9] =	ssyncset.done $0x0  }
0xa3: {  	s13 =	sadd.s32 $0x5380, s18;
	[sflag:s9] =	ssyncadd.s32 $0xFFFFF000  }
0xa4: {  	[spmem:s2] =	stream.indirect.scatter.add.bf16 [tilespmem:s26], [sflag:$0x14], $0x20, s13, s21, $0xb8;
	[tilespmem:$0x1BE20] =	vst v63  }
0xa5: {  	_ =	swait.ge [sflag:s10], $0x1000  }
0xa6: {  	[sflag:s10] =	ssyncset.done $0x0  }
0xa7: {  	s13 =	sadd.s32 $0x400, s18;
	[sflag:s10] =	ssyncadd.s32 $0xFFFFF000  }
0xa8: {  	[tilespmem:s22], [sflag:$0x5] =	stream.indirect.gather [spmem:s3], $0x20, s13, s21, $0xb8;
	[tilespmem:$0x1BE20] =	vst v63  }
0xa9: {  	_ =	swait.ge [sflag:s11], $0x1000  }
0xaa: {  	[sflag:s11] =	ssyncset.done $0x0  }
0xab: {  	s13 =	sadd.s32 $0x480, s18;
	[sflag:s11] =	ssyncadd.s32 $0xFFFFF000  }
0xac: {  	[tilespmem:s23], [sflag:$0x6] =	stream.indirect.gather [spmem:s3], $0x20, s13, s21, $0xb8;
	[tilespmem:$0x1BE20] =	vst v63  }
0xad: {  	_ =	swait.ge [sflag:s12], $0x1000  }
0xae: {  	[sflag:s12] =	ssyncset.done $0x0  }
0xaf: {  	s13 =	sadd.s32 $0x500, s18;
	[sflag:s12] =	ssyncadd.s32 $0xFFFFF000  }
0xb0: {  	[tilespmem:s25], [sflag:$0x7] =	stream.indirect.gather [spmem:s3], $0x20, s13, s21, $0xb8;
	[tilespmem:$0x1BE20] =	vst v63  }
0xb1: {  	_ =	swait.ge [sflag:s14], $0x1000  }
0xb2: {  	[sflag:s14] =	ssyncset.done $0x0  }
0xb3: {  	s13 =	sadd.s32 $0x580, s18;
	[sflag:s14] =	ssyncadd.s32 $0xFFFFF000  }
0xb4: {  	[tilespmem:s28], [sflag:$0x8] =	stream.indirect.gather [spmem:s3], $0x20, s13, s21, $0xb8;
	[tilespmem:$0x1BE20] =	vst v63  }
0xb5: {  	_ =	swait.ge [sflag:s15], $0x1000  }
0xb6: {  	[sflag:s15] =	ssyncset.done $0x0  }
0xb7: {  	s13 =	sadd.s32 $0x600, s18;
	[sflag:s15] =	ssyncadd.s32 $0xFFFFF000  }
0xb8: {  	[tilespmem:s30], [sflag:$0x9] =	stream.indirect.gather [spmem:s3], $0x20, s13, s21, $0xb8;
	[tilespmem:$0x1BE20] =	vst v63  }
0xb9: {  	_ =	swait.ge [sflag:s5], $0x1000  }
0xba: {  	[sflag:s5] =	ssyncset.done $0x0  }
0xbb: {  	s13 =	sadd.s32 $0x680, s18;
	[sflag:s5] =	ssyncadd.s32 $0xFFFFF000  }
0xbc: {  	[tilespmem:s1], [sflag:$0xA] =	stream.indirect.gather [spmem:s3], $0x20, s13, s21, $0xb8;
	[tilespmem:$0x1BE20] =	vst v63  }
0xbd: {  	_ =	swait.ge [sflag:s4], $0x1000  }
0xbe: {  	[sflag:s4] =	ssyncset.done $0x0  }
.Ltmp0:
0xbf: {  	s13 =	sadd.s32 $0x700, s18;
	[sflag:s4] =	ssyncadd.s32 $0xFFFFF000;
	(pc) =	sbr.rel @p0 .LBB2_2-.Ltmp0, $4  }
0xc0: {  	[tilespmem:s16], [sflag:$0xB] =	stream.indirect.gather [spmem:s3], $0x20, s13, s21, $0xb8;
	[tilespmem:$0x1BE20] =	vst v63  }
0xc1: {  	_ =	swait.ge [sflag:s17], $0x1000  }
0xc2: {  	[sflag:s17] =	ssyncset.done $0x0  }
0xc3: {  	s18 =	sadd.s32 $0x780, s18;
	[sflag:s17] =	ssyncadd.s32 $0xFFFFF000  }
0xc4: {  	[tilespmem:s26], [sflag:$0xC] =	stream.indirect.gather [spmem:s3], $0x20, s18, s21, $0xb8;
	[tilespmem:$0x1BE20] =	vst v63  }
0xc5: {  	_ =	swait.ge [sflag:s29], $0x1000  }
0xc6: {  	[sflag:s29] =	ssyncset.done $0x0  }
0xc7: {  	s13 =	simm.s32 $0x9C00;
	[sflag:s29] =	ssyncadd.s32 $0xFFFFF000  }
0xc8: {  	[spmem:s2] =	stream.indirect.scatter.add.bf16 [tilespmem:s22], [sflag:$0xD], $0x20, s13, s21, $0xb8;
	[tilespmem:$0x1BE20] =	vst v63  }
0xc9: {  	_ =	swait.ge [sflag:s31], $0x1000  }
0xca: {  	[sflag:s31] =	ssyncset.done $0x0  }
0xcb: {  	s18 =	simm.s32 $0x9C80;
	[sflag:s31] =	ssyncadd.s32 $0xFFFFF000  }
0xcc: {  	[spmem:s2] =	stream.indirect.scatter.add.bf16 [tilespmem:s23], [sflag:$0xE], $0x20, s18, s21, $0xb8;
	[tilespmem:$0x1BE20] =	vst v63  }
0xcd: {  	_ =	swait.ge [sflag:s0], $0x1000  }
0xce: {  	[sflag:s0] =	ssyncset.done $0x0  }
0xcf: {  	s20 =	simm.s32 $0x9D00;
	[sflag:s0] =	ssyncadd.s32 $0xFFFFF000  }
0xd0: {  	[spmem:s2] =	stream.indirect.scatter.add.bf16 [tilespmem:s25], [sflag:$0xF], $0x20, s20, s21, $0xb8;
	[tilespmem:$0x1BE20] =	vst v63  }
0xd1: {  	_ =	swait.ge [sflag:s24], $0x1000  }
0xd2: {  	[sflag:s24] =	ssyncset.done $0x0  }
0xd3: {  	s18 =	simm.s32 $0x9D80;
	[sflag:s24] =	ssyncadd.s32 $0xFFFFF000  }
0xd4: {  	[spmem:s2] =	stream.indirect.scatter.add.bf16 [tilespmem:s28], [sflag:$0x10], $0x20, s18, s21, $0xb8;
	[tilespmem:$0x1BE20] =	vst v63  }
0xd5: {  	_ =	swait.ge [sflag:s6], $0x1000  }
0xd6: {  	[sflag:s6] =	ssyncset.done $0x0  }
0xd7: {  	s20 =	simm.s32 $0x9E00;
	[sflag:s6] =	ssyncadd.s32 $0xFFFFF000  }
0xd8: {  	[spmem:s2] =	stream.indirect.scatter.add.bf16 [tilespmem:s30], [sflag:$0x11], $0x20, s20, s21, $0xb8;
	[tilespmem:$0x1BE20] =	vst v63  }
0xd9: {  	_ =	swait.ge [sflag:s7], $0x1000  }
0xda: {  	[sflag:s7] =	ssyncset.done $0x0  }
0xdb: {  	s18 =	simm.s32 $0x9E80;
	[sflag:s7] =	ssyncadd.s32 $0xFFFFF000  }
0xdc: {  	[spmem:s2] =	stream.indirect.scatter.add.bf16 [tilespmem:s1], [sflag:$0x12], $0x20, s18, s21, $0xb8;
	[tilespmem:$0x1BE20] =	vst v63  }
0xdd: {  	_ =	swait.ge [sflag:s8], $0x1000  }
0xde: {  	[sflag:s8] =	ssyncset.done $0x0  }
0xdf: {  	s20 =	simm.s32 $0x9F00;
	[sflag:s8] =	ssyncadd.s32 $0xFFFFF000  }
0xe0: {  	[spmem:s2] =	stream.indirect.scatter.add.bf16 [tilespmem:s16], [sflag:$0x13], $0x20, s20, s21, $0xb8;
	[tilespmem:$0x1BE20] =	vst v63  }
0xe1: {  	_ =	swait.ge [sflag:s9], $0x1000  }
0xe2: {  	[sflag:s9] =	ssyncset.done $0x0  }
0xe3: {  	s18 =	simm.s32 $0x9F80;
	[sflag:s9] =	ssyncadd.s32 $0xFFFFF000  }
0xe4: {  	[spmem:s2] =	stream.indirect.scatter.add.bf16 [tilespmem:s26], [sflag:$0x14], $0x20, s18, s21, $0xb8;
	[tilespmem:$0x1BE20] =	vst v63  }
0xe5: {  	_ =	swait.ge [sflag:s10], $0x1000  }
0xe6: {  	[sflag:s10] =	ssyncset.done $0x0  }
0xe7: {  	[sflag:s10] =	ssyncadd.s32 $0xFFFFF000  }
0xe8: {  	_ =	swait.ge [sflag:s11], $0x1000  }
0xe9: {  	[sflag:s11] =	ssyncset.done $0x0  }
0xea: {  	[sflag:s11] =	ssyncadd.s32 $0xFFFFF000  }
0xeb: {  	_ =	swait.ge [sflag:s12], $0x1000  }
0xec: {  	[sflag:s12] =	ssyncset.done $0x0  }
0xed: {  	[sflag:s12] =	ssyncadd.s32 $0xFFFFF000  }
0xee: {  	_ =	swait.ge [sflag:s14], $0x1000  }
0xef: {  	[sflag:s14] =	ssyncset.done $0x0  }
0xf0: {  	[sflag:s14] =	ssyncadd.s32 $0xFFFFF000  }
0xf1: {  	_ =	swait.ge [sflag:s15], $0x1000  }
0xf2: {  	[sflag:s15] =	ssyncset.done $0x0  }
0xf3: {  	[sflag:s15] =	ssyncadd.s32 $0xFFFFF000  }
0xf4: {  	_ =	swait.ge [sflag:s5], $0x1000  }
0xf5: {  	[sflag:s5] =	ssyncset.done $0x0  }
0xf6: {  	[sflag:s5] =	ssyncadd.s32 $0xFFFFF000  }
0xf7: {  	_ =	swait.ge [sflag:s4], $0x1000  }
0xf8: {  	[sflag:s4] =	ssyncset.done $0x0  }
0xf9: {  	[sflag:s4] =	ssyncadd.s32 $0xFFFFF000  }
0xfa: {  	_ =	swait.ge [sflag:s17], $0x1000  }
0xfb: {  	[sflag:s17] =	ssyncset.done $0x0  }
0xfc: {  	[sflag:s17] =	ssyncadd.s32 $0xFFFFF000  }
0xfd: {  	[bflag:$0x0] =	sbarrier.arrive $0xFFFF  }
0xfe: {  	s20 =	rddreg [dreg:$0x4]  }
0xff: {  	s18 =	rddreg [dreg:$0xa]  }
0x100: {  	s13 =	sor.u32 $0x1C15, s20;
	s20 =	rddreg [dreg:$0xc]  }
0x101: {  	[hbm:s18], [sflag:s13] =	dma.local [spmem:s20], $0xA00  }
0x102: {  	s18 =	simm.s32 $0x15  }
0x103: {  	_ =	swait.ge [sflag:s18], $0xA00  }
0x104: {  	s19 =	sadd.s32 $0x1, s19;
	s13 =	rddreg [dreg:$0xb]  }
0x105: {  	p0 =	sne.s32 s19, s13  }
.Ltmp1:
0x106: {  	_ = 	snop;
	(pc) =	sbr.rel @p0 .LBB2_1-.Ltmp1, $3  }
0x107: {  	_ =	sdelay $0x1  }
0x108: {  	[sflag:s18] =	ssyncset.done $0x0  }
0x109: {  	[sflag:s18] =	ssyncadd.s32 $0xFFFFF600  }
0x10a: {  	_ =	sfence.sel $0x180000  }
0x10b: {  	[bflag:$0x0] =	sbarrier.arrive $0xFFFF  }
0x10c: {  	_ =	strace $0x9000004A  }
0x10d: {  	s0 =	stileid.u32;
	[bflag:$0x2] =	sbarrier.arrive $0xFFFF  }
0x10e: {  	p0 =	sne.s32 s0, $0x0;
	s0 =	rddreg [dreg:$0x3]  }
0x10f: {  	s0 =	sadd.s32 @!p0 $0x100000, s0  }
0x110: {  	[sflag:s0] =	ssyncadd.tile.s32 @!p0 $0x1;
	_ =	shalt  }
.Lfunc_end2:
_tile_overlayer_lowered:
.L_overlay_start_2:
0x111: {  	(tag) =	ssettag $0x2  }
0x112: {  	s0 =	rddreg [dreg:$0x0];
	s2 =	stileid.u32  }
0x113: {  	s1 =	rddreg [dreg:$0x1];
	p0 =	sne.s32 s2, $0x0  }
0x114: {  	s3 =	rddreg [dreg:$0x2];
	[bflag:$0x3] =	sbarrier.arrive $0xFFFF;
	s2 =	simm.s32 @!p0 $0x1C15  }
0x115: {  	[timem:s3], [sflag:s2] =	dma.local @!p0 [hbm:s0], s1  }
0x116: {  	s0 =	simm.s32 @!p0 $0x15  }
0x117: {  	_ =	swait.ge @!p0 [sflag:s0], s1  }
0x118: {  	s1 =	ssub.s32 @!p0 $0x0, s1;
	[sflag:s0] =	ssyncset.done @!p0 $0x0  }
0x119: {  	[sflag:s0] =	ssyncadd.s32 @!p0 s1  }
0x11a: {  	[bflag:$0x3] =	sbarrier.arrive $0xFFFF  }
0x11b: {  	_ =	shalt  }

// kernel: kernel.19.cloned.1.call-start
scs
__scs_entry_jumppad:
0x0: {  	(pc) =	sbr.rel $0x88, $3  }
0x1: {  	(tag) =	ssettag $0x0;
	lr =	simm.s32 $0x1  }
0x2: {  	[smem:$0x3F91] =	sst lr;
	_ =	strace $0xD0000000  }
0x3: {  	_ = 	snop  }
0x4: {  	_ = 	snop  }
0x5: {  	_ = 	snop  }
0x6: {  	_ = 	snop  }
0x7: {  	_ = 	snop  }
__scs_overlays_trampoline_lowered:
0x8: {  	[smem:$0x3FA0] =	sst s0  }
0x9: {  	[smem:$0x3FA1] =	sst s1  }
0xa: {  	[smem:$0x3FA2] =	sst s2  }
0xb: {  	[smem:$0x3FA3] =	sst s3  }
0xc: {  	[smem:$0x3FA4] =	sst s4  }
0xd: {  	[smem:$0x3FA5] =	sst s5  }
0xe: {  	[smem:$0x3FA6] =	sst s6  }
0xf: {  	[smem:$0x3FA7] =	sst s7  }
0x10: {  	[smem:$0x3FA8] =	sst s8  }
0x11: {  	[smem:$0x3FA9] =	sst s9;
	s0 =	simm.s32 @!p0 $0x0  }
0x12: {  	s1 =	sld [smem:$0x3F8F];
	s0 =	simm.s32 @p0 $0x1  }
0x13: {  	[smem:$0x3FAA] =	sst s0;
	s0 =	simm.s32 @!p1 $0x0  }
0x14: {  	s2 =	sld [smem:$0x3F8E];
	s0 =	simm.s32 @p1 $0x1  }
0x15: {  	[smem:$0x3FAB] =	sst s0;
	s0 =	simm.s32 @!p2 $0x0  }
0x16: {  	s3 =	sld [smem:$0x3FDB];
	s0 =	simm.s32 @p2 $0x1  }
0x17: {  	s4 =	simm.s32 $0x1BF5;
	[smem:$0x3FAD] =	sst s0  }
0x18: {  	s0 =	sld [smem:$0x3F90];
	_ =	swait.ge [sflag:s4], $0x0  }
0x19: {  	s7 =	sld [smem:$0x3F91]  }
0x1a: {  	s8 =	sadd.s32 $0xFFFFE003, lr  }
0x1b: {  	s9 =	sadd.s32 $0xFFFFFEF7, lr;
	s5 =	simm.s32 $0xFFFFFFFF;
	p2 =	slt.u32 s8, $0xFFFFF086  }
0x1c: {  	p1 =	slt.u32 s9, $0xF7A;
	s5 =	simm.s32 @!p2 $0x0  }
0x1d: {  	s5 =	simm.s32 @p1 $0x1;
	p0 =	seq.s32 s7, s2  }
0x1e: {  	s7 =	smul.u32 @!p0 $0xF7A, s2;
	p2 =	seq.s32 @!p0 s5, $0x0  }
0x1f: {  	s9 =	smul.u32 $0xF7A, s1;
	s8 =	simm.s32 @!p0 $0x1BF5;
	p2 =	por !p2, p0  }
0x20: {  	[sflag:s8] =	ssyncset.s32 @!p0 $0xFFFFF086;
	s6 =	sadd.s32 @!p0 s3, s7;
	s7 =	simm.s32 @!p0 $0x108  }
0x21: {  	s3 =	sadd.s32 s3, s9;
	s6 =	sadd.s32 @!p0 $0x88, s6;
	s7 =	simm.s32 @p2 $0x1082  }
0x22: {  	[simem:s7], [sflag:s8] =	dma.local @!p0 [hbm:s6], $0xF7A  }
0x23: {  	s9 =	sor.u32 $0xD0000000, s2;
	s6 =	simm.s32 $0x108;
	_ =	swait.ge @!p0 [sflag:s8], $0x0  }
0x24: {  	s3 =	sadd.s32 $0x88, s3;
	s6 =	simm.s32 @!p1 $0x1082;
	[sflag:s4] =	ssyncset.s32 $0xFFFFF086  }
0x25: {  	[simem:s6], [sflag:s4] =	dma.local [hbm:s3], $0xF7A  }
0x26: {  	[smem:$0x3F91] =	sst s1;
	(tag) =	ssettag s2;
	_ =	strace s9  }
0x27: {  	s1 =	sld [smem:$0x3FA1]  }
0x28: {  	s2 =	sld [smem:$0x3FA2]  }
0x29: {  	s4 =	sld [smem:$0x3FA4]  }
0x2a: {  	p0 =	seq.s32 s5, $0x0;
	s5 =	sld [smem:$0x3FA5]  }
0x2b: {  	s6 =	sld [smem:$0x3FA6]  }
0x2c: {  	s7 =	sld [smem:$0x3FA7]  }
0x2d: {  	s3 =	simm.s32 $0x108;
	s8 =	sld [smem:$0x3FA8]  }
0x2e: {  	s3 =	simm.s32 @!p0 $0x1082;
	s9 =	sld [smem:$0x3FA9]  }
0x2f: {  	lr =	sadd.s32 s0, s3;
	s0 =	sld [smem:$0x3FA0]  }
0x30: {  	s3 =	sld [smem:$0x3FA3]  }
0x31: {  	[smem:$0x3FAC] =	sst s10  }
0x32: {  	s10 =	sld [smem:$0x3FAA];
	_ =	sdelay $0x3  }
0x33: {  	p0 =	seq.s32 s10, $0x1;
	s10 =	sld [smem:$0x3FAC];
	_ =	sdelay $0x3  }
0x34: {  	[smem:$0x3FAC] =	sst s10  }
0x35: {  	s10 =	sld [smem:$0x3FAB];
	_ =	sdelay $0x3  }
0x36: {  	p1 =	seq.s32 s10, $0x1;
	s10 =	sld [smem:$0x3FAC];
	_ =	sdelay $0x3  }
0x37: {  	[smem:$0x3FAC] =	sst s10  }
0x38: {  	s10 =	sld [smem:$0x3FAD]  }
0x39: {  	_ = 	snop;
	(pc) =	sbr.ind lr, $3  }
0x3a: {  	_ = 	snop  }
0x3b: {  	_ = 	snop  }
0x3c: {  	p2 =	seq.s32 s10, $0x1;
	s10 =	sld [smem:$0x3FAC]  }
0x3d: {  	_ =	shalt  }
0x3e: {  	_ =	shalt  }
0x3f: {  	_ =	shalt  }
0x40: {  	_ =	shalt  }
0x41: {  	_ =	shalt  }
0x42: {  	_ =	shalt  }
0x43: {  	_ =	shalt  }
0x44: {  	_ =	shalt  }
0x45: {  	_ =	shalt  }
0x46: {  	_ =	shalt  }
0x47: {  	_ =	shalt  }
0x48: {  	_ =	shalt  }
0x49: {  	_ =	shalt  }
0x4a: {  	_ =	shalt  }
0x4b: {  	_ =	shalt  }
0x4c: {  	_ =	shalt  }
0x4d: {  	_ =	shalt  }
0x4e: {  	_ =	shalt  }
0x4f: {  	_ =	shalt  }
0x50: {  	_ =	shalt  }
0x51: {  	_ =	shalt  }
0x52: {  	_ =	shalt  }
0x53: {  	_ =	shalt  }
0x54: {  	_ =	shalt  }
0x55: {  	_ =	shalt  }
0x56: {  	_ =	shalt  }
0x57: {  	_ =	shalt  }
0x58: {  	_ =	shalt  }
0x59: {  	_ =	shalt  }
0x5a: {  	_ =	shalt  }
0x5b: {  	_ =	shalt  }
0x5c: {  	_ =	shalt  }
0x5d: {  	_ =	shalt  }
0x5e: {  	_ =	shalt  }
0x5f: {  	_ =	shalt  }
0x60: {  	_ =	shalt  }
0x61: {  	_ =	shalt  }
0x62: {  	_ =	shalt  }
0x63: {  	_ =	shalt  }
0x64: {  	_ =	shalt  }
0x65: {  	_ =	shalt  }
0x66: {  	_ =	shalt  }
0x67: {  	_ =	shalt  }
0x68: {  	_ =	shalt  }
0x69: {  	_ =	shalt  }
0x6a: {  	_ =	shalt  }
0x6b: {  	_ =	shalt  }
0x6c: {  	_ =	shalt  }
0x6d: {  	_ =	shalt  }
0x6e: {  	_ =	shalt  }
0x6f: {  	_ =	shalt  }
0x70: {  	_ =	shalt  }
0x71: {  	_ =	shalt  }
0x72: {  	_ =	shalt  }
0x73: {  	_ =	shalt  }
0x74: {  	_ =	shalt  }
0x75: {  	_ =	shalt  }
0x76: {  	_ =	shalt  }
0x77: {  	_ =	shalt  }
0x78: {  	_ =	shalt  }
0x79: {  	_ =	shalt  }
0x7a: {  	_ =	shalt  }
0x7b: {  	_ =	shalt  }
0x7c: {  	_ =	shalt  }
0x7d: {  	_ =	shalt  }
0x7e: {  	_ =	shalt  }
0x7f: {  	_ =	shalt  }
0x80: {  	_ =	shalt  }
0x81: {  	_ =	shalt  }
0x82: {  	_ =	shalt  }
0x83: {  	_ =	shalt  }
0x84: {  	_ =	shalt  }
0x85: {  	_ =	shalt  }
0x86: {  	_ =	shalt  }
0x87: {  	_ =	shalt  }
.Lfunc_end0:
.L_simem_size_0:
called_computation.2_lowered:
.L_overlay_start_0:
0x88: {  	s2 =	sld [smem:$0x3FD9]  }
0x89: {  	s3 =	sld [smem:$0x3FFE];
	_ =	sdelay $0x1  }
0x8a: {  	s1 =	srdreg.scid  }
0x8b: {  	s0 =	sand.u32 $0x1, s1  }
0x8c: {  	s16 =	sshll.u32 s0, $0xA;
	s2 =	sadd.s32 s3, s2  }
0x8d: {  	s2 =	sadd.s32 s2, s16  }
0x8e: {  	[smem:$0x3FB8] =	sst s2  }
0x8f: {  	_ = 	snop  }
0x90: {  	(tm) =	ssettm $0x1  }
0x91: {  	s17 =	sld [smem:$0x3FFB];
	_ =	sdelay $0x3  }
0x92: {  	_ =	strace s17  }
0x93: {  	s2 =	sld [smem:$0x3FFC];
	_ =	sdelay $0x3  }
0x94: {  	_ =	strace s2  }
0x95: {  	s2 =	sld [smem:$0x3FFD];
	_ =	sdelay $0x3  }
0x96: {  	_ =	strace s2  }
0x97: {  	_ =	strace $0x8FFFFFFF  }
0x98: {  	s18 =	sld [smem:$0x3FDB];
	_ =	sdelay $0x1  }
0x99: {  	s19 =	simm.s32 $_scs_section_size  }
0x9a: {  	s4 =	simm.s32 $_size__tile_overlayer_lowered;
	s5 =	simm.s32 $_tile_overlayer_lowered  }
0x9b: {  	s22 =	simm.s32 $0x1BFF;
	s21 =	sshll.u32 s5, $0x1;
	s2 =	sadd.s32 s19, s18  }
0x9c: {  	s6 =	simm.s32 $0x0;
	s20 =	sshll.u32 s4, $0x1;
	s4 =	sadd.s32 s21, s2  }
0x9d: {  	[timem:s6], [sflag:s22] =	dma.local [hbm:s4], s20  }
0x9e: {  	_ =	swait.ge [sflag:s22], s20  }
0x9f: {  	s3 =	ssub.s32 $0x0, s20;
	[sflag:s22] =	ssyncset.done $0x0  }
0xa0: {  	[sflag:s22] =	ssyncadd.s32 s3;
	_ =	sdelay $0x1  }
0xa1: {  	s23 =	simm.s32 $0x1B8B  }
0xa2: {  	_ =	swait.ge [sflag:s23], $0x1  }
0xa3: {  	[sflag:s23] =	ssyncset.done $0x0  }
0xa4: {  	s25 =	simm.s32 $0x1B8E;
	s24 =	sld [smem:$0x3FFE];
	[sflag:s23] =	ssyncadd.s32 $0xFFFFFFFF  }
0xa5: {  	s26 =	simm.s32 $execute0_lowered;
	[smem:$0x3FD2] =	sst s25  }
0xa6: {  	s4 =	sshll.u32 s26, $0x1;
	_ =	strace $0x8000004C;
	[dreg:$0x1] =	wrdreg $0xFFFFFFFF  }
0xa7: {  	s28 =	simm.s32 $_size_execute0_lowered;
	s2 =	sadd.s32 s2, s4;
	[dreg:$0x0] =	wrdreg $0x0  }
0xa8: {  	s4 =	sshll.u32 s28, $0x1;
	[dreg:$0x2] =	wrdreg s2  }
0xa9: {  	[dreg:$0x3] =	wrdreg s4  }
0xaa: {  	[dreg:$0x4] =	wrdreg $0xC0  }
0xab: {  	_ =	task [dreg:s6], $0x5FFFF  }
0xac: {  	[dreg:$0x1] =	wrdreg $0xFFFFFFFF  }
0xad: {  	[dreg:$0x0] =	wrdreg $0x60  }
0xae: {  	[dreg:$0x2] =	wrdreg s24  }
0xaf: {  	[dreg:$0x3] =	wrdreg $0x120000  }
0xb0: {  	[dreg:$0x4] =	wrdreg $0x170000  }
0xb1: {  	[dreg:$0x5] =	wrdreg $0x9  }
0xb2: {  	_ =	task.clear_ibuf [dreg:s6], $0x6FFFF;
	_ =	strace $0x9000004C  }
0xb3: {  	s29 =	simm.s32 $0x9;
	_ =	strace $0x8000004E  }
0xb4: {  	_ =	swait.ge [sflag:s29], $0x1  }
0xb5: {  	[sflag:s29] =	ssyncadd.s32 $0xFFFFFFFF  }
0xb6: {  	_ =	strace $0x9000004E  }
0xb7: {  	_ =	sfence  }
0xb8: {  	s30 =	sld [smem:$0x0];
	_ =	sdelay $0x2  }
0xb9: {  	s31 =	sshll.u32 s1, $0xD;
	s1 =	sshrl.u32 s1, $0x2  }
0xba: {  	s3 =	sand.u32 $0x4000, s31;
	s1 =	sadd.s32 s1, s30  }
0xbb: {  	s0 =	sor.u32 s3, s0;
	s1 =	sshll.u32 s1, $0x11  }
0xbc: {  	s0 =	sor.u32 s1, s0  }
0xbd: {  	s0 =	sadd.s32 $0x8F2B, s0  }
0xbe: {  	[sflag:s0] =	ssyncadd.remote.s32 $0x1  }
0xbf: {  	_ =	sfence.sel $0xFFFF  }
0xc0: {  	[dreg:$0x0] =	wrdreg $0xFFFFFFFF;
	(pc) =	sbr.abs _section_cstart, $3  }
0xc1: {  	[dreg:$0x1] =	wrdreg $0xFFFFFFFF  }
0xc2: {  	_ =	task.clear_ibuf [dreg:s6], $0x2FFFF;
	_ =	strace $0x9FFFFFFF  }
0xc3: {  	(tm) =	ssettm $0x7FFFFFFF  }
tec
execute0_lowered:
.L_overlay_start_1:
0x0: {  	(tag) =	ssettag $0x1  }
0x1: {  	s0 =	srdreg.scid  }
0x2: {  	s1 =	rddreg [dreg:$0x0];
	s11 =	stileid.u32  }
0x3: {  	s2 =	rddreg [dreg:$0x1];
	s7 =	simm.s32 $0x0;
	s28 =	simm.s32 $0xD000  }
0x4: {  	s30 =	simm.s32 $0xE000;
	s16 =	simm.s32 $0x10000;
	s29 =	simm.s32 $0x5  }
0x5: {  	s31 =	simm.s32 $0x6;
	s12 =	simm.s32 $0xF;
	s14 =	simm.s32 $0x10  }
0x6: {  	s15 =	simm.s32 $0x11;
	s17 =	simm.s32 $0x14;
	s4 =	smul.u32 $0x9C40, s11  }
0x7: {  	s19 =	simm.s32 $0x0;
	s0 =	sand.u32 $0x1, s0;
	s6 =	smul.u32 $0xA000, s11  }
0x8: {  	[smem:$0x7FF] =	sst s7;
	s22 =	sshll.u32 s11, $0x6;
	s3 =	sshll.u32 s0, $0x4  }
0x9: {  	s8 =	smul.u32 $0xA0000, s0;
	s0 =	ssub.s32 $0x2, s0;
	s23 =	sor.u32 $0x1C01, s22  }
0xa: {  	s25 =	sor.u32 $0x1C02, s22;
	s5 =	sor.u32 s11, s3;
	s3 =	rddreg [dreg:$0x2]  }
0xb: {  	s21 =	sshrl.u32 s4, $0x4;
	_ =	strace $0x8000004D;
	[dreg:$0x6] =	wrdreg s23  }
0xc: {  	s9 =	sshrl.u32 s6, $0x4;
	s10 =	sshrl.u32 s0, $0x1;
	[dreg:$0x4] =	wrdreg s22  }
0xd: {  	s4 =	sshrl.u32 s4, $0x1;
	[dreg:$0xd] =	wrdreg s25;
	s22 =	simm.s32 $0xA000  }
0xe: {  	s23 =	simm.s32 $0xB000;
	s25 =	simm.s32 $0xC000;
	s11 =	simm.s32 $0xE  }
0xf: {  	s5 =	smul.u32 $0xA00, s5;
	s7 =	sadd.s32 s21, s1;
	s8 =	sadd.s32 s6, s8  }
0x10: {  	s9 =	sadd.s32 s9, s1;
	s0 =	ssub.s32 s0, s10;
	s6 =	sshrl.u32 s6, $0x1  }
0x11: {  	s4 =	sadd.s32 s4, s3;
	s21 =	simm.s32 $0x80;
	s10 =	simm.s32 $0xD  }
0x12: {  	s8 =	sshrl.u32 s8, $0x4;
	s6 =	sadd.s32 s6, s2;
	s9 =	sadd.s32 $0x47400, s9  }
0x13: {  	s7 =	sadd.s32 $0x2D600, s7;
	s0 =	smax.u32 s0, $0x1;
	[dreg:$0x5] =	wrdreg s9  }
0x14: {  	s26 =	sshrl.u32 s4, $0x3;
	s4 =	simm.s32 $0x13;
	[dreg:$0x7] =	wrdreg s7  }
0x15: {  	s5 =	sadd.s32 s5, s1;
	s1 =	sadd.s32 s8, s1;
	[dreg:$0xb] =	wrdreg s0  }
0x16: {  	s20 =	sshrl.u32 s6, $0x3;
	[dreg:$0xe] =	wrdreg s26;
	s26 =	simm.s32 $0x11000  }
0x17: {  	s0 =	simm.s32 $0x7;
	s24 =	sadd.s32 $0x19600, s5;
	[dreg:$0xc] =	wrdreg s20  }
0x18: {  	s6 =	simm.s32 $0x9;
	s5 =	sadd.s32 $0x5600, s5;
	[dreg:$0x8] =	wrdreg s24  }
0x19: {  	s7 =	simm.s32 $0xA;
	s1 =	sadd.s32 $0x9F800, s1;
	[dreg:$0x9] =	wrdreg s5  }
0x1a: {  	s8 =	simm.s32 $0xB;
	s9 =	simm.s32 $0xC;
	[dreg:$0xa] =	wrdreg s1  }
0x1b: {  	s1 =	simm.s32 $0xF000;
	s24 =	simm.s32 $0x8;
	s5 =	simm.s32 $0x12  }
.LBB2_1:
0x1c: {  	s13 =	rddreg [dreg:$0x5]  }
0x1d: {  	s18 =	rddreg [dreg:$0x6]  }
0x1e: {  	[spmem:s20], [sflag:s18] =	dma.local [hbm:s13], $0xA00  }
0x1f: {  	s13 =	rddreg [dreg:$0x7]  }
0x20: {  	s18 =	rddreg [dreg:$0xd]  }
0x21: {  	s20 =	rddreg [dreg:$0xe]  }
0x22: {  	[spmem:s20], [sflag:s18] =	dma.local [hbm:s13], $0x9C4  }
0x23: {  	s13 =	simm.s32 $0x0;
	s18 =	rddreg [dreg:$0x8]  }
0x24: {  	[tilespmem:s13], [sflag:$0x3] =	stream.linear.gather [hbm4b:s18+s13], $0x5000, $0x38;
	[tilespmem:$0x1BE20] =	vst v63  }
0x25: {  	s20 =	simm.s32 $0x5000;
	s18 =	rddreg [dreg:$0x9]  }
0x26: {  	[tilespmem:s20], [sflag:$0x4] =	stream.linear.gather [hbm4b:s18+s13], $0x5000, $0x38;
	[tilespmem:$0x1BE20] =	vst v63  }
0x27: {  	s20 =	simm.s32 $0x1  }
0x28: {  	_ =	swait.ge [sflag:s20], $0xA00  }
0x29: {  	[sflag:s20] =	ssyncset.done $0x0  }
0x2a: {  	[sflag:s20] =	ssyncadd.s32 $0xFFFFF600;
	s20 =	simm.s32 $0x2  }
0x2b: {  	_ =	swait.ge [sflag:s20], $0x9C4  }
0x2c: {  	[sflag:s20] =	ssyncset.done $0x0  }
0x2d: {  	[sflag:s20] =	ssyncadd.s32 $0xFFFFF63C  }
0x2e: {  	s20 =	simm.s32 $0x3;
	[bflag:$0x0] =	sbarrier.arrive $0xFFFF  }
0x2f: {  	_ =	swait.ge [sflag:s20], $0x5000  }
0x30: {  	[sflag:s20] =	ssyncset.done $0x0  }
0x31: {  	[sflag:s20] =	ssyncadd.s32 $0xFFFFB000;
	s20 =	simm.s32 $0x4  }
0x32: {  	_ =	swait.ge [sflag:s20], $0x5000  }
0x33: {  	[sflag:s20] =	ssyncset.done $0x0  }
0x34: {  	[sflag:s20] =	ssyncadd.s32 $0xFFFFB000  }
0x35: {  	[tilespmem:s22], [sflag:$0x5] =	stream.indirect.gather [spmem:s3], $0x20, s13, s21, $0xb8;
	[tilespmem:$0x1BE20] =	vst v63  }
0x36: {  	_ = 	snop  }
0x37: {  	[tilespmem:s23], [sflag:$0x6] =	stream.indirect.gather [spmem:s3], $0x20, s21, s21, $0xb8;
	[tilespmem:$0x1BE20] =	vst v63  }
0x38: {  	s20 =	simm.s32 $0x100  }
0x39: {  	[tilespmem:s25], [sflag:$0x7] =	stream.indirect.gather [spmem:s3], $0x20, s20, s21, $0xb8;
	[tilespmem:$0x1BE20] =	vst v63  }
0x3a: {  	s18 =	simm.s32 $0x180  }
0x3b: {  	[tilespmem:s28], [sflag:$0x8] =	stream.indirect.gather [spmem:s3], $0x20, s18, s21, $0xb8;
	[tilespmem:$0x1BE20] =	vst v63  }
0x3c: {  	s20 =	simm.s32 $0x200  }
0x3d: {  	[tilespmem:s30], [sflag:$0x9] =	stream.indirect.gather [spmem:s3], $0x20, s20, s21, $0xb8;
	[tilespmem:$0x1BE20] =	vst v63  }
0x3e: {  	s18 =	simm.s32 $0x280  }
0x3f: {  	[tilespmem:s1], [sflag:$0xA] =	stream.indirect.gather [spmem:s3], $0x20, s18, s21, $0xb8;
	[tilespmem:$0x1BE20] =	vst v63  }
0x40: {  	s20 =	simm.s32 $0x300  }
0x41: {  	[tilespmem:s16], [sflag:$0xB] =	stream.indirect.gather [spmem:s3], $0x20, s20, s21, $0xb8;
	[tilespmem:$0x1BE20] =	vst v63  }
0x42: {  	s18 =	simm.s32 $0x380  }
0x43: {  	[tilespmem:s26], [sflag:$0xC] =	stream.indirect.gather [spmem:s3], $0x20, s18, s21, $0xb8;
	[tilespmem:$0x1BE20] =	vst v63  }
0x44: {  	_ =	swait.ge [sflag:s29], $0x1000  }
0x45: {  	[sflag:s29] =	ssyncset.done $0x0  }
0x46: {  	s20 =	simm.s32 $0x5000;
	[sflag:s29] =	ssyncadd.s32 $0xFFFFF000  }
0x47: {  	[spmem:s2] =	stream.indirect.scatter.add.bf16 [tilespmem:s22], [sflag:$0xD], $0x20, s20, s21, $0xb8;
	[tilespmem:$0x1BE20] =	vst v63  }
0x48: {  	_ =	swait.ge [sflag:s31], $0x1000  }
0x49: {  	[sflag:s31] =	ssyncset.done $0x0  }
0x4a: {  	s13 =	simm.s32 $0x5080;
	[sflag:s31] =	ssyncadd.s32 $0xFFFFF000  }
0x4b: {  	[spmem:s2] =	stream.indirect.scatter.add.bf16 [tilespmem:s23], [sflag:$0xE], $0x20, s13, s21, $0xb8;
	[tilespmem:$0x1BE20] =	vst v63  }
0x4c: {  	_ =	swait.ge [sflag:s0], $0x1000  }
0x4d: {  	[sflag:s0] =	ssyncset.done $0x0  }
0x4e: {  	s20 =	simm.s32 $0x5100;
	[sflag:s0] =	ssyncadd.s32 $0xFFFFF000  }
0x4f: {  	[spmem:s2] =	stream.indirect.scatter.add.bf16 [tilespmem:s25], [sflag:$0xF], $0x20, s20, s21, $0xb8;
	[tilespmem:$0x1BE20] =	vst v63  }
0x50: {  	_ =	swait.ge [sflag:s24], $0x1000  }
0x51: {  	[sflag:s24] =	ssyncset.done $0x0  }
0x52: {  	s13 =	simm.s32 $0x5180;
	[sflag:s24] =	ssyncadd.s32 $0xFFFFF000  }
0x53: {  	[spmem:s2] =	stream.indirect.scatter.add.bf16 [tilespmem:s28], [sflag:$0x10], $0x20, s13, s21, $0xb8;
	[tilespmem:$0x1BE20] =	vst v63  }
0x54: {  	_ =	swait.ge [sflag:s6], $0x1000  }
0x55: {  	[sflag:s6] =	ssyncset.done $0x0  }
0x56: {  	s20 =	simm.s32 $0x5200;
	[sflag:s6] =	ssyncadd.s32 $0xFFFFF000  }
0x57: {  	[spmem:s2] =	stream.indirect.scatter.add.bf16 [tilespmem:s30], [sflag:$0x11], $0x20, s20, s21, $0xb8;
	[tilespmem:$0x1BE20] =	vst v63  }
0x58: {  	_ =	swait.ge [sflag:s7], $0x1000  }
0x59: {  	[sflag:s7] =	ssyncset.done $0x0  }
0x5a: {  	s13 =	simm.s32 $0x5280;
	[sflag:s7] =	ssyncadd.s32 $0xFFFFF000  }
0x5b: {  	[spmem:s2] =	stream.indirect.scatter.add.bf16 [tilespmem:s1], [sflag:$0x12], $0x20, s13, s21, $0xb8;
	[tilespmem:$0x1BE20] =	vst v63  }
0x5c: {  	_ =	swait.ge [sflag:s8], $0x1000  }
0x5d: {  	[sflag:s8] =	ssyncset.done $0x0  }
0x5e: {  	s20 =	simm.s32 $0x5300;
	[sflag:s8] =	ssyncadd.s32 $0xFFFFF000  }
0x5f: {  	[spmem:s2] =	stream.indirect.scatter.add.bf16 [tilespmem:s16], [sflag:$0x13], $0x20, s20, s21, $0xb8;
	[tilespmem:$0x1BE20] =	vst v63  }
0x60: {  	_ =	swait.ge [sflag:s9], $0x1000  }
0x61: {  	[sflag:s9] =	ssyncset.done $0x0  }
0x62: {  	s13 =	simm.s32 $0x5380;
	[sflag:s9] =	ssyncadd.s32 $0xFFFFF000  }
0x63: {  	[spmem:s2] =	stream.indirect.scatter.add.bf16 [tilespmem:s26], [sflag:$0x14], $0x20, s13, s21, $0xb8;
	[tilespmem:$0x1BE20] =	vst v63  }
0x64: {  	_ =	swait.ge [sflag:s10], $0x1000  }
0x65: {  	[sflag:s10] =	ssyncset.done $0x0  }
0x66: {  	s20 =	simm.s32 $0x400;
	[sflag:s10] =	ssyncadd.s32 $0xFFFFF000  }
0x67: {  	[tilespmem:s22], [sflag:$0x5] =	stream.indirect.gather [spmem:s3], $0x20, s20, s21, $0xb8;
	[tilespmem:$0x1BE20] =	vst v63  }
0x68: {  	_ =	swait.ge [sflag:s11], $0x1000  }
0x69: {  	[sflag:s11] =	ssyncset.done $0x0  }
0x6a: {  	s13 =	simm.s32 $0x480;
	[sflag:s11] =	ssyncadd.s32 $0xFFFFF000  }
0x6b: {  	[tilespmem:s23], [sflag:$0x6] =	stream.indirect.gather [spmem:s3], $0x20, s13, s21, $0xb8;
	[tilespmem:$0x1BE20] =	vst v63  }
0x6c: {  	_ =	swait.ge [sflag:s12], $0x1000  }
0x6d: {  	[sflag:s12] =	ssyncset.done $0x0  }
0x6e: {  	s20 =	simm.s32 $0x500;
	[sflag:s12] =	ssyncadd.s32 $0xFFFFF000  }
0x6f: {  	[tilespmem:s25], [sflag:$0x7] =	stream.indirect.gather [spmem:s3], $0x20, s20, s21, $0xb8;
	[tilespmem:$0x1BE20] =	vst v63  }
0x70: {  	_ =	swait.ge [sflag:s14], $0x1000  }
0x71: {  	[sflag:s14] =	ssyncset.done $0x0  }
0x72: {  	s13 =	simm.s32 $0x580;
	[sflag:s14] =	ssyncadd.s32 $0xFFFFF000  }
0x73: {  	[tilespmem:s28], [sflag:$0x8] =	stream.indirect.gather [spmem:s3], $0x20, s13, s21, $0xb8;
	[tilespmem:$0x1BE20] =	vst v63  }
0x74: {  	_ =	swait.ge [sflag:s15], $0x1000  }
0x75: {  	[sflag:s15] =	ssyncset.done $0x0  }
0x76: {  	s20 =	simm.s32 $0x600;
	[sflag:s15] =	ssyncadd.s32 $0xFFFFF000  }
0x77: {  	[tilespmem:s30], [sflag:$0x9] =	stream.indirect.gather [spmem:s3], $0x20, s20, s21, $0xb8;
	[tilespmem:$0x1BE20] =	vst v63  }
0x78: {  	_ =	swait.ge [sflag:s5], $0x1000  }
0x79: {  	[sflag:s5] =	ssyncset.done $0x0  }
0x7a: {  	s13 =	simm.s32 $0x680;
	[sflag:s5] =	ssyncadd.s32 $0xFFFFF000  }
0x7b: {  	[tilespmem:s1], [sflag:$0xA] =	stream.indirect.gather [spmem:s3], $0x20, s13, s21, $0xb8;
	[tilespmem:$0x1BE20] =	vst v63  }
0x7c: {  	_ =	swait.ge [sflag:s4], $0x1000  }
0x7d: {  	[sflag:s4] =	ssyncset.done $0x0  }
0x7e: {  	s20 =	simm.s32 $0x700;
	[sflag:s4] =	ssyncadd.s32 $0xFFFFF000  }
0x7f: {  	[tilespmem:s16], [sflag:$0xB] =	stream.indirect.gather [spmem:s3], $0x20, s20, s21, $0xb8;
	[tilespmem:$0x1BE20] =	vst v63  }
0x80: {  	_ =	swait.ge [sflag:s17], $0x1000  }
0x81: {  	[sflag:s17] =	ssyncset.done $0x0  }
0x82: {  	s18 =	simm.s32 $0x780;
	s20 =	simm.s32 $0x1000;
	[sflag:s17] =	ssyncadd.s32 $0xFFFFF000  }
.LBB2_2:
0x83: {  	[tilespmem:s26], [sflag:$0xC] =	stream.indirect.gather [spmem:s3], $0x20, s18, s21, $0xb8;
	[tilespmem:$0x1BE20] =	vst v63  }
0x84: {  	s18 =	smov.u32 s20  }
0x85: {  	p0 =	sne.s32 s20, $0x12000;
	s20 =	sadd.s32 $0x1000, s20;
	_ =	swait.ge [sflag:s29], $0x1000  }
0x86: {  	s18 =	sshra.s32 s18, $0x2;
	[sflag:s29] =	ssyncset.done $0x0  }
0x87: {  	s13 =	sadd.s32 $0x5000, s18;
	[sflag:s29] =	ssyncadd.s32 $0xFFFFF000  }
0x88: {  	[spmem:s2] =	stream.indirect.scatter.add.bf16 [tilespmem:s22], [sflag:$0xD], $0x20, s13, s21, $0xb8;
	[tilespmem:$0x1BE20] =	vst v63  }
0x89: {  	_ =	swait.ge [sflag:s31], $0x1000  }
0x8a: {  	[sflag:s31] =	ssyncset.done $0x0  }
0x8b: {  	s13 =	sadd.s32 $0x5080, s18;
	[sflag:s31] =	ssyncadd.s32 $0xFFFFF000  }
0x8c: {  	[spmem:s2] =	stream.indirect.scatter.add.bf16 [tilespmem:s23], [sflag:$0xE], $0x20, s13, s21, $0xb8;
	[tilespmem:$0x1BE20] =	vst v63  }
0x8d: {  	_ =	swait.ge [sflag:s0], $0x1000  }
0x8e: {  	[sflag:s0] =	ssyncset.done $0x0  }
0x8f: {  	s13 =	sadd.s32 $0x5100, s18;
	[sflag:s0] =	ssyncadd.s32 $0xFFFFF000  }
0x90: {  	[spmem:s2] =	stream.indirect.scatter.add.bf16 [tilespmem:s25], [sflag:$0xF], $0x20, s13, s21, $0xb8;
	[tilespmem:$0x1BE20] =	vst v63  }
0x91: {  	_ =	swait.ge [sflag:s24], $0x1000  }
0x92: {  	[sflag:s24] =	ssyncset.done $0x0  }
0x93: {  	s13 =	sadd.s32 $0x5180, s18;
	[sflag:s24] =	ssyncadd.s32 $0xFFFFF000  }
0x94: {  	[spmem:s2] =	stream.indirect.scatter.add.bf16 [tilespmem:s28], [sflag:$0x10], $0x20, s13, s21, $0xb8;
	[tilespmem:$0x1BE20] =	vst v63  }
0x95: {  	_ =	swait.ge [sflag:s6], $0x1000  }
0x96: {  	[sflag:s6] =	ssyncset.done $0x0  }
0x97: {  	s13 =	sadd.s32 $0x5200, s18;
	[sflag:s6] =	ssyncadd.s32 $0xFFFFF000  }
0x98: {  	[spmem:s2] =	stream.indirect.scatter.add.bf16 [tilespmem:s30], [sflag:$0x11], $0x20, s13, s21, $0xb8;
	[tilespmem:$0x1BE20] =	vst v63  }
0x99: {  	_ =	swait.ge [sflag:s7], $0x1000  }
0x9a: {  	[sflag:s7] =	ssyncset.done $0x0  }
0x9b: {  	s13 =	sadd.s32 $0x5280, s18;
	[sflag:s7] =	ssyncadd.s32 $0xFFFFF000  }
0x9c: {  	[spmem:s2] =	stream.indirect.scatter.add.bf16 [tilespmem:s1], [sflag:$0x12], $0x20, s13, s21, $0xb8;
	[tilespmem:$0x1BE20] =	vst v63  }
0x9d: {  	_ =	swait.ge [sflag:s8], $0x1000  }
0x9e: {  	[sflag:s8] =	ssyncset.done $0x0  }
0x9f: {  	s13 =	sadd.s32 $0x5300, s18;
	[sflag:s8] =	ssyncadd.s32 $0xFFFFF000  }
0xa0: {  	[spmem:s2] =	stream.indirect.scatter.add.bf16 [tilespmem:s16], [sflag:$0x13], $0x20, s13, s21, $0xb8;
	[tilespmem:$0x1BE20] =	vst v63  }
0xa1: {  	_ =	swait.ge [sflag:s9], $0x1000  }
0xa2: {  	[sflag:s9] =	ssyncset.done $0x0  }
0xa3: {  	s13 =	sadd.s32 $0x5380, s18;
	[sflag:s9] =	ssyncadd.s32 $0xFFFFF000  }
0xa4: {  	[spmem:s2] =	stream.indirect.scatter.add.bf16 [tilespmem:s26], [sflag:$0x14], $0x20, s13, s21, $0xb8;
	[tilespmem:$0x1BE20] =	vst v63  }
0xa5: {  	_ =	swait.ge [sflag:s10], $0x1000  }
0xa6: {  	[sflag:s10] =	ssyncset.done $0x0  }
0xa7: {  	s13 =	sadd.s32 $0x400, s18;
	[sflag:s10] =	ssyncadd.s32 $0xFFFFF000  }
0xa8: {  	[tilespmem:s22], [sflag:$0x5] =	stream.indirect.gather [spmem:s3], $0x20, s13, s21, $0xb8;
	[tilespmem:$0x1BE20] =	vst v63  }
0xa9: {  	_ =	swait.ge [sflag:s11], $0x1000  }
0xaa: {  	[sflag:s11] =	ssyncset.done $0x0  }
0xab: {  	s13 =	sadd.s32 $0x480, s18;
	[sflag:s11] =	ssyncadd.s32 $0xFFFFF000  }
0xac: {  	[tilespmem:s23], [sflag:$0x6] =	stream.indirect.gather [spmem:s3], $0x20, s13, s21, $0xb8;
	[tilespmem:$0x1BE20] =	vst v63  }
0xad: {  	_ =	swait.ge [sflag:s12], $0x1000  }
0xae: {  	[sflag:s12] =	ssyncset.done $0x0  }
0xaf: {  	s13 =	sadd.s32 $0x500, s18;
	[sflag:s12] =	ssyncadd.s32 $0xFFFFF000  }
0xb0: {  	[tilespmem:s25], [sflag:$0x7] =	stream.indirect.gather [spmem:s3], $0x20, s13, s21, $0xb8;
	[tilespmem:$0x1BE20] =	vst v63  }
0xb1: {  	_ =	swait.ge [sflag:s14], $0x1000  }
0xb2: {  	[sflag:s14] =	ssyncset.done $0x0  }
0xb3: {  	s13 =	sadd.s32 $0x580, s18;
	[sflag:s14] =	ssyncadd.s32 $0xFFFFF000  }
0xb4: {  	[tilespmem:s28], [sflag:$0x8] =	stream.indirect.gather [spmem:s3], $0x20, s13, s21, $0xb8;
	[tilespmem:$0x1BE20] =	vst v63  }
0xb5: {  	_ =	swait.ge [sflag:s15], $0x1000  }
0xb6: {  	[sflag:s15] =	ssyncset.done $0x0  }
0xb7: {  	s13 =	sadd.s32 $0x600, s18;
	[sflag:s15] =	ssyncadd.s32 $0xFFFFF000  }
0xb8: {  	[tilespmem:s30], [sflag:$0x9] =	stream.indirect.gather [spmem:s3], $0x20, s13, s21, $0xb8;
	[tilespmem:$0x1BE20] =	vst v63  }
0xb9: {  	_ =	swait.ge [sflag:s5], $0x1000  }
0xba: {  	[sflag:s5] =	ssyncset.done $0x0  }
0xbb: {  	s13 =	sadd.s32 $0x680, s18;
	[sflag:s5] =	ssyncadd.s32 $0xFFFFF000  }
0xbc: {  	[tilespmem:s1], [sflag:$0xA] =	stream.indirect.gather [spmem:s3], $0x20, s13, s21, $0xb8;
	[tilespmem:$0x1BE20] =	vst v63  }
0xbd: {  	_ =	swait.ge [sflag:s4], $0x1000  }
0xbe: {  	[sflag:s4] =	ssyncset.done $0x0  }
.Ltmp0:
0xbf: {  	s13 =	sadd.s32 $0x700, s18;
	[sflag:s4] =	ssyncadd.s32 $0xFFFFF000;
	(pc) =	sbr.rel @p0 .LBB2_2-.Ltmp0, $4  }
0xc0: {  	[tilespmem:s16], [sflag:$0xB] =	stream.indirect.gather [spmem:s3], $0x20, s13, s21, $0xb8;
	[tilespmem:$0x1BE20] =	vst v63  }
0xc1: {  	_ =	swait.ge [sflag:s17], $0x1000  }
0xc2: {  	[sflag:s17] =	ssyncset.done $0x0  }
0xc3: {  	s18 =	sadd.s32 $0x780, s18;
	[sflag:s17] =	ssyncadd.s32 $0xFFFFF000  }
0xc4: {  	[tilespmem:s26], [sflag:$0xC] =	stream.indirect.gather [spmem:s3], $0x20, s18, s21, $0xb8;
	[tilespmem:$0x1BE20] =	vst v63  }
0xc5: {  	_ =	swait.ge [sflag:s29], $0x1000  }
0xc6: {  	[sflag:s29] =	ssyncset.done $0x0  }
0xc7: {  	s13 =	simm.s32 $0x9C00;
	[sflag:s29] =	ssyncadd.s32 $0xFFFFF000  }
0xc8: {  	[spmem:s2] =	stream.indirect.scatter.add.bf16 [tilespmem:s22], [sflag:$0xD], $0x20, s13, s21, $0xb8;
	[tilespmem:$0x1BE20] =	vst v63  }
0xc9: {  	_ =	swait.ge [sflag:s31], $0x1000  }
0xca: {  	[sflag:s31] =	ssyncset.done $0x0  }
0xcb: {  	s18 =	simm.s32 $0x9C80;
	[sflag:s31] =	ssyncadd.s32 $0xFFFFF000  }
0xcc: {  	[spmem:s2] =	stream.indirect.scatter.add.bf16 [tilespmem:s23], [sflag:$0xE], $0x20, s18, s21, $0xb8;
	[tilespmem:$0x1BE20] =	vst v63  }
0xcd: {  	_ =	swait.ge [sflag:s0], $0x1000  }
0xce: {  	[sflag:s0] =	ssyncset.done $0x0  }
0xcf: {  	s20 =	simm.s32 $0x9D00;
	[sflag:s0] =	ssyncadd.s32 $0xFFFFF000  }
0xd0: {  	[spmem:s2] =	stream.indirect.scatter.add.bf16 [tilespmem:s25], [sflag:$0xF], $0x20, s20, s21, $0xb8;
	[tilespmem:$0x1BE20] =	vst v63  }
0xd1: {  	_ =	swait.ge [sflag:s24], $0x1000  }
0xd2: {  	[sflag:s24] =	ssyncset.done $0x0  }
0xd3: {  	s18 =	simm.s32 $0x9D80;
	[sflag:s24] =	ssyncadd.s32 $0xFFFFF000  }
0xd4: {  	[spmem:s2] =	stream.indirect.scatter.add.bf16 [tilespmem:s28], [sflag:$0x10], $0x20, s18, s21, $0xb8;
	[tilespmem:$0x1BE20] =	vst v63  }
0xd5: {  	_ =	swait.ge [sflag:s6], $0x1000  }
0xd6: {  	[sflag:s6] =	ssyncset.done $0x0  }
0xd7: {  	s20 =	simm.s32 $0x9E00;
	[sflag:s6] =	ssyncadd.s32 $0xFFFFF000  }
0xd8: {  	[spmem:s2] =	stream.indirect.scatter.add.bf16 [tilespmem:s30], [sflag:$0x11], $0x20, s20, s21, $0xb8;
	[tilespmem:$0x1BE20] =	vst v63  }
0xd9: {  	_ =	swait.ge [sflag:s7], $0x1000  }
0xda: {  	[sflag:s7] =	ssyncset.done $0x0  }
0xdb: {  	s18 =	simm.s32 $0x9E80;
	[sflag:s7] =	ssyncadd.s32 $0xFFFFF000  }
0xdc: {  	[spmem:s2] =	stream.indirect.scatter.add.bf16 [tilespmem:s1], [sflag:$0x12], $0x20, s18, s21, $0xb8;
	[tilespmem:$0x1BE20] =	vst v63  }
0xdd: {  	_ =	swait.ge [sflag:s8], $0x1000  }
0xde: {  	[sflag:s8] =	ssyncset.done $0x0  }
0xdf: {  	s20 =	simm.s32 $0x9F00;
	[sflag:s8] =	ssyncadd.s32 $0xFFFFF000  }
0xe0: {  	[spmem:s2] =	stream.indirect.scatter.add.bf16 [tilespmem:s16], [sflag:$0x13], $0x20, s20, s21, $0xb8;
	[tilespmem:$0x1BE20] =	vst v63  }
0xe1: {  	_ =	swait.ge [sflag:s9], $0x1000  }
0xe2: {  	[sflag:s9] =	ssyncset.done $0x0  }
0xe3: {  	s18 =	simm.s32 $0x9F80;
	[sflag:s9] =	ssyncadd.s32 $0xFFFFF000  }
0xe4: {  	[spmem:s2] =	stream.indirect.scatter.add.bf16 [tilespmem:s26], [sflag:$0x14], $0x20, s18, s21, $0xb8;
	[tilespmem:$0x1BE20] =	vst v63  }
0xe5: {  	_ =	swait.ge [sflag:s10], $0x1000  }
0xe6: {  	[sflag:s10] =	ssyncset.done $0x0  }
0xe7: {  	[sflag:s10] =	ssyncadd.s32 $0xFFFFF000  }
0xe8: {  	_ =	swait.ge [sflag:s11], $0x1000  }
0xe9: {  	[sflag:s11] =	ssyncset.done $0x0  }
0xea: {  	[sflag:s11] =	ssyncadd.s32 $0xFFFFF000  }
0xeb: {  	_ =	swait.ge [sflag:s12], $0x1000  }
0xec: {  	[sflag:s12] =	ssyncset.done $0x0  }
0xed: {  	[sflag:s12] =	ssyncadd.s32 $0xFFFFF000  }
0xee: {  	_ =	swait.ge [sflag:s14], $0x1000  }
0xef: {  	[sflag:s14] =	ssyncset.done $0x0  }
0xf0: {  	[sflag:s14] =	ssyncadd.s32 $0xFFFFF000  }
0xf1: {  	_ =	swait.ge [sflag:s15], $0x1000  }
0xf2: {  	[sflag:s15] =	ssyncset.done $0x0  }
0xf3: {  	[sflag:s15] =	ssyncadd.s32 $0xFFFFF000  }
0xf4: {  	_ =	swait.ge [sflag:s5], $0x1000  }
0xf5: {  	[sflag:s5] =	ssyncset.done $0x0  }
0xf6: {  	[sflag:s5] =	ssyncadd.s32 $0xFFFFF000  }
0xf7: {  	_ =	swait.ge [sflag:s4], $0x1000  }
0xf8: {  	[sflag:s4] =	ssyncset.done $0x0  }
0xf9: {  	[sflag:s4] =	ssyncadd.s32 $0xFFFFF000  }
0xfa: {  	_ =	swait.ge [sflag:s17], $0x1000  }
0xfb: {  	[sflag:s17] =	ssyncset.done $0x0  }
0xfc: {  	[sflag:s17] =	ssyncadd.s32 $0xFFFFF000  }
0xfd: {  	[bflag:$0x0] =	sbarrier.arrive $0xFFFF  }
0xfe: {  	s20 =	rddreg [dreg:$0x4]  }
0xff: {  	s18 =	rddreg [dreg:$0xa]  }
0x100: {  	s13 =	sor.u32 $0x1C15, s20;
	s20 =	rddreg [dreg:$0xc]  }
0x101: {  	[hbm:s18], [sflag:s13] =	dma.local [spmem:s20], $0xA00  }
0x102: {  	s18 =	simm.s32 $0x15  }
0x103: {  	_ =	swait.ge [sflag:s18], $0xA00  }
0x104: {  	s19 =	sadd.s32 $0x1, s19;
	s13 =	rddreg [dreg:$0xb]  }
0x105: {  	p0 =	sne.s32 s19, s13  }
.Ltmp1:
0x106: {  	_ = 	snop;
	(pc) =	sbr.rel @p0 .LBB2_1-.Ltmp1, $3  }
0x107: {  	_ =	sdelay $0x1  }
0x108: {  	[sflag:s18] =	ssyncset.done $0x0  }
0x109: {  	[sflag:s18] =	ssyncadd.s32 $0xFFFFF600  }
0x10a: {  	_ =	sfence.sel $0x180000  }
0x10b: {  	[bflag:$0x0] =	sbarrier.arrive $0xFFFF  }
0x10c: {  	_ =	strace $0x9000004D  }
0x10d: {  	s0 =	stileid.u32;
	[bflag:$0x2] =	sbarrier.arrive $0xFFFF  }
0x10e: {  	p0 =	sne.s32 s0, $0x0;
	s0 =	rddreg [dreg:$0x3]  }
0x10f: {  	s0 =	sadd.s32 @!p0 $0x100000, s0  }
0x110: {  	[sflag:s0] =	ssyncadd.tile.s32 @!p0 $0x1;
	_ =	shalt  }
.Lfunc_end2:
_tile_overlayer_lowered:
.L_overlay_start_2:
0x111: {  	(tag) =	ssettag $0x2  }
0x112: {  	s0 =	rddreg [dreg:$0x0];
	s2 =	stileid.u32  }
0x113: {  	s1 =	rddreg [dreg:$0x1];
	p0 =	sne.s32 s2, $0x0  }
0x114: {  	s3 =	rddreg [dreg:$0x2];
	[bflag:$0x3] =	sbarrier.arrive $0xFFFF;
	s2 =	simm.s32 @!p0 $0x1C15  }
0x115: {  	[timem:s3], [sflag:s2] =	dma.local @!p0 [hbm:s0], s1  }
0x116: {  	s0 =	simm.s32 @!p0 $0x15  }
0x117: {  	_ =	swait.ge @!p0 [sflag:s0], s1  }
0x118: {  	s1 =	ssub.s32 @!p0 $0x0, s1;
	[sflag:s0] =	ssyncset.done @!p0 $0x0  }
0x119: {  	[sflag:s0] =	ssyncadd.s32 @!p0 s1  }
0x11a: {  	[bflag:$0x3] =	sbarrier.arrive $0xFFFF  }
0x11b: {  	_ =	shalt  }

// kernel: kernel.22.cloned.1.call-start
scs
__scs_entry_jumppad:
0x0: {  	(pc) =	sbr.rel $0x88, $3  }
0x1: {  	(tag) =	ssettag $0x0;
	lr =	simm.s32 $0x1  }
0x2: {  	[smem:$0x3F91] =	sst lr;
	_ =	strace $0xD0000000  }
0x3: {  	_ = 	snop  }
0x4: {  	_ = 	snop  }
0x5: {  	_ = 	snop  }
0x6: {  	_ = 	snop  }
0x7: {  	_ = 	snop  }
__scs_overlays_trampoline_lowered:
0x8: {  	[smem:$0x3FA0] =	sst s0  }
0x9: {  	[smem:$0x3FA1] =	sst s1  }
0xa: {  	[smem:$0x3FA2] =	sst s2  }
0xb: {  	[smem:$0x3FA3] =	sst s3  }
0xc: {  	[smem:$0x3FA4] =	sst s4  }
0xd: {  	[smem:$0x3FA5] =	sst s5  }
0xe: {  	[smem:$0x3FA6] =	sst s6  }
0xf: {  	[smem:$0x3FA7] =	sst s7  }
0x10: {  	[smem:$0x3FA8] =	sst s8  }
0x11: {  	[smem:$0x3FA9] =	sst s9;
	s0 =	simm.s32 @!p0 $0x0  }
0x12: {  	s1 =	sld [smem:$0x3F8F];
	s0 =	simm.s32 @p0 $0x1  }
0x13: {  	[smem:$0x3FAA] =	sst s0;
	s0 =	simm.s32 @!p1 $0x0  }
0x14: {  	s2 =	sld [smem:$0x3F8E];
	s0 =	simm.s32 @p1 $0x1  }
0x15: {  	[smem:$0x3FAB] =	sst s0;
	s0 =	simm.s32 @!p2 $0x0  }
0x16: {  	s3 =	sld [smem:$0x3FDB];
	s0 =	simm.s32 @p2 $0x1  }
0x17: {  	s4 =	simm.s32 $0x1BF5;
	[smem:$0x3FAD] =	sst s0  }
0x18: {  	s0 =	sld [smem:$0x3F90];
	_ =	swait.ge [sflag:s4], $0x0  }
0x19: {  	s7 =	sld [smem:$0x3F91]  }
0x1a: {  	s8 =	sadd.s32 $0xFFFFE003, lr  }
0x1b: {  	s9 =	sadd.s32 $0xFFFFFEF7, lr;
	s5 =	simm.s32 $0xFFFFFFFF;
	p2 =	slt.u32 s8, $0xFFFFF086  }
0x1c: {  	p1 =	slt.u32 s9, $0xF7A;
	s5 =	simm.s32 @!p2 $0x0  }
0x1d: {  	s5 =	simm.s32 @p1 $0x1;
	p0 =	seq.s32 s7, s2  }
0x1e: {  	s7 =	smul.u32 @!p0 $0xF7A, s2;
	p2 =	seq.s32 @!p0 s5, $0x0  }
0x1f: {  	s9 =	smul.u32 $0xF7A, s1;
	s8 =	simm.s32 @!p0 $0x1BF5;
	p2 =	por !p2, p0  }
0x20: {  	[sflag:s8] =	ssyncset.s32 @!p0 $0xFFFFF086;
	s6 =	sadd.s32 @!p0 s3, s7;
	s7 =	simm.s32 @!p0 $0x108  }
0x21: {  	s3 =	sadd.s32 s3, s9;
	s6 =	sadd.s32 @!p0 $0x88, s6;
	s7 =	simm.s32 @p2 $0x1082  }
0x22: {  	[simem:s7], [sflag:s8] =	dma.local @!p0 [hbm:s6], $0xF7A  }
0x23: {  	s9 =	sor.u32 $0xD0000000, s2;
	s6 =	simm.s32 $0x108;
	_ =	swait.ge @!p0 [sflag:s8], $0x0  }
0x24: {  	s3 =	sadd.s32 $0x88, s3;
	s6 =	simm.s32 @!p1 $0x1082;
	[sflag:s4] =	ssyncset.s32 $0xFFFFF086  }
0x25: {  	[simem:s6], [sflag:s4] =	dma.local [hbm:s3], $0xF7A  }
0x26: {  	[smem:$0x3F91] =	sst s1;
	(tag) =	ssettag s2;
	_ =	strace s9  }
0x27: {  	s1 =	sld [smem:$0x3FA1]  }
0x28: {  	s2 =	sld [smem:$0x3FA2]  }
0x29: {  	s4 =	sld [smem:$0x3FA4]  }
0x2a: {  	p0 =	seq.s32 s5, $0x0;
	s5 =	sld [smem:$0x3FA5]  }
0x2b: {  	s6 =	sld [smem:$0x3FA6]  }
0x2c: {  	s7 =	sld [smem:$0x3FA7]  }
0x2d: {  	s3 =	simm.s32 $0x108;
	s8 =	sld [smem:$0x3FA8]  }
0x2e: {  	s3 =	simm.s32 @!p0 $0x1082;
	s9 =	sld [smem:$0x3FA9]  }
0x2f: {  	lr =	sadd.s32 s0, s3;
	s0 =	sld [smem:$0x3FA0]  }
0x30: {  	s3 =	sld [smem:$0x3FA3]  }
0x31: {  	[smem:$0x3FAC] =	sst s10  }
0x32: {  	s10 =	sld [smem:$0x3FAA];
	_ =	sdelay $0x3  }
0x33: {  	p0 =	seq.s32 s10, $0x1;
	s10 =	sld [smem:$0x3FAC];
	_ =	sdelay $0x3  }
0x34: {  	[smem:$0x3FAC] =	sst s10  }
0x35: {  	s10 =	sld [smem:$0x3FAB];
	_ =	sdelay $0x3  }
0x36: {  	p1 =	seq.s32 s10, $0x1;
	s10 =	sld [smem:$0x3FAC];
	_ =	sdelay $0x3  }
0x37: {  	[smem:$0x3FAC] =	sst s10  }
0x38: {  	s10 =	sld [smem:$0x3FAD]  }
0x39: {  	_ = 	snop;
	(pc) =	sbr.ind lr, $3  }
0x3a: {  	_ = 	snop  }
0x3b: {  	_ = 	snop  }
0x3c: {  	p2 =	seq.s32 s10, $0x1;
	s10 =	sld [smem:$0x3FAC]  }
0x3d: {  	_ =	shalt  }
0x3e: {  	_ =	shalt  }
0x3f: {  	_ =	shalt  }
0x40: {  	_ =	shalt  }
0x41: {  	_ =	shalt  }
0x42: {  	_ =	shalt  }
0x43: {  	_ =	shalt  }
0x44: {  	_ =	shalt  }
0x45: {  	_ =	shalt  }
0x46: {  	_ =	shalt  }
0x47: {  	_ =	shalt  }
0x48: {  	_ =	shalt  }
0x49: {  	_ =	shalt  }
0x4a: {  	_ =	shalt  }
0x4b: {  	_ =	shalt  }
0x4c: {  	_ =	shalt  }
0x4d: {  	_ =	shalt  }
0x4e: {  	_ =	shalt  }
0x4f: {  	_ =	shalt  }
0x50: {  	_ =	shalt  }
0x51: {  	_ =	shalt  }
0x52: {  	_ =	shalt  }
0x53: {  	_ =	shalt  }
0x54: {  	_ =	shalt  }
0x55: {  	_ =	shalt  }
0x56: {  	_ =	shalt  }
0x57: {  	_ =	shalt  }
0x58: {  	_ =	shalt  }
0x59: {  	_ =	shalt  }
0x5a: {  	_ =	shalt  }
0x5b: {  	_ =	shalt  }
0x5c: {  	_ =	shalt  }
0x5d: {  	_ =	shalt  }
0x5e: {  	_ =	shalt  }
0x5f: {  	_ =	shalt  }
0x60: {  	_ =	shalt  }
0x61: {  	_ =	shalt  }
0x62: {  	_ =	shalt  }
0x63: {  	_ =	shalt  }
0x64: {  	_ =	shalt  }
0x65: {  	_ =	shalt  }
0x66: {  	_ =	shalt  }
0x67: {  	_ =	shalt  }
0x68: {  	_ =	shalt  }
0x69: {  	_ =	shalt  }
0x6a: {  	_ =	shalt  }
0x6b: {  	_ =	shalt  }
0x6c: {  	_ =	shalt  }
0x6d: {  	_ =	shalt  }
0x6e: {  	_ =	shalt  }
0x6f: {  	_ =	shalt  }
0x70: {  	_ =	shalt  }
0x71: {  	_ =	shalt  }
0x72: {  	_ =	shalt  }
0x73: {  	_ =	shalt  }
0x74: {  	_ =	shalt  }
0x75: {  	_ =	shalt  }
0x76: {  	_ =	shalt  }
0x77: {  	_ =	shalt  }
0x78: {  	_ =	shalt  }
0x79: {  	_ =	shalt  }
0x7a: {  	_ =	shalt  }
0x7b: {  	_ =	shalt  }
0x7c: {  	_ =	shalt  }
0x7d: {  	_ =	shalt  }
0x7e: {  	_ =	shalt  }
0x7f: {  	_ =	shalt  }
0x80: {  	_ =	shalt  }
0x81: {  	_ =	shalt  }
0x82: {  	_ =	shalt  }
0x83: {  	_ =	shalt  }
0x84: {  	_ =	shalt  }
0x85: {  	_ =	shalt  }
0x86: {  	_ =	shalt  }
0x87: {  	_ =	shalt  }
.Lfunc_end0:
.L_simem_size_0:
called_computation.3_lowered:
.L_overlay_start_0:
0x88: {  	s2 =	sld [smem:$0x3FD9]  }
0x89: {  	s3 =	sld [smem:$0x3FFE];
	_ =	sdelay $0x1  }
0x8a: {  	s1 =	srdreg.scid  }
0x8b: {  	s0 =	sand.u32 $0x1, s1  }
0x8c: {  	s16 =	sshll.u32 s0, $0xA;
	s2 =	sadd.s32 s3, s2  }
0x8d: {  	s2 =	sadd.s32 s2, s16  }
0x8e: {  	[smem:$0x3FB8] =	sst s2  }
0x8f: {  	_ = 	snop  }
0x90: {  	(tm) =	ssettm $0x1  }
0x91: {  	s17 =	sld [smem:$0x3FFB];
	_ =	sdelay $0x3  }
0x92: {  	_ =	strace s17  }
0x93: {  	s2 =	sld [smem:$0x3FFC];
	_ =	sdelay $0x3  }
0x94: {  	_ =	strace s2  }
0x95: {  	s2 =	sld [smem:$0x3FFD];
	_ =	sdelay $0x3  }
0x96: {  	_ =	strace s2  }
0x97: {  	_ =	strace $0x8FFFFFFF  }
0x98: {  	s18 =	sld [smem:$0x3FDB];
	_ =	sdelay $0x1  }
0x99: {  	s19 =	simm.s32 $_scs_section_size  }
0x9a: {  	s4 =	simm.s32 $_size__tile_overlayer_lowered;
	s5 =	simm.s32 $_tile_overlayer_lowered  }
0x9b: {  	s22 =	simm.s32 $0x1BFF;
	s21 =	sshll.u32 s5, $0x1;
	s2 =	sadd.s32 s19, s18  }
0x9c: {  	s6 =	simm.s32 $0x0;
	s20 =	sshll.u32 s4, $0x1;
	s4 =	sadd.s32 s21, s2  }
0x9d: {  	[timem:s6], [sflag:s22] =	dma.local [hbm:s4], s20  }
0x9e: {  	_ =	swait.ge [sflag:s22], s20  }
0x9f: {  	s3 =	ssub.s32 $0x0, s20;
	[sflag:s22] =	ssyncset.done $0x0  }
0xa0: {  	[sflag:s22] =	ssyncadd.s32 s3;
	_ =	sdelay $0x1  }
0xa1: {  	s23 =	simm.s32 $0x1B8B  }
0xa2: {  	_ =	swait.ge [sflag:s23], $0x1  }
0xa3: {  	[sflag:s23] =	ssyncset.done $0x0  }
0xa4: {  	s25 =	simm.s32 $0x1B8E;
	s24 =	sld [smem:$0x3FFE];
	[sflag:s23] =	ssyncadd.s32 $0xFFFFFFFF  }
0xa5: {  	s26 =	simm.s32 $execute0_lowered;
	[smem:$0x3FD2] =	sst s25  }
0xa6: {  	s4 =	sshll.u32 s26, $0x1;
	_ =	strace $0x8000004F;
	[dreg:$0x1] =	wrdreg $0xFFFFFFFF  }
0xa7: {  	s28 =	simm.s32 $_size_execute0_lowered;
	s2 =	sadd.s32 s2, s4;
	[dreg:$0x0] =	wrdreg $0x0  }
0xa8: {  	s4 =	sshll.u32 s28, $0x1;
	[dreg:$0x2] =	wrdreg s2  }
0xa9: {  	[dreg:$0x3] =	wrdreg s4  }
0xaa: {  	[dreg:$0x4] =	wrdreg $0xC0  }
0xab: {  	_ =	task [dreg:s6], $0x5FFFF  }
0xac: {  	[dreg:$0x1] =	wrdreg $0xFFFFFFFF  }
0xad: {  	[dreg:$0x0] =	wrdreg $0x60  }
0xae: {  	[dreg:$0x2] =	wrdreg s24  }
0xaf: {  	[dreg:$0x3] =	wrdreg $0x120000  }
0xb0: {  	[dreg:$0x4] =	wrdreg $0x170000  }
0xb1: {  	[dreg:$0x5] =	wrdreg $0x9  }
0xb2: {  	_ =	task.clear_ibuf [dreg:s6], $0x6FFFF;
	_ =	strace $0x9000004F  }
0xb3: {  	s29 =	simm.s32 $0x9;
	_ =	strace $0x80000051  }
0xb4: {  	_ =	swait.ge [sflag:s29], $0x1  }
0xb5: {  	[sflag:s29] =	ssyncadd.s32 $0xFFFFFFFF  }
0xb6: {  	_ =	strace $0x90000051  }
0xb7: {  	_ =	sfence  }
0xb8: {  	s30 =	sld [smem:$0x0];
	_ =	sdelay $0x2  }
0xb9: {  	s31 =	sshll.u32 s1, $0xD;
	s1 =	sshrl.u32 s1, $0x2  }
0xba: {  	s3 =	sand.u32 $0x4000, s31;
	s1 =	sadd.s32 s1, s30  }
0xbb: {  	s0 =	sor.u32 s3, s0;
	s1 =	sshll.u32 s1, $0x11  }
0xbc: {  	s0 =	sor.u32 s1, s0  }
0xbd: {  	s0 =	sadd.s32 $0x8F2B, s0  }
0xbe: {  	[sflag:s0] =	ssyncadd.remote.s32 $0x1  }
0xbf: {  	_ =	sfence.sel $0xFFFF  }
0xc0: {  	[dreg:$0x0] =	wrdreg $0xFFFFFFFF;
	(pc) =	sbr.abs _section_cstart, $3  }
0xc1: {  	[dreg:$0x1] =	wrdreg $0xFFFFFFFF  }
0xc2: {  	_ =	task.clear_ibuf [dreg:s6], $0x2FFFF;
	_ =	strace $0x9FFFFFFF  }
0xc3: {  	(tm) =	ssettm $0x7FFFFFFF  }
tec
execute0_lowered:
.L_overlay_start_1:
0x0: {  	(tag) =	ssettag $0x1  }
0x1: {  	s0 =	srdreg.scid  }
0x2: {  	s1 =	rddreg [dreg:$0x0];
	s11 =	stileid.u32  }
0x3: {  	s2 =	rddreg [dreg:$0x1];
	s7 =	simm.s32 $0x0;
	s28 =	simm.s32 $0xD000  }
0x4: {  	s30 =	simm.s32 $0xE000;
	s16 =	simm.s32 $0x10000;
	s29 =	simm.s32 $0x5  }
0x5: {  	s31 =	simm.s32 $0x6;
	s12 =	simm.s32 $0xF;
	s14 =	simm.s32 $0x10  }
0x6: {  	s15 =	simm.s32 $0x11;
	s17 =	simm.s32 $0x14;
	s4 =	smul.u32 $0x9C40, s11  }
0x7: {  	s19 =	simm.s32 $0x0;
	s0 =	sand.u32 $0x1, s0;
	s6 =	smul.u32 $0xA000, s11  }
0x8: {  	[smem:$0x7FF] =	sst s7;
	s22 =	sshll.u32 s11, $0x6;
	s3 =	sshll.u32 s0, $0x4  }
0x9: {  	s8 =	smul.u32 $0xA0000, s0;
	s0 =	ssub.s32 $0x2, s0;
	s23 =	sor.u32 $0x1C01, s22  }
0xa: {  	s25 =	sor.u32 $0x1C02, s22;
	s5 =	sor.u32 s11, s3;
	s3 =	rddreg [dreg:$0x2]  }
0xb: {  	s21 =	sshrl.u32 s4, $0x4;
	_ =	strace $0x80000050;
	[dreg:$0x6] =	wrdreg s23  }
0xc: {  	s9 =	sshrl.u32 s6, $0x4;
	s10 =	sshrl.u32 s0, $0x1;
	[dreg:$0x4] =	wrdreg s22  }
0xd: {  	s4 =	sshrl.u32 s4, $0x1;
	[dreg:$0xd] =	wrdreg s25;
	s22 =	simm.s32 $0xA000  }
0xe: {  	s23 =	simm.s32 $0xB000;
	s25 =	simm.s32 $0xC000;
	s11 =	simm.s32 $0xE  }
0xf: {  	s5 =	smul.u32 $0xA00, s5;
	s7 =	sadd.s32 s21, s1;
	s8 =	sadd.s32 s6, s8  }
0x10: {  	s9 =	sadd.s32 s9, s1;
	s0 =	ssub.s32 s0, s10;
	s6 =	sshrl.u32 s6, $0x1  }
0x11: {  	s4 =	sadd.s32 s4, s3;
	s21 =	simm.s32 $0x80;
	s10 =	simm.s32 $0xD  }
0x12: {  	s8 =	sshrl.u32 s8, $0x4;
	s6 =	sadd.s32 s6, s2;
	s9 =	sadd.s32 $0x47400, s9  }
0x13: {  	s7 =	sadd.s32 $0x2D600, s7;
	s0 =	smax.u32 s0, $0x1;
	[dreg:$0x5] =	wrdreg s9  }
0x14: {  	s26 =	sshrl.u32 s4, $0x3;
	s4 =	simm.s32 $0x13;
	[dreg:$0x7] =	wrdreg s7  }
0x15: {  	s5 =	sadd.s32 s5, s1;
	s1 =	sadd.s32 s8, s1;
	[dreg:$0xb] =	wrdreg s0  }
0x16: {  	s20 =	sshrl.u32 s6, $0x3;
	[dreg:$0xe] =	wrdreg s26;
	s26 =	simm.s32 $0x11000  }
0x17: {  	s0 =	simm.s32 $0x7;
	s24 =	sadd.s32 $0x19600, s5;
	[dreg:$0xc] =	wrdreg s20  }
0x18: {  	s6 =	simm.s32 $0x9;
	s5 =	sadd.s32 $0x5600, s5;
	[dreg:$0x8] =	wrdreg s24  }
0x19: {  	s7 =	simm.s32 $0xA;
	s1 =	sadd.s32 $0x51400, s1;
	[dreg:$0x9] =	wrdreg s5  }
0x1a: {  	s8 =	simm.s32 $0xB;
	s9 =	simm.s32 $0xC;
	[dreg:$0xa] =	wrdreg s1  }
0x1b: {  	s1 =	simm.s32 $0xF000;
	s24 =	simm.s32 $0x8;
	s5 =	simm.s32 $0x12  }
.LBB2_1:
0x1c: {  	s13 =	rddreg [dreg:$0x5]  }
0x1d: {  	s18 =	rddreg [dreg:$0x6]  }
0x1e: {  	[spmem:s20], [sflag:s18] =	dma.local [hbm:s13], $0xA00  }
0x1f: {  	s13 =	rddreg [dreg:$0x7]  }
0x20: {  	s18 =	rddreg [dreg:$0xd]  }
0x21: {  	s20 =	rddreg [dreg:$0xe]  }
0x22: {  	[spmem:s20], [sflag:s18] =	dma.local [hbm:s13], $0x9C4  }
0x23: {  	s13 =	simm.s32 $0x0;
	s18 =	rddreg [dreg:$0x8]  }
0x24: {  	[tilespmem:s13], [sflag:$0x3] =	stream.linear.gather [hbm4b:s18+s13], $0x5000, $0x38;
	[tilespmem:$0x1BE20] =	vst v63  }
0x25: {  	s20 =	simm.s32 $0x5000;
	s18 =	rddreg [dreg:$0x9]  }
0x26: {  	[tilespmem:s20], [sflag:$0x4] =	stream.linear.gather [hbm4b:s18+s13], $0x5000, $0x38;
	[tilespmem:$0x1BE20] =	vst v63  }
0x27: {  	s20 =	simm.s32 $0x1  }
0x28: {  	_ =	swait.ge [sflag:s20], $0xA00  }
0x29: {  	[sflag:s20] =	ssyncset.done $0x0  }
0x2a: {  	[sflag:s20] =	ssyncadd.s32 $0xFFFFF600;
	s20 =	simm.s32 $0x2  }
0x2b: {  	_ =	swait.ge [sflag:s20], $0x9C4  }
0x2c: {  	[sflag:s20] =	ssyncset.done $0x0  }
0x2d: {  	[sflag:s20] =	ssyncadd.s32 $0xFFFFF63C  }
0x2e: {  	s20 =	simm.s32 $0x3;
	[bflag:$0x0] =	sbarrier.arrive $0xFFFF  }
0x2f: {  	_ =	swait.ge [sflag:s20], $0x5000  }
0x30: {  	[sflag:s20] =	ssyncset.done $0x0  }
0x31: {  	[sflag:s20] =	ssyncadd.s32 $0xFFFFB000;
	s20 =	simm.s32 $0x4  }
0x32: {  	_ =	swait.ge [sflag:s20], $0x5000  }
0x33: {  	[sflag:s20] =	ssyncset.done $0x0  }
0x34: {  	[sflag:s20] =	ssyncadd.s32 $0xFFFFB000  }
0x35: {  	[tilespmem:s22], [sflag:$0x5] =	stream.indirect.gather [spmem:s3], $0x20, s13, s21, $0xb8;
	[tilespmem:$0x1BE20] =	vst v63  }
0x36: {  	_ = 	snop  }
0x37: {  	[tilespmem:s23], [sflag:$0x6] =	stream.indirect.gather [spmem:s3], $0x20, s21, s21, $0xb8;
	[tilespmem:$0x1BE20] =	vst v63  }
0x38: {  	s20 =	simm.s32 $0x100  }
0x39: {  	[tilespmem:s25], [sflag:$0x7] =	stream.indirect.gather [spmem:s3], $0x20, s20, s21, $0xb8;
	[tilespmem:$0x1BE20] =	vst v63  }
0x3a: {  	s18 =	simm.s32 $0x180  }
0x3b: {  	[tilespmem:s28], [sflag:$0x8] =	stream.indirect.gather [spmem:s3], $0x20, s18, s21, $0xb8;
	[tilespmem:$0x1BE20] =	vst v63  }
0x3c: {  	s20 =	simm.s32 $0x200  }
0x3d: {  	[tilespmem:s30], [sflag:$0x9] =	stream.indirect.gather [spmem:s3], $0x20, s20, s21, $0xb8;
	[tilespmem:$0x1BE20] =	vst v63  }
0x3e: {  	s18 =	simm.s32 $0x280  }
0x3f: {  	[tilespmem:s1], [sflag:$0xA] =	stream.indirect.gather [spmem:s3], $0x20, s18, s21, $0xb8;
	[tilespmem:$0x1BE20] =	vst v63  }
0x40: {  	s20 =	simm.s32 $0x300  }
0x41: {  	[tilespmem:s16], [sflag:$0xB] =	stream.indirect.gather [spmem:s3], $0x20, s20, s21, $0xb8;
	[tilespmem:$0x1BE20] =	vst v63  }
0x42: {  	s18 =	simm.s32 $0x380  }
0x43: {  	[tilespmem:s26], [sflag:$0xC] =	stream.indirect.gather [spmem:s3], $0x20, s18, s21, $0xb8;
	[tilespmem:$0x1BE20] =	vst v63  }
0x44: {  	_ =	swait.ge [sflag:s29], $0x1000  }
0x45: {  	[sflag:s29] =	ssyncset.done $0x0  }
0x46: {  	s20 =	simm.s32 $0x5000;
	[sflag:s29] =	ssyncadd.s32 $0xFFFFF000  }
0x47: {  	[spmem:s2] =	stream.indirect.scatter.add.bf16 [tilespmem:s22], [sflag:$0xD], $0x20, s20, s21, $0xb8;
	[tilespmem:$0x1BE20] =	vst v63  }
0x48: {  	_ =	swait.ge [sflag:s31], $0x1000  }
0x49: {  	[sflag:s31] =	ssyncset.done $0x0  }
0x4a: {  	s13 =	simm.s32 $0x5080;
	[sflag:s31] =	ssyncadd.s32 $0xFFFFF000  }
0x4b: {  	[spmem:s2] =	stream.indirect.scatter.add.bf16 [tilespmem:s23], [sflag:$0xE], $0x20, s13, s21, $0xb8;
	[tilespmem:$0x1BE20] =	vst v63  }
0x4c: {  	_ =	swait.ge [sflag:s0], $0x1000  }
0x4d: {  	[sflag:s0] =	ssyncset.done $0x0  }
0x4e: {  	s20 =	simm.s32 $0x5100;
	[sflag:s0] =	ssyncadd.s32 $0xFFFFF000  }
0x4f: {  	[spmem:s2] =	stream.indirect.scatter.add.bf16 [tilespmem:s25], [sflag:$0xF], $0x20, s20, s21, $0xb8;
	[tilespmem:$0x1BE20] =	vst v63  }
0x50: {  	_ =	swait.ge [sflag:s24], $0x1000  }
0x51: {  	[sflag:s24] =	ssyncset.done $0x0  }
0x52: {  	s13 =	simm.s32 $0x5180;
	[sflag:s24] =	ssyncadd.s32 $0xFFFFF000  }
0x53: {  	[spmem:s2] =	stream.indirect.scatter.add.bf16 [tilespmem:s28], [sflag:$0x10], $0x20, s13, s21, $0xb8;
	[tilespmem:$0x1BE20] =	vst v63  }
0x54: {  	_ =	swait.ge [sflag:s6], $0x1000  }
0x55: {  	[sflag:s6] =	ssyncset.done $0x0  }
0x56: {  	s20 =	simm.s32 $0x5200;
	[sflag:s6] =	ssyncadd.s32 $0xFFFFF000  }
0x57: {  	[spmem:s2] =	stream.indirect.scatter.add.bf16 [tilespmem:s30], [sflag:$0x11], $0x20, s20, s21, $0xb8;
	[tilespmem:$0x1BE20] =	vst v63  }
0x58: {  	_ =	swait.ge [sflag:s7], $0x1000  }
0x59: {  	[sflag:s7] =	ssyncset.done $0x0  }
0x5a: {  	s13 =	simm.s32 $0x5280;
	[sflag:s7] =	ssyncadd.s32 $0xFFFFF000  }
0x5b: {  	[spmem:s2] =	stream.indirect.scatter.add.bf16 [tilespmem:s1], [sflag:$0x12], $0x20, s13, s21, $0xb8;
	[tilespmem:$0x1BE20] =	vst v63  }
0x5c: {  	_ =	swait.ge [sflag:s8], $0x1000  }
0x5d: {  	[sflag:s8] =	ssyncset.done $0x0  }
0x5e: {  	s20 =	simm.s32 $0x5300;
	[sflag:s8] =	ssyncadd.s32 $0xFFFFF000  }
0x5f: {  	[spmem:s2] =	stream.indirect.scatter.add.bf16 [tilespmem:s16], [sflag:$0x13], $0x20, s20, s21, $0xb8;
	[tilespmem:$0x1BE20] =	vst v63  }
0x60: {  	_ =	swait.ge [sflag:s9], $0x1000  }
0x61: {  	[sflag:s9] =	ssyncset.done $0x0  }
0x62: {  	s13 =	simm.s32 $0x5380;
	[sflag:s9] =	ssyncadd.s32 $0xFFFFF000  }
0x63: {  	[spmem:s2] =	stream.indirect.scatter.add.bf16 [tilespmem:s26], [sflag:$0x14], $0x20, s13, s21, $0xb8;
	[tilespmem:$0x1BE20] =	vst v63  }
0x64: {  	_ =	swait.ge [sflag:s10], $0x1000  }
0x65: {  	[sflag:s10] =	ssyncset.done $0x0  }
0x66: {  	s20 =	simm.s32 $0x400;
	[sflag:s10] =	ssyncadd.s32 $0xFFFFF000  }
0x67: {  	[tilespmem:s22], [sflag:$0x5] =	stream.indirect.gather [spmem:s3], $0x20, s20, s21, $0xb8;
	[tilespmem:$0x1BE20] =	vst v63  }
0x68: {  	_ =	swait.ge [sflag:s11], $0x1000  }
0x69: {  	[sflag:s11] =	ssyncset.done $0x0  }
0x6a: {  	s13 =	simm.s32 $0x480;
	[sflag:s11] =	ssyncadd.s32 $0xFFFFF000  }
0x6b: {  	[tilespmem:s23], [sflag:$0x6] =	stream.indirect.gather [spmem:s3], $0x20, s13, s21, $0xb8;
	[tilespmem:$0x1BE20] =	vst v63  }
0x6c: {  	_ =	swait.ge [sflag:s12], $0x1000  }
0x6d: {  	[sflag:s12] =	ssyncset.done $0x0  }
0x6e: {  	s20 =	simm.s32 $0x500;
	[sflag:s12] =	ssyncadd.s32 $0xFFFFF000  }
0x6f: {  	[tilespmem:s25], [sflag:$0x7] =	stream.indirect.gather [spmem:s3], $0x20, s20, s21, $0xb8;
	[tilespmem:$0x1BE20] =	vst v63  }
0x70: {  	_ =	swait.ge [sflag:s14], $0x1000  }
0x71: {  	[sflag:s14] =	ssyncset.done $0x0  }
0x72: {  	s13 =	simm.s32 $0x580;
	[sflag:s14] =	ssyncadd.s32 $0xFFFFF000  }
0x73: {  	[tilespmem:s28], [sflag:$0x8] =	stream.indirect.gather [spmem:s3], $0x20, s13, s21, $0xb8;
	[tilespmem:$0x1BE20] =	vst v63  }
0x74: {  	_ =	swait.ge [sflag:s15], $0x1000  }
0x75: {  	[sflag:s15] =	ssyncset.done $0x0  }
0x76: {  	s20 =	simm.s32 $0x600;
	[sflag:s15] =	ssyncadd.s32 $0xFFFFF000  }
0x77: {  	[tilespmem:s30], [sflag:$0x9] =	stream.indirect.gather [spmem:s3], $0x20, s20, s21, $0xb8;
	[tilespmem:$0x1BE20] =	vst v63  }
0x78: {  	_ =	swait.ge [sflag:s5], $0x1000  }
0x79: {  	[sflag:s5] =	ssyncset.done $0x0  }
0x7a: {  	s13 =	simm.s32 $0x680;
	[sflag:s5] =	ssyncadd.s32 $0xFFFFF000  }
0x7b: {  	[tilespmem:s1], [sflag:$0xA] =	stream.indirect.gather [spmem:s3], $0x20, s13, s21, $0xb8;
	[tilespmem:$0x1BE20] =	vst v63  }
0x7c: {  	_ =	swait.ge [sflag:s4], $0x1000  }
0x7d: {  	[sflag:s4] =	ssyncset.done $0x0  }
0x7e: {  	s20 =	simm.s32 $0x700;
	[sflag:s4] =	ssyncadd.s32 $0xFFFFF000  }
0x7f: {  	[tilespmem:s16], [sflag:$0xB] =	stream.indirect.gather [spmem:s3], $0x20, s20, s21, $0xb8;
	[tilespmem:$0x1BE20] =	vst v63  }
0x80: {  	_ =	swait.ge [sflag:s17], $0x1000  }
0x81: {  	[sflag:s17] =	ssyncset.done $0x0  }
0x82: {  	s18 =	simm.s32 $0x780;
	s20 =	simm.s32 $0x1000;
	[sflag:s17] =	ssyncadd.s32 $0xFFFFF000  }
.LBB2_2:
0x83: {  	[tilespmem:s26], [sflag:$0xC] =	stream.indirect.gather [spmem:s3], $0x20, s18, s21, $0xb8;
	[tilespmem:$0x1BE20] =	vst v63  }
0x84: {  	s18 =	smov.u32 s20  }
0x85: {  	p0 =	sne.s32 s20, $0x12000;
	s20 =	sadd.s32 $0x1000, s20;
	_ =	swait.ge [sflag:s29], $0x1000  }
0x86: {  	s18 =	sshra.s32 s18, $0x2;
	[sflag:s29] =	ssyncset.done $0x0  }
0x87: {  	s13 =	sadd.s32 $0x5000, s18;
	[sflag:s29] =	ssyncadd.s32 $0xFFFFF000  }
0x88: {  	[spmem:s2] =	stream.indirect.scatter.add.bf16 [tilespmem:s22], [sflag:$0xD], $0x20, s13, s21, $0xb8;
	[tilespmem:$0x1BE20] =	vst v63  }
0x89: {  	_ =	swait.ge [sflag:s31], $0x1000  }
0x8a: {  	[sflag:s31] =	ssyncset.done $0x0  }
0x8b: {  	s13 =	sadd.s32 $0x5080, s18;
	[sflag:s31] =	ssyncadd.s32 $0xFFFFF000  }
0x8c: {  	[spmem:s2] =	stream.indirect.scatter.add.bf16 [tilespmem:s23], [sflag:$0xE], $0x20, s13, s21, $0xb8;
	[tilespmem:$0x1BE20] =	vst v63  }
0x8d: {  	_ =	swait.ge [sflag:s0], $0x1000  }
0x8e: {  	[sflag:s0] =	ssyncset.done $0x0  }
0x8f: {  	s13 =	sadd.s32 $0x5100, s18;
	[sflag:s0] =	ssyncadd.s32 $0xFFFFF000  }
0x90: {  	[spmem:s2] =	stream.indirect.scatter.add.bf16 [tilespmem:s25], [sflag:$0xF], $0x20, s13, s21, $0xb8;
	[tilespmem:$0x1BE20] =	vst v63  }
0x91: {  	_ =	swait.ge [sflag:s24], $0x1000  }
0x92: {  	[sflag:s24] =	ssyncset.done $0x0  }
0x93: {  	s13 =	sadd.s32 $0x5180, s18;
	[sflag:s24] =	ssyncadd.s32 $0xFFFFF000  }
0x94: {  	[spmem:s2] =	stream.indirect.scatter.add.bf16 [tilespmem:s28], [sflag:$0x10], $0x20, s13, s21, $0xb8;
	[tilespmem:$0x1BE20] =	vst v63  }
0x95: {  	_ =	swait.ge [sflag:s6], $0x1000  }
0x96: {  	[sflag:s6] =	ssyncset.done $0x0  }
0x97: {  	s13 =	sadd.s32 $0x5200, s18;
	[sflag:s6] =	ssyncadd.s32 $0xFFFFF000  }
0x98: {  	[spmem:s2] =	stream.indirect.scatter.add.bf16 [tilespmem:s30], [sflag:$0x11], $0x20, s13, s21, $0xb8;
	[tilespmem:$0x1BE20] =	vst v63  }
0x99: {  	_ =	swait.ge [sflag:s7], $0x1000  }
0x9a: {  	[sflag:s7] =	ssyncset.done $0x0  }
0x9b: {  	s13 =	sadd.s32 $0x5280, s18;
	[sflag:s7] =	ssyncadd.s32 $0xFFFFF000  }
0x9c: {  	[spmem:s2] =	stream.indirect.scatter.add.bf16 [tilespmem:s1], [sflag:$0x12], $0x20, s13, s21, $0xb8;
	[tilespmem:$0x1BE20] =	vst v63  }
0x9d: {  	_ =	swait.ge [sflag:s8], $0x1000  }
0x9e: {  	[sflag:s8] =	ssyncset.done $0x0  }
0x9f: {  	s13 =	sadd.s32 $0x5300, s18;
	[sflag:s8] =	ssyncadd.s32 $0xFFFFF000  }
0xa0: {  	[spmem:s2] =	stream.indirect.scatter.add.bf16 [tilespmem:s16], [sflag:$0x13], $0x20, s13, s21, $0xb8;
	[tilespmem:$0x1BE20] =	vst v63  }
0xa1: {  	_ =	swait.ge [sflag:s9], $0x1000  }
0xa2: {  	[sflag:s9] =	ssyncset.done $0x0  }
0xa3: {  	s13 =	sadd.s32 $0x5380, s18;
	[sflag:s9] =	ssyncadd.s32 $0xFFFFF000  }
0xa4: {  	[spmem:s2] =	stream.indirect.scatter.add.bf16 [tilespmem:s26], [sflag:$0x14], $0x20, s13, s21, $0xb8;
	[tilespmem:$0x1BE20] =	vst v63  }
0xa5: {  	_ =	swait.ge [sflag:s10], $0x1000  }
0xa6: {  	[sflag:s10] =	ssyncset.done $0x0  }
0xa7: {  	s13 =	sadd.s32 $0x400, s18;
	[sflag:s10] =	ssyncadd.s32 $0xFFFFF000  }
0xa8: {  	[tilespmem:s22], [sflag:$0x5] =	stream.indirect.gather [spmem:s3], $0x20, s13, s21, $0xb8;
	[tilespmem:$0x1BE20] =	vst v63  }
0xa9: {  	_ =	swait.ge [sflag:s11], $0x1000  }
0xaa: {  	[sflag:s11] =	ssyncset.done $0x0  }
0xab: {  	s13 =	sadd.s32 $0x480, s18;
	[sflag:s11] =	ssyncadd.s32 $0xFFFFF000  }
0xac: {  	[tilespmem:s23], [sflag:$0x6] =	stream.indirect.gather [spmem:s3], $0x20, s13, s21, $0xb8;
	[tilespmem:$0x1BE20] =	vst v63  }
0xad: {  	_ =	swait.ge [sflag:s12], $0x1000  }
0xae: {  	[sflag:s12] =	ssyncset.done $0x0  }
0xaf: {  	s13 =	sadd.s32 $0x500, s18;
	[sflag:s12] =	ssyncadd.s32 $0xFFFFF000  }
0xb0: {  	[tilespmem:s25], [sflag:$0x7] =	stream.indirect.gather [spmem:s3], $0x20, s13, s21, $0xb8;
	[tilespmem:$0x1BE20] =	vst v63  }
0xb1: {  	_ =	swait.ge [sflag:s14], $0x1000  }
0xb2: {  	[sflag:s14] =	ssyncset.done $0x0  }
0xb3: {  	s13 =	sadd.s32 $0x580, s18;
	[sflag:s14] =	ssyncadd.s32 $0xFFFFF000  }
0xb4: {  	[tilespmem:s28], [sflag:$0x8] =	stream.indirect.gather [spmem:s3], $0x20, s13, s21, $0xb8;
	[tilespmem:$0x1BE20] =	vst v63  }
0xb5: {  	_ =	swait.ge [sflag:s15], $0x1000  }
0xb6: {  	[sflag:s15] =	ssyncset.done $0x0  }
0xb7: {  	s13 =	sadd.s32 $0x600, s18;
	[sflag:s15] =	ssyncadd.s32 $0xFFFFF000  }
0xb8: {  	[tilespmem:s30], [sflag:$0x9] =	stream.indirect.gather [spmem:s3], $0x20, s13, s21, $0xb8;
	[tilespmem:$0x1BE20] =	vst v63  }
0xb9: {  	_ =	swait.ge [sflag:s5], $0x1000  }
0xba: {  	[sflag:s5] =	ssyncset.done $0x0  }
0xbb: {  	s13 =	sadd.s32 $0x680, s18;
	[sflag:s5] =	ssyncadd.s32 $0xFFFFF000  }
0xbc: {  	[tilespmem:s1], [sflag:$0xA] =	stream.indirect.gather [spmem:s3], $0x20, s13, s21, $0xb8;
	[tilespmem:$0x1BE20] =	vst v63  }
0xbd: {  	_ =	swait.ge [sflag:s4], $0x1000  }
0xbe: {  	[sflag:s4] =	ssyncset.done $0x0  }
.Ltmp0:
0xbf: {  	s13 =	sadd.s32 $0x700, s18;
	[sflag:s4] =	ssyncadd.s32 $0xFFFFF000;
	(pc) =	sbr.rel @p0 .LBB2_2-.Ltmp0, $4  }
0xc0: {  	[tilespmem:s16], [sflag:$0xB] =	stream.indirect.gather [spmem:s3], $0x20, s13, s21, $0xb8;
	[tilespmem:$0x1BE20] =	vst v63  }
0xc1: {  	_ =	swait.ge [sflag:s17], $0x1000  }
0xc2: {  	[sflag:s17] =	ssyncset.done $0x0  }
0xc3: {  	s18 =	sadd.s32 $0x780, s18;
	[sflag:s17] =	ssyncadd.s32 $0xFFFFF000  }
0xc4: {  	[tilespmem:s26], [sflag:$0xC] =	stream.indirect.gather [spmem:s3], $0x20, s18, s21, $0xb8;
	[tilespmem:$0x1BE20] =	vst v63  }
0xc5: {  	_ =	swait.ge [sflag:s29], $0x1000  }
0xc6: {  	[sflag:s29] =	ssyncset.done $0x0  }
0xc7: {  	s13 =	simm.s32 $0x9C00;
	[sflag:s29] =	ssyncadd.s32 $0xFFFFF000  }
0xc8: {  	[spmem:s2] =	stream.indirect.scatter.add.bf16 [tilespmem:s22], [sflag:$0xD], $0x20, s13, s21, $0xb8;
	[tilespmem:$0x1BE20] =	vst v63  }
0xc9: {  	_ =	swait.ge [sflag:s31], $0x1000  }
0xca: {  	[sflag:s31] =	ssyncset.done $0x0  }
0xcb: {  	s18 =	simm.s32 $0x9C80;
	[sflag:s31] =	ssyncadd.s32 $0xFFFFF000  }
0xcc: {  	[spmem:s2] =	stream.indirect.scatter.add.bf16 [tilespmem:s23], [sflag:$0xE], $0x20, s18, s21, $0xb8;
	[tilespmem:$0x1BE20] =	vst v63  }
0xcd: {  	_ =	swait.ge [sflag:s0], $0x1000  }
0xce: {  	[sflag:s0] =	ssyncset.done $0x0  }
0xcf: {  	s20 =	simm.s32 $0x9D00;
	[sflag:s0] =	ssyncadd.s32 $0xFFFFF000  }
0xd0: {  	[spmem:s2] =	stream.indirect.scatter.add.bf16 [tilespmem:s25], [sflag:$0xF], $0x20, s20, s21, $0xb8;
	[tilespmem:$0x1BE20] =	vst v63  }
0xd1: {  	_ =	swait.ge [sflag:s24], $0x1000  }
0xd2: {  	[sflag:s24] =	ssyncset.done $0x0  }
0xd3: {  	s18 =	simm.s32 $0x9D80;
	[sflag:s24] =	ssyncadd.s32 $0xFFFFF000  }
0xd4: {  	[spmem:s2] =	stream.indirect.scatter.add.bf16 [tilespmem:s28], [sflag:$0x10], $0x20, s18, s21, $0xb8;
	[tilespmem:$0x1BE20] =	vst v63  }
0xd5: {  	_ =	swait.ge [sflag:s6], $0x1000  }
0xd6: {  	[sflag:s6] =	ssyncset.done $0x0  }
0xd7: {  	s20 =	simm.s32 $0x9E00;
	[sflag:s6] =	ssyncadd.s32 $0xFFFFF000  }
0xd8: {  	[spmem:s2] =	stream.indirect.scatter.add.bf16 [tilespmem:s30], [sflag:$0x11], $0x20, s20, s21, $0xb8;
	[tilespmem:$0x1BE20] =	vst v63  }
0xd9: {  	_ =	swait.ge [sflag:s7], $0x1000  }
0xda: {  	[sflag:s7] =	ssyncset.done $0x0  }
0xdb: {  	s18 =	simm.s32 $0x9E80;
	[sflag:s7] =	ssyncadd.s32 $0xFFFFF000  }
0xdc: {  	[spmem:s2] =	stream.indirect.scatter.add.bf16 [tilespmem:s1], [sflag:$0x12], $0x20, s18, s21, $0xb8;
	[tilespmem:$0x1BE20] =	vst v63  }
0xdd: {  	_ =	swait.ge [sflag:s8], $0x1000  }
0xde: {  	[sflag:s8] =	ssyncset.done $0x0  }
0xdf: {  	s20 =	simm.s32 $0x9F00;
	[sflag:s8] =	ssyncadd.s32 $0xFFFFF000  }
0xe0: {  	[spmem:s2] =	stream.indirect.scatter.add.bf16 [tilespmem:s16], [sflag:$0x13], $0x20, s20, s21, $0xb8;
	[tilespmem:$0x1BE20] =	vst v63  }
0xe1: {  	_ =	swait.ge [sflag:s9], $0x1000  }
0xe2: {  	[sflag:s9] =	ssyncset.done $0x0  }
0xe3: {  	s18 =	simm.s32 $0x9F80;
	[sflag:s9] =	ssyncadd.s32 $0xFFFFF000  }
0xe4: {  	[spmem:s2] =	stream.indirect.scatter.add.bf16 [tilespmem:s26], [sflag:$0x14], $0x20, s18, s21, $0xb8;
	[tilespmem:$0x1BE20] =	vst v63  }
0xe5: {  	_ =	swait.ge [sflag:s10], $0x1000  }
0xe6: {  	[sflag:s10] =	ssyncset.done $0x0  }
0xe7: {  	[sflag:s10] =	ssyncadd.s32 $0xFFFFF000  }
0xe8: {  	_ =	swait.ge [sflag:s11], $0x1000  }
0xe9: {  	[sflag:s11] =	ssyncset.done $0x0  }
0xea: {  	[sflag:s11] =	ssyncadd.s32 $0xFFFFF000  }
0xeb: {  	_ =	swait.ge [sflag:s12], $0x1000  }
0xec: {  	[sflag:s12] =	ssyncset.done $0x0  }
0xed: {  	[sflag:s12] =	ssyncadd.s32 $0xFFFFF000  }
0xee: {  	_ =	swait.ge [sflag:s14], $0x1000  }
0xef: {  	[sflag:s14] =	ssyncset.done $0x0  }
0xf0: {  	[sflag:s14] =	ssyncadd.s32 $0xFFFFF000  }
0xf1: {  	_ =	swait.ge [sflag:s15], $0x1000  }
0xf2: {  	[sflag:s15] =	ssyncset.done $0x0  }
0xf3: {  	[sflag:s15] =	ssyncadd.s32 $0xFFFFF000  }
0xf4: {  	_ =	swait.ge [sflag:s5], $0x1000  }
0xf5: {  	[sflag:s5] =	ssyncset.done $0x0  }
0xf6: {  	[sflag:s5] =	ssyncadd.s32 $0xFFFFF000  }
0xf7: {  	_ =	swait.ge [sflag:s4], $0x1000  }
0xf8: {  	[sflag:s4] =	ssyncset.done $0x0  }
0xf9: {  	[sflag:s4] =	ssyncadd.s32 $0xFFFFF000  }
0xfa: {  	_ =	swait.ge [sflag:s17], $0x1000  }
0xfb: {  	[sflag:s17] =	ssyncset.done $0x0  }
0xfc: {  	[sflag:s17] =	ssyncadd.s32 $0xFFFFF000  }
0xfd: {  	[bflag:$0x0] =	sbarrier.arrive $0xFFFF  }
0xfe: {  	s20 =	rddreg [dreg:$0x4]  }
0xff: {  	s18 =	rddreg [dreg:$0xa]  }
0x100: {  	s13 =	sor.u32 $0x1C15, s20;
	s20 =	rddreg [dreg:$0xc]  }
0x101: {  	[hbm:s18], [sflag:s13] =	dma.local [spmem:s20], $0xA00  }
0x102: {  	s18 =	simm.s32 $0x15  }
0x103: {  	_ =	swait.ge [sflag:s18], $0xA00  }
0x104: {  	s19 =	sadd.s32 $0x1, s19;
	s13 =	rddreg [dreg:$0xb]  }
0x105: {  	p0 =	sne.s32 s19, s13  }
.Ltmp1:
0x106: {  	_ = 	snop;
	(pc) =	sbr.rel @p0 .LBB2_1-.Ltmp1, $3  }
0x107: {  	_ =	sdelay $0x1  }
0x108: {  	[sflag:s18] =	ssyncset.done $0x0  }
0x109: {  	[sflag:s18] =	ssyncadd.s32 $0xFFFFF600  }
0x10a: {  	_ =	sfence.sel $0x180000  }
0x10b: {  	[bflag:$0x0] =	sbarrier.arrive $0xFFFF  }
0x10c: {  	_ =	strace $0x90000050  }
0x10d: {  	s0 =	stileid.u32;
	[bflag:$0x2] =	sbarrier.arrive $0xFFFF  }
0x10e: {  	p0 =	sne.s32 s0, $0x0;
	s0 =	rddreg [dreg:$0x3]  }
0x10f: {  	s0 =	sadd.s32 @!p0 $0x100000, s0  }
0x110: {  	[sflag:s0] =	ssyncadd.tile.s32 @!p0 $0x1;
	_ =	shalt  }
.Lfunc_end2:
_tile_overlayer_lowered:
.L_overlay_start_2:
0x111: {  	(tag) =	ssettag $0x2  }
0x112: {  	s0 =	rddreg [dreg:$0x0];
	s2 =	stileid.u32  }
0x113: {  	s1 =	rddreg [dreg:$0x1];
	p0 =	sne.s32 s2, $0x0  }
0x114: {  	s3 =	rddreg [dreg:$0x2];
	[bflag:$0x3] =	sbarrier.arrive $0xFFFF;
	s2 =	simm.s32 @!p0 $0x1C15  }
0x115: {  	[timem:s3], [sflag:s2] =	dma.local @!p0 [hbm:s0], s1  }
0x116: {  	s0 =	simm.s32 @!p0 $0x15  }
0x117: {  	_ =	swait.ge @!p0 [sflag:s0], s1  }
0x118: {  	s1 =	ssub.s32 @!p0 $0x0, s1;
	[sflag:s0] =	ssyncset.done @!p0 $0x0  }
0x119: {  	[sflag:s0] =	ssyncadd.s32 @!p0 s1  }
0x11a: {  	[bflag:$0x3] =	sbarrier.arrive $0xFFFF  }
0x11b: {  	_ =	shalt  }

</sc_bundles>
